<compile_context>
chip_gen: v7x
topology: tpu7x:2x2x1
jax: 0.10.2.dev20260603
libtpu: 0.0.44.dev20260713+nightly
codegen_flags: <defaults>
</compile_context>

<pallas_src>
import functools

import jax
import jax.numpy as jnp
from jax import lax
from jax.experimental import pallas as pl
from jax.experimental.pallas import tpu as pltpu
from jax.experimental.pallas import tpu_sc as plsc

_SC_PARAMS = dict(
    compiler_params=pltpu.CompilerParams(use_tc_tiling_on_sc=False,
                                         needs_layout_passes=False),
)



@functools.lru_cache(maxsize=None)
def _make_dis(N, E, B):
    assert E % 128 == 0 and N % 16 == 0
    R = E // 128
    NPT = N // 16
    W = 640
    NW = N - 15 * W
    assert 0 < NW <= W and W % 16 == 0 and NW % 16 == 0

    mesh = plsc.VectorSubcoreMesh(core_axis_name="c", subcore_axis_name="s",
                                  num_cores=B)

    def body(dst2, ew2, ones, dis_out, dstb, ewb, ewpad, degb, disw, sdeg):
        c = lax.axis_index("c")
        s = lax.axis_index("s")
        z = s * 0
        lane0 = lax.iota(jnp.int32, 16) == 0

        @pl.when(c == 0)
        def _():
            @pl.when(s == 0)
            def _():
                pltpu.sync_copy(ones, sdeg)
            plsc.subcore_barrier()

            @pl.loop(s, R, step=16)
            def _(r):
                pltpu.sync_copy(dst2.at[r], dstb)
                pltpu.sync_copy(ew2.at[r], ewb)

                @pl.loop(z, 128)
                def _(k):
                    v = plsc.load_gather(
                        ewb, [jnp.broadcast_to(k, (16,)).astype(jnp.int32)])
                    ewpad[k, pl.ds(0, 16)] = jnp.where(lane0, v, 0.0)
                pltpu.sync_copy(ewpad, sdeg.at[dstb], add=True)
            plsc.subcore_barrier()

            @pl.when(s < 15)
            def _():
                pltpu.sync_copy(sdeg.at[pl.ds(s * W, W)], degb)

            @pl.when(s == 15)
            def _():
                pltpu.sync_copy(sdeg.at[pl.ds(15 * W, NW)],
                                degb.at[pl.ds(0, NW)])

            zero16 = jnp.zeros((16,), jnp.int32)

            @pl.loop(z, W // 16)
            def _(g):
                n16 = g * 16 + lax.iota(jnp.int32, 16)
                d16 = plsc.load_gather(degb, [n16, zero16])
                i16 = jnp.int32(0x5F3759DF) - (plsc.bitcast(d16, jnp.int32) >> 1)
                y = plsc.bitcast(i16, jnp.float32)
                y = y * (1.5 - 0.5 * d16 * y * y)
                y = y * (1.5 - 0.5 * d16 * y * y)
                y = y * (1.5 - 0.5 * d16 * y * y)
                disw[pl.ds(g * 16, 16)] = jnp.where(d16 > 0.0, y, 0.0)

            @pl.when(s < 15)
            def _():
                pltpu.sync_copy(disw, dis_out.at[pl.ds(s * W, W)])

            @pl.when(s == 15)
            def _():
                pltpu.sync_copy(disw.at[pl.ds(0, NW)],
                                dis_out.at[pl.ds(15 * W, NW)])

    return pl.kernel(
        body,
        out_type=jax.ShapeDtypeStruct((N,), jnp.float32),
        mesh=mesh,
        scratch_types=[
            pltpu.VMEM((128,), jnp.int32),
            pltpu.VMEM((128,), jnp.float32),
            pltpu.VMEM((128, 16), jnp.float32),
            pltpu.VMEM((W, 16), jnp.float32),
            pltpu.VMEM((W,), jnp.float32),
            pltpu.VMEM_SHARED((N, 16), jnp.float32),
        ],
        **_SC_PARAMS,
    )



@functools.lru_cache(maxsize=None)
def _make_agg(N, E, F, B):
    assert E % 128 == 0 and N % 16 == 0 and F % 16 == 0 and B == 2
    R = E // 128
    NPT = N // 16
    NSUB = 5
    SUB = NPT // NSUB
    assert NPT % NSUB == 0
    NG = F // 16

    mesh = plsc.VectorSubcoreMesh(core_axis_name="c", subcore_axis_name="s",
                                  num_cores=B)

    def body(x2, src2, dst2, ew2, dis, out, srcb, dstb, ewb, idxg,
             nrmb, rows, disv, su, gsem):
        c = lax.axis_index("c")
        s = lax.axis_index("s")
        z = s * 0

        pltpu.sync_copy(dis, disv)

        base_n = s * NPT
        for j in range(NSUB):
            off = base_n + j * SUB
            pltpu.sync_copy(x2.at[pl.ds(c * N + off, SUB)],
                            rows.at[pl.ds(0, SUB)])

            @pl.loop(z, SUB)
            def _(k):
                d16 = plsc.load_gather(
                    disv, [jnp.broadcast_to(off + k, (16,)).astype(jnp.int32)])
                sc = d16 * d16
                for jj in range(NG):
                    rows[k, pl.ds(jj * 16, 16)] = rows[k, pl.ds(jj * 16, 16)] * sc
            pltpu.sync_copy(rows.at[pl.ds(0, SUB)], su.at[pl.ds(off, SUB)])
        plsc.subcore_barrier()

        @pl.loop(s, R, step=16)
        def _(r):
            pltpu.sync_copy(src2.at[r], srcb)
            pltpu.sync_copy(dst2.at[r], dstb)
            pltpu.sync_copy(ew2.at[r], ewb)
            for i in range(8):
                sv = srcb[pl.ds(i * 16, 16)]
                dv = dstb[pl.ds(i * 16, 16)]
                wv = ewb[pl.ds(i * 16, 16)]
                idxg[pl.ds(i * 16, 16)] = sv + c * N
                dis_s = plsc.load_gather(disv, [sv])
                dis_d = plsc.load_gather(disv, [dv])
                nrmb[pl.ds(i * 16, 16)] = dis_s * wv * dis_d
            pltpu.async_copy(x2.at[idxg], rows, gsem).wait()

            @pl.loop(z, 128)
            def _(k):
                sc = plsc.load_gather(
                    nrmb, [jnp.broadcast_to(k, (16,)).astype(jnp.int32)])
                for jj in range(NG):
                    rows[k, pl.ds(jj * 16, 16)] = rows[k, pl.ds(jj * 16, 16)] * sc
            pltpu.sync_copy(rows, su.at[dstb], add=True)
        plsc.subcore_barrier()

        for j in range(NSUB):
            off = base_n + j * SUB
            pltpu.sync_copy(su.at[pl.ds(off, SUB)], rows.at[pl.ds(0, SUB)])
            pltpu.sync_copy(rows.at[pl.ds(0, SUB)],
                            out.at[pl.ds(c * N + off, SUB)])

    return pl.kernel(
        body,
        out_type=jax.ShapeDtypeStruct((B * N, F), jnp.float32),
        mesh=mesh,
        scratch_types=[
            pltpu.VMEM((128,), jnp.int32),
            pltpu.VMEM((128,), jnp.int32),
            pltpu.VMEM((128,), jnp.float32),
            pltpu.VMEM((128,), jnp.int32),
            pltpu.VMEM((128,), jnp.float32),
            pltpu.VMEM((128, F), jnp.float32),
            pltpu.VMEM((N,), jnp.float32),
            pltpu.VMEM_SHARED((N, F), jnp.float32),
            pltpu.SemaphoreType.DMA,
        ],
        **_SC_PARAMS,
    )



def _gru_body(s_ref, h_ref, wz, wr, wh, bz, br, bh, lzw, lrw, lhw,
              lzb, lrb, lhb, o_ref):
    S = s_ref[...]
    Hh = h_ref[...]
    F = S.shape[1]

    def gate(w, b, lw, lb, hmat):
        lww = lw[...]
        C = jnp.dot(S, w[...], preferred_element_type=jnp.float32) + b[...]
        return (jnp.dot(C, lww[:F, :], preferred_element_type=jnp.float32)
                + jnp.dot(hmat, lww[F:, :], preferred_element_type=jnp.float32)
                + lb[...])

    Z = jax.nn.sigmoid(gate(wz, bz, lzw, lzb, Hh))
    Rr = jax.nn.sigmoid(gate(wr, br, lrw, lrb, Hh))
    Ht = jnp.tanh(gate(wh, bh, lhw, lhb, Hh * Rr))
    o_ref[...] = Z * Hh + (1.0 - Z) * Ht


@functools.lru_cache(maxsize=None)
def _make_gru(M, F, BLK):
    assert M % BLK == 0
    row_spec = pl.BlockSpec((BLK, F), lambda i: (i, 0))
    w_spec = pl.BlockSpec((F, F), lambda i: (0, 0))
    b_spec = pl.BlockSpec((1, F), lambda i: (0, 0))
    lw_spec = pl.BlockSpec((2 * F, F), lambda i: (0, 0))
    return pl.pallas_call(
        _gru_body,
        grid=(M // BLK,),
        in_specs=[row_spec, row_spec, w_spec, w_spec, w_spec,
                  b_spec, b_spec, b_spec, lw_spec, lw_spec, lw_spec,
                  b_spec, b_spec, b_spec],
        out_specs=row_spec,
        out_shape=jax.ShapeDtypeStruct((M, F), jnp.float32),
    )



def kernel(X, edge_index, H, edge_weight, W_z, b_z, W_r, b_r, W_h, b_h,
           lz_W, lz_b, lr_W, lr_b, lh_W, lh_b):
    B, N, F = X.shape
    E = edge_index.shape[1]
    x2 = X.reshape(B * N, F)
    src2 = edge_index[0].reshape(E // 128, 128)
    dst2 = edge_index[1].reshape(E // 128, 128)
    ew2 = edge_weight.reshape(E // 128, 128)
    ones = jnp.ones((N, 16), jnp.float32)

    dis = _make_dis(N, E, B)(dst2, ew2, ones)
    S2 = _make_agg(N, E, F, B)(x2, src2, dst2, ew2, dis)

    gru = _make_gru(B * N, F, 2000)
    out = gru(S2, H.reshape(B * N, F), W_z, W_r, W_h,
              b_z.reshape(1, F), b_r.reshape(1, F), b_h.reshape(1, F),
              lz_W, lr_W, lh_W,
              lz_b.reshape(1, F), lr_b.reshape(1, F), lh_b.reshape(1, F))
    return out.reshape(B, N, F)

# --- scband reference (transcript-rebuilt; emitter-appended) ---
"""Pipeline reference for scband-tgcn2-286 (READ-ONLY COPY).

The authoritative reference and input builder live on the scoring server;
editing this copy changes nothing except your own understanding.
"""

import jax, jax.numpy as jnp
import numpy as np

B = 2
N = 10000
E = 320000
F_IN = 128
F_OUT = 128


def setup_inputs(seed: int = 0) -> dict:
    key = jax.random.key(seed)
    ks = jax.random.split(key, 18)
    s_in = 1.0 / np.sqrt(F_IN)
    s_lin = 1.0 / np.sqrt(2 * F_OUT)
    inp = {
        "X": jax.random.normal(ks[0], (B, N, F_IN), jnp.float32),
        # note: int32 indices in jax (avoids x64 flag); values in [0, N)
        "edge_index": jax.random.randint(ks[1], (2, E), 0, N, jnp.int32),
        "H": jax.random.normal(ks[2], (B, N, F_OUT), jnp.float32),
        # edge_weight is a (non-trainable) parameter passed at __init__ in torch
        "edge_weight": jax.random.uniform(ks[3], (E,), jnp.float32, 0.1, 1.0),
        # GCNConv weights (in, out) and biases for z, r, h gates
        "W_z": jax.random.uniform(ks[4], (F_IN, F_OUT), jnp.float32, -s_in, s_in),
        "b_z": jnp.zeros((F_OUT,), jnp.float32),
        "W_r": jax.random.uniform(ks[5], (F_IN, F_OUT), jnp.float32, -s_in, s_in),
        "b_r": jnp.zeros((F_OUT,), jnp.float32),
        "W_h": jax.random.uniform(ks[6], (F_IN, F_OUT), jnp.float32, -s_in, s_in),
        "b_h": jnp.zeros((F_OUT,), jnp.float32),
        # Linear layers mapping 2*out -> out (stored as (2*out, out) for x @ W)
        "lz_W": jax.random.uniform(ks[7], (2 * F_OUT, F_OUT), jnp.float32, -s_lin, s_lin),
        "lz_b": jax.random.uniform(ks[8], (F_OUT,), jnp.float32, -s_lin, s_lin),
        "lr_W": jax.random.uniform(ks[9], (2 * F_OUT, F_OUT), jnp.float32, -s_lin, s_lin),
        "lr_b": jax.random.uniform(ks[10], (F_OUT,), jnp.float32, -s_lin, s_lin),
        "lh_W": jax.random.uniform(ks[11], (2 * F_OUT, F_OUT), jnp.float32, -s_lin, s_lin),
        "lh_b": jax.random.uniform(ks[12], (F_OUT,), jnp.float32, -s_lin, s_lin),
    }
    return inp


def _gcn_conv(X, edge_index, edge_weight, W, b):
    # GCNConv with symmetric normalization and added self-loops (fill value 1.0)
    src = edge_index[0]
    dst = edge_index[1]
    loop = jnp.arange(N, dtype=src.dtype)
    src_f = jnp.concatenate([src, loop])
    dst_f = jnp.concatenate([dst, loop])
    ew = jnp.concatenate([edge_weight, jnp.ones((N,), X.dtype)])
    deg = jnp.zeros((N,), X.dtype).at[dst_f].add(ew)
    dis = jnp.where(deg > 0, deg ** -0.5, 0.0)
    norm = dis[src_f] * ew * dis[dst_f]
    Xw = X @ W  # (B, N, F_OUT)
    msg = Xw[:, src_f, :] * norm[None, :, None]  # gather on node axis
    out = jnp.zeros((B, N, W.shape[1]), X.dtype).at[:, dst_f, :].add(msg)  # scatter-add
    return out + b


def reference(X, edge_index, H, edge_weight, W_z, b_z, W_r, b_r, W_h, b_h,
              lz_W, lz_b, lr_W, lr_b, lh_W, lh_b):
    # update gate
    Z = jnp.concatenate([_gcn_conv(X, edge_index, edge_weight, W_z, b_z), H], axis=2)
    Z = jax.nn.sigmoid(Z @ lz_W + lz_b)
    # reset gate
    R = jnp.concatenate([_gcn_conv(X, edge_index, edge_weight, W_r, b_r), H], axis=2)
    R = jax.nn.sigmoid(R @ lr_W + lr_b)
    # candidate state
    H_tilde = jnp.concatenate([_gcn_conv(X, edge_index, edge_weight, W_h, b_h), H * R], axis=2)
    H_tilde = jnp.tanh(H_tilde @ lh_W + lh_b)
    # hidden state
    H_new = Z * H + (1.0 - Z) * H_tilde
    return H_new

if __name__ == "__main__":
    import jax
    _d = setup_inputs()
    print(jax.jit(kernel)(*tuple(_d.values())))

</pallas_src>

<mosaic_0001>
#map = affine_map<(d0, d1) -> (0, 0)>
#map1 = affine_map<(d0, d1) -> (0)>
module attributes {stable_mosaic.version = 14 : i64} {
  func.func @body(%arg0: i32, %arg1: i32, %arg2: memref<2500x128xi32, #tpu.memory_space<hbm>>, %arg3: memref<2500x128xf32, #tpu.memory_space<hbm>>, %arg4: memref<10000x16xf32, #tpu.memory_space<hbm>>, %arg5: memref<10000xf32, #tpu.memory_space<hbm>>, %arg6: memref<128xi32, #tpu.memory_space<vmem>>, %arg7: memref<128xf32, #tpu.memory_space<vmem>>, %arg8: memref<128x16xf32, #tpu.memory_space<vmem>>, %arg9: memref<640x16xf32, #tpu.memory_space<vmem>>, %arg10: memref<640xf32, #tpu.memory_space<vmem>>, %arg11: memref<10000x16xf32, #tpu.memory_space<vmem_shared>>) attributes {dimension_semantics = [#tpu.dimension_semantics<core_parallel>, #tpu.dimension_semantics<subcore_parallel>], iteration_bounds = array<i64: 2, 16>, scalar_prefetch = 0 : i64, scratch_operands = 6 : i64, tpu.core_type = #tpu.core_type<sc_vector_subcore>, window_params = [{transform_indices = #map}, {transform_indices = #map}, {transform_indices = #map}, {transform_indices = #map1}]} {
    %mul3A = arith.constant 0 : i32
    %mul3A_0 = arith.muli %arg1, %mul3A : i32
    %iota3A = tpu.iota {dimensions = array<i32: 0>} : vector<16xi32>
    %eq3A = arith.constant 0 : i32
    %eq3A_1 = vector.broadcast %eq3A : i32 to vector<16xi32>
    %eq3A_2 = arith.cmpi eq, %iota3A, %eq3A_1 : vector<16xi32>
    %eq3A_3 = arith.constant 0 : i32
    %eq3A_4 = arith.cmpi eq, %arg0, %eq3A_3 : i32
    %convert_element_type3A = arith.extui %eq3A_4 : i1 to i32
    %cond3A = arith.constant 0 : i32
    %cond3A_5 = arith.cmpi ne, %convert_element_type3A, %cond3A : i32
    scf.if %cond3A_5 {
      %eq3A_6 = arith.constant 0 : i32
      %eq3A_7 = arith.cmpi eq, %arg1, %eq3A_6 : i32
      %convert_element_type3A_8 = arith.extui %eq3A_7 : i1 to i32
      %cond3A_9 = arith.constant 0 : i32
      %cond3A_10 = arith.cmpi ne, %convert_element_type3A_8, %cond3A_9 : i32
      scf.if %cond3A_10 {
        "tpu.region"() ({
          %run_scoped3A = tpu.sem_alloc : memref<!tpu.dma_semaphore, #tpu.memory_space<semaphore_mem>>
          tpu.enqueue_dma source(%arg4 : memref<10000x16xf32, #tpu.memory_space<hbm>>) target(%arg11 : memref<10000x16xf32, #tpu.memory_space<vmem_shared>>) target_semaphore(%run_scoped3A : memref<!tpu.dma_semaphore, #tpu.memory_space<semaphore_mem>>)
          tpu.wait_dma2 semaphore(%run_scoped3A : memref<!tpu.dma_semaphore, #tpu.memory_space<semaphore_mem>>) src(%arg4 : memref<10000x16xf32, #tpu.memory_space<hbm>>) dst(%arg11 : memref<10000x16xf32, #tpu.memory_space<vmem_shared>>)
          tpu.yield
        }) : () -> ()
      } else {
      }
      %barrier3A = arith.constant 0 : index
      tpu.barrier barrier_id(%barrier3A)
      %sub3A = arith.constant 2500 : i32
      %sub3A_11 = arith.subi %sub3A, %arg1 : i32
      %sub3A_12 = arith.constant 16 : i32
      %sub3A_13 = arith.constant 1 : i32
      %sub3A_14 = arith.subi %sub3A_12, %sub3A_13 : i32
      %add3A = arith.addi %sub3A_11, %sub3A_14 : i32
      %div3A = arith.constant 16 : i32
      %div3A_15 = arith.divsi %add3A, %div3A : i32
      %while3A = arith.constant 16 : i32
      %while3A_16 = arith.constant 0 : i32
      %while3A_17 = arith.subi %div3A_15, %while3A_16 : i32
      %while3A_18 = arith.addi %while3A_16, %while3A_17 : i32
      %while3A_19 = arith.constant 1 : i32
      %while3A_20 = arith.divsi %while3A_17, %while3A_19 : i32
      %while3A_21 = arith.muli %while3A_20, %while3A_19 : i32
      %while3A_22 = arith.addi %while3A_16, %while3A_21 : i32
      %while3A_23 = arith.constant 1 : i32
      scf.for %while3A_64 = %while3A_16 to %while3A_22 step %while3A_23  : i32 {
        %mul3A_65 = arith.muli %while3A_64, %while3A : i32
        %add3A_66 = arith.addi %arg1, %mul3A_65 : i32
        "tpu.region"() ({
          %run_scoped3A = tpu.sem_alloc : memref<!tpu.dma_semaphore, #tpu.memory_space<semaphore_mem>>
          %dma_start3A = arith.constant 0 : i32
          %dma_start3A_85 = tpu.memref_slice %arg2[%add3A_66, %dma_start3A] : memref<2500x128xi32, #tpu.memory_space<hbm>> -> memref<1x128xi32, #tpu.memory_space<hbm>>
          %dma_start3A_86 = tpu.memref_squeeze %dma_start3A_85 : memref<1x128xi32, #tpu.memory_space<hbm>> -> memref<128xi32, #tpu.memory_space<hbm>>
          %dma_start3A_87 = arith.constant 0 : i32
          %dma_start3A_88 = tpu.memref_slice %arg2[%add3A_66, %dma_start3A_87] : memref<2500x128xi32, #tpu.memory_space<hbm>> -> memref<1x128xi32, #tpu.memory_space<hbm>>
          %dma_start3A_89 = tpu.memref_squeeze %dma_start3A_88 : memref<1x128xi32, #tpu.memory_space<hbm>> -> memref<128xi32, #tpu.memory_space<hbm>>
          tpu.enqueue_dma source(%dma_start3A_89 : memref<128xi32, #tpu.memory_space<hbm>>) target(%arg6 : memref<128xi32, #tpu.memory_space<vmem>>) target_semaphore(%run_scoped3A : memref<!tpu.dma_semaphore, #tpu.memory_space<semaphore_mem>>)
          %dma_wait3A = arith.constant 0 : i32
          %dma_wait3A_90 = tpu.memref_slice %arg2[%add3A_66, %dma_wait3A] : memref<2500x128xi32, #tpu.memory_space<hbm>> -> memref<1x128xi32, #tpu.memory_space<hbm>>
          %dma_wait3A_91 = tpu.memref_squeeze %dma_wait3A_90 : memref<1x128xi32, #tpu.memory_space<hbm>> -> memref<128xi32, #tpu.memory_space<hbm>>
          %dma_wait3A_92 = arith.constant 0 : i32
          %dma_wait3A_93 = tpu.memref_slice %arg2[%add3A_66, %dma_wait3A_92] : memref<2500x128xi32, #tpu.memory_space<hbm>> -> memref<1x128xi32, #tpu.memory_space<hbm>>
          %dma_wait3A_94 = tpu.memref_squeeze %dma_wait3A_93 : memref<1x128xi32, #tpu.memory_space<hbm>> -> memref<128xi32, #tpu.memory_space<hbm>>
          tpu.wait_dma2 semaphore(%run_scoped3A : memref<!tpu.dma_semaphore, #tpu.memory_space<semaphore_mem>>) src(%dma_wait3A_94 : memref<128xi32, #tpu.memory_space<hbm>>) dst(%arg6 : memref<128xi32, #tpu.memory_space<vmem>>)
          tpu.yield
        }) : () -> ()
        "tpu.region"() ({
          %run_scoped3A = tpu.sem_alloc : memref<!tpu.dma_semaphore, #tpu.memory_space<semaphore_mem>>
          %dma_start3A = arith.constant 0 : i32
          %dma_start3A_85 = tpu.memref_slice %arg3[%add3A_66, %dma_start3A] : memref<2500x128xf32, #tpu.memory_space<hbm>> -> memref<1x128xf32, #tpu.memory_space<hbm>>
          %dma_start3A_86 = tpu.memref_squeeze %dma_start3A_85 : memref<1x128xf32, #tpu.memory_space<hbm>> -> memref<128xf32, #tpu.memory_space<hbm>>
          %dma_start3A_87 = arith.constant 0 : i32
          %dma_start3A_88 = tpu.memref_slice %arg3[%add3A_66, %dma_start3A_87] : memref<2500x128xf32, #tpu.memory_space<hbm>> -> memref<1x128xf32, #tpu.memory_space<hbm>>
          %dma_start3A_89 = tpu.memref_squeeze %dma_start3A_88 : memref<1x128xf32, #tpu.memory_space<hbm>> -> memref<128xf32, #tpu.memory_space<hbm>>
          tpu.enqueue_dma source(%dma_start3A_89 : memref<128xf32, #tpu.memory_space<hbm>>) target(%arg7 : memref<128xf32, #tpu.memory_space<vmem>>) target_semaphore(%run_scoped3A : memref<!tpu.dma_semaphore, #tpu.memory_space<semaphore_mem>>)
          %dma_wait3A = arith.constant 0 : i32
          %dma_wait3A_90 = tpu.memref_slice %arg3[%add3A_66, %dma_wait3A] : memref<2500x128xf32, #tpu.memory_space<hbm>> -> memref<1x128xf32, #tpu.memory_space<hbm>>
          %dma_wait3A_91 = tpu.memref_squeeze %dma_wait3A_90 : memref<1x128xf32, #tpu.memory_space<hbm>> -> memref<128xf32, #tpu.memory_space<hbm>>
          %dma_wait3A_92 = arith.constant 0 : i32
          %dma_wait3A_93 = tpu.memref_slice %arg3[%add3A_66, %dma_wait3A_92] : memref<2500x128xf32, #tpu.memory_space<hbm>> -> memref<1x128xf32, #tpu.memory_space<hbm>>
          %dma_wait3A_94 = tpu.memref_squeeze %dma_wait3A_93 : memref<1x128xf32, #tpu.memory_space<hbm>> -> memref<128xf32, #tpu.memory_space<hbm>>
          tpu.wait_dma2 semaphore(%run_scoped3A : memref<!tpu.dma_semaphore, #tpu.memory_space<semaphore_mem>>) src(%dma_wait3A_94 : memref<128xf32, #tpu.memory_space<hbm>>) dst(%arg7 : memref<128xf32, #tpu.memory_space<vmem>>)
          tpu.yield
        }) : () -> ()
        %sub3A_67 = arith.constant 128 : i32
        %sub3A_68 = arith.subi %sub3A_67, %mul3A_0 : i32
        %sub3A_69 = arith.constant 1 : i32
        %sub3A_70 = arith.constant 1 : i32
        %sub3A_71 = arith.subi %sub3A_69, %sub3A_70 : i32
        %add3A_72 = arith.addi %sub3A_68, %sub3A_71 : i32
        %div3A_73 = arith.constant 1 : i32
        %div3A_74 = arith.divsi %add3A_72, %div3A_73 : i32
        %while3A_75 = arith.constant 1 : i32
        %while3A_76 = arith.constant 0 : i32
        %while3A_77 = arith.subi %div3A_74, %while3A_76 : i32
        %while3A_78 = arith.addi %while3A_76, %while3A_77 : i32
        %while3A_79 = arith.constant 1 : i32
        %while3A_80 = arith.divsi %while3A_77, %while3A_79 : i32
        %while3A_81 = arith.muli %while3A_80, %while3A_79 : i32
        %while3A_82 = arith.addi %while3A_76, %while3A_81 : i32
        %while3A_83 = arith.constant 1 : i32
        scf.for %while3A_85 = %while3A_76 to %while3A_82 step %while3A_83  : i32 {
          %mul3A_86 = arith.muli %while3A_85, %while3A_75 : i32
          %add3A_87 = arith.addi %mul3A_0, %mul3A_86 : i32
          %broadcast_in_dim3A_88 = vector.broadcast %add3A_87 : i32 to vector<16xi32>
          %gather3A = tpu.vector_load_idx %arg7[%broadcast_in_dim3A_88] : memref<128xf32, #tpu.memory_space<vmem>>[vector<16xi32>], vector<16xf32>,
          %jit3A = arith.constant 0.000000e+00 : f32
          %broadcast_in_dim3A_89 = vector.broadcast %jit3A : f32 to vector<16xf32>
          %select_n3A = arith.select %eq3A_2, %gather3A, %broadcast_in_dim3A_89 : vector<16xi1>, vector<16xf32>
          %swap3A = arith.index_cast %add3A_87 : i32 to index
          %swap3A_90 = arith.constant 0 : index
          %swap3A_91 = tpu.vector_load %arg8[%swap3A, %swap3A_90] {strides = array<i32>} : memref<128x16xf32, #tpu.memory_space<vmem>>, vector<16xf32>,
          tpu.vector_store %arg8[%swap3A, %swap3A_90], %select_n3A {strides = array<i32>} : memref<128x16xf32, #tpu.memory_space<vmem>>, vector<16xf32>,
        }
        %while3A_84 = arith.constant 1 : i32
        scf.for %while3A_85 = %while3A_82 to %while3A_78 step %while3A_84  : i32 {
          %mul3A_86 = arith.muli %while3A_85, %while3A_75 : i32
          %add3A_87 = arith.addi %mul3A_0, %mul3A_86 : i32
          %broadcast_in_dim3A_88 = vector.broadcast %add3A_87 : i32 to vector<16xi32>
          %gather3A = tpu.vector_load_idx %arg7[%broadcast_in_dim3A_88] : memref<128xf32, #tpu.memory_space<vmem>>[vector<16xi32>], vector<16xf32>,
          %jit3A = arith.constant 0.000000e+00 : f32
          %broadcast_in_dim3A_89 = vector.broadcast %jit3A : f32 to vector<16xf32>
          %select_n3A = arith.select %eq3A_2, %gather3A, %broadcast_in_dim3A_89 : vector<16xi1>, vector<16xf32>
          %swap3A = arith.index_cast %add3A_87 : i32 to index
          %swap3A_90 = arith.constant 0 : index
          %swap3A_91 = tpu.vector_load %arg8[%swap3A, %swap3A_90] {strides = array<i32>} : memref<128x16xf32, #tpu.memory_space<vmem>>, vector<16xf32>,
          tpu.vector_store %arg8[%swap3A, %swap3A_90], %select_n3A {strides = array<i32>} : memref<128x16xf32, #tpu.memory_space<vmem>>, vector<16xf32>,
        }
        "tpu.region"() ({
          %run_scoped3A = tpu.sem_alloc : memref<!tpu.dma_semaphore, #tpu.memory_space<semaphore_mem>>
          %dma_start3A = arith.constant 0 : i32
          %dma_start3A_85 = arith.constant 0 : i32
          %dma_start3A_86 = tpu.memref_slice %arg11[%dma_start3A, %dma_start3A_85] : memref<10000x16xf32, #tpu.memory_space<vmem_shared>> -> memref<10000x16xf32, #tpu.memory_space<vmem_shared>>
          tpu.enqueue_indirect_dma source(%arg8 : memref<128x16xf32, #tpu.memory_space<vmem>>) target(%dma_start3A_86 : memref<10000x16xf32, #tpu.memory_space<vmem_shared>>) offsets(%arg6 : memref<128xi32, #tpu.memory_space<vmem>>) semaphore(%run_scoped3A : memref<!tpu.dma_semaphore, #tpu.memory_space<semaphore_mem>>) {add = true}
          %dma_wait3A = arith.constant 0 : i32
          %dma_wait3A_87 = arith.constant 0 : i32
          %dma_wait3A_88 = tpu.memref_slice %arg11[%dma_wait3A, %dma_wait3A_87] : memref<10000x16xf32, #tpu.memory_space<vmem_shared>> -> memref<10000x16xf32, #tpu.memory_space<vmem_shared>>
          tpu.wait_indirect_dma semaphore(%run_scoped3A : memref<!tpu.dma_semaphore, #tpu.memory_space<semaphore_mem>>) src(%arg8 : memref<128x16xf32, #tpu.memory_space<vmem>>) dst(%dma_wait3A_88 : memref<10000x16xf32, #tpu.memory_space<vmem_shared>>)
          tpu.yield
        }) : () -> ()
      }
      %while3A_24 = arith.constant 1 : i32
      scf.for %while3A_64 = %while3A_22 to %while3A_18 step %while3A_24  : i32 {
        %mul3A_65 = arith.muli %while3A_64, %while3A : i32
        %add3A_66 = arith.addi %arg1, %mul3A_65 : i32
        "tpu.region"() ({
          %run_scoped3A = tpu.sem_alloc : memref<!tpu.dma_semaphore, #tpu.memory_space<semaphore_mem>>
          %dma_start3A = arith.constant 0 : i32
          %dma_start3A_85 = tpu.memref_slice %arg2[%add3A_66, %dma_start3A] : memref<2500x128xi32, #tpu.memory_space<hbm>> -> memref<1x128xi32, #tpu.memory_space<hbm>>
          %dma_start3A_86 = tpu.memref_squeeze %dma_start3A_85 : memref<1x128xi32, #tpu.memory_space<hbm>> -> memref<128xi32, #tpu.memory_space<hbm>>
          %dma_start3A_87 = arith.constant 0 : i32
          %dma_start3A_88 = tpu.memref_slice %arg2[%add3A_66, %dma_start3A_87] : memref<2500x128xi32, #tpu.memory_space<hbm>> -> memref<1x128xi32, #tpu.memory_space<hbm>>
          %dma_start3A_89 = tpu.memref_squeeze %dma_start3A_88 : memref<1x128xi32, #tpu.memory_space<hbm>> -> memref<128xi32, #tpu.memory_space<hbm>>
          tpu.enqueue_dma source(%dma_start3A_89 : memref<128xi32, #tpu.memory_space<hbm>>) target(%arg6 : memref<128xi32, #tpu.memory_space<vmem>>) target_semaphore(%run_scoped3A : memref<!tpu.dma_semaphore, #tpu.memory_space<semaphore_mem>>)
          %dma_wait3A = arith.constant 0 : i32
          %dma_wait3A_90 = tpu.memref_slice %arg2[%add3A_66, %dma_wait3A] : memref<2500x128xi32, #tpu.memory_space<hbm>> -> memref<1x128xi32, #tpu.memory_space<hbm>>
          %dma_wait3A_91 = tpu.memref_squeeze %dma_wait3A_90 : memref<1x128xi32, #tpu.memory_space<hbm>> -> memref<128xi32, #tpu.memory_space<hbm>>
          %dma_wait3A_92 = arith.constant 0 : i32
          %dma_wait3A_93 = tpu.memref_slice %arg2[%add3A_66, %dma_wait3A_92] : memref<2500x128xi32, #tpu.memory_space<hbm>> -> memref<1x128xi32, #tpu.memory_space<hbm>>
          %dma_wait3A_94 = tpu.memref_squeeze %dma_wait3A_93 : memref<1x128xi32, #tpu.memory_space<hbm>> -> memref<128xi32, #tpu.memory_space<hbm>>
          tpu.wait_dma2 semaphore(%run_scoped3A : memref<!tpu.dma_semaphore, #tpu.memory_space<semaphore_mem>>) src(%dma_wait3A_94 : memref<128xi32, #tpu.memory_space<hbm>>) dst(%arg6 : memref<128xi32, #tpu.memory_space<vmem>>)
          tpu.yield
        }) : () -> ()
        "tpu.region"() ({
          %run_scoped3A = tpu.sem_alloc : memref<!tpu.dma_semaphore, #tpu.memory_space<semaphore_mem>>
          %dma_start3A = arith.constant 0 : i32
          %dma_start3A_85 = tpu.memref_slice %arg3[%add3A_66, %dma_start3A] : memref<2500x128xf32, #tpu.memory_space<hbm>> -> memref<1x128xf32, #tpu.memory_space<hbm>>
          %dma_start3A_86 = tpu.memref_squeeze %dma_start3A_85 : memref<1x128xf32, #tpu.memory_space<hbm>> -> memref<128xf32, #tpu.memory_space<hbm>>
          %dma_start3A_87 = arith.constant 0 : i32
          %dma_start3A_88 = tpu.memref_slice %arg3[%add3A_66, %dma_start3A_87] : memref<2500x128xf32, #tpu.memory_space<hbm>> -> memref<1x128xf32, #tpu.memory_space<hbm>>
          %dma_start3A_89 = tpu.memref_squeeze %dma_start3A_88 : memref<1x128xf32, #tpu.memory_space<hbm>> -> memref<128xf32, #tpu.memory_space<hbm>>
          tpu.enqueue_dma source(%dma_start3A_89 : memref<128xf32, #tpu.memory_space<hbm>>) target(%arg7 : memref<128xf32, #tpu.memory_space<vmem>>) target_semaphore(%run_scoped3A : memref<!tpu.dma_semaphore, #tpu.memory_space<semaphore_mem>>)
          %dma_wait3A = arith.constant 0 : i32
          %dma_wait3A_90 = tpu.memref_slice %arg3[%add3A_66, %dma_wait3A] : memref<2500x128xf32, #tpu.memory_space<hbm>> -> memref<1x128xf32, #tpu.memory_space<hbm>>
          %dma_wait3A_91 = tpu.memref_squeeze %dma_wait3A_90 : memref<1x128xf32, #tpu.memory_space<hbm>> -> memref<128xf32, #tpu.memory_space<hbm>>
          %dma_wait3A_92 = arith.constant 0 : i32
          %dma_wait3A_93 = tpu.memref_slice %arg3[%add3A_66, %dma_wait3A_92] : memref<2500x128xf32, #tpu.memory_space<hbm>> -> memref<1x128xf32, #tpu.memory_space<hbm>>
          %dma_wait3A_94 = tpu.memref_squeeze %dma_wait3A_93 : memref<1x128xf32, #tpu.memory_space<hbm>> -> memref<128xf32, #tpu.memory_space<hbm>>
          tpu.wait_dma2 semaphore(%run_scoped3A : memref<!tpu.dma_semaphore, #tpu.memory_space<semaphore_mem>>) src(%dma_wait3A_94 : memref<128xf32, #tpu.memory_space<hbm>>) dst(%arg7 : memref<128xf32, #tpu.memory_space<vmem>>)
          tpu.yield
        }) : () -> ()
        %sub3A_67 = arith.constant 128 : i32
        %sub3A_68 = arith.subi %sub3A_67, %mul3A_0 : i32
        %sub3A_69 = arith.constant 1 : i32
        %sub3A_70 = arith.constant 1 : i32
        %sub3A_71 = arith.subi %sub3A_69, %sub3A_70 : i32
        %add3A_72 = arith.addi %sub3A_68, %sub3A_71 : i32
        %div3A_73 = arith.constant 1 : i32
        %div3A_74 = arith.divsi %add3A_72, %div3A_73 : i32
        %while3A_75 = arith.constant 1 : i32
        %while3A_76 = arith.constant 0 : i32
        %while3A_77 = arith.subi %div3A_74, %while3A_76 : i32
        %while3A_78 = arith.addi %while3A_76, %while3A_77 : i32
        %while3A_79 = arith.constant 1 : i32
        %while3A_80 = arith.divsi %while3A_77, %while3A_79 : i32
        %while3A_81 = arith.muli %while3A_80, %while3A_79 : i32
        %while3A_82 = arith.addi %while3A_76, %while3A_81 : i32
        %while3A_83 = arith.constant 1 : i32
        scf.for %while3A_85 = %while3A_76 to %while3A_82 step %while3A_83  : i32 {
          %mul3A_86 = arith.muli %while3A_85, %while3A_75 : i32
          %add3A_87 = arith.addi %mul3A_0, %mul3A_86 : i32
          %broadcast_in_dim3A_88 = vector.broadcast %add3A_87 : i32 to vector<16xi32>
          %gather3A = tpu.vector_load_idx %arg7[%broadcast_in_dim3A_88] : memref<128xf32, #tpu.memory_space<vmem>>[vector<16xi32>], vector<16xf32>,
          %jit3A = arith.constant 0.000000e+00 : f32
          %broadcast_in_dim3A_89 = vector.broadcast %jit3A : f32 to vector<16xf32>
          %select_n3A = arith.select %eq3A_2, %gather3A, %broadcast_in_dim3A_89 : vector<16xi1>, vector<16xf32>
          %swap3A = arith.index_cast %add3A_87 : i32 to index
          %swap3A_90 = arith.constant 0 : index
          %swap3A_91 = tpu.vector_load %arg8[%swap3A, %swap3A_90] {strides = array<i32>} : memref<128x16xf32, #tpu.memory_space<vmem>>, vector<16xf32>,
          tpu.vector_store %arg8[%swap3A, %swap3A_90], %select_n3A {strides = array<i32>} : memref<128x16xf32, #tpu.memory_space<vmem>>, vector<16xf32>,
        }
        %while3A_84 = arith.constant 1 : i32
        scf.for %while3A_85 = %while3A_82 to %while3A_78 step %while3A_84  : i32 {
          %mul3A_86 = arith.muli %while3A_85, %while3A_75 : i32
          %add3A_87 = arith.addi %mul3A_0, %mul3A_86 : i32
          %broadcast_in_dim3A_88 = vector.broadcast %add3A_87 : i32 to vector<16xi32>
          %gather3A = tpu.vector_load_idx %arg7[%broadcast_in_dim3A_88] : memref<128xf32, #tpu.memory_space<vmem>>[vector<16xi32>], vector<16xf32>,
          %jit3A = arith.constant 0.000000e+00 : f32
          %broadcast_in_dim3A_89 = vector.broadcast %jit3A : f32 to vector<16xf32>
          %select_n3A = arith.select %eq3A_2, %gather3A, %broadcast_in_dim3A_89 : vector<16xi1>, vector<16xf32>
          %swap3A = arith.index_cast %add3A_87 : i32 to index
          %swap3A_90 = arith.constant 0 : index
          %swap3A_91 = tpu.vector_load %arg8[%swap3A, %swap3A_90] {strides = array<i32>} : memref<128x16xf32, #tpu.memory_space<vmem>>, vector<16xf32>,
          tpu.vector_store %arg8[%swap3A, %swap3A_90], %select_n3A {strides = array<i32>} : memref<128x16xf32, #tpu.memory_space<vmem>>, vector<16xf32>,
        }
        "tpu.region"() ({
          %run_scoped3A = tpu.sem_alloc : memref<!tpu.dma_semaphore, #tpu.memory_space<semaphore_mem>>
          %dma_start3A = arith.constant 0 : i32
          %dma_start3A_85 = arith.constant 0 : i32
          %dma_start3A_86 = tpu.memref_slice %arg11[%dma_start3A, %dma_start3A_85] : memref<10000x16xf32, #tpu.memory_space<vmem_shared>> -> memref<10000x16xf32, #tpu.memory_space<vmem_shared>>
          tpu.enqueue_indirect_dma source(%arg8 : memref<128x16xf32, #tpu.memory_space<vmem>>) target(%dma_start3A_86 : memref<10000x16xf32, #tpu.memory_space<vmem_shared>>) offsets(%arg6 : memref<128xi32, #tpu.memory_space<vmem>>) semaphore(%run_scoped3A : memref<!tpu.dma_semaphore, #tpu.memory_space<semaphore_mem>>) {add = true}
          %dma_wait3A = arith.constant 0 : i32
          %dma_wait3A_87 = arith.constant 0 : i32
          %dma_wait3A_88 = tpu.memref_slice %arg11[%dma_wait3A, %dma_wait3A_87] : memref<10000x16xf32, #tpu.memory_space<vmem_shared>> -> memref<10000x16xf32, #tpu.memory_space<vmem_shared>>
          tpu.wait_indirect_dma semaphore(%run_scoped3A : memref<!tpu.dma_semaphore, #tpu.memory_space<semaphore_mem>>) src(%arg8 : memref<128x16xf32, #tpu.memory_space<vmem>>) dst(%dma_wait3A_88 : memref<10000x16xf32, #tpu.memory_space<vmem_shared>>)
          tpu.yield
        }) : () -> ()
      }
      %barrier3A_25 = arith.constant 0 : index
      tpu.barrier barrier_id(%barrier3A_25)
      %lt3A = arith.constant 15 : i32
      %lt3A_26 = arith.cmpi slt, %arg1, %lt3A : i32
      %convert_element_type3A_27 = arith.extui %lt3A_26 : i1 to i32
      %cond3A_28 = arith.constant 0 : i32
      %cond3A_29 = arith.cmpi ne, %convert_element_type3A_27, %cond3A_28 : i32
      scf.if %cond3A_29 {
        %mul3A_64 = arith.constant 640 : i32
        %mul3A_65 = arith.muli %arg1, %mul3A_64 : i32
        "tpu.region"() ({
          %run_scoped3A = tpu.sem_alloc : memref<!tpu.dma_semaphore, #tpu.memory_space<semaphore_mem>>
          %dma_start3A = arith.constant 0 : i32
          %dma_start3A_66 = tpu.memref_slice %arg11[%mul3A_65, %dma_start3A] : memref<10000x16xf32, #tpu.memory_space<vmem_shared>> -> memref<640x16xf32, #tpu.memory_space<vmem_shared>>
          %dma_start3A_67 = arith.constant 0 : i32
          %dma_start3A_68 = tpu.memref_slice %arg11[%mul3A_65, %dma_start3A_67] : memref<10000x16xf32, #tpu.memory_space<vmem_shared>> -> memref<640x16xf32, #tpu.memory_space<vmem_shared>>
          tpu.enqueue_dma source(%dma_start3A_68 : memref<640x16xf32, #tpu.memory_space<vmem_shared>>) target(%arg9 : memref<640x16xf32, #tpu.memory_space<vmem>>) target_semaphore(%run_scoped3A : memref<!tpu.dma_semaphore, #tpu.memory_space<semaphore_mem>>)
          %dma_wait3A = arith.constant 0 : i32
          %dma_wait3A_69 = tpu.memref_slice %arg11[%mul3A_65, %dma_wait3A] : memref<10000x16xf32, #tpu.memory_space<vmem_shared>> -> memref<640x16xf32, #tpu.memory_space<vmem_shared>>
          %dma_wait3A_70 = arith.constant 0 : i32
          %dma_wait3A_71 = tpu.memref_slice %arg11[%mul3A_65, %dma_wait3A_70] : memref<10000x16xf32, #tpu.memory_space<vmem_shared>> -> memref<640x16xf32, #tpu.memory_space<vmem_shared>>
          tpu.wait_dma2 semaphore(%run_scoped3A : memref<!tpu.dma_semaphore, #tpu.memory_space<semaphore_mem>>) src(%dma_wait3A_71 : memref<640x16xf32, #tpu.memory_space<vmem_shared>>) dst(%arg9 : memref<640x16xf32, #tpu.memory_space<vmem>>)
          tpu.yield
        }) : () -> ()
      } else {
      }
      %eq3A_30 = arith.constant 15 : i32
      %eq3A_31 = arith.cmpi eq, %arg1, %eq3A_30 : i32
      %convert_element_type3A_32 = arith.extui %eq3A_31 : i1 to i32
      %cond3A_33 = arith.constant 0 : i32
      %cond3A_34 = arith.cmpi ne, %convert_element_type3A_32, %cond3A_33 : i32
      scf.if %cond3A_34 {
        "tpu.region"() ({
          %run_scoped3A = tpu.sem_alloc : memref<!tpu.dma_semaphore, #tpu.memory_space<semaphore_mem>>
          %dma_start3A = arith.constant 0 : i32
          %dma_start3A_64 = arith.constant 0 : i32
          %dma_start3A_65 = tpu.memref_slice %arg9[%dma_start3A, %dma_start3A_64] : memref<640x16xf32, #tpu.memory_space<vmem>> -> memref<400x16xf32, #tpu.memory_space<vmem>>
          %dma_start3A_66 = arith.constant 9600 : i32
          %dma_start3A_67 = arith.constant 0 : i32
          %dma_start3A_68 = tpu.memref_slice %arg11[%dma_start3A_66, %dma_start3A_67] : memref<10000x16xf32, #tpu.memory_space<vmem_shared>> -> memref<400x16xf32, #tpu.memory_space<vmem_shared>>
          %dma_start3A_69 = arith.constant 0 : i32
          %dma_start3A_70 = arith.constant 0 : i32
          %dma_start3A_71 = tpu.memref_slice %arg9[%dma_start3A_69, %dma_start3A_70] : memref<640x16xf32, #tpu.memory_space<vmem>> -> memref<400x16xf32, #tpu.memory_space<vmem>>
          %dma_start3A_72 = arith.constant 9600 : i32
          %dma_start3A_73 = arith.constant 0 : i32
          %dma_start3A_74 = tpu.memref_slice %arg11[%dma_start3A_72, %dma_start3A_73] : memref<10000x16xf32, #tpu.memory_space<vmem_shared>> -> memref<400x16xf32, #tpu.memory_space<vmem_shared>>
          tpu.enqueue_dma source(%dma_start3A_74 : memref<400x16xf32, #tpu.memory_space<vmem_shared>>) target(%dma_start3A_71 : memref<400x16xf32, #tpu.memory_space<vmem>>) target_semaphore(%run_scoped3A : memref<!tpu.dma_semaphore, #tpu.memory_space<semaphore_mem>>)
          %dma_wait3A = arith.constant 0 : i32
          %dma_wait3A_75 = arith.constant 0 : i32
          %dma_wait3A_76 = tpu.memref_slice %arg9[%dma_wait3A, %dma_wait3A_75] : memref<640x16xf32, #tpu.memory_space<vmem>> -> memref<400x16xf32, #tpu.memory_space<vmem>>
          %dma_wait3A_77 = arith.constant 9600 : i32
          %dma_wait3A_78 = arith.constant 0 : i32
          %dma_wait3A_79 = tpu.memref_slice %arg11[%dma_wait3A_77, %dma_wait3A_78] : memref<10000x16xf32, #tpu.memory_space<vmem_shared>> -> memref<400x16xf32, #tpu.memory_space<vmem_shared>>
          %dma_wait3A_80 = arith.constant 0 : i32
          %dma_wait3A_81 = arith.constant 0 : i32
          %dma_wait3A_82 = tpu.memref_slice %arg9[%dma_wait3A_80, %dma_wait3A_81] : memref<640x16xf32, #tpu.memory_space<vmem>> -> memref<400x16xf32, #tpu.memory_space<vmem>>
          %dma_wait3A_83 = arith.constant 9600 : i32
          %dma_wait3A_84 = arith.constant 0 : i32
          %dma_wait3A_85 = tpu.memref_slice %arg11[%dma_wait3A_83, %dma_wait3A_84] : memref<10000x16xf32, #tpu.memory_space<vmem_shared>> -> memref<400x16xf32, #tpu.memory_space<vmem_shared>>
          tpu.wait_dma2 semaphore(%run_scoped3A : memref<!tpu.dma_semaphore, #tpu.memory_space<semaphore_mem>>) src(%dma_wait3A_85 : memref<400x16xf32, #tpu.memory_space<vmem_shared>>) dst(%dma_wait3A_82 : memref<400x16xf32, #tpu.memory_space<vmem>>)
          tpu.yield
        }) : () -> ()
      } else {
      }
      %broadcast_in_dim3A = arith.constant 0 : i32
      %broadcast_in_dim3A_35 = vector.broadcast %broadcast_in_dim3A : i32 to vector<16xi32>
      %sub3A_36 = arith.constant 40 : i32
      %sub3A_37 = arith.subi %sub3A_36, %mul3A_0 : i32
      %sub3A_38 = arith.constant 1 : i32
      %sub3A_39 = arith.constant 1 : i32
      %sub3A_40 = arith.subi %sub3A_38, %sub3A_39 : i32
      %add3A_41 = arith.addi %sub3A_37, %sub3A_40 : i32
      %div3A_42 = arith.constant 1 : i32
      %div3A_43 = arith.divsi %add3A_41, %div3A_42 : i32
      %while3A_44 = arith.constant 1 : i32
      %while3A_45 = arith.constant 0 : i32
      %while3A_46 = arith.subi %div3A_43, %while3A_45 : i32
      %while3A_47 = arith.addi %while3A_45, %while3A_46 : i32
      %while3A_48 = arith.constant 1 : i32
      %while3A_49 = arith.divsi %while3A_46, %while3A_48 : i32
      %while3A_50 = arith.muli %while3A_49, %while3A_48 : i32
      %while3A_51 = arith.addi %while3A_45, %while3A_50 : i32
      %while3A_52 = arith.constant 1 : i32
      scf.for %while3A_64 = %while3A_45 to %while3A_51 step %while3A_52  : i32 {
        %mul3A_65 = arith.muli %while3A_64, %while3A_44 : i32
        %add3A_66 = arith.addi %mul3A_0, %mul3A_65 : i32
        %mul3A_67 = arith.constant 16 : i32
        %mul3A_68 = arith.muli %add3A_66, %mul3A_67 : i32
        %iota3A_69 = tpu.iota {dimensions = array<i32: 0>} : vector<16xi32>
        %add3A_70 = vector.broadcast %mul3A_68 : i32 to vector<16xi32>
        %add3A_71 = arith.addi %add3A_70, %iota3A_69 : vector<16xi32>
        %gather3A = tpu.vector_load_idx %arg9[%add3A_71, %broadcast_in_dim3A_35] : memref<640x16xf32, #tpu.memory_space<vmem>>[vector<16xi32>, vector<16xi32>], vector<16xf32>,
        %bitcast3A = vector.bitcast %gather3A : vector<16xf32> to vector<16xi32>
        %shift_right_arithmetic3A = arith.constant 1 : i32
        %shift_right_arithmetic3A_72 = vector.broadcast %shift_right_arithmetic3A : i32 to vector<16xi32>
        %shift_right_arithmetic3A_73 = arith.shrsi %bitcast3A, %shift_right_arithmetic3A_72 : vector<16xi32>
        %sub3A_74 = arith.constant 1597463007 : i32
        %sub3A_75 = vector.broadcast %sub3A_74 : i32 to vector<16xi32>
        %sub3A_76 = arith.subi %sub3A_75, %shift_right_arithmetic3A_73 : vector<16xi32>
        %bitcast3A_77 = vector.bitcast %sub3A_76 : vector<16xi32> to vector<16xf32>
        %mul3A_78 = arith.constant 5.000000e-01 : f32
        %mul3A_79 = vector.broadcast %mul3A_78 : f32 to vector<16xf32>
        %mul3A_80 = arith.mulf %mul3A_79, %gather3A : vector<16xf32>
        %mul3A_81 = arith.mulf %mul3A_80, %bitcast3A_77 : vector<16xf32>
        %mul3A_82 = arith.mulf %mul3A_81, %bitcast3A_77 : vector<16xf32>
        %sub3A_83 = arith.constant 1.500000e+00 : f32
        %sub3A_84 = vector.broadcast %sub3A_83 : f32 to vector<16xf32>
        %sub3A_85 = arith.subf %sub3A_84, %mul3A_82 : vector<16xf32>
        %mul3A_86 = arith.mulf %bitcast3A_77, %sub3A_85 : vector<16xf32>
        %mul3A_87 = arith.constant 5.000000e-01 : f32
        %mul3A_88 = vector.broadcast %mul3A_87 : f32 to vector<16xf32>
        %mul3A_89 = arith.mulf %mul3A_88, %gather3A : vector<16xf32>
        %mul3A_90 = arith.mulf %mul3A_89, %mul3A_86 : vector<16xf32>
        %mul3A_91 = arith.mulf %mul3A_90, %mul3A_86 : vector<16xf32>
        %sub3A_92 = arith.constant 1.500000e+00 : f32
        %sub3A_93 = vector.broadcast %sub3A_92 : f32 to vector<16xf32>
        %sub3A_94 = arith.subf %sub3A_93, %mul3A_91 : vector<16xf32>
        %mul3A_95 = arith.mulf %mul3A_86, %sub3A_94 : vector<16xf32>
        %mul3A_96 = arith.constant 5.000000e-01 : f32
        %mul3A_97 = vector.broadcast %mul3A_96 : f32 to vector<16xf32>
        %mul3A_98 = arith.mulf %mul3A_97, %gather3A : vector<16xf32>
        %mul3A_99 = arith.mulf %mul3A_98, %mul3A_95 : vector<16xf32>
        %mul3A_100 = arith.mulf %mul3A_99, %mul3A_95 : vector<16xf32>
        %sub3A_101 = arith.constant 1.500000e+00 : f32
        %sub3A_102 = vector.broadcast %sub3A_101 : f32 to vector<16xf32>
        %sub3A_103 = arith.subf %sub3A_102, %mul3A_100 : vector<16xf32>
        %mul3A_104 = arith.mulf %mul3A_95, %sub3A_103 : vector<16xf32>
        %gt3A = arith.constant 0.000000e+00 : f32
        %gt3A_105 = vector.broadcast %gt3A : f32 to vector<16xf32>
        %gt3A_106 = arith.cmpf ogt, %gather3A, %gt3A_105 : vector<16xf32>
        %jit3A = arith.constant 0.000000e+00 : f32
        %broadcast_in_dim3A_107 = vector.broadcast %jit3A : f32 to vector<16xf32>
        %select_n3A = arith.select %gt3A_106, %mul3A_104, %broadcast_in_dim3A_107 : vector<16xi1>, vector<16xf32>
        %mul3A_108 = arith.constant 16 : i32
        %mul3A_109 = arith.muli %add3A_66, %mul3A_108 : i32
        %swap3A = arith.index_cast %mul3A_109 : i32 to index
        %swap3A_110 = tpu.vector_load %arg10[%swap3A] {strides = array<i32>} : memref<640xf32, #tpu.memory_space<vmem>>, vector<16xf32>,
        tpu.vector_store %arg10[%swap3A], %select_n3A {strides = array<i32>} : memref<640xf32, #tpu.memory_space<vmem>>, vector<16xf32>,
      }
      %while3A_53 = arith.constant 1 : i32
      scf.for %while3A_64 = %while3A_51 to %while3A_47 step %while3A_53  : i32 {
        %mul3A_65 = arith.muli %while3A_64, %while3A_44 : i32
        %add3A_66 = arith.addi %mul3A_0, %mul3A_65 : i32
        %mul3A_67 = arith.constant 16 : i32
        %mul3A_68 = arith.muli %add3A_66, %mul3A_67 : i32
        %iota3A_69 = tpu.iota {dimensions = array<i32: 0>} : vector<16xi32>
        %add3A_70 = vector.broadcast %mul3A_68 : i32 to vector<16xi32>
        %add3A_71 = arith.addi %add3A_70, %iota3A_69 : vector<16xi32>
        %gather3A = tpu.vector_load_idx %arg9[%add3A_71, %broadcast_in_dim3A_35] : memref<640x16xf32, #tpu.memory_space<vmem>>[vector<16xi32>, vector<16xi32>], vector<16xf32>,
        %bitcast3A = vector.bitcast %gather3A : vector<16xf32> to vector<16xi32>
        %shift_right_arithmetic3A = arith.constant 1 : i32
        %shift_right_arithmetic3A_72 = vector.broadcast %shift_right_arithmetic3A : i32 to vector<16xi32>
        %shift_right_arithmetic3A_73 = arith.shrsi %bitcast3A, %shift_right_arithmetic3A_72 : vector<16xi32>
        %sub3A_74 = arith.constant 1597463007 : i32
        %sub3A_75 = vector.broadcast %sub3A_74 : i32 to vector<16xi32>
        %sub3A_76 = arith.subi %sub3A_75, %shift_right_arithmetic3A_73 : vector<16xi32>
        %bitcast3A_77 = vector.bitcast %sub3A_76 : vector<16xi32> to vector<16xf32>
        %mul3A_78 = arith.constant 5.000000e-01 : f32
        %mul3A_79 = vector.broadcast %mul3A_78 : f32 to vector<16xf32>
        %mul3A_80 = arith.mulf %mul3A_79, %gather3A : vector<16xf32>
        %mul3A_81 = arith.mulf %mul3A_80, %bitcast3A_77 : vector<16xf32>
        %mul3A_82 = arith.mulf %mul3A_81, %bitcast3A_77 : vector<16xf32>
        %sub3A_83 = arith.constant 1.500000e+00 : f32
        %sub3A_84 = vector.broadcast %sub3A_83 : f32 to vector<16xf32>
        %sub3A_85 = arith.subf %sub3A_84, %mul3A_82 : vector<16xf32>
        %mul3A_86 = arith.mulf %bitcast3A_77, %sub3A_85 : vector<16xf32>
        %mul3A_87 = arith.constant 5.000000e-01 : f32
        %mul3A_88 = vector.broadcast %mul3A_87 : f32 to vector<16xf32>
        %mul3A_89 = arith.mulf %mul3A_88, %gather3A : vector<16xf32>
        %mul3A_90 = arith.mulf %mul3A_89, %mul3A_86 : vector<16xf32>
        %mul3A_91 = arith.mulf %mul3A_90, %mul3A_86 : vector<16xf32>
        %sub3A_92 = arith.constant 1.500000e+00 : f32
        %sub3A_93 = vector.broadcast %sub3A_92 : f32 to vector<16xf32>
        %sub3A_94 = arith.subf %sub3A_93, %mul3A_91 : vector<16xf32>
        %mul3A_95 = arith.mulf %mul3A_86, %sub3A_94 : vector<16xf32>
        %mul3A_96 = arith.constant 5.000000e-01 : f32
        %mul3A_97 = vector.broadcast %mul3A_96 : f32 to vector<16xf32>
        %mul3A_98 = arith.mulf %mul3A_97, %gather3A : vector<16xf32>
        %mul3A_99 = arith.mulf %mul3A_98, %mul3A_95 : vector<16xf32>
        %mul3A_100 = arith.mulf %mul3A_99, %mul3A_95 : vector<16xf32>
        %sub3A_101 = arith.constant 1.500000e+00 : f32
        %sub3A_102 = vector.broadcast %sub3A_101 : f32 to vector<16xf32>
        %sub3A_103 = arith.subf %sub3A_102, %mul3A_100 : vector<16xf32>
        %mul3A_104 = arith.mulf %mul3A_95, %sub3A_103 : vector<16xf32>
        %gt3A = arith.constant 0.000000e+00 : f32
        %gt3A_105 = vector.broadcast %gt3A : f32 to vector<16xf32>
        %gt3A_106 = arith.cmpf ogt, %gather3A, %gt3A_105 : vector<16xf32>
        %jit3A = arith.constant 0.000000e+00 : f32
        %broadcast_in_dim3A_107 = vector.broadcast %jit3A : f32 to vector<16xf32>
        %select_n3A = arith.select %gt3A_106, %mul3A_104, %broadcast_in_dim3A_107 : vector<16xi1>, vector<16xf32>
        %mul3A_108 = arith.constant 16 : i32
        %mul3A_109 = arith.muli %add3A_66, %mul3A_108 : i32
        %swap3A = arith.index_cast %mul3A_109 : i32 to index
        %swap3A_110 = tpu.vector_load %arg10[%swap3A] {strides = array<i32>} : memref<640xf32, #tpu.memory_space<vmem>>, vector<16xf32>,
        tpu.vector_store %arg10[%swap3A], %select_n3A {strides = array<i32>} : memref<640xf32, #tpu.memory_space<vmem>>, vector<16xf32>,
      }
      %lt3A_54 = arith.constant 15 : i32
      %lt3A_55 = arith.cmpi slt, %arg1, %lt3A_54 : i32
      %convert_element_type3A_56 = arith.extui %lt3A_55 : i1 to i32
      %cond3A_57 = arith.constant 0 : i32
      %cond3A_58 = arith.cmpi ne, %convert_element_type3A_56, %cond3A_57 : i32
      scf.if %cond3A_58 {
        %mul3A_64 = arith.constant 640 : i32
        %mul3A_65 = arith.muli %arg1, %mul3A_64 : i32
        "tpu.region"() ({
          %run_scoped3A = tpu.sem_alloc : memref<!tpu.dma_semaphore, #tpu.memory_space<semaphore_mem>>
          %dma_start3A = tpu.memref_slice %arg5[%mul3A_65] : memref<10000xf32, #tpu.memory_space<hbm>> -> memref<640xf32, #tpu.memory_space<hbm>>
          %dma_start3A_66 = tpu.memref_slice %arg5[%mul3A_65] : memref<10000xf32, #tpu.memory_space<hbm>> -> memref<640xf32, #tpu.memory_space<hbm>>
          tpu.enqueue_dma source(%arg10 : memref<640xf32, #tpu.memory_space<vmem>>) target(%dma_start3A_66 : memref<640xf32, #tpu.memory_space<hbm>>) target_semaphore(%run_scoped3A : memref<!tpu.dma_semaphore, #tpu.memory_space<semaphore_mem>>)
          %dma_wait3A = tpu.memref_slice %arg5[%mul3A_65] : memref<10000xf32, #tpu.memory_space<hbm>> -> memref<640xf32, #tpu.memory_space<hbm>>
          %dma_wait3A_67 = tpu.memref_slice %arg5[%mul3A_65] : memref<10000xf32, #tpu.memory_space<hbm>> -> memref<640xf32, #tpu.memory_space<hbm>>
          tpu.wait_dma2 semaphore(%run_scoped3A : memref<!tpu.dma_semaphore, #tpu.memory_space<semaphore_mem>>) src(%arg10 : memref<640xf32, #tpu.memory_space<vmem>>) dst(%dma_wait3A_67 : memref<640xf32, #tpu.memory_space<hbm>>)
          tpu.yield
        }) : () -> ()
      } else {
      }
      %eq3A_59 = arith.constant 15 : i32
      %eq3A_60 = arith.cmpi eq, %arg1, %eq3A_59 : i32
      %convert_element_type3A_61 = arith.extui %eq3A_60 : i1 to i32
      %cond3A_62 = arith.constant 0 : i32
      %cond3A_63 = arith.cmpi ne, %convert_element_type3A_61, %cond3A_62 : i32
      scf.if %cond3A_63 {
        "tpu.region"() ({
          %run_scoped3A = tpu.sem_alloc : memref<!tpu.dma_semaphore, #tpu.memory_space<semaphore_mem>>
          %dma_start3A = arith.constant 0 : i32
          %dma_start3A_64 = tpu.memref_slice %arg10[%dma_start3A] : memref<640xf32, #tpu.memory_space<vmem>> -> memref<400xf32, #tpu.memory_space<vmem>>
          %dma_start3A_65 = arith.constant 9600 : i32
          %dma_start3A_66 = tpu.memref_slice %arg5[%dma_start3A_65] : memref<10000xf32, #tpu.memory_space<hbm>> -> memref<400xf32, #tpu.memory_space<hbm>>
          %dma_start3A_67 = arith.constant 9600 : i32
          %dma_start3A_68 = tpu.memref_slice %arg5[%dma_start3A_67] : memref<10000xf32, #tpu.memory_space<hbm>> -> memref<400xf32, #tpu.memory_space<hbm>>
          %dma_start3A_69 = arith.constant 0 : i32
          %dma_start3A_70 = tpu.memref_slice %arg10[%dma_start3A_69] : memref<640xf32, #tpu.memory_space<vmem>> -> memref<400xf32, #tpu.memory_space<vmem>>
          tpu.enqueue_dma source(%dma_start3A_70 : memref<400xf32, #tpu.memory_space<vmem>>) target(%dma_start3A_68 : memref<400xf32, #tpu.memory_space<hbm>>) target_semaphore(%run_scoped3A : memref<!tpu.dma_semaphore, #tpu.memory_space<semaphore_mem>>)
          %dma_wait3A = arith.constant 0 : i32
          %dma_wait3A_71 = tpu.memref_slice %arg10[%dma_wait3A] : memref<640xf32, #tpu.memory_space<vmem>> -> memref<400xf32, #tpu.memory_space<vmem>>
          %dma_wait3A_72 = arith.constant 9600 : i32
          %dma_wait3A_73 = tpu.memref_slice %arg5[%dma_wait3A_72] : memref<10000xf32, #tpu.memory_space<hbm>> -> memref<400xf32, #tpu.memory_space<hbm>>
          %dma_wait3A_74 = arith.constant 9600 : i32
          %dma_wait3A_75 = tpu.memref_slice %arg5[%dma_wait3A_74] : memref<10000xf32, #tpu.memory_space<hbm>> -> memref<400xf32, #tpu.memory_space<hbm>>
          %dma_wait3A_76 = arith.constant 0 : i32
          %dma_wait3A_77 = tpu.memref_slice %arg10[%dma_wait3A_76] : memref<640xf32, #tpu.memory_space<vmem>> -> memref<400xf32, #tpu.memory_space<vmem>>
          tpu.wait_dma2 semaphore(%run_scoped3A : memref<!tpu.dma_semaphore, #tpu.memory_space<semaphore_mem>>) src(%dma_wait3A_77 : memref<400xf32, #tpu.memory_space<vmem>>) dst(%dma_wait3A_75 : memref<400xf32, #tpu.memory_space<hbm>>)
          tpu.yield
        }) : () -> ()
      } else {
      }
    } else {
    }
    return
  }
}

#map = affine_map<(d0, d1) -> (0, 0)>
#map1 = affine_map<(d0, d1) -> (0)>
module attributes {stable_mosaic.version = 14 : i64} {
  func.func @body(%arg0: i32, %arg1: i32, %arg2: memref<20000x128xf32, #tpu.memory_space<hbm>>, %arg3: memref<2500x128xi32, #tpu.memory_space<hbm>>, %arg4: memref<2500x128xi32, #tpu.memory_space<hbm>>, %arg5: memref<2500x128xf32, #tpu.memory_space<hbm>>, %arg6: memref<10000xf32, #tpu.memory_space<hbm>>, %arg7: memref<20000x128xf32, #tpu.memory_space<hbm>>, %arg8: memref<128xi32, #tpu.memory_space<vmem>>, %arg9: memref<128xi32, #tpu.memory_space<vmem>>, %arg10: memref<128xf32, #tpu.memory_space<vmem>>, %arg11: memref<128xi32, #tpu.memory_space<vmem>>, %arg12: memref<128xf32, #tpu.memory_space<vmem>>, %arg13: memref<128x128xf32, #tpu.memory_space<vmem>>, %arg14: memref<10000xf32, #tpu.memory_space<vmem>>, %arg15: memref<10000x128xf32, #tpu.memory_space<vmem_shared>>, %arg16: memref<!tpu.dma_semaphore, #tpu.memory_space<semaphore_mem>>) attributes {dimension_semantics = [#tpu.dimension_semantics<core_parallel>, #tpu.dimension_semantics<subcore_parallel>], iteration_bounds = array<i64: 2, 16>, scalar_prefetch = 0 : i64, scratch_operands = 9 : i64, tpu.core_type = #tpu.core_type<sc_vector_subcore>, window_params = [{transform_indices = #map}, {transform_indices = #map}, {transform_indices = #map}, {transform_indices = #map}, {transform_indices = #map1}, {transform_indices = #map}]} {
    %mul3A = arith.constant 0 : i32
    %mul3A_0 = arith.muli %arg1, %mul3A : i32
    "tpu.region"() ({
      %run_scoped3A = tpu.sem_alloc : memref<!tpu.dma_semaphore, #tpu.memory_space<semaphore_mem>>
      tpu.enqueue_dma source(%arg6 : memref<10000xf32, #tpu.memory_space<hbm>>) target(%arg14 : memref<10000xf32, #tpu.memory_space<vmem>>) target_semaphore(%run_scoped3A : memref<!tpu.dma_semaphore, #tpu.memory_space<semaphore_mem>>)
      tpu.wait_dma2 semaphore(%run_scoped3A : memref<!tpu.dma_semaphore, #tpu.memory_space<semaphore_mem>>) src(%arg6 : memref<10000xf32, #tpu.memory_space<hbm>>) dst(%arg14 : memref<10000xf32, #tpu.memory_space<vmem>>)
      tpu.yield
    }) : () -> ()
    %mul3A_1 = arith.constant 625 : i32
    %mul3A_2 = arith.muli %arg1, %mul3A_1 : i32
    %add3A = arith.constant 0 : i32
    %add3A_3 = arith.addi %mul3A_2, %add3A : i32
    %mul3A_4 = arith.constant 10000 : i32
    %mul3A_5 = arith.muli %arg0, %mul3A_4 : i32
    %add3A_6 = arith.addi %mul3A_5, %add3A_3 : i32
    "tpu.region"() ({
      %run_scoped3A = tpu.sem_alloc : memref<!tpu.dma_semaphore, #tpu.memory_space<semaphore_mem>>
      %dma_start3A = arith.constant 0 : i32
      %dma_start3A_158 = arith.constant 0 : i32
      %dma_start3A_159 = tpu.memref_slice %arg13[%dma_start3A, %dma_start3A_158] : memref<128x128xf32, #tpu.memory_space<vmem>> -> memref<125x128xf32, #tpu.memory_space<vmem>>
      %dma_start3A_160 = arith.constant 0 : i32
      %dma_start3A_161 = tpu.memref_slice %arg2[%add3A_6, %dma_start3A_160] : memref<20000x128xf32, #tpu.memory_space<hbm>> -> memref<125x128xf32, #tpu.memory_space<hbm>>
      %dma_start3A_162 = arith.constant 0 : i32
      %dma_start3A_163 = arith.constant 0 : i32
      %dma_start3A_164 = tpu.memref_slice %arg13[%dma_start3A_162, %dma_start3A_163] : memref<128x128xf32, #tpu.memory_space<vmem>> -> memref<125x128xf32, #tpu.memory_space<vmem>>
      %dma_start3A_165 = arith.constant 0 : i32
      %dma_start3A_166 = tpu.memref_slice %arg2[%add3A_6, %dma_start3A_165] : memref<20000x128xf32, #tpu.memory_space<hbm>> -> memref<125x128xf32, #tpu.memory_space<hbm>>
      tpu.enqueue_dma source(%dma_start3A_166 : memref<125x128xf32, #tpu.memory_space<hbm>>) target(%dma_start3A_164 : memref<125x128xf32, #tpu.memory_space<vmem>>) target_semaphore(%run_scoped3A : memref<!tpu.dma_semaphore, #tpu.memory_space<semaphore_mem>>)
      %dma_wait3A = arith.constant 0 : i32
      %dma_wait3A_167 = arith.constant 0 : i32
      %dma_wait3A_168 = tpu.memref_slice %arg13[%dma_wait3A, %dma_wait3A_167] : memref<128x128xf32, #tpu.memory_space<vmem>> -> memref<125x128xf32, #tpu.memory_space<vmem>>
      %dma_wait3A_169 = arith.constant 0 : i32
      %dma_wait3A_170 = tpu.memref_slice %arg2[%add3A_6, %dma_wait3A_169] : memref<20000x128xf32, #tpu.memory_space<hbm>> -> memref<125x128xf32, #tpu.memory_space<hbm>>
      %dma_wait3A_171 = arith.constant 0 : i32
      %dma_wait3A_172 = arith.constant 0 : i32
      %dma_wait3A_173 = tpu.memref_slice %arg13[%dma_wait3A_171, %dma_wait3A_172] : memref<128x128xf32, #tpu.memory_space<vmem>> -> memref<125x128xf32, #tpu.memory_space<vmem>>
      %dma_wait3A_174 = arith.constant 0 : i32
      %dma_wait3A_175 = tpu.memref_slice %arg2[%add3A_6, %dma_wait3A_174] : memref<20000x128xf32, #tpu.memory_space<hbm>> -> memref<125x128xf32, #tpu.memory_space<hbm>>
      tpu.wait_dma2 semaphore(%run_scoped3A : memref<!tpu.dma_semaphore, #tpu.memory_space<semaphore_mem>>) src(%dma_wait3A_175 : memref<125x128xf32, #tpu.memory_space<hbm>>) dst(%dma_wait3A_173 : memref<125x128xf32, #tpu.memory_space<vmem>>)
      tpu.yield
    }) : () -> ()
    %sub3A = arith.constant 125 : i32
    %sub3A_7 = arith.subi %sub3A, %mul3A_0 : i32
    %sub3A_8 = arith.constant 1 : i32
    %sub3A_9 = arith.constant 1 : i32
    %sub3A_10 = arith.subi %sub3A_8, %sub3A_9 : i32
    %add3A_11 = arith.addi %sub3A_7, %sub3A_10 : i32
    %div3A = arith.constant 1 : i32
    %div3A_12 = arith.divsi %add3A_11, %div3A : i32
    %while3A = arith.constant 1 : i32
    %while3A_13 = arith.constant 0 : i32
    %while3A_14 = arith.subi %div3A_12, %while3A_13 : i32
    %while3A_15 = arith.addi %while3A_13, %while3A_14 : i32
    %while3A_16 = arith.constant 1 : i32
    %while3A_17 = arith.divsi %while3A_14, %while3A_16 : i32
    %while3A_18 = arith.muli %while3A_17, %while3A_16 : i32
    %while3A_19 = arith.addi %while3A_13, %while3A_18 : i32
    %while3A_20 = arith.constant 1 : i32
    scf.for %while3A_158 = %while3A_13 to %while3A_19 step %while3A_20  : i32 {
      %mul3A_159 = arith.muli %while3A_158, %while3A : i32
      %add3A_160 = arith.addi %mul3A_0, %mul3A_159 : i32
      %add3A_161 = arith.addi %add3A_3, %add3A_160 : i32
      %broadcast_in_dim3A = vector.broadcast %add3A_161 : i32 to vector<16xi32>
      %gather3A = tpu.vector_load_idx %arg14[%broadcast_in_dim3A] : memref<10000xf32, #tpu.memory_space<vmem>>[vector<16xi32>], vector<16xf32>,
      %mul3A_162 = arith.mulf %gather3A, %gather3A : vector<16xf32>
      %get3A = arith.index_cast %add3A_160 : i32 to index
      %get3A_163 = arith.constant 0 : index
      %get3A_164 = tpu.vector_load %arg13[%get3A, %get3A_163] {strides = array<i32>} : memref<128x128xf32, #tpu.memory_space<vmem>>, vector<16xf32>,
      %mul3A_165 = arith.mulf %get3A_164, %mul3A_162 : vector<16xf32>
      %swap3A = arith.index_cast %add3A_160 : i32 to index
      %swap3A_166 = arith.constant 0 : index
      %swap3A_167 = tpu.vector_load %arg13[%swap3A, %swap3A_166] {strides = array<i32>} : memref<128x128xf32, #tpu.memory_space<vmem>>, vector<16xf32>,
      tpu.vector_store %arg13[%swap3A, %swap3A_166], %mul3A_165 {strides = array<i32>} : memref<128x128xf32, #tpu.memory_space<vmem>>, vector<16xf32>,
      %get3A_168 = arith.index_cast %add3A_160 : i32 to index
      %get3A_169 = arith.constant 16 : index
      %get3A_170 = tpu.vector_load %arg13[%get3A_168, %get3A_169] {strides = array<i32>} : memref<128x128xf32, #tpu.memory_space<vmem>>, vector<16xf32>,
      %mul3A_171 = arith.mulf %get3A_170, %mul3A_162 : vector<16xf32>
      %swap3A_172 = arith.index_cast %add3A_160 : i32 to index
      %swap3A_173 = arith.constant 16 : index
      %swap3A_174 = tpu.vector_load %arg13[%swap3A_172, %swap3A_173] {strides = array<i32>} : memref<128x128xf32, #tpu.memory_space<vmem>>, vector<16xf32>,
      tpu.vector_store %arg13[%swap3A_172, %swap3A_173], %mul3A_171 {strides = array<i32>} : memref<128x128xf32, #tpu.memory_space<vmem>>, vector<16xf32>,
      %get3A_175 = arith.index_cast %add3A_160 : i32 to index
      %get3A_176 = arith.constant 32 : index
      %get3A_177 = tpu.vector_load %arg13[%get3A_175, %get3A_176] {strides = array<i32>} : memref<128x128xf32, #tpu.memory_space<vmem>>, vector<16xf32>,
      %mul3A_178 = arith.mulf %get3A_177, %mul3A_162 : vector<16xf32>
      %swap3A_179 = arith.index_cast %add3A_160 : i32 to index
      %swap3A_180 = arith.constant 32 : index
      %swap3A_181 = tpu.vector_load %arg13[%swap3A_179, %swap3A_180] {strides = array<i32>} : memref<128x128xf32, #tpu.memory_space<vmem>>, vector<16xf32>,
      tpu.vector_store %arg13[%swap3A_179, %swap3A_180], %mul3A_178 {strides = array<i32>} : memref<128x128xf32, #tpu.memory_space<vmem>>, vector<16xf32>,
      %get3A_182 = arith.index_cast %add3A_160 : i32 to index
      %get3A_183 = arith.constant 48 : index
      %get3A_184 = tpu.vector_load %arg13[%get3A_182, %get3A_183] {strides = array<i32>} : memref<128x128xf32, #tpu.memory_space<vmem>>, vector<16xf32>,
      %mul3A_185 = arith.mulf %get3A_184, %mul3A_162 : vector<16xf32>
      %swap3A_186 = arith.index_cast %add3A_160 : i32 to index
      %swap3A_187 = arith.constant 48 : index
      %swap3A_188 = tpu.vector_load %arg13[%swap3A_186, %swap3A_187] {strides = array<i32>} : memref<128x128xf32, #tpu.memory_space<vmem>>, vector<16xf32>,
      tpu.vector_store %arg13[%swap3A_186, %swap3A_187], %mul3A_185 {strides = array<i32>} : memref<128x128xf32, #tpu.memory_space<vmem>>, vector<16xf32>,
      %get3A_189 = arith.index_cast %add3A_160 : i32 to index
      %get3A_190 = arith.constant 64 : index
      %get3A_191 = tpu.vector_load %arg13[%get3A_189, %get3A_190] {strides = array<i32>} : memref<128x128xf32, #tpu.memory_space<vmem>>, vector<16xf32>,
      %mul3A_192 = arith.mulf %get3A_191, %mul3A_162 : vector<16xf32>
      %swap3A_193 = arith.index_cast %add3A_160 : i32 to index
      %swap3A_194 = arith.constant 64 : index
      %swap3A_195 = tpu.vector_load %arg13[%swap3A_193, %swap3A_194] {strides = array<i32>} : memref<128x128xf32, #tpu.memory_space<vmem>>, vector<16xf32>,
      tpu.vector_store %arg13[%swap3A_193, %swap3A_194], %mul3A_192 {strides = array<i32>} : memref<128x128xf32, #tpu.memory_space<vmem>>, vector<16xf32>,
      %get3A_196 = arith.index_cast %add3A_160 : i32 to index
      %get3A_197 = arith.constant 80 : index
      %get3A_198 = tpu.vector_load %arg13[%get3A_196, %get3A_197] {strides = array<i32>} : memref<128x128xf32, #tpu.memory_space<vmem>>, vector<16xf32>,
      %mul3A_199 = arith.mulf %get3A_198, %mul3A_162 : vector<16xf32>
      %swap3A_200 = arith.index_cast %add3A_160 : i32 to index
      %swap3A_201 = arith.constant 80 : index
      %swap3A_202 = tpu.vector_load %arg13[%swap3A_200, %swap3A_201] {strides = array<i32>} : memref<128x128xf32, #tpu.memory_space<vmem>>, vector<16xf32>,
      tpu.vector_store %arg13[%swap3A_200, %swap3A_201], %mul3A_199 {strides = array<i32>} : memref<128x128xf32, #tpu.memory_space<vmem>>, vector<16xf32>,
      %get3A_203 = arith.index_cast %add3A_160 : i32 to index
      %get3A_204 = arith.constant 96 : index
      %get3A_205 = tpu.vector_load %arg13[%get3A_203, %get3A_204] {strides = array<i32>} : memref<128x128xf32, #tpu.memory_space<vmem>>, vector<16xf32>,
      %mul3A_206 = arith.mulf %get3A_205, %mul3A_162 : vector<16xf32>
      %swap3A_207 = arith.index_cast %add3A_160 : i32 to index
      %swap3A_208 = arith.constant 96 : index
      %swap3A_209 = tpu.vector_load %arg13[%swap3A_207, %swap3A_208] {strides = array<i32>} : memref<128x128xf32, #tpu.memory_space<vmem>>, vector<16xf32>,
      tpu.vector_store %arg13[%swap3A_207, %swap3A_208], %mul3A_206 {strides = array<i32>} : memref<128x128xf32, #tpu.memory_space<vmem>>, vector<16xf32>,
      %get3A_210 = arith.index_cast %add3A_160 : i32 to index
      %get3A_211 = arith.constant 112 : index
      %get3A_212 = tpu.vector_load %arg13[%get3A_210, %get3A_211] {strides = array<i32>} : memref<128x128xf32, #tpu.memory_space<vmem>>, vector<16xf32>,
      %mul3A_213 = arith.mulf %get3A_212, %mul3A_162 : vector<16xf32>
      %swap3A_214 = arith.index_cast %add3A_160 : i32 to index
      %swap3A_215 = arith.constant 112 : index
      %swap3A_216 = tpu.vector_load %arg13[%swap3A_214, %swap3A_215] {strides = array<i32>} : memref<128x128xf32, #tpu.memory_space<vmem>>, vector<16xf32>,
      tpu.vector_store %arg13[%swap3A_214, %swap3A_215], %mul3A_213 {strides = array<i32>} : memref<128x128xf32, #tpu.memory_space<vmem>>, vector<16xf32>,
    }
    %while3A_21 = arith.constant 1 : i32
    scf.for %while3A_158 = %while3A_19 to %while3A_15 step %while3A_21  : i32 {
      %mul3A_159 = arith.muli %while3A_158, %while3A : i32
      %add3A_160 = arith.addi %mul3A_0, %mul3A_159 : i32
      %add3A_161 = arith.addi %add3A_3, %add3A_160 : i32
      %broadcast_in_dim3A = vector.broadcast %add3A_161 : i32 to vector<16xi32>
      %gather3A = tpu.vector_load_idx %arg14[%broadcast_in_dim3A] : memref<10000xf32, #tpu.memory_space<vmem>>[vector<16xi32>], vector<16xf32>,
      %mul3A_162 = arith.mulf %gather3A, %gather3A : vector<16xf32>
      %get3A = arith.index_cast %add3A_160 : i32 to index
      %get3A_163 = arith.constant 0 : index
      %get3A_164 = tpu.vector_load %arg13[%get3A, %get3A_163] {strides = array<i32>} : memref<128x128xf32, #tpu.memory_space<vmem>>, vector<16xf32>,
      %mul3A_165 = arith.mulf %get3A_164, %mul3A_162 : vector<16xf32>
      %swap3A = arith.index_cast %add3A_160 : i32 to index
      %swap3A_166 = arith.constant 0 : index
      %swap3A_167 = tpu.vector_load %arg13[%swap3A, %swap3A_166] {strides = array<i32>} : memref<128x128xf32, #tpu.memory_space<vmem>>, vector<16xf32>,
      tpu.vector_store %arg13[%swap3A, %swap3A_166], %mul3A_165 {strides = array<i32>} : memref<128x128xf32, #tpu.memory_space<vmem>>, vector<16xf32>,
      %get3A_168 = arith.index_cast %add3A_160 : i32 to index
      %get3A_169 = arith.constant 16 : index
      %get3A_170 = tpu.vector_load %arg13[%get3A_168, %get3A_169] {strides = array<i32>} : memref<128x128xf32, #tpu.memory_space<vmem>>, vector<16xf32>,
      %mul3A_171 = arith.mulf %get3A_170, %mul3A_162 : vector<16xf32>
      %swap3A_172 = arith.index_cast %add3A_160 : i32 to index
      %swap3A_173 = arith.constant 16 : index
      %swap3A_174 = tpu.vector_load %arg13[%swap3A_172, %swap3A_173] {strides = array<i32>} : memref<128x128xf32, #tpu.memory_space<vmem>>, vector<16xf32>,
      tpu.vector_store %arg13[%swap3A_172, %swap3A_173], %mul3A_171 {strides = array<i32>} : memref<128x128xf32, #tpu.memory_space<vmem>>, vector<16xf32>,
      %get3A_175 = arith.index_cast %add3A_160 : i32 to index
      %get3A_176 = arith.constant 32 : index
      %get3A_177 = tpu.vector_load %arg13[%get3A_175, %get3A_176] {strides = array<i32>} : memref<128x128xf32, #tpu.memory_space<vmem>>, vector<16xf32>,
      %mul3A_178 = arith.mulf %get3A_177, %mul3A_162 : vector<16xf32>
      %swap3A_179 = arith.index_cast %add3A_160 : i32 to index
      %swap3A_180 = arith.constant 32 : index
      %swap3A_181 = tpu.vector_load %arg13[%swap3A_179, %swap3A_180] {strides = array<i32>} : memref<128x128xf32, #tpu.memory_space<vmem>>, vector<16xf32>,
      tpu.vector_store %arg13[%swap3A_179, %swap3A_180], %mul3A_178 {strides = array<i32>} : memref<128x128xf32, #tpu.memory_space<vmem>>, vector<16xf32>,
      %get3A_182 = arith.index_cast %add3A_160 : i32 to index
      %get3A_183 = arith.constant 48 : index
      %get3A_184 = tpu.vector_load %arg13[%get3A_182, %get3A_183] {strides = array<i32>} : memref<128x128xf32, #tpu.memory_space<vmem>>, vector<16xf32>,
      %mul3A_185 = arith.mulf %get3A_184, %mul3A_162 : vector<16xf32>
      %swap3A_186 = arith.index_cast %add3A_160 : i32 to index
      %swap3A_187 = arith.constant 48 : index
      %swap3A_188 = tpu.vector_load %arg13[%swap3A_186, %swap3A_187] {strides = array<i32>} : memref<128x128xf32, #tpu.memory_space<vmem>>, vector<16xf32>,
      tpu.vector_store %arg13[%swap3A_186, %swap3A_187], %mul3A_185 {strides = array<i32>} : memref<128x128xf32, #tpu.memory_space<vmem>>, vector<16xf32>,
      %get3A_189 = arith.index_cast %add3A_160 : i32 to index
      %get3A_190 = arith.constant 64 : index
      %get3A_191 = tpu.vector_load %arg13[%get3A_189, %get3A_190] {strides = array<i32>} : memref<128x128xf32, #tpu.memory_space<vmem>>, vector<16xf32>,
      %mul3A_192 = arith.mulf %get3A_191, %mul3A_162 : vector<16xf32>
      %swap3A_193 = arith.index_cast %add3A_160 : i32 to index
      %swap3A_194 = arith.constant 64 : index
      %swap3A_195 = tpu.vector_load %arg13[%swap3A_193, %swap3A_194] {strides = array<i32>} : memref<128x128xf32, #tpu.memory_space<vmem>>, vector<16xf32>,
      tpu.vector_store %arg13[%swap3A_193, %swap3A_194], %mul3A_192 {strides = array<i32>} : memref<128x128xf32, #tpu.memory_space<vmem>>, vector<16xf32>,
      %get3A_196 = arith.index_cast %add3A_160 : i32 to index
      %get3A_197 = arith.constant 80 : index
      %get3A_198 = tpu.vector_load %arg13[%get3A_196, %get3A_197] {strides = array<i32>} : memref<128x128xf32, #tpu.memory_space<vmem>>, vector<16xf32>,
      %mul3A_199 = arith.mulf %get3A_198, %mul3A_162 : vector<16xf32>
      %swap3A_200 = arith.index_cast %add3A_160 : i32 to index
      %swap3A_201 = arith.constant 80 : index
      %swap3A_202 = tpu.vector_load %arg13[%swap3A_200, %swap3A_201] {strides = array<i32>} : memref<128x128xf32, #tpu.memory_space<vmem>>, vector<16xf32>,
      tpu.vector_store %arg13[%swap3A_200, %swap3A_201], %mul3A_199 {strides = array<i32>} : memref<128x128xf32, #tpu.memory_space<vmem>>, vector<16xf32>,
      %get3A_203 = arith.index_cast %add3A_160 : i32 to index
      %get3A_204 = arith.constant 96 : index
      %get3A_205 = tpu.vector_load %arg13[%get3A_203, %get3A_204] {strides = array<i32>} : memref<128x128xf32, #tpu.memory_space<vmem>>, vector<16xf32>,
      %mul3A_206 = arith.mulf %get3A_205, %mul3A_162 : vector<16xf32>
      %swap3A_207 = arith.index_cast %add3A_160 : i32 to index
      %swap3A_208 = arith.constant 96 : index
      %swap3A_209 = tpu.vector_load %arg13[%swap3A_207, %swap3A_208] {strides = array<i32>} : memref<128x128xf32, #tpu.memory_space<vmem>>, vector<16xf32>,
      tpu.vector_store %arg13[%swap3A_207, %swap3A_208], %mul3A_206 {strides = array<i32>} : memref<128x128xf32, #tpu.memory_space<vmem>>, vector<16xf32>,
      %get3A_210 = arith.index_cast %add3A_160 : i32 to index
      %get3A_211 = arith.constant 112 : index
      %get3A_212 = tpu.vector_load %arg13[%get3A_210, %get3A_211] {strides = array<i32>} : memref<128x128xf32, #tpu.memory_space<vmem>>, vector<16xf32>,
      %mul3A_213 = arith.mulf %get3A_212, %mul3A_162 : vector<16xf32>
      %swap3A_214 = arith.index_cast %add3A_160 : i32 to index
      %swap3A_215 = arith.constant 112 : index
      %swap3A_216 = tpu.vector_load %arg13[%swap3A_214, %swap3A_215] {strides = array<i32>} : memref<128x128xf32, #tpu.memory_space<vmem>>, vector<16xf32>,
      tpu.vector_store %arg13[%swap3A_214, %swap3A_215], %mul3A_213 {strides = array<i32>} : memref<128x128xf32, #tpu.memory_space<vmem>>, vector<16xf32>,
    }
    "tpu.region"() ({
      %run_scoped3A = tpu.sem_alloc : memref<!tpu.dma_semaphore, #tpu.memory_space<semaphore_mem>>
      %dma_start3A = arith.constant 0 : i32
      %dma_start3A_158 = arith.constant 0 : i32
      %dma_start3A_159 = tpu.memref_slice %arg13[%dma_start3A, %dma_start3A_158] : memref<128x128xf32, #tpu.memory_space<vmem>> -> memref<125x128xf32, #tpu.memory_space<vmem>>
      %dma_start3A_160 = arith.constant 0 : i32
      %dma_start3A_161 = tpu.memref_slice %arg15[%add3A_3, %dma_start3A_160] : memref<10000x128xf32, #tpu.memory_space<vmem_shared>> -> memref<125x128xf32, #tpu.memory_space<vmem_shared>>
      %dma_start3A_162 = arith.constant 0 : i32
      %dma_start3A_163 = tpu.memref_slice %arg15[%add3A_3, %dma_start3A_162] : memref<10000x128xf32, #tpu.memory_space<vmem_shared>> -> memref<125x128xf32, #tpu.memory_space<vmem_shared>>
      %dma_start3A_164 = arith.constant 0 : i32
      %dma_start3A_165 = arith.constant 0 : i32
      %dma_start3A_166 = tpu.memref_slice %arg13[%dma_start3A_164, %dma_start3A_165] : memref<128x128xf32, #tpu.memory_space<vmem>> -> memref<125x128xf32, #tpu.memory_space<vmem>>
      tpu.enqueue_dma source(%dma_start3A_166 : memref<125x128xf32, #tpu.memory_space<vmem>>) target(%dma_start3A_163 : memref<125x128xf32, #tpu.memory_space<vmem_shared>>) target_semaphore(%run_scoped3A : memref<!tpu.dma_semaphore, #tpu.memory_space<semaphore_mem>>)
      %dma_wait3A = arith.constant 0 : i32
      %dma_wait3A_167 = arith.constant 0 : i32
      %dma_wait3A_168 = tpu.memref_slice %arg13[%dma_wait3A, %dma_wait3A_167] : memref<128x128xf32, #tpu.memory_space<vmem>> -> memref<125x128xf32, #tpu.memory_space<vmem>>
      %dma_wait3A_169 = arith.constant 0 : i32
      %dma_wait3A_170 = tpu.memref_slice %arg15[%add3A_3, %dma_wait3A_169] : memref<10000x128xf32, #tpu.memory_space<vmem_shared>> -> memref<125x128xf32, #tpu.memory_space<vmem_shared>>
      %dma_wait3A_171 = arith.constant 0 : i32
      %dma_wait3A_172 = tpu.memref_slice %arg15[%add3A_3, %dma_wait3A_171] : memref<10000x128xf32, #tpu.memory_space<vmem_shared>> -> memref<125x128xf32, #tpu.memory_space<vmem_shared>>
      %dma_wait3A_173 = arith.constant 0 : i32
      %dma_wait3A_174 = arith.constant 0 : i32
      %dma_wait3A_175 = tpu.memref_slice %arg13[%dma_wait3A_173, %dma_wait3A_174] : memref<128x128xf32, #tpu.memory_space<vmem>> -> memref<125x128xf32, #tpu.memory_space<vmem>>
      tpu.wait_dma2 semaphore(%run_scoped3A : memref<!tpu.dma_semaphore, #tpu.memory_space<semaphore_mem>>) src(%dma_wait3A_175 : memref<125x128xf32, #tpu.memory_space<vmem>>) dst(%dma_wait3A_172 : memref<125x128xf32, #tpu.memory_space<vmem_shared>>)
      tpu.yield
    }) : () -> ()
    %add3A_22 = arith.constant 125 : i32
    %add3A_23 = arith.addi %mul3A_2, %add3A_22 : i32
    %mul3A_24 = arith.constant 10000 : i32
    %mul3A_25 = arith.muli %arg0, %mul3A_24 : i32
    %add3A_26 = arith.addi %mul3A_25, %add3A_23 : i32
    "tpu.region"() ({
      %run_scoped3A = tpu.sem_alloc : memref<!tpu.dma_semaphore, #tpu.memory_space<semaphore_mem>>
      %dma_start3A = arith.constant 0 : i32
      %dma_start3A_158 = arith.constant 0 : i32
      %dma_start3A_159 = tpu.memref_slice %arg13[%dma_start3A, %dma_start3A_158] : memref<128x128xf32, #tpu.memory_space<vmem>> -> memref<125x128xf32, #tpu.memory_space<vmem>>
      %dma_start3A_160 = arith.constant 0 : i32
      %dma_start3A_161 = tpu.memref_slice %arg2[%add3A_26, %dma_start3A_160] : memref<20000x128xf32, #tpu.memory_space<hbm>> -> memref<125x128xf32, #tpu.memory_space<hbm>>
      %dma_start3A_162 = arith.constant 0 : i32
      %dma_start3A_163 = arith.constant 0 : i32
      %dma_start3A_164 = tpu.memref_slice %arg13[%dma_start3A_162, %dma_start3A_163] : memref<128x128xf32, #tpu.memory_space<vmem>> -> memref<125x128xf32, #tpu.memory_space<vmem>>
      %dma_start3A_165 = arith.constant 0 : i32
      %dma_start3A_166 = tpu.memref_slice %arg2[%add3A_26, %dma_start3A_165] : memref<20000x128xf32, #tpu.memory_space<hbm>> -> memref<125x128xf32, #tpu.memory_space<hbm>>
      tpu.enqueue_dma source(%dma_start3A_166 : memref<125x128xf32, #tpu.memory_space<hbm>>) target(%dma_start3A_164 : memref<125x128xf32, #tpu.memory_space<vmem>>) target_semaphore(%run_scoped3A : memref<!tpu.dma_semaphore, #tpu.memory_space<semaphore_mem>>)
      %dma_wait3A = arith.constant 0 : i32
      %dma_wait3A_167 = arith.constant 0 : i32
      %dma_wait3A_168 = tpu.memref_slice %arg13[%dma_wait3A, %dma_wait3A_167] : memref<128x128xf32, #tpu.memory_space<vmem>> -> memref<125x128xf32, #tpu.memory_space<vmem>>
      %dma_wait3A_169 = arith.constant 0 : i32
      %dma_wait3A_170 = tpu.memref_slice %arg2[%add3A_26, %dma_wait3A_169] : memref<20000x128xf32, #tpu.memory_space<hbm>> -> memref<125x128xf32, #tpu.memory_space<hbm>>
      %dma_wait3A_171 = arith.constant 0 : i32
      %dma_wait3A_172 = arith.constant 0 : i32
      %dma_wait3A_173 = tpu.memref_slice %arg13[%dma_wait3A_171, %dma_wait3A_172] : memref<128x128xf32, #tpu.memory_space<vmem>> -> memref<125x128xf32, #tpu.memory_space<vmem>>
      %dma_wait3A_174 = arith.constant 0 : i32
      %dma_wait3A_175 = tpu.memref_slice %arg2[%add3A_26, %dma_wait3A_174] : memref<20000x128xf32, #tpu.memory_space<hbm>> -> memref<125x128xf32, #tpu.memory_space<hbm>>
      tpu.wait_dma2 semaphore(%run_scoped3A : memref<!tpu.dma_semaphore, #tpu.memory_space<semaphore_mem>>) src(%dma_wait3A_175 : memref<125x128xf32, #tpu.memory_space<hbm>>) dst(%dma_wait3A_173 : memref<125x128xf32, #tpu.memory_space<vmem>>)
      tpu.yield
    }) : () -> ()
    %sub3A_27 = arith.constant 125 : i32
    %sub3A_28 = arith.subi %sub3A_27, %mul3A_0 : i32
    %sub3A_29 = arith.constant 1 : i32
    %sub3A_30 = arith.constant 1 : i32
    %sub3A_31 = arith.subi %sub3A_29, %sub3A_30 : i32
    %add3A_32 = arith.addi %sub3A_28, %sub3A_31 : i32
    %div3A_33 = arith.constant 1 : i32
    %div3A_34 = arith.divsi %add3A_32, %div3A_33 : i32
    %while3A_35 = arith.constant 1 : i32
    %while3A_36 = arith.constant 0 : i32
    %while3A_37 = arith.subi %div3A_34, %while3A_36 : i32
    %while3A_38 = arith.addi %while3A_36, %while3A_37 : i32
    %while3A_39 = arith.constant 1 : i32
    %while3A_40 = arith.divsi %while3A_37, %while3A_39 : i32
    %while3A_41 = arith.muli %while3A_40, %while3A_39 : i32
    %while3A_42 = arith.addi %while3A_36, %while3A_41 : i32
    %while3A_43 = arith.constant 1 : i32
    scf.for %while3A_158 = %while3A_36 to %while3A_42 step %while3A_43  : i32 {
      %mul3A_159 = arith.muli %while3A_158, %while3A_35 : i32
      %add3A_160 = arith.addi %mul3A_0, %mul3A_159 : i32
      %add3A_161 = arith.addi %add3A_23, %add3A_160 : i32
      %broadcast_in_dim3A = vector.broadcast %add3A_161 : i32 to vector<16xi32>
      %gather3A = tpu.vector_load_idx %arg14[%broadcast_in_dim3A] : memref<10000xf32, #tpu.memory_space<vmem>>[vector<16xi32>], vector<16xf32>,
      %mul3A_162 = arith.mulf %gather3A, %gather3A : vector<16xf32>
      %get3A = arith.index_cast %add3A_160 : i32 to index
      %get3A_163 = arith.constant 0 : index
      %get3A_164 = tpu.vector_load %arg13[%get3A, %get3A_163] {strides = array<i32>} : memref<128x128xf32, #tpu.memory_space<vmem>>, vector<16xf32>,
      %mul3A_165 = arith.mulf %get3A_164, %mul3A_162 : vector<16xf32>
      %swap3A = arith.index_cast %add3A_160 : i32 to index
      %swap3A_166 = arith.constant 0 : index
      %swap3A_167 = tpu.vector_load %arg13[%swap3A, %swap3A_166] {strides = array<i32>} : memref<128x128xf32, #tpu.memory_space<vmem>>, vector<16xf32>,
      tpu.vector_store %arg13[%swap3A, %swap3A_166], %mul3A_165 {strides = array<i32>} : memref<128x128xf32, #tpu.memory_space<vmem>>, vector<16xf32>,
      %get3A_168 = arith.index_cast %add3A_160 : i32 to index
      %get3A_169 = arith.constant 16 : index
      %get3A_170 = tpu.vector_load %arg13[%get3A_168, %get3A_169] {strides = array<i32>} : memref<128x128xf32, #tpu.memory_space<vmem>>, vector<16xf32>,
      %mul3A_171 = arith.mulf %get3A_170, %mul3A_162 : vector<16xf32>
      %swap3A_172 = arith.index_cast %add3A_160 : i32 to index
      %swap3A_173 = arith.constant 16 : index
      %swap3A_174 = tpu.vector_load %arg13[%swap3A_172, %swap3A_173] {strides = array<i32>} : memref<128x128xf32, #tpu.memory_space<vmem>>, vector<16xf32>,
      tpu.vector_store %arg13[%swap3A_172, %swap3A_173], %mul3A_171 {strides = array<i32>} : memref<128x128xf32, #tpu.memory_space<vmem>>, vector<16xf32>,
      %get3A_175 = arith.index_cast %add3A_160 : i32 to index
      %get3A_176 = arith.constant 32 : index
      %get3A_177 = tpu.vector_load %arg13[%get3A_175, %get3A_176] {strides = array<i32>} : memref<128x128xf32, #tpu.memory_space<vmem>>, vector<16xf32>,
      %mul3A_178 = arith.mulf %get3A_177, %mul3A_162 : vector<16xf32>
      %swap3A_179 = arith.index_cast %add3A_160 : i32 to index
      %swap3A_180 = arith.constant 32 : index
      %swap3A_181 = tpu.vector_load %arg13[%swap3A_179, %swap3A_180] {strides = array<i32>} : memref<128x128xf32, #tpu.memory_space<vmem>>, vector<16xf32>,
      tpu.vector_store %arg13[%swap3A_179, %swap3A_180], %mul3A_178 {strides = array<i32>} : memref<128x128xf32, #tpu.memory_space<vmem>>, vector<16xf32>,
      %get3A_182 = arith.index_cast %add3A_160 : i32 to index
      %get3A_183 = arith.constant 48 : index
      %get3A_184 = tpu.vector_load %arg13[%get3A_182, %get3A_183] {strides = array<i32>} : memref<128x128xf32, #tpu.memory_space<vmem>>, vector<16xf32>,
      %mul3A_185 = arith.mulf %get3A_184, %mul3A_162 : vector<16xf32>
      %swap3A_186 = arith.index_cast %add3A_160 : i32 to index
      %swap3A_187 = arith.constant 48 : index
      %swap3A_188 = tpu.vector_load %arg13[%swap3A_186, %swap3A_187] {strides = array<i32>} : memref<128x128xf32, #tpu.memory_space<vmem>>, vector<16xf32>,
      tpu.vector_store %arg13[%swap3A_186, %swap3A_187], %mul3A_185 {strides = array<i32>} : memref<128x128xf32, #tpu.memory_space<vmem>>, vector<16xf32>,
      %get3A_189 = arith.index_cast %add3A_160 : i32 to index
      %get3A_190 = arith.constant 64 : index
      %get3A_191 = tpu.vector_load %arg13[%get3A_189, %get3A_190] {strides = array<i32>} : memref<128x128xf32, #tpu.memory_space<vmem>>, vector<16xf32>,
      %mul3A_192 = arith.mulf %get3A_191, %mul3A_162 : vector<16xf32>
      %swap3A_193 = arith.index_cast %add3A_160 : i32 to index
      %swap3A_194 = arith.constant 64 : index
      %swap3A_195 = tpu.vector_load %arg13[%swap3A_193, %swap3A_194] {strides = array<i32>} : memref<128x128xf32, #tpu.memory_space<vmem>>, vector<16xf32>,
      tpu.vector_store %arg13[%swap3A_193, %swap3A_194], %mul3A_192 {strides = array<i32>} : memref<128x128xf32, #tpu.memory_space<vmem>>, vector<16xf32>,
      %get3A_196 = arith.index_cast %add3A_160 : i32 to index
      %get3A_197 = arith.constant 80 : index
      %get3A_198 = tpu.vector_load %arg13[%get3A_196, %get3A_197] {strides = array<i32>} : memref<128x128xf32, #tpu.memory_space<vmem>>, vector<16xf32>,
      %mul3A_199 = arith.mulf %get3A_198, %mul3A_162 : vector<16xf32>
      %swap3A_200 = arith.index_cast %add3A_160 : i32 to index
      %swap3A_201 = arith.constant 80 : index
      %swap3A_202 = tpu.vector_load %arg13[%swap3A_200, %swap3A_201] {strides = array<i32>} : memref<128x128xf32, #tpu.memory_space<vmem>>, vector<16xf32>,
      tpu.vector_store %arg13[%swap3A_200, %swap3A_201], %mul3A_199 {strides = array<i32>} : memref<128x128xf32, #tpu.memory_space<vmem>>, vector<16xf32>,
      %get3A_203 = arith.index_cast %add3A_160 : i32 to index
      %get3A_204 = arith.constant 96 : index
      %get3A_205 = tpu.vector_load %arg13[%get3A_203, %get3A_204] {strides = array<i32>} : memref<128x128xf32, #tpu.memory_space<vmem>>, vector<16xf32>,
      %mul3A_206 = arith.mulf %get3A_205, %mul3A_162 : vector<16xf32>
      %swap3A_207 = arith.index_cast %add3A_160 : i32 to index
      %swap3A_208 = arith.constant 96 : index
      %swap3A_209 = tpu.vector_load %arg13[%swap3A_207, %swap3A_208] {strides = array<i32>} : memref<128x128xf32, #tpu.memory_space<vmem>>, vector<16xf32>,
      tpu.vector_store %arg13[%swap3A_207, %swap3A_208], %mul3A_206 {strides = array<i32>} : memref<128x128xf32, #tpu.memory_space<vmem>>, vector<16xf32>,
      %get3A_210 = arith.index_cast %add3A_160 : i32 to index
      %get3A_211 = arith.constant 112 : index
      %get3A_212 = tpu.vector_load %arg13[%get3A_210, %get3A_211] {strides = array<i32>} : memref<128x128xf32, #tpu.memory_space<vmem>>, vector<16xf32>,
      %mul3A_213 = arith.mulf %get3A_212, %mul3A_162 : vector<16xf32>
      %swap3A_214 = arith.index_cast %add3A_160 : i32 to index
      %swap3A_215 = arith.constant 112 : index
      %swap3A_216 = tpu.vector_load %arg13[%swap3A_214, %swap3A_215] {strides = array<i32>} : memref<128x128xf32, #tpu.memory_space<vmem>>, vector<16xf32>,
      tpu.vector_store %arg13[%swap3A_214, %swap3A_215], %mul3A_213 {strides = array<i32>} : memref<128x128xf32, #tpu.memory_space<vmem>>, vector<16xf32>,
    }
    %while3A_44 = arith.constant 1 : i32
    scf.for %while3A_158 = %while3A_42 to %while3A_38 step %while3A_44  : i32 {
      %mul3A_159 = arith.muli %while3A_158, %while3A_35 : i32
      %add3A_160 = arith.addi %mul3A_0, %mul3A_159 : i32
      %add3A_161 = arith.addi %add3A_23, %add3A_160 : i32
      %broadcast_in_dim3A = vector.broadcast %add3A_161 : i32 to vector<16xi32>
      %gather3A = tpu.vector_load_idx %arg14[%broadcast_in_dim3A] : memref<10000xf32, #tpu.memory_space<vmem>>[vector<16xi32>], vector<16xf32>,
      %mul3A_162 = arith.mulf %gather3A, %gather3A : vector<16xf32>
      %get3A = arith.index_cast %add3A_160 : i32 to index
      %get3A_163 = arith.constant 0 : index
      %get3A_164 = tpu.vector_load %arg13[%get3A, %get3A_163] {strides = array<i32>} : memref<128x128xf32, #tpu.memory_space<vmem>>, vector<16xf32>,
      %mul3A_165 = arith.mulf %get3A_164, %mul3A_162 : vector<16xf32>
      %swap3A = arith.index_cast %add3A_160 : i32 to index
      %swap3A_166 = arith.constant 0 : index
      %swap3A_167 = tpu.vector_load %arg13[%swap3A, %swap3A_166] {strides = array<i32>} : memref<128x128xf32, #tpu.memory_space<vmem>>, vector<16xf32>,
      tpu.vector_store %arg13[%swap3A, %swap3A_166], %mul3A_165 {strides = array<i32>} : memref<128x128xf32, #tpu.memory_space<vmem>>, vector<16xf32>,
      %get3A_168 = arith.index_cast %add3A_160 : i32 to index
      %get3A_169 = arith.constant 16 : index
      %get3A_170 = tpu.vector_load %arg13[%get3A_168, %get3A_169] {strides = array<i32>} : memref<128x128xf32, #tpu.memory_space<vmem>>, vector<16xf32>,
      %mul3A_171 = arith.mulf %get3A_170, %mul3A_162 : vector<16xf32>
      %swap3A_172 = arith.index_cast %add3A_160 : i32 to index
      %swap3A_173 = arith.constant 16 : index
      %swap3A_174 = tpu.vector_load %arg13[%swap3A_172, %swap3A_173] {strides = array<i32>} : memref<128x128xf32, #tpu.memory_space<vmem>>, vector<16xf32>,
      tpu.vector_store %arg13[%swap3A_172, %swap3A_173], %mul3A_171 {strides = array<i32>} : memref<128x128xf32, #tpu.memory_space<vmem>>, vector<16xf32>,
      %get3A_175 = arith.index_cast %add3A_160 : i32 to index
      %get3A_176 = arith.constant 32 : index
      %get3A_177 = tpu.vector_load %arg13[%get3A_175, %get3A_176] {strides = array<i32>} : memref<128x128xf32, #tpu.memory_space<vmem>>, vector<16xf32>,
      %mul3A_178 = arith.mulf %get3A_177, %mul3A_162 : vector<16xf32>
      %swap3A_179 = arith.index_cast %add3A_160 : i32 to index
      %swap3A_180 = arith.constant 32 : index
      %swap3A_181 = tpu.vector_load %arg13[%swap3A_179, %swap3A_180] {strides = array<i32>} : memref<128x128xf32, #tpu.memory_space<vmem>>, vector<16xf32>,
      tpu.vector_store %arg13[%swap3A_179, %swap3A_180], %mul3A_178 {strides = array<i32>} : memref<128x128xf32, #tpu.memory_space<vmem>>, vector<16xf32>,
      %get3A_182 = arith.index_cast %add3A_160 : i32 to index
      %get3A_183 = arith.constant 48 : index
      %get3A_184 = tpu.vector_load %arg13[%get3A_182, %get3A_183] {strides = array<i32>} : memref<128x128xf32, #tpu.memory_space<vmem>>, vector<16xf32>,
      %mul3A_185 = arith.mulf %get3A_184, %mul3A_162 : vector<16xf32>
      %swap3A_186 = arith.index_cast %add3A_160 : i32 to index
      %swap3A_187 = arith.constant 48 : index
      %swap3A_188 = tpu.vector_load %arg13[%swap3A_186, %swap3A_187] {strides = array<i32>} : memref<128x128xf32, #tpu.memory_space<vmem>>, vector<16xf32>,
      tpu.vector_store %arg13[%swap3A_186, %swap3A_187], %mul3A_185 {strides = array<i32>} : memref<128x128xf32, #tpu.memory_space<vmem>>, vector<16xf32>,
      %get3A_189 = arith.index_cast %add3A_160 : i32 to index
      %get3A_190 = arith.constant 64 : index
      %get3A_191 = tpu.vector_load %arg13[%get3A_189, %get3A_190] {strides = array<i32>} : memref<128x128xf32, #tpu.memory_space<vmem>>, vector<16xf32>,
      %mul3A_192 = arith.mulf %get3A_191, %mul3A_162 : vector<16xf32>
      %swap3A_193 = arith.index_cast %add3A_160 : i32 to index
      %swap3A_194 = arith.constant 64 : index
      %swap3A_195 = tpu.vector_load %arg13[%swap3A_193, %swap3A_194] {strides = array<i32>} : memref<128x128xf32, #tpu.memory_space<vmem>>, vector<16xf32>,
      tpu.vector_store %arg13[%swap3A_193, %swap3A_194], %mul3A_192 {strides = array<i32>} : memref<128x128xf32, #tpu.memory_space<vmem>>, vector<16xf32>,
      %get3A_196 = arith.index_cast %add3A_160 : i32 to index
      %get3A_197 = arith.constant 80 : index
      %get3A_198 = tpu.vector_load %arg13[%get3A_196, %get3A_197] {strides = array<i32>} : memref<128x128xf32, #tpu.memory_space<vmem>>, vector<16xf32>,
      %mul3A_199 = arith.mulf %get3A_198, %mul3A_162 : vector<16xf32>
      %swap3A_200 = arith.index_cast %add3A_160 : i32 to index
      %swap3A_201 = arith.constant 80 : index
      %swap3A_202 = tpu.vector_load %arg13[%swap3A_200, %swap3A_201] {strides = array<i32>} : memref<128x128xf32, #tpu.memory_space<vmem>>, vector<16xf32>,
      tpu.vector_store %arg13[%swap3A_200, %swap3A_201], %mul3A_199 {strides = array<i32>} : memref<128x128xf32, #tpu.memory_space<vmem>>, vector<16xf32>,
      %get3A_203 = arith.index_cast %add3A_160 : i32 to index
      %get3A_204 = arith.constant 96 : index
      %get3A_205 = tpu.vector_load %arg13[%get3A_203, %get3A_204] {strides = array<i32>} : memref<128x128xf32, #tpu.memory_space<vmem>>, vector<16xf32>,
      %mul3A_206 = arith.mulf %get3A_205, %mul3A_162 : vector<16xf32>
      %swap3A_207 = arith.index_cast %add3A_160 : i32 to index
      %swap3A_208 = arith.constant 96 : index
      %swap3A_209 = tpu.vector_load %arg13[%swap3A_207, %swap3A_208] {strides = array<i32>} : memref<128x128xf32, #tpu.memory_space<vmem>>, vector<16xf32>,
      tpu.vector_store %arg13[%swap3A_207, %swap3A_208], %mul3A_206 {strides = array<i32>} : memref<128x128xf32, #tpu.memory_space<vmem>>, vector<16xf32>,
      %get3A_210 = arith.index_cast %add3A_160 : i32 to index
      %get3A_211 = arith.constant 112 : index
      %get3A_212 = tpu.vector_load %arg13[%get3A_210, %get3A_211] {strides = array<i32>} : memref<128x128xf32, #tpu.memory_space<vmem>>, vector<16xf32>,
      %mul3A_213 = arith.mulf %get3A_212, %mul3A_162 : vector<16xf32>
      %swap3A_214 = arith.index_cast %add3A_160 : i32 to index
      %swap3A_215 = arith.constant 112 : index
      %swap3A_216 = tpu.vector_load %arg13[%swap3A_214, %swap3A_215] {strides = array<i32>} : memref<128x128xf32, #tpu.memory_space<vmem>>, vector<16xf32>,
      tpu.vector_store %arg13[%swap3A_214, %swap3A_215], %mul3A_213 {strides = array<i32>} : memref<128x128xf32, #tpu.memory_space<vmem>>, vector<16xf32>,
    }
    "tpu.region"() ({
      %run_scoped3A = tpu.sem_alloc : memref<!tpu.dma_semaphore, #tpu.memory_space<semaphore_mem>>
      %dma_start3A = arith.constant 0 : i32
      %dma_start3A_158 = arith.constant 0 : i32
      %dma_start3A_159 = tpu.memref_slice %arg13[%dma_start3A, %dma_start3A_158] : memref<128x128xf32, #tpu.memory_space<vmem>> -> memref<125x128xf32, #tpu.memory_space<vmem>>
      %dma_start3A_160 = arith.constant 0 : i32
      %dma_start3A_161 = tpu.memref_slice %arg15[%add3A_23, %dma_start3A_160] : memref<10000x128xf32, #tpu.memory_space<vmem_shared>> -> memref<125x128xf32, #tpu.memory_space<vmem_shared>>
      %dma_start3A_162 = arith.constant 0 : i32
      %dma_start3A_163 = tpu.memref_slice %arg15[%add3A_23, %dma_start3A_162] : memref<10000x128xf32, #tpu.memory_space<vmem_shared>> -> memref<125x128xf32, #tpu.memory_space<vmem_shared>>
      %dma_start3A_164 = arith.constant 0 : i32
      %dma_start3A_165 = arith.constant 0 : i32
      %dma_start3A_166 = tpu.memref_slice %arg13[%dma_start3A_164, %dma_start3A_165] : memref<128x128xf32, #tpu.memory_space<vmem>> -> memref<125x128xf32, #tpu.memory_space<vmem>>
      tpu.enqueue_dma source(%dma_start3A_166 : memref<125x128xf32, #tpu.memory_space<vmem>>) target(%dma_start3A_163 : memref<125x128xf32, #tpu.memory_space<vmem_shared>>) target_semaphore(%run_scoped3A : memref<!tpu.dma_semaphore, #tpu.memory_space<semaphore_mem>>)
      %dma_wait3A = arith.constant 0 : i32
      %dma_wait3A_167 = arith.constant 0 : i32
      %dma_wait3A_168 = tpu.memref_slice %arg13[%dma_wait3A, %dma_wait3A_167] : memref<128x128xf32, #tpu.memory_space<vmem>> -> memref<125x128xf32, #tpu.memory_space<vmem>>
      %dma_wait3A_169 = arith.constant 0 : i32
      %dma_wait3A_170 = tpu.memref_slice %arg15[%add3A_23, %dma_wait3A_169] : memref<10000x128xf32, #tpu.memory_space<vmem_shared>> -> memref<125x128xf32, #tpu.memory_space<vmem_shared>>
      %dma_wait3A_171 = arith.constant 0 : i32
      %dma_wait3A_172 = tpu.memref_slice %arg15[%add3A_23, %dma_wait3A_171] : memref<10000x128xf32, #tpu.memory_space<vmem_shared>> -> memref<125x128xf32, #tpu.memory_space<vmem_shared>>
      %dma_wait3A_173 = arith.constant 0 : i32
      %dma_wait3A_174 = arith.constant 0 : i32
      %dma_wait3A_175 = tpu.memref_slice %arg13[%dma_wait3A_173, %dma_wait3A_174] : memref<128x128xf32, #tpu.memory_space<vmem>> -> memref<125x128xf32, #tpu.memory_space<vmem>>
      tpu.wait_dma2 semaphore(%run_scoped3A : memref<!tpu.dma_semaphore, #tpu.memory_space<semaphore_mem>>) src(%dma_wait3A_175 : memref<125x128xf32, #tpu.memory_space<vmem>>) dst(%dma_wait3A_172 : memref<125x128xf32, #tpu.memory_space<vmem_shared>>)
      tpu.yield
    }) : () -> ()
    %add3A_45 = arith.constant 250 : i32
    %add3A_46 = arith.addi %mul3A_2, %add3A_45 : i32
    %mul3A_47 = arith.constant 10000 : i32
    %mul3A_48 = arith.muli %arg0, %mul3A_47 : i32
    %add3A_49 = arith.addi %mul3A_48, %add3A_46 : i32
    "tpu.region"() ({
      %run_scoped3A = tpu.sem_alloc : memref<!tpu.dma_semaphore, #tpu.memory_space<semaphore_mem>>
      %dma_start3A = arith.constant 0 : i32
      %dma_start3A_158 = arith.constant 0 : i32
      %dma_start3A_159 = tpu.memref_slice %arg13[%dma_start3A, %dma_start3A_158] : memref<128x128xf32, #tpu.memory_space<vmem>> -> memref<125x128xf32, #tpu.memory_space<vmem>>
      %dma_start3A_160 = arith.constant 0 : i32
      %dma_start3A_161 = tpu.memref_slice %arg2[%add3A_49, %dma_start3A_160] : memref<20000x128xf32, #tpu.memory_space<hbm>> -> memref<125x128xf32, #tpu.memory_space<hbm>>
      %dma_start3A_162 = arith.constant 0 : i32
      %dma_start3A_163 = arith.constant 0 : i32
      %dma_start3A_164 = tpu.memref_slice %arg13[%dma_start3A_162, %dma_start3A_163] : memref<128x128xf32, #tpu.memory_space<vmem>> -> memref<125x128xf32, #tpu.memory_space<vmem>>
      %dma_start3A_165 = arith.constant 0 : i32
      %dma_start3A_166 = tpu.memref_slice %arg2[%add3A_49, %dma_start3A_165] : memref<20000x128xf32, #tpu.memory_space<hbm>> -> memref<125x128xf32, #tpu.memory_space<hbm>>
      tpu.enqueue_dma source(%dma_start3A_166 : memref<125x128xf32, #tpu.memory_space<hbm>>) target(%dma_start3A_164 : memref<125x128xf32, #tpu.memory_space<vmem>>) target_semaphore(%run_scoped3A : memref<!tpu.dma_semaphore, #tpu.memory_space<semaphore_mem>>)
      %dma_wait3A = arith.constant 0 : i32
      %dma_wait3A_167 = arith.constant 0 : i32
      %dma_wait3A_168 = tpu.memref_slice %arg13[%dma_wait3A, %dma_wait3A_167] : memref<128x128xf32, #tpu.memory_space<vmem>> -> memref<125x128xf32, #tpu.memory_space<vmem>>
      %dma_wait3A_169 = arith.constant 0 : i32
      %dma_wait3A_170 = tpu.memref_slice %arg2[%add3A_49, %dma_wait3A_169] : memref<20000x128xf32, #tpu.memory_space<hbm>> -> memref<125x128xf32, #tpu.memory_space<hbm>>
      %dma_wait3A_171 = arith.constant 0 : i32
      %dma_wait3A_172 = arith.constant 0 : i32
      %dma_wait3A_173 = tpu.memref_slice %arg13[%dma_wait3A_171, %dma_wait3A_172] : memref<128x128xf32, #tpu.memory_space<vmem>> -> memref<125x128xf32, #tpu.memory_space<vmem>>
      %dma_wait3A_174 = arith.constant 0 : i32
      %dma_wait3A_175 = tpu.memref_slice %arg2[%add3A_49, %dma_wait3A_174] : memref<20000x128xf32, #tpu.memory_space<hbm>> -> memref<125x128xf32, #tpu.memory_space<hbm>>
      tpu.wait_dma2 semaphore(%run_scoped3A : memref<!tpu.dma_semaphore, #tpu.memory_space<semaphore_mem>>) src(%dma_wait3A_175 : memref<125x128xf32, #tpu.memory_space<hbm>>) dst(%dma_wait3A_173 : memref<125x128xf32, #tpu.memory_space<vmem>>)
      tpu.yield
    }) : () -> ()
    %sub3A_50 = arith.constant 125 : i32
    %sub3A_51 = arith.subi %sub3A_50, %mul3A_0 : i32
    %sub3A_52 = arith.constant 1 : i32
    %sub3A_53 = arith.constant 1 : i32
    %sub3A_54 = arith.subi %sub3A_52, %sub3A_53 : i32
    %add3A_55 = arith.addi %sub3A_51, %sub3A_54 : i32
    %div3A_56 = arith.constant 1 : i32
    %div3A_57 = arith.divsi %add3A_55, %div3A_56 : i32
    %while3A_58 = arith.constant 1 : i32
    %while3A_59 = arith.constant 0 : i32
    %while3A_60 = arith.subi %div3A_57, %while3A_59 : i32
    %while3A_61 = arith.addi %while3A_59, %while3A_60 : i32
    %while3A_62 = arith.constant 1 : i32
    %while3A_63 = arith.divsi %while3A_60, %while3A_62 : i32
    %while3A_64 = arith.muli %while3A_63, %while3A_62 : i32
    %while3A_65 = arith.addi %while3A_59, %while3A_64 : i32
    %while3A_66 = arith.constant 1 : i32
    scf.for %while3A_158 = %while3A_59 to %while3A_65 step %while3A_66  : i32 {
      %mul3A_159 = arith.muli %while3A_158, %while3A_58 : i32
      %add3A_160 = arith.addi %mul3A_0, %mul3A_159 : i32
      %add3A_161 = arith.addi %add3A_46, %add3A_160 : i32
      %broadcast_in_dim3A = vector.broadcast %add3A_161 : i32 to vector<16xi32>
      %gather3A = tpu.vector_load_idx %arg14[%broadcast_in_dim3A] : memref<10000xf32, #tpu.memory_space<vmem>>[vector<16xi32>], vector<16xf32>,
      %mul3A_162 = arith.mulf %gather3A, %gather3A : vector<16xf32>
      %get3A = arith.index_cast %add3A_160 : i32 to index
      %get3A_163 = arith.constant 0 : index
      %get3A_164 = tpu.vector_load %arg13[%get3A, %get3A_163] {strides = array<i32>} : memref<128x128xf32, #tpu.memory_space<vmem>>, vector<16xf32>,
      %mul3A_165 = arith.mulf %get3A_164, %mul3A_162 : vector<16xf32>
      %swap3A = arith.index_cast %add3A_160 : i32 to index
      %swap3A_166 = arith.constant 0 : index
      %swap3A_167 = tpu.vector_load %arg13[%swap3A, %swap3A_166] {strides = array<i32>} : memref<128x128xf32, #tpu.memory_space<vmem>>, vector<16xf32>,
      tpu.vector_store %arg13[%swap3A, %swap3A_166], %mul3A_165 {strides = array<i32>} : memref<128x128xf32, #tpu.memory_space<vmem>>, vector<16xf32>,
      %get3A_168 = arith.index_cast %add3A_160 : i32 to index
      %get3A_169 = arith.constant 16 : index
      %get3A_170 = tpu.vector_load %arg13[%get3A_168, %get3A_169] {strides = array<i32>} : memref<128x128xf32, #tpu.memory_space<vmem>>, vector<16xf32>,
      %mul3A_171 = arith.mulf %get3A_170, %mul3A_162 : vector<16xf32>
      %swap3A_172 = arith.index_cast %add3A_160 : i32 to index
      %swap3A_173 = arith.constant 16 : index
      %swap3A_174 = tpu.vector_load %arg13[%swap3A_172, %swap3A_173] {strides = array<i32>} : memref<128x128xf32, #tpu.memory_space<vmem>>, vector<16xf32>,
      tpu.vector_store %arg13[%swap3A_172, %swap3A_173], %mul3A_171 {strides = array<i32>} : memref<128x128xf32, #tpu.memory_space<vmem>>, vector<16xf32>,
      %get3A_175 = arith.index_cast %add3A_160 : i32 to index
      %get3A_176 = arith.constant 32 : index
      %get3A_177 = tpu.vector_load %arg13[%get3A_175, %get3A_176] {strides = array<i32>} : memref<128x128xf32, #tpu.memory_space<vmem>>, vector<16xf32>,
      %mul3A_178 = arith.mulf %get3A_177, %mul3A_162 : vector<16xf32>
      %swap3A_179 = arith.index_cast %add3A_160 : i32 to index
      %swap3A_180 = arith.constant 32 : index
      %swap3A_181 = tpu.vector_load %arg13[%swap3A_179, %swap3A_180] {strides = array<i32>} : memref<128x128xf32, #tpu.memory_space<vmem>>, vector<16xf32>,
      tpu.vector_store %arg13[%swap3A_179, %swap3A_180], %mul3A_178 {strides = array<i32>} : memref<128x128xf32, #tpu.memory_space<vmem>>, vector<16xf32>,
      %get3A_182 = arith.index_cast %add3A_160 : i32 to index
      %get3A_183 = arith.constant 48 : index
      %get3A_184 = tpu.vector_load %arg13[%get3A_182, %get3A_183] {strides = array<i32>} : memref<128x128xf32, #tpu.memory_space<vmem>>, vector<16xf32>,
      %mul3A_185 = arith.mulf %get3A_184, %mul3A_162 : vector<16xf32>
      %swap3A_186 = arith.index_cast %add3A_160 : i32 to index
      %swap3A_187 = arith.constant 48 : index
      %swap3A_188 = tpu.vector_load %arg13[%swap3A_186, %swap3A_187] {strides = array<i32>} : memref<128x128xf32, #tpu.memory_space<vmem>>, vector<16xf32>,
      tpu.vector_store %arg13[%swap3A_186, %swap3A_187], %mul3A_185 {strides = array<i32>} : memref<128x128xf32, #tpu.memory_space<vmem>>, vector<16xf32>,
      %get3A_189 = arith.index_cast %add3A_160 : i32 to index
      %get3A_190 = arith.constant 64 : index
      %get3A_191 = tpu.vector_load %arg13[%get3A_189, %get3A_190] {strides = array<i32>} : memref<128x128xf32, #tpu.memory_space<vmem>>, vector<16xf32>,
      %mul3A_192 = arith.mulf %get3A_191, %mul3A_162 : vector<16xf32>
      %swap3A_193 = arith.index_cast %add3A_160 : i32 to index
      %swap3A_194 = arith.constant 64 : index
      %swap3A_195 = tpu.vector_load %arg13[%swap3A_193, %swap3A_194] {strides = array<i32>} : memref<128x128xf32, #tpu.memory_space<vmem>>, vector<16xf32>,
      tpu.vector_store %arg13[%swap3A_193, %swap3A_194], %mul3A_192 {strides = array<i32>} : memref<128x128xf32, #tpu.memory_space<vmem>>, vector<16xf32>,
      %get3A_196 = arith.index_cast %add3A_160 : i32 to index
      %get3A_197 = arith.constant 80 : index
      %get3A_198 = tpu.vector_load %arg13[%get3A_196, %get3A_197] {strides = array<i32>} : memref<128x128xf32, #tpu.memory_space<vmem>>, vector<16xf32>,
      %mul3A_199 = arith.mulf %get3A_198, %mul3A_162 : vector<16xf32>
      %swap3A_200 = arith.index_cast %add3A_160 : i32 to index
      %swap3A_201 = arith.constant 80 : index
      %swap3A_202 = tpu.vector_load %arg13[%swap3A_200, %swap3A_201] {strides = array<i32>} : memref<128x128xf32, #tpu.memory_space<vmem>>, vector<16xf32>,
      tpu.vector_store %arg13[%swap3A_200, %swap3A_201], %mul3A_199 {strides = array<i32>} : memref<128x128xf32, #tpu.memory_space<vmem>>, vector<16xf32>,
      %get3A_203 = arith.index_cast %add3A_160 : i32 to index
      %get3A_204 = arith.constant 96 : index
      %get3A_205 = tpu.vector_load %arg13[%get3A_203, %get3A_204] {strides = array<i32>} : memref<128x128xf32, #tpu.memory_space<vmem>>, vector<16xf32>,
      %mul3A_206 = arith.mulf %get3A_205, %mul3A_162 : vector<16xf32>
      %swap3A_207 = arith.index_cast %add3A_160 : i32 to index
      %swap3A_208 = arith.constant 96 : index
      %swap3A_209 = tpu.vector_load %arg13[%swap3A_207, %swap3A_208] {strides = array<i32>} : memref<128x128xf32, #tpu.memory_space<vmem>>, vector<16xf32>,
      tpu.vector_store %arg13[%swap3A_207, %swap3A_208], %mul3A_206 {strides = array<i32>} : memref<128x128xf32, #tpu.memory_space<vmem>>, vector<16xf32>,
      %get3A_210 = arith.index_cast %add3A_160 : i32 to index
      %get3A_211 = arith.constant 112 : index
      %get3A_212 = tpu.vector_load %arg13[%get3A_210, %get3A_211] {strides = array<i32>} : memref<128x128xf32, #tpu.memory_space<vmem>>, vector<16xf32>,
      %mul3A_213 = arith.mulf %get3A_212, %mul3A_162 : vector<16xf32>
      %swap3A_214 = arith.index_cast %add3A_160 : i32 to index
      %swap3A_215 = arith.constant 112 : index
      %swap3A_216 = tpu.vector_load %arg13[%swap3A_214, %swap3A_215] {strides = array<i32>} : memref<128x128xf32, #tpu.memory_space<vmem>>, vector<16xf32>,
      tpu.vector_store %arg13[%swap3A_214, %swap3A_215], %mul3A_213 {strides = array<i32>} : memref<128x128xf32, #tpu.memory_space<vmem>>, vector<16xf32>,
    }
    %while3A_67 = arith.constant 1 : i32
    scf.for %while3A_158 = %while3A_65 to %while3A_61 step %while3A_67  : i32 {
      %mul3A_159 = arith.muli %while3A_158, %while3A_58 : i32
      %add3A_160 = arith.addi %mul3A_0, %mul3A_159 : i32
      %add3A_161 = arith.addi %add3A_46, %add3A_160 : i32
      %broadcast_in_dim3A = vector.broadcast %add3A_161 : i32 to vector<16xi32>
      %gather3A = tpu.vector_load_idx %arg14[%broadcast_in_dim3A] : memref<10000xf32, #tpu.memory_space<vmem>>[vector<16xi32>], vector<16xf32>,
      %mul3A_162 = arith.mulf %gather3A, %gather3A : vector<16xf32>
      %get3A = arith.index_cast %add3A_160 : i32 to index
      %get3A_163 = arith.constant 0 : index
      %get3A_164 = tpu.vector_load %arg13[%get3A, %get3A_163] {strides = array<i32>} : memref<128x128xf32, #tpu.memory_space<vmem>>, vector<16xf32>,
      %mul3A_165 = arith.mulf %get3A_164, %mul3A_162 : vector<16xf32>
      %swap3A = arith.index_cast %add3A_160 : i32 to index
      %swap3A_166 = arith.constant 0 : index
      %swap3A_167 = tpu.vector_load %arg13[%swap3A, %swap3A_166] {strides = array<i32>} : memref<128x128xf32, #tpu.memory_space<vmem>>, vector<16xf32>,
      tpu.vector_store %arg13[%swap3A, %swap3A_166], %mul3A_165 {strides = array<i32>} : memref<128x128xf32, #tpu.memory_space<vmem>>, vector<16xf32>,
      %get3A_168 = arith.index_cast %add3A_160 : i32 to index
      %get3A_169 = arith.constant 16 : index
      %get3A_170 = tpu.vector_load %arg13[%get3A_168, %get3A_169] {strides = array<i32>} : memref<128x128xf32, #tpu.memory_space<vmem>>, vector<16xf32>,
      %mul3A_171 = arith.mulf %get3A_170, %mul3A_162 : vector<16xf32>
      %swap3A_172 = arith.index_cast %add3A_160 : i32 to index
      %swap3A_173 = arith.constant 16 : index
      %swap3A_174 = tpu.vector_load %arg13[%swap3A_172, %swap3A_173] {strides = array<i32>} : memref<128x128xf32, #tpu.memory_space<vmem>>, vector<16xf32>,
      tpu.vector_store %arg13[%swap3A_172, %swap3A_173], %mul3A_171 {strides = array<i32>} : memref<128x128xf32, #tpu.memory_space<vmem>>, vector<16xf32>,
      %get3A_175 = arith.index_cast %add3A_160 : i32 to index
      %get3A_176 = arith.constant 32 : index
      %get3A_177 = tpu.vector_load %arg13[%get3A_175, %get3A_176] {strides = array<i32>} : memref<128x128xf32, #tpu.memory_space<vmem>>, vector<16xf32>,
      %mul3A_178 = arith.mulf %get3A_177, %mul3A_162 : vector<16xf32>
      %swap3A_179 = arith.index_cast %add3A_160 : i32 to index
      %swap3A_180 = arith.constant 32 : index
      %swap3A_181 = tpu.vector_load %arg13[%swap3A_179, %swap3A_180] {strides = array<i32>} : memref<128x128xf32, #tpu.memory_space<vmem>>, vector<16xf32>,
      tpu.vector_store %arg13[%swap3A_179, %swap3A_180], %mul3A_178 {strides = array<i32>} : memref<128x128xf32, #tpu.memory_space<vmem>>, vector<16xf32>,
      %get3A_182 = arith.index_cast %add3A_160 : i32 to index
      %get3A_183 = arith.constant 48 : index
      %get3A_184 = tpu.vector_load %arg13[%get3A_182, %get3A_183] {strides = array<i32>} : memref<128x128xf32, #tpu.memory_space<vmem>>, vector<16xf32>,
      %mul3A_185 = arith.mulf %get3A_184, %mul3A_162 : vector<16xf32>
      %swap3A_186 = arith.index_cast %add3A_160 : i32 to index
      %swap3A_187 = arith.constant 48 : index
      %swap3A_188 = tpu.vector_load %arg13[%swap3A_186, %swap3A_187] {strides = array<i32>} : memref<128x128xf32, #tpu.memory_space<vmem>>, vector<16xf32>,
      tpu.vector_store %arg13[%swap3A_186, %swap3A_187], %mul3A_185 {strides = array<i32>} : memref<128x128xf32, #tpu.memory_space<vmem>>, vector<16xf32>,
      %get3A_189 = arith.index_cast %add3A_160 : i32 to index
      %get3A_190 = arith.constant 64 : index
      %get3A_191 = tpu.vector_load %arg13[%get3A_189, %get3A_190] {strides = array<i32>} : memref<128x128xf32, #tpu.memory_space<vmem>>, vector<16xf32>,
      %mul3A_192 = arith.mulf %get3A_191, %mul3A_162 : vector<16xf32>
      %swap3A_193 = arith.index_cast %add3A_160 : i32 to index
      %swap3A_194 = arith.constant 64 : index
      %swap3A_195 = tpu.vector_load %arg13[%swap3A_193, %swap3A_194] {strides = array<i32>} : memref<128x128xf32, #tpu.memory_space<vmem>>, vector<16xf32>,
      tpu.vector_store %arg13[%swap3A_193, %swap3A_194], %mul3A_192 {strides = array<i32>} : memref<128x128xf32, #tpu.memory_space<vmem>>, vector<16xf32>,
      %get3A_196 = arith.index_cast %add3A_160 : i32 to index
      %get3A_197 = arith.constant 80 : index
      %get3A_198 = tpu.vector_load %arg13[%get3A_196, %get3A_197] {strides = array<i32>} : memref<128x128xf32, #tpu.memory_space<vmem>>, vector<16xf32>,
      %mul3A_199 = arith.mulf %get3A_198, %mul3A_162 : vector<16xf32>
      %swap3A_200 = arith.index_cast %add3A_160 : i32 to index
      %swap3A_201 = arith.constant 80 : index
      %swap3A_202 = tpu.vector_load %arg13[%swap3A_200, %swap3A_201] {strides = array<i32>} : memref<128x128xf32, #tpu.memory_space<vmem>>, vector<16xf32>,
      tpu.vector_store %arg13[%swap3A_200, %swap3A_201], %mul3A_199 {strides = array<i32>} : memref<128x128xf32, #tpu.memory_space<vmem>>, vector<16xf32>,
      %get3A_203 = arith.index_cast %add3A_160 : i32 to index
      %get3A_204 = arith.constant 96 : index
      %get3A_205 = tpu.vector_load %arg13[%get3A_203, %get3A_204] {strides = array<i32>} : memref<128x128xf32, #tpu.memory_space<vmem>>, vector<16xf32>,
      %mul3A_206 = arith.mulf %get3A_205, %mul3A_162 : vector<16xf32>
      %swap3A_207 = arith.index_cast %add3A_160 : i32 to index
      %swap3A_208 = arith.constant 96 : index
      %swap3A_209 = tpu.vector_load %arg13[%swap3A_207, %swap3A_208] {strides = array<i32>} : memref<128x128xf32, #tpu.memory_space<vmem>>, vector<16xf32>,
      tpu.vector_store %arg13[%swap3A_207, %swap3A_208], %mul3A_206 {strides = array<i32>} : memref<128x128xf32, #tpu.memory_space<vmem>>, vector<16xf32>,
      %get3A_210 = arith.index_cast %add3A_160 : i32 to index
      %get3A_211 = arith.constant 112 : index
      %get3A_212 = tpu.vector_load %arg13[%get3A_210, %get3A_211] {strides = array<i32>} : memref<128x128xf32, #tpu.memory_space<vmem>>, vector<16xf32>,
      %mul3A_213 = arith.mulf %get3A_212, %mul3A_162 : vector<16xf32>
      %swap3A_214 = arith.index_cast %add3A_160 : i32 to index
      %swap3A_215 = arith.constant 112 : index
      %swap3A_216 = tpu.vector_load %arg13[%swap3A_214, %swap3A_215] {strides = array<i32>} : memref<128x128xf32, #tpu.memory_space<vmem>>, vector<16xf32>,
      tpu.vector_store %arg13[%swap3A_214, %swap3A_215], %mul3A_213 {strides = array<i32>} : memref<128x128xf32, #tpu.memory_space<vmem>>, vector<16xf32>,
    }
    "tpu.region"() ({
      %run_scoped3A = tpu.sem_alloc : memref<!tpu.dma_semaphore, #tpu.memory_space<semaphore_mem>>
      %dma_start3A = arith.constant 0 : i32
      %dma_start3A_158 = arith.constant 0 : i32
      %dma_start3A_159 = tpu.memref_slice %arg13[%dma_start3A, %dma_start3A_158] : memref<128x128xf32, #tpu.memory_space<vmem>> -> memref<125x128xf32, #tpu.memory_space<vmem>>
      %dma_start3A_160 = arith.constant 0 : i32
      %dma_start3A_161 = tpu.memref_slice %arg15[%add3A_46, %dma_start3A_160] : memref<10000x128xf32, #tpu.memory_space<vmem_shared>> -> memref<125x128xf32, #tpu.memory_space<vmem_shared>>
      %dma_start3A_162 = arith.constant 0 : i32
      %dma_start3A_163 = tpu.memref_slice %arg15[%add3A_46, %dma_start3A_162] : memref<10000x128xf32, #tpu.memory_space<vmem_shared>> -> memref<125x128xf32, #tpu.memory_space<vmem_shared>>
      %dma_start3A_164 = arith.constant 0 : i32
      %dma_start3A_165 = arith.constant 0 : i32
      %dma_start3A_166 = tpu.memref_slice %arg13[%dma_start3A_164, %dma_start3A_165] : memref<128x128xf32, #tpu.memory_space<vmem>> -> memref<125x128xf32, #tpu.memory_space<vmem>>
      tpu.enqueue_dma source(%dma_start3A_166 : memref<125x128xf32, #tpu.memory_space<vmem>>) target(%dma_start3A_163 : memref<125x128xf32, #tpu.memory_space<vmem_shared>>) target_semaphore(%run_scoped3A : memref<!tpu.dma_semaphore, #tpu.memory_space<semaphore_mem>>)
      %dma_wait3A = arith.constant 0 : i32
      %dma_wait3A_167 = arith.constant 0 : i32
      %dma_wait3A_168 = tpu.memref_slice %arg13[%dma_wait3A, %dma_wait3A_167] : memref<128x128xf32, #tpu.memory_space<vmem>> -> memref<125x128xf32, #tpu.memory_space<vmem>>
      %dma_wait3A_169 = arith.constant 0 : i32
      %dma_wait3A_170 = tpu.memref_slice %arg15[%add3A_46, %dma_wait3A_169] : memref<10000x128xf32, #tpu.memory_space<vmem_shared>> -> memref<125x128xf32, #tpu.memory_space<vmem_shared>>
      %dma_wait3A_171 = arith.constant 0 : i32
      %dma_wait3A_172 = tpu.memref_slice %arg15[%add3A_46, %dma_wait3A_171] : memref<10000x128xf32, #tpu.memory_space<vmem_shared>> -> memref<125x128xf32, #tpu.memory_space<vmem_shared>>
      %dma_wait3A_173 = arith.constant 0 : i32
      %dma_wait3A_174 = arith.constant 0 : i32
      %dma_wait3A_175 = tpu.memref_slice %arg13[%dma_wait3A_173, %dma_wait3A_174] : memref<128x128xf32, #tpu.memory_space<vmem>> -> memref<125x128xf32, #tpu.memory_space<vmem>>
      tpu.wait_dma2 semaphore(%run_scoped3A : memref<!tpu.dma_semaphore, #tpu.memory_space<semaphore_mem>>) src(%dma_wait3A_175 : memref<125x128xf32, #tpu.memory_space<vmem>>) dst(%dma_wait3A_172 : memref<125x128xf32, #tpu.memory_space<vmem_shared>>)
      tpu.yield
    }) : () -> ()
    %add3A_68 = arith.constant 375 : i32
    %add3A_69 = arith.addi %mul3A_2, %add3A_68 : i32
    %mul3A_70 = arith.constant 10000 : i32
    %mul3A_71 = arith.muli %arg0, %mul3A_70 : i32
    %add3A_72 = arith.addi %mul3A_71, %add3A_69 : i32
    "tpu.region"() ({
      %run_scoped3A = tpu.sem_alloc : memref<!tpu.dma_semaphore, #tpu.memory_space<semaphore_mem>>
      %dma_start3A = arith.constant 0 : i32
      %dma_start3A_158 = arith.constant 0 : i32
      %dma_start3A_159 = tpu.memref_slice %arg13[%dma_start3A, %dma_start3A_158] : memref<128x128xf32, #tpu.memory_space<vmem>> -> memref<125x128xf32, #tpu.memory_space<vmem>>
      %dma_start3A_160 = arith.constant 0 : i32
      %dma_start3A_161 = tpu.memref_slice %arg2[%add3A_72, %dma_start3A_160] : memref<20000x128xf32, #tpu.memory_space<hbm>> -> memref<125x128xf32, #tpu.memory_space<hbm>>
      %dma_start3A_162 = arith.constant 0 : i32
      %dma_start3A_163 = arith.constant 0 : i32
      %dma_start3A_164 = tpu.memref_slice %arg13[%dma_start3A_162, %dma_start3A_163] : memref<128x128xf32, #tpu.memory_space<vmem>> -> memref<125x128xf32, #tpu.memory_space<vmem>>
      %dma_start3A_165 = arith.constant 0 : i32
      %dma_start3A_166 = tpu.memref_slice %arg2[%add3A_72, %dma_start3A_165] : memref<20000x128xf32, #tpu.memory_space<hbm>> -> memref<125x128xf32, #tpu.memory_space<hbm>>
      tpu.enqueue_dma source(%dma_start3A_166 : memref<125x128xf32, #tpu.memory_space<hbm>>) target(%dma_start3A_164 : memref<125x128xf32, #tpu.memory_space<vmem>>) target_semaphore(%run_scoped3A : memref<!tpu.dma_semaphore, #tpu.memory_space<semaphore_mem>>)
      %dma_wait3A = arith.constant 0 : i32
      %dma_wait3A_167 = arith.constant 0 : i32
      %dma_wait3A_168 = tpu.memref_slice %arg13[%dma_wait3A, %dma_wait3A_167] : memref<128x128xf32, #tpu.memory_space<vmem>> -> memref<125x128xf32, #tpu.memory_space<vmem>>
      %dma_wait3A_169 = arith.constant 0 : i32
      %dma_wait3A_170 = tpu.memref_slice %arg2[%add3A_72, %dma_wait3A_169] : memref<20000x128xf32, #tpu.memory_space<hbm>> -> memref<125x128xf32, #tpu.memory_space<hbm>>
      %dma_wait3A_171 = arith.constant 0 : i32
      %dma_wait3A_172 = arith.constant 0 : i32
      %dma_wait3A_173 = tpu.memref_slice %arg13[%dma_wait3A_171, %dma_wait3A_172] : memref<128x128xf32, #tpu.memory_space<vmem>> -> memref<125x128xf32, #tpu.memory_space<vmem>>
      %dma_wait3A_174 = arith.constant 0 : i32
      %dma_wait3A_175 = tpu.memref_slice %arg2[%add3A_72, %dma_wait3A_174] : memref<20000x128xf32, #tpu.memory_space<hbm>> -> memref<125x128xf32, #tpu.memory_space<hbm>>
      tpu.wait_dma2 semaphore(%run_scoped3A : memref<!tpu.dma_semaphore, #tpu.memory_space<semaphore_mem>>) src(%dma_wait3A_175 : memref<125x128xf32, #tpu.memory_space<hbm>>) dst(%dma_wait3A_173 : memref<125x128xf32, #tpu.memory_space<vmem>>)
      tpu.yield
    }) : () -> ()
    %sub3A_73 = arith.constant 125 : i32
    %sub3A_74 = arith.subi %sub3A_73, %mul3A_0 : i32
    %sub3A_75 = arith.constant 1 : i32
    %sub3A_76 = arith.constant 1 : i32
    %sub3A_77 = arith.subi %sub3A_75, %sub3A_76 : i32
    %add3A_78 = arith.addi %sub3A_74, %sub3A_77 : i32
    %div3A_79 = arith.constant 1 : i32
    %div3A_80 = arith.divsi %add3A_78, %div3A_79 : i32
    %while3A_81 = arith.constant 1 : i32
    %while3A_82 = arith.constant 0 : i32
    %while3A_83 = arith.subi %div3A_80, %while3A_82 : i32
    %while3A_84 = arith.addi %while3A_82, %while3A_83 : i32
    %while3A_85 = arith.constant 1 : i32
    %while3A_86 = arith.divsi %while3A_83, %while3A_85 : i32
    %while3A_87 = arith.muli %while3A_86, %while3A_85 : i32
    %while3A_88 = arith.addi %while3A_82, %while3A_87 : i32
    %while3A_89 = arith.constant 1 : i32
    scf.for %while3A_158 = %while3A_82 to %while3A_88 step %while3A_89  : i32 {
      %mul3A_159 = arith.muli %while3A_158, %while3A_81 : i32
      %add3A_160 = arith.addi %mul3A_0, %mul3A_159 : i32
      %add3A_161 = arith.addi %add3A_69, %add3A_160 : i32
      %broadcast_in_dim3A = vector.broadcast %add3A_161 : i32 to vector<16xi32>
      %gather3A = tpu.vector_load_idx %arg14[%broadcast_in_dim3A] : memref<10000xf32, #tpu.memory_space<vmem>>[vector<16xi32>], vector<16xf32>,
      %mul3A_162 = arith.mulf %gather3A, %gather3A : vector<16xf32>
      %get3A = arith.index_cast %add3A_160 : i32 to index
      %get3A_163 = arith.constant 0 : index
      %get3A_164 = tpu.vector_load %arg13[%get3A, %get3A_163] {strides = array<i32>} : memref<128x128xf32, #tpu.memory_space<vmem>>, vector<16xf32>,
      %mul3A_165 = arith.mulf %get3A_164, %mul3A_162 : vector<16xf32>
      %swap3A = arith.index_cast %add3A_160 : i32 to index
      %swap3A_166 = arith.constant 0 : index
      %swap3A_167 = tpu.vector_load %arg13[%swap3A, %swap3A_166] {strides = array<i32>} : memref<128x128xf32, #tpu.memory_space<vmem>>, vector<16xf32>,
      tpu.vector_store %arg13[%swap3A, %swap3A_166], %mul3A_165 {strides = array<i32>} : memref<128x128xf32, #tpu.memory_space<vmem>>, vector<16xf32>,
      %get3A_168 = arith.index_cast %add3A_160 : i32 to index
      %get3A_169 = arith.constant 16 : index
      %get3A_170 = tpu.vector_load %arg13[%get3A_168, %get3A_169] {strides = array<i32>} : memref<128x128xf32, #tpu.memory_space<vmem>>, vector<16xf32>,
      %mul3A_171 = arith.mulf %get3A_170, %mul3A_162 : vector<16xf32>
      %swap3A_172 = arith.index_cast %add3A_160 : i32 to index
      %swap3A_173 = arith.constant 16 : index
      %swap3A_174 = tpu.vector_load %arg13[%swap3A_172, %swap3A_173] {strides = array<i32>} : memref<128x128xf32, #tpu.memory_space<vmem>>, vector<16xf32>,
      tpu.vector_store %arg13[%swap3A_172, %swap3A_173], %mul3A_171 {strides = array<i32>} : memref<128x128xf32, #tpu.memory_space<vmem>>, vector<16xf32>,
      %get3A_175 = arith.index_cast %add3A_160 : i32 to index
      %get3A_176 = arith.constant 32 : index
      %get3A_177 = tpu.vector_load %arg13[%get3A_175, %get3A_176] {strides = array<i32>} : memref<128x128xf32, #tpu.memory_space<vmem>>, vector<16xf32>,
      %mul3A_178 = arith.mulf %get3A_177, %mul3A_162 : vector<16xf32>
      %swap3A_179 = arith.index_cast %add3A_160 : i32 to index
      %swap3A_180 = arith.constant 32 : index
      %swap3A_181 = tpu.vector_load %arg13[%swap3A_179, %swap3A_180] {strides = array<i32>} : memref<128x128xf32, #tpu.memory_space<vmem>>, vector<16xf32>,
      tpu.vector_store %arg13[%swap3A_179, %swap3A_180], %mul3A_178 {strides = array<i32>} : memref<128x128xf32, #tpu.memory_space<vmem>>, vector<16xf32>,
      %get3A_182 = arith.index_cast %add3A_160 : i32 to index
      %get3A_183 = arith.constant 48 : index
      %get3A_184 = tpu.vector_load %arg13[%get3A_182, %get3A_183] {strides = array<i32>} : memref<128x128xf32, #tpu.memory_space<vmem>>, vector<16xf32>,
      %mul3A_185 = arith.mulf %get3A_184, %mul3A_162 : vector<16xf32>
      %swap3A_186 = arith.index_cast %add3A_160 : i32 to index
      %swap3A_187 = arith.constant 48 : index
      %swap3A_188 = tpu.vector_load %arg13[%swap3A_186, %swap3A_187] {strides = array<i32>} : memref<128x128xf32, #tpu.memory_space<vmem>>, vector<16xf32>,
      tpu.vector_store %arg13[%swap3A_186, %swap3A_187], %mul3A_185 {strides = array<i32>} : memref<128x128xf32, #tpu.memory_space<vmem>>, vector<16xf32>,
      %get3A_189 = arith.index_cast %add3A_160 : i32 to index
      %get3A_190 = arith.constant 64 : index
      %get3A_191 = tpu.vector_load %arg13[%get3A_189, %get3A_190] {strides = array<i32>} : memref<128x128xf32, #tpu.memory_space<vmem>>, vector<16xf32>,
      %mul3A_192 = arith.mulf %get3A_191, %mul3A_162 : vector<16xf32>
      %swap3A_193 = arith.index_cast %add3A_160 : i32 to index
      %swap3A_194 = arith.constant 64 : index
      %swap3A_195 = tpu.vector_load %arg13[%swap3A_193, %swap3A_194] {strides = array<i32>} : memref<128x128xf32, #tpu.memory_space<vmem>>, vector<16xf32>,
      tpu.vector_store %arg13[%swap3A_193, %swap3A_194], %mul3A_192 {strides = array<i32>} : memref<128x128xf32, #tpu.memory_space<vmem>>, vector<16xf32>,
      %get3A_196 = arith.index_cast %add3A_160 : i32 to index
      %get3A_197 = arith.constant 80 : index
      %get3A_198 = tpu.vector_load %arg13[%get3A_196, %get3A_197] {strides = array<i32>} : memref<128x128xf32, #tpu.memory_space<vmem>>, vector<16xf32>,
      %mul3A_199 = arith.mulf %get3A_198, %mul3A_162 : vector<16xf32>
      %swap3A_200 = arith.index_cast %add3A_160 : i32 to index
      %swap3A_201 = arith.constant 80 : index
      %swap3A_202 = tpu.vector_load %arg13[%swap3A_200, %swap3A_201] {strides = array<i32>} : memref<128x128xf32, #tpu.memory_space<vmem>>, vector<16xf32>,
      tpu.vector_store %arg13[%swap3A_200, %swap3A_201], %mul3A_199 {strides = array<i32>} : memref<128x128xf32, #tpu.memory_space<vmem>>, vector<16xf32>,
      %get3A_203 = arith.index_cast %add3A_160 : i32 to index
      %get3A_204 = arith.constant 96 : index
      %get3A_205 = tpu.vector_load %arg13[%get3A_203, %get3A_204] {strides = array<i32>} : memref<128x128xf32, #tpu.memory_space<vmem>>, vector<16xf32>,
      %mul3A_206 = arith.mulf %get3A_205, %mul3A_162 : vector<16xf32>
      %swap3A_207 = arith.index_cast %add3A_160 : i32 to index
      %swap3A_208 = arith.constant 96 : index
      %swap3A_209 = tpu.vector_load %arg13[%swap3A_207, %swap3A_208] {strides = array<i32>} : memref<128x128xf32, #tpu.memory_space<vmem>>, vector<16xf32>,
      tpu.vector_store %arg13[%swap3A_207, %swap3A_208], %mul3A_206 {strides = array<i32>} : memref<128x128xf32, #tpu.memory_space<vmem>>, vector<16xf32>,
      %get3A_210 = arith.index_cast %add3A_160 : i32 to index
      %get3A_211 = arith.constant 112 : index
      %get3A_212 = tpu.vector_load %arg13[%get3A_210, %get3A_211] {strides = array<i32>} : memref<128x128xf32, #tpu.memory_space<vmem>>, vector<16xf32>,
      %mul3A_213 = arith.mulf %get3A_212, %mul3A_162 : vector<16xf32>
      %swap3A_214 = arith.index_cast %add3A_160 : i32 to index
      %swap3A_215 = arith.constant 112 : index
      %swap3A_216 = tpu.vector_load %arg13[%swap3A_214, %swap3A_215] {strides = array<i32>} : memref<128x128xf32, #tpu.memory_space<vmem>>, vector<16xf32>,
      tpu.vector_store %arg13[%swap3A_214, %swap3A_215], %mul3A_213 {strides = array<i32>} : memref<128x128xf32, #tpu.memory_space<vmem>>, vector<16xf32>,
    }
    %while3A_90 = arith.constant 1 : i32
    scf.for %while3A_158 = %while3A_88 to %while3A_84 step %while3A_90  : i32 {
      %mul3A_159 = arith.muli %while3A_158, %while3A_81 : i32
      %add3A_160 = arith.addi %mul3A_0, %mul3A_159 : i32
      %add3A_161 = arith.addi %add3A_69, %add3A_160 : i32
      %broadcast_in_dim3A = vector.broadcast %add3A_161 : i32 to vector<16xi32>
      %gather3A = tpu.vector_load_idx %arg14[%broadcast_in_dim3A] : memref<10000xf32, #tpu.memory_space<vmem>>[vector<16xi32>], vector<16xf32>,
      %mul3A_162 = arith.mulf %gather3A, %gather3A : vector<16xf32>
      %get3A = arith.index_cast %add3A_160 : i32 to index
      %get3A_163 = arith.constant 0 : index
      %get3A_164 = tpu.vector_load %arg13[%get3A, %get3A_163] {strides = array<i32>} : memref<128x128xf32, #tpu.memory_space<vmem>>, vector<16xf32>,
      %mul3A_165 = arith.mulf %get3A_164, %mul3A_162 : vector<16xf32>
      %swap3A = arith.index_cast %add3A_160 : i32 to index
      %swap3A_166 = arith.constant 0 : index
      %swap3A_167 = tpu.vector_load %arg13[%swap3A, %swap3A_166] {strides = array<i32>} : memref<128x128xf32, #tpu.memory_space<vmem>>, vector<16xf32>,
      tpu.vector_store %arg13[%swap3A, %swap3A_166], %mul3A_165 {strides = array<i32>} : memref<128x128xf32, #tpu.memory_space<vmem>>, vector<16xf32>,
      %get3A_168 = arith.index_cast %add3A_160 : i32 to index
      %get3A_169 = arith.constant 16 : index
      %get3A_170 = tpu.vector_load %arg13[%get3A_168, %get3A_169] {strides = array<i32>} : memref<128x128xf32, #tpu.memory_space<vmem>>, vector<16xf32>,
      %mul3A_171 = arith.mulf %get3A_170, %mul3A_162 : vector<16xf32>
      %swap3A_172 = arith.index_cast %add3A_160 : i32 to index
      %swap3A_173 = arith.constant 16 : index
      %swap3A_174 = tpu.vector_load %arg13[%swap3A_172, %swap3A_173] {strides = array<i32>} : memref<128x128xf32, #tpu.memory_space<vmem>>, vector<16xf32>,
      tpu.vector_store %arg13[%swap3A_172, %swap3A_173], %mul3A_171 {strides = array<i32>} : memref<128x128xf32, #tpu.memory_space<vmem>>, vector<16xf32>,
      %get3A_175 = arith.index_cast %add3A_160 : i32 to index
      %get3A_176 = arith.constant 32 : index
      %get3A_177 = tpu.vector_load %arg13[%get3A_175, %get3A_176] {strides = array<i32>} : memref<128x128xf32, #tpu.memory_space<vmem>>, vector<16xf32>,
      %mul3A_178 = arith.mulf %get3A_177, %mul3A_162 : vector<16xf32>
      %swap3A_179 = arith.index_cast %add3A_160 : i32 to index
      %swap3A_180 = arith.constant 32 : index
      %swap3A_181 = tpu.vector_load %arg13[%swap3A_179, %swap3A_180] {strides = array<i32>} : memref<128x128xf32, #tpu.memory_space<vmem>>, vector<16xf32>,
      tpu.vector_store %arg13[%swap3A_179, %swap3A_180], %mul3A_178 {strides = array<i32>} : memref<128x128xf32, #tpu.memory_space<vmem>>, vector<16xf32>,
      %get3A_182 = arith.index_cast %add3A_160 : i32 to index
      %get3A_183 = arith.constant 48 : index
      %get3A_184 = tpu.vector_load %arg13[%get3A_182, %get3A_183] {strides = array<i32>} : memref<128x128xf32, #tpu.memory_space<vmem>>, vector<16xf32>,
      %mul3A_185 = arith.mulf %get3A_184, %mul3A_162 : vector<16xf32>
      %swap3A_186 = arith.index_cast %add3A_160 : i32 to index
      %swap3A_187 = arith.constant 48 : index
      %swap3A_188 = tpu.vector_load %arg13[%swap3A_186, %swap3A_187] {strides = array<i32>} : memref<128x128xf32, #tpu.memory_space<vmem>>, vector<16xf32>,
      tpu.vector_store %arg13[%swap3A_186, %swap3A_187], %mul3A_185 {strides = array<i32>} : memref<128x128xf32, #tpu.memory_space<vmem>>, vector<16xf32>,
      %get3A_189 = arith.index_cast %add3A_160 : i32 to index
      %get3A_190 = arith.constant 64 : index
      %get3A_191 = tpu.vector_load %arg13[%get3A_189, %get3A_190] {strides = array<i32>} : memref<128x128xf32, #tpu.memory_space<vmem>>, vector<16xf32>,
      %mul3A_192 = arith.mulf %get3A_191, %mul3A_162 : vector<16xf32>
      %swap3A_193 = arith.index_cast %add3A_160 : i32 to index
      %swap3A_194 = arith.constant 64 : index
      %swap3A_195 = tpu.vector_load %arg13[%swap3A_193, %swap3A_194] {strides = array<i32>} : memref<128x128xf32, #tpu.memory_space<vmem>>, vector<16xf32>,
      tpu.vector_store %arg13[%swap3A_193, %swap3A_194], %mul3A_192 {strides = array<i32>} : memref<128x128xf32, #tpu.memory_space<vmem>>, vector<16xf32>,
      %get3A_196 = arith.index_cast %add3A_160 : i32 to index
      %get3A_197 = arith.constant 80 : index
      %get3A_198 = tpu.vector_load %arg13[%get3A_196, %get3A_197] {strides = array<i32>} : memref<128x128xf32, #tpu.memory_space<vmem>>, vector<16xf32>,
      %mul3A_199 = arith.mulf %get3A_198, %mul3A_162 : vector<16xf32>
      %swap3A_200 = arith.index_cast %add3A_160 : i32 to index
      %swap3A_201 = arith.constant 80 : index
      %swap3A_202 = tpu.vector_load %arg13[%swap3A_200, %swap3A_201] {strides = array<i32>} : memref<128x128xf32, #tpu.memory_space<vmem>>, vector<16xf32>,
      tpu.vector_store %arg13[%swap3A_200, %swap3A_201], %mul3A_199 {strides = array<i32>} : memref<128x128xf32, #tpu.memory_space<vmem>>, vector<16xf32>,
      %get3A_203 = arith.index_cast %add3A_160 : i32 to index
      %get3A_204 = arith.constant 96 : index
      %get3A_205 = tpu.vector_load %arg13[%get3A_203, %get3A_204] {strides = array<i32>} : memref<128x128xf32, #tpu.memory_space<vmem>>, vector<16xf32>,
      %mul3A_206 = arith.mulf %get3A_205, %mul3A_162 : vector<16xf32>
      %swap3A_207 = arith.index_cast %add3A_160 : i32 to index
      %swap3A_208 = arith.constant 96 : index
      %swap3A_209 = tpu.vector_load %arg13[%swap3A_207, %swap3A_208] {strides = array<i32>} : memref<128x128xf32, #tpu.memory_space<vmem>>, vector<16xf32>,
      tpu.vector_store %arg13[%swap3A_207, %swap3A_208], %mul3A_206 {strides = array<i32>} : memref<128x128xf32, #tpu.memory_space<vmem>>, vector<16xf32>,
      %get3A_210 = arith.index_cast %add3A_160 : i32 to index
      %get3A_211 = arith.constant 112 : index
      %get3A_212 = tpu.vector_load %arg13[%get3A_210, %get3A_211] {strides = array<i32>} : memref<128x128xf32, #tpu.memory_space<vmem>>, vector<16xf32>,
      %mul3A_213 = arith.mulf %get3A_212, %mul3A_162 : vector<16xf32>
      %swap3A_214 = arith.index_cast %add3A_160 : i32 to index
      %swap3A_215 = arith.constant 112 : index
      %swap3A_216 = tpu.vector_load %arg13[%swap3A_214, %swap3A_215] {strides = array<i32>} : memref<128x128xf32, #tpu.memory_space<vmem>>, vector<16xf32>,
      tpu.vector_store %arg13[%swap3A_214, %swap3A_215], %mul3A_213 {strides = array<i32>} : memref<128x128xf32, #tpu.memory_space<vmem>>, vector<16xf32>,
    }
    "tpu.region"() ({
      %run_scoped3A = tpu.sem_alloc : memref<!tpu.dma_semaphore, #tpu.memory_space<semaphore_mem>>
      %dma_start3A = arith.constant 0 : i32
      %dma_start3A_158 = arith.constant 0 : i32
      %dma_start3A_159 = tpu.memref_slice %arg13[%dma_start3A, %dma_start3A_158] : memref<128x128xf32, #tpu.memory_space<vmem>> -> memref<125x128xf32, #tpu.memory_space<vmem>>
      %dma_start3A_160 = arith.constant 0 : i32
      %dma_start3A_161 = tpu.memref_slice %arg15[%add3A_69, %dma_start3A_160] : memref<10000x128xf32, #tpu.memory_space<vmem_shared>> -> memref<125x128xf32, #tpu.memory_space<vmem_shared>>
      %dma_start3A_162 = arith.constant 0 : i32
      %dma_start3A_163 = tpu.memref_slice %arg15[%add3A_69, %dma_start3A_162] : memref<10000x128xf32, #tpu.memory_space<vmem_shared>> -> memref<125x128xf32, #tpu.memory_space<vmem_shared>>
      %dma_start3A_164 = arith.constant 0 : i32
      %dma_start3A_165 = arith.constant 0 : i32
      %dma_start3A_166 = tpu.memref_slice %arg13[%dma_start3A_164, %dma_start3A_165] : memref<128x128xf32, #tpu.memory_space<vmem>> -> memref<125x128xf32, #tpu.memory_space<vmem>>
      tpu.enqueue_dma source(%dma_start3A_166 : memref<125x128xf32, #tpu.memory_space<vmem>>) target(%dma_start3A_163 : memref<125x128xf32, #tpu.memory_space<vmem_shared>>) target_semaphore(%run_scoped3A : memref<!tpu.dma_semaphore, #tpu.memory_space<semaphore_mem>>)
      %dma_wait3A = arith.constant 0 : i32
      %dma_wait3A_167 = arith.constant 0 : i32
      %dma_wait3A_168 = tpu.memref_slice %arg13[%dma_wait3A, %dma_wait3A_167] : memref<128x128xf32, #tpu.memory_space<vmem>> -> memref<125x128xf32, #tpu.memory_space<vmem>>
      %dma_wait3A_169 = arith.constant 0 : i32
      %dma_wait3A_170 = tpu.memref_slice %arg15[%add3A_69, %dma_wait3A_169] : memref<10000x128xf32, #tpu.memory_space<vmem_shared>> -> memref<125x128xf32, #tpu.memory_space<vmem_shared>>
      %dma_wait3A_171 = arith.constant 0 : i32
      %dma_wait3A_172 = tpu.memref_slice %arg15[%add3A_69, %dma_wait3A_171] : memref<10000x128xf32, #tpu.memory_space<vmem_shared>> -> memref<125x128xf32, #tpu.memory_space<vmem_shared>>
      %dma_wait3A_173 = arith.constant 0 : i32
      %dma_wait3A_174 = arith.constant 0 : i32
      %dma_wait3A_175 = tpu.memref_slice %arg13[%dma_wait3A_173, %dma_wait3A_174] : memref<128x128xf32, #tpu.memory_space<vmem>> -> memref<125x128xf32, #tpu.memory_space<vmem>>
      tpu.wait_dma2 semaphore(%run_scoped3A : memref<!tpu.dma_semaphore, #tpu.memory_space<semaphore_mem>>) src(%dma_wait3A_175 : memref<125x128xf32, #tpu.memory_space<vmem>>) dst(%dma_wait3A_172 : memref<125x128xf32, #tpu.memory_space<vmem_shared>>)
      tpu.yield
    }) : () -> ()
    %add3A_91 = arith.constant 500 : i32
    %add3A_92 = arith.addi %mul3A_2, %add3A_91 : i32
    %mul3A_93 = arith.constant 10000 : i32
    %mul3A_94 = arith.muli %arg0, %mul3A_93 : i32
    %add3A_95 = arith.addi %mul3A_94, %add3A_92 : i32
    "tpu.region"() ({
      %run_scoped3A = tpu.sem_alloc : memref<!tpu.dma_semaphore, #tpu.memory_space<semaphore_mem>>
      %dma_start3A = arith.constant 0 : i32
      %dma_start3A_158 = arith.constant 0 : i32
      %dma_start3A_159 = tpu.memref_slice %arg13[%dma_start3A, %dma_start3A_158] : memref<128x128xf32, #tpu.memory_space<vmem>> -> memref<125x128xf32, #tpu.memory_space<vmem>>
      %dma_start3A_160 = arith.constant 0 : i32
      %dma_start3A_161 = tpu.memref_slice %arg2[%add3A_95, %dma_start3A_160] : memref<20000x128xf32, #tpu.memory_space<hbm>> -> memref<125x128xf32, #tpu.memory_space<hbm>>
      %dma_start3A_162 = arith.constant 0 : i32
      %dma_start3A_163 = arith.constant 0 : i32
      %dma_start3A_164 = tpu.memref_slice %arg13[%dma_start3A_162, %dma_start3A_163] : memref<128x128xf32, #tpu.memory_space<vmem>> -> memref<125x128xf32, #tpu.memory_space<vmem>>
      %dma_start3A_165 = arith.constant 0 : i32
      %dma_start3A_166 = tpu.memref_slice %arg2[%add3A_95, %dma_start3A_165] : memref<20000x128xf32, #tpu.memory_space<hbm>> -> memref<125x128xf32, #tpu.memory_space<hbm>>
      tpu.enqueue_dma source(%dma_start3A_166 : memref<125x128xf32, #tpu.memory_space<hbm>>) target(%dma_start3A_164 : memref<125x128xf32, #tpu.memory_space<vmem>>) target_semaphore(%run_scoped3A : memref<!tpu.dma_semaphore, #tpu.memory_space<semaphore_mem>>)
      %dma_wait3A = arith.constant 0 : i32
      %dma_wait3A_167 = arith.constant 0 : i32
      %dma_wait3A_168 = tpu.memref_slice %arg13[%dma_wait3A, %dma_wait3A_167] : memref<128x128xf32, #tpu.memory_space<vmem>> -> memref<125x128xf32, #tpu.memory_space<vmem>>
      %dma_wait3A_169 = arith.constant 0 : i32
      %dma_wait3A_170 = tpu.memref_slice %arg2[%add3A_95, %dma_wait3A_169] : memref<20000x128xf32, #tpu.memory_space<hbm>> -> memref<125x128xf32, #tpu.memory_space<hbm>>
      %dma_wait3A_171 = arith.constant 0 : i32
      %dma_wait3A_172 = arith.constant 0 : i32
      %dma_wait3A_173 = tpu.memref_slice %arg13[%dma_wait3A_171, %dma_wait3A_172] : memref<128x128xf32, #tpu.memory_space<vmem>> -> memref<125x128xf32, #tpu.memory_space<vmem>>
      %dma_wait3A_174 = arith.constant 0 : i32
      %dma_wait3A_175 = tpu.memref_slice %arg2[%add3A_95, %dma_wait3A_174] : memref<20000x128xf32, #tpu.memory_space<hbm>> -> memref<125x128xf32, #tpu.memory_space<hbm>>
      tpu.wait_dma2 semaphore(%run_scoped3A : memref<!tpu.dma_semaphore, #tpu.memory_space<semaphore_mem>>) src(%dma_wait3A_175 : memref<125x128xf32, #tpu.memory_space<hbm>>) dst(%dma_wait3A_173 : memref<125x128xf32, #tpu.memory_space<vmem>>)
      tpu.yield
    }) : () -> ()
    %sub3A_96 = arith.constant 125 : i32
    %sub3A_97 = arith.subi %sub3A_96, %mul3A_0 : i32
    %sub3A_98 = arith.constant 1 : i32
    %sub3A_99 = arith.constant 1 : i32
    %sub3A_100 = arith.subi %sub3A_98, %sub3A_99 : i32
    %add3A_101 = arith.addi %sub3A_97, %sub3A_100 : i32
    %div3A_102 = arith.constant 1 : i32
    %div3A_103 = arith.divsi %add3A_101, %div3A_102 : i32
    %while3A_104 = arith.constant 1 : i32
    %while3A_105 = arith.constant 0 : i32
    %while3A_106 = arith.subi %div3A_103, %while3A_105 : i32
    %while3A_107 = arith.addi %while3A_105, %while3A_106 : i32
    %while3A_108 = arith.constant 1 : i32
    %while3A_109 = arith.divsi %while3A_106, %while3A_108 : i32
    %while3A_110 = arith.muli %while3A_109, %while3A_108 : i32
    %while3A_111 = arith.addi %while3A_105, %while3A_110 : i32
    %while3A_112 = arith.constant 1 : i32
    scf.for %while3A_158 = %while3A_105 to %while3A_111 step %while3A_112  : i32 {
      %mul3A_159 = arith.muli %while3A_158, %while3A_104 : i32
      %add3A_160 = arith.addi %mul3A_0, %mul3A_159 : i32
      %add3A_161 = arith.addi %add3A_92, %add3A_160 : i32
      %broadcast_in_dim3A = vector.broadcast %add3A_161 : i32 to vector<16xi32>
      %gather3A = tpu.vector_load_idx %arg14[%broadcast_in_dim3A] : memref<10000xf32, #tpu.memory_space<vmem>>[vector<16xi32>], vector<16xf32>,
      %mul3A_162 = arith.mulf %gather3A, %gather3A : vector<16xf32>
      %get3A = arith.index_cast %add3A_160 : i32 to index
      %get3A_163 = arith.constant 0 : index
      %get3A_164 = tpu.vector_load %arg13[%get3A, %get3A_163] {strides = array<i32>} : memref<128x128xf32, #tpu.memory_space<vmem>>, vector<16xf32>,
      %mul3A_165 = arith.mulf %get3A_164, %mul3A_162 : vector<16xf32>
      %swap3A = arith.index_cast %add3A_160 : i32 to index
      %swap3A_166 = arith.constant 0 : index
      %swap3A_167 = tpu.vector_load %arg13[%swap3A, %swap3A_166] {strides = array<i32>} : memref<128x128xf32, #tpu.memory_space<vmem>>, vector<16xf32>,
      tpu.vector_store %arg13[%swap3A, %swap3A_166], %mul3A_165 {strides = array<i32>} : memref<128x128xf32, #tpu.memory_space<vmem>>, vector<16xf32>,
      %get3A_168 = arith.index_cast %add3A_160 : i32 to index
      %get3A_169 = arith.constant 16 : index
      %get3A_170 = tpu.vector_load %arg13[%get3A_168, %get3A_169] {strides = array<i32>} : memref<128x128xf32, #tpu.memory_space<vmem>>, vector<16xf32>,
      %mul3A_171 = arith.mulf %get3A_170, %mul3A_162 : vector<16xf32>
      %swap3A_172 = arith.index_cast %add3A_160 : i32 to index
      %swap3A_173 = arith.constant 16 : index
      %swap3A_174 = tpu.vector_load %arg13[%swap3A_172, %swap3A_173] {strides = array<i32>} : memref<128x128xf32, #tpu.memory_space<vmem>>, vector<16xf32>,
      tpu.vector_store %arg13[%swap3A_172, %swap3A_173], %mul3A_171 {strides = array<i32>} : memref<128x128xf32, #tpu.memory_space<vmem>>, vector<16xf32>,
      %get3A_175 = arith.index_cast %add3A_160 : i32 to index
      %get3A_176 = arith.constant 32 : index
      %get3A_177 = tpu.vector_load %arg13[%get3A_175, %get3A_176] {strides = array<i32>} : memref<128x128xf32, #tpu.memory_space<vmem>>, vector<16xf32>,
      %mul3A_178 = arith.mulf %get3A_177, %mul3A_162 : vector<16xf32>
      %swap3A_179 = arith.index_cast %add3A_160 : i32 to index
      %swap3A_180 = arith.constant 32 : index
      %swap3A_181 = tpu.vector_load %arg13[%swap3A_179, %swap3A_180] {strides = array<i32>} : memref<128x128xf32, #tpu.memory_space<vmem>>, vector<16xf32>,
      tpu.vector_store %arg13[%swap3A_179, %swap3A_180], %mul3A_178 {strides = array<i32>} : memref<128x128xf32, #tpu.memory_space<vmem>>, vector<16xf32>,
      %get3A_182 = arith.index_cast %add3A_160 : i32 to index
      %get3A_183 = arith.constant 48 : index
      %get3A_184 = tpu.vector_load %arg13[%get3A_182, %get3A_183] {strides = array<i32>} : memref<128x128xf32, #tpu.memory_space<vmem>>, vector<16xf32>,
      %mul3A_185 = arith.mulf %get3A_184, %mul3A_162 : vector<16xf32>
      %swap3A_186 = arith.index_cast %add3A_160 : i32 to index
      %swap3A_187 = arith.constant 48 : index
      %swap3A_188 = tpu.vector_load %arg13[%swap3A_186, %swap3A_187] {strides = array<i32>} : memref<128x128xf32, #tpu.memory_space<vmem>>, vector<16xf32>,
      tpu.vector_store %arg13[%swap3A_186, %swap3A_187], %mul3A_185 {strides = array<i32>} : memref<128x128xf32, #tpu.memory_space<vmem>>, vector<16xf32>,
      %get3A_189 = arith.index_cast %add3A_160 : i32 to index
      %get3A_190 = arith.constant 64 : index
      %get3A_191 = tpu.vector_load %arg13[%get3A_189, %get3A_190] {strides = array<i32>} : memref<128x128xf32, #tpu.memory_space<vmem>>, vector<16xf32>,
      %mul3A_192 = arith.mulf %get3A_191, %mul3A_162 : vector<16xf32>
      %swap3A_193 = arith.index_cast %add3A_160 : i32 to index
      %swap3A_194 = arith.constant 64 : index
      %swap3A_195 = tpu.vector_load %arg13[%swap3A_193, %swap3A_194] {strides = array<i32>} : memref<128x128xf32, #tpu.memory_space<vmem>>, vector<16xf32>,
      tpu.vector_store %arg13[%swap3A_193, %swap3A_194], %mul3A_192 {strides = array<i32>} : memref<128x128xf32, #tpu.memory_space<vmem>>, vector<16xf32>,
      %get3A_196 = arith.index_cast %add3A_160 : i32 to index
      %get3A_197 = arith.constant 80 : index
      %get3A_198 = tpu.vector_load %arg13[%get3A_196, %get3A_197] {strides = array<i32>} : memref<128x128xf32, #tpu.memory_space<vmem>>, vector<16xf32>,
      %mul3A_199 = arith.mulf %get3A_198, %mul3A_162 : vector<16xf32>
      %swap3A_200 = arith.index_cast %add3A_160 : i32 to index
      %swap3A_201 = arith.constant 80 : index
      %swap3A_202 = tpu.vector_load %arg13[%swap3A_200, %swap3A_201] {strides = array<i32>} : memref<128x128xf32, #tpu.memory_space<vmem>>, vector<16xf32>,
      tpu.vector_store %arg13[%swap3A_200, %swap3A_201], %mul3A_199 {strides = array<i32>} : memref<128x128xf32, #tpu.memory_space<vmem>>, vector<16xf32>,
      %get3A_203 = arith.index_cast %add3A_160 : i32 to index
      %get3A_204 = arith.constant 96 : index
      %get3A_205 = tpu.vector_load %arg13[%get3A_203, %get3A_204] {strides = array<i32>} : memref<128x128xf32, #tpu.memory_space<vmem>>, vector<16xf32>,
      %mul3A_206 = arith.mulf %get3A_205, %mul3A_162 : vector<16xf32>
      %swap3A_207 = arith.index_cast %add3A_160 : i32 to index
      %swap3A_208 = arith.constant 96 : index
      %swap3A_209 = tpu.vector_load %arg13[%swap3A_207, %swap3A_208] {strides = array<i32>} : memref<128x128xf32, #tpu.memory_space<vmem>>, vector<16xf32>,
      tpu.vector_store %arg13[%swap3A_207, %swap3A_208], %mul3A_206 {strides = array<i32>} : memref<128x128xf32, #tpu.memory_space<vmem>>, vector<16xf32>,
      %get3A_210 = arith.index_cast %add3A_160 : i32 to index
      %get3A_211 = arith.constant 112 : index
      %get3A_212 = tpu.vector_load %arg13[%get3A_210, %get3A_211] {strides = array<i32>} : memref<128x128xf32, #tpu.memory_space<vmem>>, vector<16xf32>,
      %mul3A_213 = arith.mulf %get3A_212, %mul3A_162 : vector<16xf32>
      %swap3A_214 = arith.index_cast %add3A_160 : i32 to index
      %swap3A_215 = arith.constant 112 : index
      %swap3A_216 = tpu.vector_load %arg13[%swap3A_214, %swap3A_215] {strides = array<i32>} : memref<128x128xf32, #tpu.memory_space<vmem>>, vector<16xf32>,
      tpu.vector_store %arg13[%swap3A_214, %swap3A_215], %mul3A_213 {strides = array<i32>} : memref<128x128xf32, #tpu.memory_space<vmem>>, vector<16xf32>,
    }
    %while3A_113 = arith.constant 1 : i32
    scf.for %while3A_158 = %while3A_111 to %while3A_107 step %while3A_113  : i32 {
      %mul3A_159 = arith.muli %while3A_158, %while3A_104 : i32
      %add3A_160 = arith.addi %mul3A_0, %mul3A_159 : i32
      %add3A_161 = arith.addi %add3A_92, %add3A_160 : i32
      %broadcast_in_dim3A = vector.broadcast %add3A_161 : i32 to vector<16xi32>
      %gather3A = tpu.vector_load_idx %arg14[%broadcast_in_dim3A] : memref<10000xf32, #tpu.memory_space<vmem>>[vector<16xi32>], vector<16xf32>,
      %mul3A_162 = arith.mulf %gather3A, %gather3A : vector<16xf32>
      %get3A = arith.index_cast %add3A_160 : i32 to index
      %get3A_163 = arith.constant 0 : index
      %get3A_164 = tpu.vector_load %arg13[%get3A, %get3A_163] {strides = array<i32>} : memref<128x128xf32, #tpu.memory_space<vmem>>, vector<16xf32>,
      %mul3A_165 = arith.mulf %get3A_164, %mul3A_162 : vector<16xf32>
      %swap3A = arith.index_cast %add3A_160 : i32 to index
      %swap3A_166 = arith.constant 0 : index
      %swap3A_167 = tpu.vector_load %arg13[%swap3A, %swap3A_166] {strides = array<i32>} : memref<128x128xf32, #tpu.memory_space<vmem>>, vector<16xf32>,
      tpu.vector_store %arg13[%swap3A, %swap3A_166], %mul3A_165 {strides = array<i32>} : memref<128x128xf32, #tpu.memory_space<vmem>>, vector<16xf32>,
      %get3A_168 = arith.index_cast %add3A_160 : i32 to index
      %get3A_169 = arith.constant 16 : index
      %get3A_170 = tpu.vector_load %arg13[%get3A_168, %get3A_169] {strides = array<i32>} : memref<128x128xf32, #tpu.memory_space<vmem>>, vector<16xf32>,
      %mul3A_171 = arith.mulf %get3A_170, %mul3A_162 : vector<16xf32>
      %swap3A_172 = arith.index_cast %add3A_160 : i32 to index
      %swap3A_173 = arith.constant 16 : index
      %swap3A_174 = tpu.vector_load %arg13[%swap3A_172, %swap3A_173] {strides = array<i32>} : memref<128x128xf32, #tpu.memory_space<vmem>>, vector<16xf32>,
      tpu.vector_store %arg13[%swap3A_172, %swap3A_173], %mul3A_171 {strides = array<i32>} : memref<128x128xf32, #tpu.memory_space<vmem>>, vector<16xf32>,
      %get3A_175 = arith.index_cast %add3A_160 : i32 to index
      %get3A_176 = arith.constant 32 : index
      %get3A_177 = tpu.vector_load %arg13[%get3A_175, %get3A_176] {strides = array<i32>} : memref<128x128xf32, #tpu.memory_space<vmem>>, vector<16xf32>,
      %mul3A_178 = arith.mulf %get3A_177, %mul3A_162 : vector<16xf32>
      %swap3A_179 = arith.index_cast %add3A_160 : i32 to index
      %swap3A_180 = arith.constant 32 : index
      %swap3A_181 = tpu.vector_load %arg13[%swap3A_179, %swap3A_180] {strides = array<i32>} : memref<128x128xf32, #tpu.memory_space<vmem>>, vector<16xf32>,
      tpu.vector_store %arg13[%swap3A_179, %swap3A_180], %mul3A_178 {strides = array<i32>} : memref<128x128xf32, #tpu.memory_space<vmem>>, vector<16xf32>,
      %get3A_182 = arith.index_cast %add3A_160 : i32 to index
      %get3A_183 = arith.constant 48 : index
      %get3A_184 = tpu.vector_load %arg13[%get3A_182, %get3A_183] {strides = array<i32>} : memref<128x128xf32, #tpu.memory_space<vmem>>, vector<16xf32>,
      %mul3A_185 = arith.mulf %get3A_184, %mul3A_162 : vector<16xf32>
      %swap3A_186 = arith.index_cast %add3A_160 : i32 to index
      %swap3A_187 = arith.constant 48 : index
      %swap3A_188 = tpu.vector_load %arg13[%swap3A_186, %swap3A_187] {strides = array<i32>} : memref<128x128xf32, #tpu.memory_space<vmem>>, vector<16xf32>,
      tpu.vector_store %arg13[%swap3A_186, %swap3A_187], %mul3A_185 {strides = array<i32>} : memref<128x128xf32, #tpu.memory_space<vmem>>, vector<16xf32>,
      %get3A_189 = arith.index_cast %add3A_160 : i32 to index
      %get3A_190 = arith.constant 64 : index
      %get3A_191 = tpu.vector_load %arg13[%get3A_189, %get3A_190] {strides = array<i32>} : memref<128x128xf32, #tpu.memory_space<vmem>>, vector<16xf32>,
      %mul3A_192 = arith.mulf %get3A_191, %mul3A_162 : vector<16xf32>
      %swap3A_193 = arith.index_cast %add3A_160 : i32 to index
      %swap3A_194 = arith.constant 64 : index
      %swap3A_195 = tpu.vector_load %arg13[%swap3A_193, %swap3A_194] {strides = array<i32>} : memref<128x128xf32, #tpu.memory_space<vmem>>, vector<16xf32>,
      tpu.vector_store %arg13[%swap3A_193, %swap3A_194], %mul3A_192 {strides = array<i32>} : memref<128x128xf32, #tpu.memory_space<vmem>>, vector<16xf32>,
      %get3A_196 = arith.index_cast %add3A_160 : i32 to index
      %get3A_197 = arith.constant 80 : index
      %get3A_198 = tpu.vector_load %arg13[%get3A_196, %get3A_197] {strides = array<i32>} : memref<128x128xf32, #tpu.memory_space<vmem>>, vector<16xf32>,
      %mul3A_199 = arith.mulf %get3A_198, %mul3A_162 : vector<16xf32>
      %swap3A_200 = arith.index_cast %add3A_160 : i32 to index
      %swap3A_201 = arith.constant 80 : index
      %swap3A_202 = tpu.vector_load %arg13[%swap3A_200, %swap3A_201] {strides = array<i32>} : memref<128x128xf32, #tpu.memory_space<vmem>>, vector<16xf32>,
      tpu.vector_store %arg13[%swap3A_200, %swap3A_201], %mul3A_199 {strides = array<i32>} : memref<128x128xf32, #tpu.memory_space<vmem>>, vector<16xf32>,
      %get3A_203 = arith.index_cast %add3A_160 : i32 to index
      %get3A_204 = arith.constant 96 : index
      %get3A_205 = tpu.vector_load %arg13[%get3A_203, %get3A_204] {strides = array<i32>} : memref<128x128xf32, #tpu.memory_space<vmem>>, vector<16xf32>,
      %mul3A_206 = arith.mulf %get3A_205, %mul3A_162 : vector<16xf32>
      %swap3A_207 = arith.index_cast %add3A_160 : i32 to index
      %swap3A_208 = arith.constant 96 : index
      %swap3A_209 = tpu.vector_load %arg13[%swap3A_207, %swap3A_208] {strides = array<i32>} : memref<128x128xf32, #tpu.memory_space<vmem>>, vector<16xf32>,
      tpu.vector_store %arg13[%swap3A_207, %swap3A_208], %mul3A_206 {strides = array<i32>} : memref<128x128xf32, #tpu.memory_space<vmem>>, vector<16xf32>,
      %get3A_210 = arith.index_cast %add3A_160 : i32 to index
      %get3A_211 = arith.constant 112 : index
      %get3A_212 = tpu.vector_load %arg13[%get3A_210, %get3A_211] {strides = array<i32>} : memref<128x128xf32, #tpu.memory_space<vmem>>, vector<16xf32>,
      %mul3A_213 = arith.mulf %get3A_212, %mul3A_162 : vector<16xf32>
      %swap3A_214 = arith.index_cast %add3A_160 : i32 to index
      %swap3A_215 = arith.constant 112 : index
      %swap3A_216 = tpu.vector_load %arg13[%swap3A_214, %swap3A_215] {strides = array<i32>} : memref<128x128xf32, #tpu.memory_space<vmem>>, vector<16xf32>,
      tpu.vector_store %arg13[%swap3A_214, %swap3A_215], %mul3A_213 {strides = array<i32>} : memref<128x128xf32, #tpu.memory_space<vmem>>, vector<16xf32>,
    }
    "tpu.region"() ({
      %run_scoped3A = tpu.sem_alloc : memref<!tpu.dma_semaphore, #tpu.memory_space<semaphore_mem>>
      %dma_start3A = arith.constant 0 : i32
      %dma_start3A_158 = arith.constant 0 : i32
      %dma_start3A_159 = tpu.memref_slice %arg13[%dma_start3A, %dma_start3A_158] : memref<128x128xf32, #tpu.memory_space<vmem>> -> memref<125x128xf32, #tpu.memory_space<vmem>>
      %dma_start3A_160 = arith.constant 0 : i32
      %dma_start3A_161 = tpu.memref_slice %arg15[%add3A_92, %dma_start3A_160] : memref<10000x128xf32, #tpu.memory_space<vmem_shared>> -> memref<125x128xf32, #tpu.memory_space<vmem_shared>>
      %dma_start3A_162 = arith.constant 0 : i32
      %dma_start3A_163 = tpu.memref_slice %arg15[%add3A_92, %dma_start3A_162] : memref<10000x128xf32, #tpu.memory_space<vmem_shared>> -> memref<125x128xf32, #tpu.memory_space<vmem_shared>>
      %dma_start3A_164 = arith.constant 0 : i32
      %dma_start3A_165 = arith.constant 0 : i32
      %dma_start3A_166 = tpu.memref_slice %arg13[%dma_start3A_164, %dma_start3A_165] : memref<128x128xf32, #tpu.memory_space<vmem>> -> memref<125x128xf32, #tpu.memory_space<vmem>>
      tpu.enqueue_dma source(%dma_start3A_166 : memref<125x128xf32, #tpu.memory_space<vmem>>) target(%dma_start3A_163 : memref<125x128xf32, #tpu.memory_space<vmem_shared>>) target_semaphore(%run_scoped3A : memref<!tpu.dma_semaphore, #tpu.memory_space<semaphore_mem>>)
      %dma_wait3A = arith.constant 0 : i32
      %dma_wait3A_167 = arith.constant 0 : i32
      %dma_wait3A_168 = tpu.memref_slice %arg13[%dma_wait3A, %dma_wait3A_167] : memref<128x128xf32, #tpu.memory_space<vmem>> -> memref<125x128xf32, #tpu.memory_space<vmem>>
      %dma_wait3A_169 = arith.constant 0 : i32
      %dma_wait3A_170 = tpu.memref_slice %arg15[%add3A_92, %dma_wait3A_169] : memref<10000x128xf32, #tpu.memory_space<vmem_shared>> -> memref<125x128xf32, #tpu.memory_space<vmem_shared>>
      %dma_wait3A_171 = arith.constant 0 : i32
      %dma_wait3A_172 = tpu.memref_slice %arg15[%add3A_92, %dma_wait3A_171] : memref<10000x128xf32, #tpu.memory_space<vmem_shared>> -> memref<125x128xf32, #tpu.memory_space<vmem_shared>>
      %dma_wait3A_173 = arith.constant 0 : i32
      %dma_wait3A_174 = arith.constant 0 : i32
      %dma_wait3A_175 = tpu.memref_slice %arg13[%dma_wait3A_173, %dma_wait3A_174] : memref<128x128xf32, #tpu.memory_space<vmem>> -> memref<125x128xf32, #tpu.memory_space<vmem>>
      tpu.wait_dma2 semaphore(%run_scoped3A : memref<!tpu.dma_semaphore, #tpu.memory_space<semaphore_mem>>) src(%dma_wait3A_175 : memref<125x128xf32, #tpu.memory_space<vmem>>) dst(%dma_wait3A_172 : memref<125x128xf32, #tpu.memory_space<vmem_shared>>)
      tpu.yield
    }) : () -> ()
    %barrier3A = arith.constant 0 : index
    tpu.barrier barrier_id(%barrier3A)
    %sub3A_114 = arith.constant 2500 : i32
    %sub3A_115 = arith.subi %sub3A_114, %arg1 : i32
    %sub3A_116 = arith.constant 16 : i32
    %sub3A_117 = arith.constant 1 : i32
    %sub3A_118 = arith.subi %sub3A_116, %sub3A_117 : i32
    %add3A_119 = arith.addi %sub3A_115, %sub3A_118 : i32
    %div3A_120 = arith.constant 16 : i32
    %div3A_121 = arith.divsi %add3A_119, %div3A_120 : i32
    %while3A_122 = arith.constant 16 : i32
    %while3A_123 = arith.constant 0 : i32
    %while3A_124 = arith.subi %div3A_121, %while3A_123 : i32
    %while3A_125 = arith.addi %while3A_123, %while3A_124 : i32
    %while3A_126 = arith.constant 1 : i32
    %while3A_127 = arith.divsi %while3A_124, %while3A_126 : i32
    %while3A_128 = arith.muli %while3A_127, %while3A_126 : i32
    %while3A_129 = arith.addi %while3A_123, %while3A_128 : i32
    %while3A_130 = arith.constant 1 : i32
    scf.for %while3A_158 = %while3A_123 to %while3A_129 step %while3A_130  : i32 {
      %mul3A_159 = arith.muli %while3A_158, %while3A_122 : i32
      %add3A_160 = arith.addi %arg1, %mul3A_159 : i32
      "tpu.region"() ({
        %run_scoped3A = tpu.sem_alloc : memref<!tpu.dma_semaphore, #tpu.memory_space<semaphore_mem>>
        %dma_start3A_324 = arith.constant 0 : i32
        %dma_start3A_325 = tpu.memref_slice %arg3[%add3A_160, %dma_start3A_324] : memref<2500x128xi32, #tpu.memory_space<hbm>> -> memref<1x128xi32, #tpu.memory_space<hbm>>
        %dma_start3A_326 = tpu.memref_squeeze %dma_start3A_325 : memref<1x128xi32, #tpu.memory_space<hbm>> -> memref<128xi32, #tpu.memory_space<hbm>>
        %dma_start3A_327 = arith.constant 0 : i32
        %dma_start3A_328 = tpu.memref_slice %arg3[%add3A_160, %dma_start3A_327] : memref<2500x128xi32, #tpu.memory_space<hbm>> -> memref<1x128xi32, #tpu.memory_space<hbm>>
        %dma_start3A_329 = tpu.memref_squeeze %dma_start3A_328 : memref<1x128xi32, #tpu.memory_space<hbm>> -> memref<128xi32, #tpu.memory_space<hbm>>
        tpu.enqueue_dma source(%dma_start3A_329 : memref<128xi32, #tpu.memory_space<hbm>>) target(%arg8 : memref<128xi32, #tpu.memory_space<vmem>>) target_semaphore(%run_scoped3A : memref<!tpu.dma_semaphore, #tpu.memory_space<semaphore_mem>>)
        %dma_wait3A_330 = arith.constant 0 : i32
        %dma_wait3A_331 = tpu.memref_slice %arg3[%add3A_160, %dma_wait3A_330] : memref<2500x128xi32, #tpu.memory_space<hbm>> -> memref<1x128xi32, #tpu.memory_space<hbm>>
        %dma_wait3A_332 = tpu.memref_squeeze %dma_wait3A_331 : memref<1x128xi32, #tpu.memory_space<hbm>> -> memref<128xi32, #tpu.memory_space<hbm>>
        %dma_wait3A_333 = arith.constant 0 : i32
        %dma_wait3A_334 = tpu.memref_slice %arg3[%add3A_160, %dma_wait3A_333] : memref<2500x128xi32, #tpu.memory_space<hbm>> -> memref<1x128xi32, #tpu.memory_space<hbm>>
        %dma_wait3A_335 = tpu.memref_squeeze %dma_wait3A_334 : memref<1x128xi32, #tpu.memory_space<hbm>> -> memref<128xi32, #tpu.memory_space<hbm>>
        tpu.wait_dma2 semaphore(%run_scoped3A : memref<!tpu.dma_semaphore, #tpu.memory_space<semaphore_mem>>) src(%dma_wait3A_335 : memref<128xi32, #tpu.memory_space<hbm>>) dst(%arg8 : memref<128xi32, #tpu.memory_space<vmem>>)
        tpu.yield
      }) : () -> ()
      "tpu.region"() ({
        %run_scoped3A = tpu.sem_alloc : memref<!tpu.dma_semaphore, #tpu.memory_space<semaphore_mem>>
        %dma_start3A_324 = arith.constant 0 : i32
        %dma_start3A_325 = tpu.memref_slice %arg4[%add3A_160, %dma_start3A_324] : memref<2500x128xi32, #tpu.memory_space<hbm>> -> memref<1x128xi32, #tpu.memory_space<hbm>>
        %dma_start3A_326 = tpu.memref_squeeze %dma_start3A_325 : memref<1x128xi32, #tpu.memory_space<hbm>> -> memref<128xi32, #tpu.memory_space<hbm>>
        %dma_start3A_327 = arith.constant 0 : i32
        %dma_start3A_328 = tpu.memref_slice %arg4[%add3A_160, %dma_start3A_327] : memref<2500x128xi32, #tpu.memory_space<hbm>> -> memref<1x128xi32, #tpu.memory_space<hbm>>
        %dma_start3A_329 = tpu.memref_squeeze %dma_start3A_328 : memref<1x128xi32, #tpu.memory_space<hbm>> -> memref<128xi32, #tpu.memory_space<hbm>>
        tpu.enqueue_dma source(%dma_start3A_329 : memref<128xi32, #tpu.memory_space<hbm>>) target(%arg9 : memref<128xi32, #tpu.memory_space<vmem>>) target_semaphore(%run_scoped3A : memref<!tpu.dma_semaphore, #tpu.memory_space<semaphore_mem>>)
        %dma_wait3A_330 = arith.constant 0 : i32
        %dma_wait3A_331 = tpu.memref_slice %arg4[%add3A_160, %dma_wait3A_330] : memref<2500x128xi32, #tpu.memory_space<hbm>> -> memref<1x128xi32, #tpu.memory_space<hbm>>
        %dma_wait3A_332 = tpu.memref_squeeze %dma_wait3A_331 : memref<1x128xi32, #tpu.memory_space<hbm>> -> memref<128xi32, #tpu.memory_space<hbm>>
        %dma_wait3A_333 = arith.constant 0 : i32
        %dma_wait3A_334 = tpu.memref_slice %arg4[%add3A_160, %dma_wait3A_333] : memref<2500x128xi32, #tpu.memory_space<hbm>> -> memref<1x128xi32, #tpu.memory_space<hbm>>
        %dma_wait3A_335 = tpu.memref_squeeze %dma_wait3A_334 : memref<1x128xi32, #tpu.memory_space<hbm>> -> memref<128xi32, #tpu.memory_space<hbm>>
        tpu.wait_dma2 semaphore(%run_scoped3A : memref<!tpu.dma_semaphore, #tpu.memory_space<semaphore_mem>>) src(%dma_wait3A_335 : memref<128xi32, #tpu.memory_space<hbm>>) dst(%arg9 : memref<128xi32, #tpu.memory_space<vmem>>)
        tpu.yield
      }) : () -> ()
      "tpu.region"() ({
        %run_scoped3A = tpu.sem_alloc : memref<!tpu.dma_semaphore, #tpu.memory_space<semaphore_mem>>
        %dma_start3A_324 = arith.constant 0 : i32
        %dma_start3A_325 = tpu.memref_slice %arg5[%add3A_160, %dma_start3A_324] : memref<2500x128xf32, #tpu.memory_space<hbm>> -> memref<1x128xf32, #tpu.memory_space<hbm>>
        %dma_start3A_326 = tpu.memref_squeeze %dma_start3A_325 : memref<1x128xf32, #tpu.memory_space<hbm>> -> memref<128xf32, #tpu.memory_space<hbm>>
        %dma_start3A_327 = arith.constant 0 : i32
        %dma_start3A_328 = tpu.memref_slice %arg5[%add3A_160, %dma_start3A_327] : memref<2500x128xf32, #tpu.memory_space<hbm>> -> memref<1x128xf32, #tpu.memory_space<hbm>>
        %dma_start3A_329 = tpu.memref_squeeze %dma_start3A_328 : memref<1x128xf32, #tpu.memory_space<hbm>> -> memref<128xf32, #tpu.memory_space<hbm>>
        tpu.enqueue_dma source(%dma_start3A_329 : memref<128xf32, #tpu.memory_space<hbm>>) target(%arg10 : memref<128xf32, #tpu.memory_space<vmem>>) target_semaphore(%run_scoped3A : memref<!tpu.dma_semaphore, #tpu.memory_space<semaphore_mem>>)
        %dma_wait3A_330 = arith.constant 0 : i32
        %dma_wait3A_331 = tpu.memref_slice %arg5[%add3A_160, %dma_wait3A_330] : memref<2500x128xf32, #tpu.memory_space<hbm>> -> memref<1x128xf32, #tpu.memory_space<hbm>>
        %dma_wait3A_332 = tpu.memref_squeeze %dma_wait3A_331 : memref<1x128xf32, #tpu.memory_space<hbm>> -> memref<128xf32, #tpu.memory_space<hbm>>
        %dma_wait3A_333 = arith.constant 0 : i32
        %dma_wait3A_334 = tpu.memref_slice %arg5[%add3A_160, %dma_wait3A_333] : memref<2500x128xf32, #tpu.memory_space<hbm>> -> memref<1x128xf32, #tpu.memory_space<hbm>>
        %dma_wait3A_335 = tpu.memref_squeeze %dma_wait3A_334 : memref<1x128xf32, #tpu.memory_space<hbm>> -> memref<128xf32, #tpu.memory_space<hbm>>
        tpu.wait_dma2 semaphore(%run_scoped3A : memref<!tpu.dma_semaphore, #tpu.memory_space<semaphore_mem>>) src(%dma_wait3A_335 : memref<128xf32, #tpu.memory_space<hbm>>) dst(%arg10 : memref<128xf32, #tpu.memory_space<vmem>>)
        tpu.yield
      }) : () -> ()
      %get3A = arith.constant 0 : index
      %get3A_161 = tpu.vector_load %arg8[%get3A] {strides = array<i32>} : memref<128xi32, #tpu.memory_space<vmem>>, vector<16xi32>,
      %get3A_162 = arith.constant 0 : index
      %get3A_163 = tpu.vector_load %arg9[%get3A_162] {strides = array<i32>} : memref<128xi32, #tpu.memory_space<vmem>>, vector<16xi32>,
      %get3A_164 = arith.constant 0 : index
      %get3A_165 = tpu.vector_load %arg10[%get3A_164] {strides = array<i32>} : memref<128xf32, #tpu.memory_space<vmem>>, vector<16xf32>,
      %mul3A_166 = arith.constant 10000 : i32
      %mul3A_167 = arith.muli %arg0, %mul3A_166 : i32
      %add3A_168 = vector.broadcast %mul3A_167 : i32 to vector<16xi32>
      %add3A_169 = arith.addi %get3A_161, %add3A_168 : vector<16xi32>
      %swap3A = arith.constant 0 : index
      %swap3A_170 = tpu.vector_load %arg11[%swap3A] {strides = array<i32>} : memref<128xi32, #tpu.memory_space<vmem>>, vector<16xi32>,
      tpu.vector_store %arg11[%swap3A], %add3A_169 {strides = array<i32>} : memref<128xi32, #tpu.memory_space<vmem>>, vector<16xi32>,
      %gather3A = tpu.vector_load_idx %arg14[%get3A_161] : memref<10000xf32, #tpu.memory_space<vmem>>[vector<16xi32>], vector<16xf32>,
      %gather3A_171 = tpu.vector_load_idx %arg14[%get3A_163] : memref<10000xf32, #tpu.memory_space<vmem>>[vector<16xi32>], vector<16xf32>,
      %mul3A_172 = arith.mulf %gather3A, %get3A_165 : vector<16xf32>
      %mul3A_173 = arith.mulf %mul3A_172, %gather3A_171 : vector<16xf32>
      %swap3A_174 = arith.constant 0 : index
      %swap3A_175 = tpu.vector_load %arg12[%swap3A_174] {strides = array<i32>} : memref<128xf32, #tpu.memory_space<vmem>>, vector<16xf32>,
      tpu.vector_store %arg12[%swap3A_174], %mul3A_173 {strides = array<i32>} : memref<128xf32, #tpu.memory_space<vmem>>, vector<16xf32>,
      %get3A_176 = arith.constant 16 : index
      %get3A_177 = tpu.vector_load %arg8[%get3A_176] {strides = array<i32>} : memref<128xi32, #tpu.memory_space<vmem>>, vector<16xi32>,
      %get3A_178 = arith.constant 16 : index
      %get3A_179 = tpu.vector_load %arg9[%get3A_178] {strides = array<i32>} : memref<128xi32, #tpu.memory_space<vmem>>, vector<16xi32>,
      %get3A_180 = arith.constant 16 : index
      %get3A_181 = tpu.vector_load %arg10[%get3A_180] {strides = array<i32>} : memref<128xf32, #tpu.memory_space<vmem>>, vector<16xf32>,
      %mul3A_182 = arith.constant 10000 : i32
      %mul3A_183 = arith.muli %arg0, %mul3A_182 : i32
      %add3A_184 = vector.broadcast %mul3A_183 : i32 to vector<16xi32>
      %add3A_185 = arith.addi %get3A_177, %add3A_184 : vector<16xi32>
      %swap3A_186 = arith.constant 16 : index
      %swap3A_187 = tpu.vector_load %arg11[%swap3A_186] {strides = array<i32>} : memref<128xi32, #tpu.memory_space<vmem>>, vector<16xi32>,
      tpu.vector_store %arg11[%swap3A_186], %add3A_185 {strides = array<i32>} : memref<128xi32, #tpu.memory_space<vmem>>, vector<16xi32>,
      %gather3A_188 = tpu.vector_load_idx %arg14[%get3A_177] : memref<10000xf32, #tpu.memory_space<vmem>>[vector<16xi32>], vector<16xf32>,
      %gather3A_189 = tpu.vector_load_idx %arg14[%get3A_179] : memref<10000xf32, #tpu.memory_space<vmem>>[vector<16xi32>], vector<16xf32>,
      %mul3A_190 = arith.mulf %gather3A_188, %get3A_181 : vector<16xf32>
      %mul3A_191 = arith.mulf %mul3A_190, %gather3A_189 : vector<16xf32>
      %swap3A_192 = arith.constant 16 : index
      %swap3A_193 = tpu.vector_load %arg12[%swap3A_192] {strides = array<i32>} : memref<128xf32, #tpu.memory_space<vmem>>, vector<16xf32>,
      tpu.vector_store %arg12[%swap3A_192], %mul3A_191 {strides = array<i32>} : memref<128xf32, #tpu.memory_space<vmem>>, vector<16xf32>,
      %get3A_194 = arith.constant 32 : index
      %get3A_195 = tpu.vector_load %arg8[%get3A_194] {strides = array<i32>} : memref<128xi32, #tpu.memory_space<vmem>>, vector<16xi32>,
      %get3A_196 = arith.constant 32 : index
      %get3A_197 = tpu.vector_load %arg9[%get3A_196] {strides = array<i32>} : memref<128xi32, #tpu.memory_space<vmem>>, vector<16xi32>,
      %get3A_198 = arith.constant 32 : index
      %get3A_199 = tpu.vector_load %arg10[%get3A_198] {strides = array<i32>} : memref<128xf32, #tpu.memory_space<vmem>>, vector<16xf32>,
      %mul3A_200 = arith.constant 10000 : i32
      %mul3A_201 = arith.muli %arg0, %mul3A_200 : i32
      %add3A_202 = vector.broadcast %mul3A_201 : i32 to vector<16xi32>
      %add3A_203 = arith.addi %get3A_195, %add3A_202 : vector<16xi32>
      %swap3A_204 = arith.constant 32 : index
      %swap3A_205 = tpu.vector_load %arg11[%swap3A_204] {strides = array<i32>} : memref<128xi32, #tpu.memory_space<vmem>>, vector<16xi32>,
      tpu.vector_store %arg11[%swap3A_204], %add3A_203 {strides = array<i32>} : memref<128xi32, #tpu.memory_space<vmem>>, vector<16xi32>,
      %gather3A_206 = tpu.vector_load_idx %arg14[%get3A_195] : memref<10000xf32, #tpu.memory_space<vmem>>[vector<16xi32>], vector<16xf32>,
      %gather3A_207 = tpu.vector_load_idx %arg14[%get3A_197] : memref<10000xf32, #tpu.memory_space<vmem>>[vector<16xi32>], vector<16xf32>,
      %mul3A_208 = arith.mulf %gather3A_206, %get3A_199 : vector<16xf32>
      %mul3A_209 = arith.mulf %mul3A_208, %gather3A_207 : vector<16xf32>
      %swap3A_210 = arith.constant 32 : index
      %swap3A_211 = tpu.vector_load %arg12[%swap3A_210] {strides = array<i32>} : memref<128xf32, #tpu.memory_space<vmem>>, vector<16xf32>,
      tpu.vector_store %arg12[%swap3A_210], %mul3A_209 {strides = array<i32>} : memref<128xf32, #tpu.memory_space<vmem>>, vector<16xf32>,
      %get3A_212 = arith.constant 48 : index
      %get3A_213 = tpu.vector_load %arg8[%get3A_212] {strides = array<i32>} : memref<128xi32, #tpu.memory_space<vmem>>, vector<16xi32>,
      %get3A_214 = arith.constant 48 : index
      %get3A_215 = tpu.vector_load %arg9[%get3A_214] {strides = array<i32>} : memref<128xi32, #tpu.memory_space<vmem>>, vector<16xi32>,
      %get3A_216 = arith.constant 48 : index
      %get3A_217 = tpu.vector_load %arg10[%get3A_216] {strides = array<i32>} : memref<128xf32, #tpu.memory_space<vmem>>, vector<16xf32>,
      %mul3A_218 = arith.constant 10000 : i32
      %mul3A_219 = arith.muli %arg0, %mul3A_218 : i32
      %add3A_220 = vector.broadcast %mul3A_219 : i32 to vector<16xi32>
      %add3A_221 = arith.addi %get3A_213, %add3A_220 : vector<16xi32>
      %swap3A_222 = arith.constant 48 : index
      %swap3A_223 = tpu.vector_load %arg11[%swap3A_222] {strides = array<i32>} : memref<128xi32, #tpu.memory_space<vmem>>, vector<16xi32>,
      tpu.vector_store %arg11[%swap3A_222], %add3A_221 {strides = array<i32>} : memref<128xi32, #tpu.memory_space<vmem>>, vector<16xi32>,
      %gather3A_224 = tpu.vector_load_idx %arg14[%get3A_213] : memref<10000xf32, #tpu.memory_space<vmem>>[vector<16xi32>], vector<16xf32>,
      %gather3A_225 = tpu.vector_load_idx %arg14[%get3A_215] : memref<10000xf32, #tpu.memory_space<vmem>>[vector<16xi32>], vector<16xf32>,
      %mul3A_226 = arith.mulf %gather3A_224, %get3A_217 : vector<16xf32>
      %mul3A_227 = arith.mulf %mul3A_226, %gather3A_225 : vector<16xf32>
      %swap3A_228 = arith.constant 48 : index
      %swap3A_229 = tpu.vector_load %arg12[%swap3A_228] {strides = array<i32>} : memref<128xf32, #tpu.memory_space<vmem>>, vector<16xf32>,
      tpu.vector_store %arg12[%swap3A_228], %mul3A_227 {strides = array<i32>} : memref<128xf32, #tpu.memory_space<vmem>>, vector<16xf32>,
      %get3A_230 = arith.constant 64 : index
      %get3A_231 = tpu.vector_load %arg8[%get3A_230] {strides = array<i32>} : memref<128xi32, #tpu.memory_space<vmem>>, vector<16xi32>,
      %get3A_232 = arith.constant 64 : index
      %get3A_233 = tpu.vector_load %arg9[%get3A_232] {strides = array<i32>} : memref<128xi32, #tpu.memory_space<vmem>>, vector<16xi32>,
      %get3A_234 = arith.constant 64 : index
      %get3A_235 = tpu.vector_load %arg10[%get3A_234] {strides = array<i32>} : memref<128xf32, #tpu.memory_space<vmem>>, vector<16xf32>,
      %mul3A_236 = arith.constant 10000 : i32
      %mul3A_237 = arith.muli %arg0, %mul3A_236 : i32
      %add3A_238 = vector.broadcast %mul3A_237 : i32 to vector<16xi32>
      %add3A_239 = arith.addi %get3A_231, %add3A_238 : vector<16xi32>
      %swap3A_240 = arith.constant 64 : index
      %swap3A_241 = tpu.vector_load %arg11[%swap3A_240] {strides = array<i32>} : memref<128xi32, #tpu.memory_space<vmem>>, vector<16xi32>,
      tpu.vector_store %arg11[%swap3A_240], %add3A_239 {strides = array<i32>} : memref<128xi32, #tpu.memory_space<vmem>>, vector<16xi32>,
      %gather3A_242 = tpu.vector_load_idx %arg14[%get3A_231] : memref<10000xf32, #tpu.memory_space<vmem>>[vector<16xi32>], vector<16xf32>,
      %gather3A_243 = tpu.vector_load_idx %arg14[%get3A_233] : memref<10000xf32, #tpu.memory_space<vmem>>[vector<16xi32>], vector<16xf32>,
      %mul3A_244 = arith.mulf %gather3A_242, %get3A_235 : vector<16xf32>
      %mul3A_245 = arith.mulf %mul3A_244, %gather3A_243 : vector<16xf32>
      %swap3A_246 = arith.constant 64 : index
      %swap3A_247 = tpu.vector_load %arg12[%swap3A_246] {strides = array<i32>} : memref<128xf32, #tpu.memory_space<vmem>>, vector<16xf32>,
      tpu.vector_store %arg12[%swap3A_246], %mul3A_245 {strides = array<i32>} : memref<128xf32, #tpu.memory_space<vmem>>, vector<16xf32>,
      %get3A_248 = arith.constant 80 : index
      %get3A_249 = tpu.vector_load %arg8[%get3A_248] {strides = array<i32>} : memref<128xi32, #tpu.memory_space<vmem>>, vector<16xi32>,
      %get3A_250 = arith.constant 80 : index
      %get3A_251 = tpu.vector_load %arg9[%get3A_250] {strides = array<i32>} : memref<128xi32, #tpu.memory_space<vmem>>, vector<16xi32>,
      %get3A_252 = arith.constant 80 : index
      %get3A_253 = tpu.vector_load %arg10[%get3A_252] {strides = array<i32>} : memref<128xf32, #tpu.memory_space<vmem>>, vector<16xf32>,
      %mul3A_254 = arith.constant 10000 : i32
      %mul3A_255 = arith.muli %arg0, %mul3A_254 : i32
      %add3A_256 = vector.broadcast %mul3A_255 : i32 to vector<16xi32>
      %add3A_257 = arith.addi %get3A_249, %add3A_256 : vector<16xi32>
      %swap3A_258 = arith.constant 80 : index
      %swap3A_259 = tpu.vector_load %arg11[%swap3A_258] {strides = array<i32>} : memref<128xi32, #tpu.memory_space<vmem>>, vector<16xi32>,
      tpu.vector_store %arg11[%swap3A_258], %add3A_257 {strides = array<i32>} : memref<128xi32, #tpu.memory_space<vmem>>, vector<16xi32>,
      %gather3A_260 = tpu.vector_load_idx %arg14[%get3A_249] : memref<10000xf32, #tpu.memory_space<vmem>>[vector<16xi32>], vector<16xf32>,
      %gather3A_261 = tpu.vector_load_idx %arg14[%get3A_251] : memref<10000xf32, #tpu.memory_space<vmem>>[vector<16xi32>], vector<16xf32>,
      %mul3A_262 = arith.mulf %gather3A_260, %get3A_253 : vector<16xf32>
      %mul3A_263 = arith.mulf %mul3A_262, %gather3A_261 : vector<16xf32>
      %swap3A_264 = arith.constant 80 : index
      %swap3A_265 = tpu.vector_load %arg12[%swap3A_264] {strides = array<i32>} : memref<128xf32, #tpu.memory_space<vmem>>, vector<16xf32>,
      tpu.vector_store %arg12[%swap3A_264], %mul3A_263 {strides = array<i32>} : memref<128xf32, #tpu.memory_space<vmem>>, vector<16xf32>,
      %get3A_266 = arith.constant 96 : index
      %get3A_267 = tpu.vector_load %arg8[%get3A_266] {strides = array<i32>} : memref<128xi32, #tpu.memory_space<vmem>>, vector<16xi32>,
      %get3A_268 = arith.constant 96 : index
      %get3A_269 = tpu.vector_load %arg9[%get3A_268] {strides = array<i32>} : memref<128xi32, #tpu.memory_space<vmem>>, vector<16xi32>,
      %get3A_270 = arith.constant 96 : index
      %get3A_271 = tpu.vector_load %arg10[%get3A_270] {strides = array<i32>} : memref<128xf32, #tpu.memory_space<vmem>>, vector<16xf32>,
      %mul3A_272 = arith.constant 10000 : i32
      %mul3A_273 = arith.muli %arg0, %mul3A_272 : i32
      %add3A_274 = vector.broadcast %mul3A_273 : i32 to vector<16xi32>
      %add3A_275 = arith.addi %get3A_267, %add3A_274 : vector<16xi32>
      %swap3A_276 = arith.constant 96 : index
      %swap3A_277 = tpu.vector_load %arg11[%swap3A_276] {strides = array<i32>} : memref<128xi32, #tpu.memory_space<vmem>>, vector<16xi32>,
      tpu.vector_store %arg11[%swap3A_276], %add3A_275 {strides = array<i32>} : memref<128xi32, #tpu.memory_space<vmem>>, vector<16xi32>,
      %gather3A_278 = tpu.vector_load_idx %arg14[%get3A_267] : memref<10000xf32, #tpu.memory_space<vmem>>[vector<16xi32>], vector<16xf32>,
      %gather3A_279 = tpu.vector_load_idx %arg14[%get3A_269] : memref<10000xf32, #tpu.memory_space<vmem>>[vector<16xi32>], vector<16xf32>,
      %mul3A_280 = arith.mulf %gather3A_278, %get3A_271 : vector<16xf32>
      %mul3A_281 = arith.mulf %mul3A_280, %gather3A_279 : vector<16xf32>
      %swap3A_282 = arith.constant 96 : index
      %swap3A_283 = tpu.vector_load %arg12[%swap3A_282] {strides = array<i32>} : memref<128xf32, #tpu.memory_space<vmem>>, vector<16xf32>,
      tpu.vector_store %arg12[%swap3A_282], %mul3A_281 {strides = array<i32>} : memref<128xf32, #tpu.memory_space<vmem>>, vector<16xf32>,
      %get3A_284 = arith.constant 112 : index
      %get3A_285 = tpu.vector_load %arg8[%get3A_284] {strides = array<i32>} : memref<128xi32, #tpu.memory_space<vmem>>, vector<16xi32>,
      %get3A_286 = arith.constant 112 : index
      %get3A_287 = tpu.vector_load %arg9[%get3A_286] {strides = array<i32>} : memref<128xi32, #tpu.memory_space<vmem>>, vector<16xi32>,
      %get3A_288 = arith.constant 112 : index
      %get3A_289 = tpu.vector_load %arg10[%get3A_288] {strides = array<i32>} : memref<128xf32, #tpu.memory_space<vmem>>, vector<16xf32>,
      %mul3A_290 = arith.constant 10000 : i32
      %mul3A_291 = arith.muli %arg0, %mul3A_290 : i32
      %add3A_292 = vector.broadcast %mul3A_291 : i32 to vector<16xi32>
      %add3A_293 = arith.addi %get3A_285, %add3A_292 : vector<16xi32>
      %swap3A_294 = arith.constant 112 : index
      %swap3A_295 = tpu.vector_load %arg11[%swap3A_294] {strides = array<i32>} : memref<128xi32, #tpu.memory_space<vmem>>, vector<16xi32>,
      tpu.vector_store %arg11[%swap3A_294], %add3A_293 {strides = array<i32>} : memref<128xi32, #tpu.memory_space<vmem>>, vector<16xi32>,
      %gather3A_296 = tpu.vector_load_idx %arg14[%get3A_285] : memref<10000xf32, #tpu.memory_space<vmem>>[vector<16xi32>], vector<16xf32>,
      %gather3A_297 = tpu.vector_load_idx %arg14[%get3A_287] : memref<10000xf32, #tpu.memory_space<vmem>>[vector<16xi32>], vector<16xf32>,
      %mul3A_298 = arith.mulf %gather3A_296, %get3A_289 : vector<16xf32>
      %mul3A_299 = arith.mulf %mul3A_298, %gather3A_297 : vector<16xf32>
      %swap3A_300 = arith.constant 112 : index
      %swap3A_301 = tpu.vector_load %arg12[%swap3A_300] {strides = array<i32>} : memref<128xf32, #tpu.memory_space<vmem>>, vector<16xf32>,
      tpu.vector_store %arg12[%swap3A_300], %mul3A_299 {strides = array<i32>} : memref<128xf32, #tpu.memory_space<vmem>>, vector<16xf32>,
      %dma_start3A = arith.constant 0 : i32
      %dma_start3A_302 = arith.constant 0 : i32
      %dma_start3A_303 = tpu.memref_slice %arg2[%dma_start3A, %dma_start3A_302] : memref<20000x128xf32, #tpu.memory_space<hbm>> -> memref<20000x128xf32, #tpu.memory_space<hbm>>
      tpu.enqueue_indirect_dma source(%dma_start3A_303 : memref<20000x128xf32, #tpu.memory_space<hbm>>) target(%arg13 : memref<128x128xf32, #tpu.memory_space<vmem>>) offsets(%arg11 : memref<128xi32, #tpu.memory_space<vmem>>) semaphore(%arg16 : memref<!tpu.dma_semaphore, #tpu.memory_space<semaphore_mem>>)
      %dma_wait3A = arith.constant 0 : i32
      %dma_wait3A_304 = arith.constant 0 : i32
      %dma_wait3A_305 = tpu.memref_slice %arg2[%dma_wait3A, %dma_wait3A_304] : memref<20000x128xf32, #tpu.memory_space<hbm>> -> memref<20000x128xf32, #tpu.memory_space<hbm>>
      tpu.wait_indirect_dma semaphore(%arg16 : memref<!tpu.dma_semaphore, #tpu.memory_space<semaphore_mem>>) src(%dma_wait3A_305 : memref<20000x128xf32, #tpu.memory_space<hbm>>) dst(%arg13 : memref<128x128xf32, #tpu.memory_space<vmem>>)
      %sub3A_306 = arith.constant 128 : i32
      %sub3A_307 = arith.subi %sub3A_306, %mul3A_0 : i32
      %sub3A_308 = arith.constant 1 : i32
      %sub3A_309 = arith.constant 1 : i32
      %sub3A_310 = arith.subi %sub3A_308, %sub3A_309 : i32
      %add3A_311 = arith.addi %sub3A_307, %sub3A_310 : i32
      %div3A_312 = arith.constant 1 : i32
      %div3A_313 = arith.divsi %add3A_311, %div3A_312 : i32
      %while3A_314 = arith.constant 1 : i32
      %while3A_315 = arith.constant 0 : i32
      %while3A_316 = arith.subi %div3A_313, %while3A_315 : i32
      %while3A_317 = arith.addi %while3A_315, %while3A_316 : i32
      %while3A_318 = arith.constant 1 : i32
      %while3A_319 = arith.divsi %while3A_316, %while3A_318 : i32
      %while3A_320 = arith.muli %while3A_319, %while3A_318 : i32
      %while3A_321 = arith.addi %while3A_315, %while3A_320 : i32
      %while3A_322 = arith.constant 1 : i32
      scf.for %while3A_324 = %while3A_315 to %while3A_321 step %while3A_322  : i32 {
        %mul3A_325 = arith.muli %while3A_324, %while3A_314 : i32
        %add3A_326 = arith.addi %mul3A_0, %mul3A_325 : i32
        %broadcast_in_dim3A = vector.broadcast %add3A_326 : i32 to vector<16xi32>
        %gather3A_327 = tpu.vector_load_idx %arg12[%broadcast_in_dim3A] : memref<128xf32, #tpu.memory_space<vmem>>[vector<16xi32>], vector<16xf32>,
        %get3A_328 = arith.index_cast %add3A_326 : i32 to index
        %get3A_329 = arith.constant 0 : index
        %get3A_330 = tpu.vector_load %arg13[%get3A_328, %get3A_329] {strides = array<i32>} : memref<128x128xf32, #tpu.memory_space<vmem>>, vector<16xf32>,
        %mul3A_331 = arith.mulf %get3A_330, %gather3A_327 : vector<16xf32>
        %swap3A_332 = arith.index_cast %add3A_326 : i32 to index
        %swap3A_333 = arith.constant 0 : index
        %swap3A_334 = tpu.vector_load %arg13[%swap3A_332, %swap3A_333] {strides = array<i32>} : memref<128x128xf32, #tpu.memory_space<vmem>>, vector<16xf32>,
        tpu.vector_store %arg13[%swap3A_332, %swap3A_333], %mul3A_331 {strides = array<i32>} : memref<128x128xf32, #tpu.memory_space<vmem>>, vector<16xf32>,
        %get3A_335 = arith.index_cast %add3A_326 : i32 to index
        %get3A_336 = arith.constant 16 : index
        %get3A_337 = tpu.vector_load %arg13[%get3A_335, %get3A_336] {strides = array<i32>} : memref<128x128xf32, #tpu.memory_space<vmem>>, vector<16xf32>,
        %mul3A_338 = arith.mulf %get3A_337, %gather3A_327 : vector<16xf32>
        %swap3A_339 = arith.index_cast %add3A_326 : i32 to index
        %swap3A_340 = arith.constant 16 : index
        %swap3A_341 = tpu.vector_load %arg13[%swap3A_339, %swap3A_340] {strides = array<i32>} : memref<128x128xf32, #tpu.memory_space<vmem>>, vector<16xf32>,
        tpu.vector_store %arg13[%swap3A_339, %swap3A_340], %mul3A_338 {strides = array<i32>} : memref<128x128xf32, #tpu.memory_space<vmem>>, vector<16xf32>,
        %get3A_342 = arith.index_cast %add3A_326 : i32 to index
        %get3A_343 = arith.constant 32 : index
        %get3A_344 = tpu.vector_load %arg13[%get3A_342, %get3A_343] {strides = array<i32>} : memref<128x128xf32, #tpu.memory_space<vmem>>, vector<16xf32>,
        %mul3A_345 = arith.mulf %get3A_344, %gather3A_327 : vector<16xf32>
        %swap3A_346 = arith.index_cast %add3A_326 : i32 to index
        %swap3A_347 = arith.constant 32 : index
        %swap3A_348 = tpu.vector_load %arg13[%swap3A_346, %swap3A_347] {strides = array<i32>} : memref<128x128xf32, #tpu.memory_space<vmem>>, vector<16xf32>,
        tpu.vector_store %arg13[%swap3A_346, %swap3A_347], %mul3A_345 {strides = array<i32>} : memref<128x128xf32, #tpu.memory_space<vmem>>, vector<16xf32>,
        %get3A_349 = arith.index_cast %add3A_326 : i32 to index
        %get3A_350 = arith.constant 48 : index
        %get3A_351 = tpu.vector_load %arg13[%get3A_349, %get3A_350] {strides = array<i32>} : memref<128x128xf32, #tpu.memory_space<vmem>>, vector<16xf32>,
        %mul3A_352 = arith.mulf %get3A_351, %gather3A_327 : vector<16xf32>
        %swap3A_353 = arith.index_cast %add3A_326 : i32 to index
        %swap3A_354 = arith.constant 48 : index
        %swap3A_355 = tpu.vector_load %arg13[%swap3A_353, %swap3A_354] {strides = array<i32>} : memref<128x128xf32, #tpu.memory_space<vmem>>, vector<16xf32>,
        tpu.vector_store %arg13[%swap3A_353, %swap3A_354], %mul3A_352 {strides = array<i32>} : memref<128x128xf32, #tpu.memory_space<vmem>>, vector<16xf32>,
        %get3A_356 = arith.index_cast %add3A_326 : i32 to index
        %get3A_357 = arith.constant 64 : index
        %get3A_358 = tpu.vector_load %arg13[%get3A_356, %get3A_357] {strides = array<i32>} : memref<128x128xf32, #tpu.memory_space<vmem>>, vector<16xf32>,
        %mul3A_359 = arith.mulf %get3A_358, %gather3A_327 : vector<16xf32>
        %swap3A_360 = arith.index_cast %add3A_326 : i32 to index
        %swap3A_361 = arith.constant 64 : index
        %swap3A_362 = tpu.vector_load %arg13[%swap3A_360, %swap3A_361] {strides = array<i32>} : memref<128x128xf32, #tpu.memory_space<vmem>>, vector<16xf32>,
        tpu.vector_store %arg13[%swap3A_360, %swap3A_361], %mul3A_359 {strides = array<i32>} : memref<128x128xf32, #tpu.memory_space<vmem>>, vector<16xf32>,
        %get3A_363 = arith.index_cast %add3A_326 : i32 to index
        %get3A_364 = arith.constant 80 : index
        %get3A_365 = tpu.vector_load %arg13[%get3A_363, %get3A_364] {strides = array<i32>} : memref<128x128xf32, #tpu.memory_space<vmem>>, vector<16xf32>,
        %mul3A_366 = arith.mulf %get3A_365, %gather3A_327 : vector<16xf32>
        %swap3A_367 = arith.index_cast %add3A_326 : i32 to index
        %swap3A_368 = arith.constant 80 : index
        %swap3A_369 = tpu.vector_load %arg13[%swap3A_367, %swap3A_368] {strides = array<i32>} : memref<128x128xf32, #tpu.memory_space<vmem>>, vector<16xf32>,
        tpu.vector_store %arg13[%swap3A_367, %swap3A_368], %mul3A_366 {strides = array<i32>} : memref<128x128xf32, #tpu.memory_space<vmem>>, vector<16xf32>,
        %get3A_370 = arith.index_cast %add3A_326 : i32 to index
        %get3A_371 = arith.constant 96 : index
        %get3A_372 = tpu.vector_load %arg13[%get3A_370, %get3A_371] {strides = array<i32>} : memref<128x128xf32, #tpu.memory_space<vmem>>, vector<16xf32>,
        %mul3A_373 = arith.mulf %get3A_372, %gather3A_327 : vector<16xf32>
        %swap3A_374 = arith.index_cast %add3A_326 : i32 to index
        %swap3A_375 = arith.constant 96 : index
        %swap3A_376 = tpu.vector_load %arg13[%swap3A_374, %swap3A_375] {strides = array<i32>} : memref<128x128xf32, #tpu.memory_space<vmem>>, vector<16xf32>,
        tpu.vector_store %arg13[%swap3A_374, %swap3A_375], %mul3A_373 {strides = array<i32>} : memref<128x128xf32, #tpu.memory_space<vmem>>, vector<16xf32>,
        %get3A_377 = arith.index_cast %add3A_326 : i32 to index
        %get3A_378 = arith.constant 112 : index
        %get3A_379 = tpu.vector_load %arg13[%get3A_377, %get3A_378] {strides = array<i32>} : memref<128x128xf32, #tpu.memory_space<vmem>>, vector<16xf32>,
        %mul3A_380 = arith.mulf %get3A_379, %gather3A_327 : vector<16xf32>
        %swap3A_381 = arith.index_cast %add3A_326 : i32 to index
        %swap3A_382 = arith.constant 112 : index
        %swap3A_383 = tpu.vector_load %arg13[%swap3A_381, %swap3A_382] {strides = array<i32>} : memref<128x128xf32, #tpu.memory_space<vmem>>, vector<16xf32>,
        tpu.vector_store %arg13[%swap3A_381, %swap3A_382], %mul3A_380 {strides = array<i32>} : memref<128x128xf32, #tpu.memory_space<vmem>>, vector<16xf32>,
      }
      %while3A_323 = arith.constant 1 : i32
      scf.for %while3A_324 = %while3A_321 to %while3A_317 step %while3A_323  : i32 {
        %mul3A_325 = arith.muli %while3A_324, %while3A_314 : i32
        %add3A_326 = arith.addi %mul3A_0, %mul3A_325 : i32
        %broadcast_in_dim3A = vector.broadcast %add3A_326 : i32 to vector<16xi32>
        %gather3A_327 = tpu.vector_load_idx %arg12[%broadcast_in_dim3A] : memref<128xf32, #tpu.memory_space<vmem>>[vector<16xi32>], vector<16xf32>,
        %get3A_328 = arith.index_cast %add3A_326 : i32 to index
        %get3A_329 = arith.constant 0 : index
        %get3A_330 = tpu.vector_load %arg13[%get3A_328, %get3A_329] {strides = array<i32>} : memref<128x128xf32, #tpu.memory_space<vmem>>, vector<16xf32>,
        %mul3A_331 = arith.mulf %get3A_330, %gather3A_327 : vector<16xf32>
        %swap3A_332 = arith.index_cast %add3A_326 : i32 to index
        %swap3A_333 = arith.constant 0 : index
        %swap3A_334 = tpu.vector_load %arg13[%swap3A_332, %swap3A_333] {strides = array<i32>} : memref<128x128xf32, #tpu.memory_space<vmem>>, vector<16xf32>,
        tpu.vector_store %arg13[%swap3A_332, %swap3A_333], %mul3A_331 {strides = array<i32>} : memref<128x128xf32, #tpu.memory_space<vmem>>, vector<16xf32>,
        %get3A_335 = arith.index_cast %add3A_326 : i32 to index
        %get3A_336 = arith.constant 16 : index
        %get3A_337 = tpu.vector_load %arg13[%get3A_335, %get3A_336] {strides = array<i32>} : memref<128x128xf32, #tpu.memory_space<vmem>>, vector<16xf32>,
        %mul3A_338 = arith.mulf %get3A_337, %gather3A_327 : vector<16xf32>
        %swap3A_339 = arith.index_cast %add3A_326 : i32 to index
        %swap3A_340 = arith.constant 16 : index
        %swap3A_341 = tpu.vector_load %arg13[%swap3A_339, %swap3A_340] {strides = array<i32>} : memref<128x128xf32, #tpu.memory_space<vmem>>, vector<16xf32>,
        tpu.vector_store %arg13[%swap3A_339, %swap3A_340], %mul3A_338 {strides = array<i32>} : memref<128x128xf32, #tpu.memory_space<vmem>>, vector<16xf32>,
        %get3A_342 = arith.index_cast %add3A_326 : i32 to index
        %get3A_343 = arith.constant 32 : index
        %get3A_344 = tpu.vector_load %arg13[%get3A_342, %get3A_343] {strides = array<i32>} : memref<128x128xf32, #tpu.memory_space<vmem>>, vector<16xf32>,
        %mul3A_345 = arith.mulf %get3A_344, %gather3A_327 : vector<16xf32>
        %swap3A_346 = arith.index_cast %add3A_326 : i32 to index
        %swap3A_347 = arith.constant 32 : index
        %swap3A_348 = tpu.vector_load %arg13[%swap3A_346, %swap3A_347] {strides = array<i32>} : memref<128x128xf32, #tpu.memory_space<vmem>>, vector<16xf32>,
        tpu.vector_store %arg13[%swap3A_346, %swap3A_347], %mul3A_345 {strides = array<i32>} : memref<128x128xf32, #tpu.memory_space<vmem>>, vector<16xf32>,
        %get3A_349 = arith.index_cast %add3A_326 : i32 to index
        %get3A_350 = arith.constant 48 : index
        %get3A_351 = tpu.vector_load %arg13[%get3A_349, %get3A_350] {strides = array<i32>} : memref<128x128xf32, #tpu.memory_space<vmem>>, vector<16xf32>,
        %mul3A_352 = arith.mulf %get3A_351, %gather3A_327 : vector<16xf32>
        %swap3A_353 = arith.index_cast %add3A_326 : i32 to index
        %swap3A_354 = arith.constant 48 : index
        %swap3A_355 = tpu.vector_load %arg13[%swap3A_353, %swap3A_354] {strides = array<i32>} : memref<128x128xf32, #tpu.memory_space<vmem>>, vector<16xf32>,
        tpu.vector_store %arg13[%swap3A_353, %swap3A_354], %mul3A_352 {strides = array<i32>} : memref<128x128xf32, #tpu.memory_space<vmem>>, vector<16xf32>,
        %get3A_356 = arith.index_cast %add3A_326 : i32 to index
        %get3A_357 = arith.constant 64 : index
        %get3A_358 = tpu.vector_load %arg13[%get3A_356, %get3A_357] {strides = array<i32>} : memref<128x128xf32, #tpu.memory_space<vmem>>, vector<16xf32>,
        %mul3A_359 = arith.mulf %get3A_358, %gather3A_327 : vector<16xf32>
        %swap3A_360 = arith.index_cast %add3A_326 : i32 to index
        %swap3A_361 = arith.constant 64 : index
        %swap3A_362 = tpu.vector_load %arg13[%swap3A_360, %swap3A_361] {strides = array<i32>} : memref<128x128xf32, #tpu.memory_space<vmem>>, vector<16xf32>,
        tpu.vector_store %arg13[%swap3A_360, %swap3A_361], %mul3A_359 {strides = array<i32>} : memref<128x128xf32, #tpu.memory_space<vmem>>, vector<16xf32>,
        %get3A_363 = arith.index_cast %add3A_326 : i32 to index
        %get3A_364 = arith.constant 80 : index
        %get3A_365 = tpu.vector_load %arg13[%get3A_363, %get3A_364] {strides = array<i32>} : memref<128x128xf32, #tpu.memory_space<vmem>>, vector<16xf32>,
        %mul3A_366 = arith.mulf %get3A_365, %gather3A_327 : vector<16xf32>
        %swap3A_367 = arith.index_cast %add3A_326 : i32 to index
        %swap3A_368 = arith.constant 80 : index
        %swap3A_369 = tpu.vector_load %arg13[%swap3A_367, %swap3A_368] {strides = array<i32>} : memref<128x128xf32, #tpu.memory_space<vmem>>, vector<16xf32>,
        tpu.vector_store %arg13[%swap3A_367, %swap3A_368], %mul3A_366 {strides = array<i32>} : memref<128x128xf32, #tpu.memory_space<vmem>>, vector<16xf32>,
        %get3A_370 = arith.index_cast %add3A_326 : i32 to index
        %get3A_371 = arith.constant 96 : index
        %get3A_372 = tpu.vector_load %arg13[%get3A_370, %get3A_371] {strides = array<i32>} : memref<128x128xf32, #tpu.memory_space<vmem>>, vector<16xf32>,
        %mul3A_373 = arith.mulf %get3A_372, %gather3A_327 : vector<16xf32>
        %swap3A_374 = arith.index_cast %add3A_326 : i32 to index
        %swap3A_375 = arith.constant 96 : index
        %swap3A_376 = tpu.vector_load %arg13[%swap3A_374, %swap3A_375] {strides = array<i32>} : memref<128x128xf32, #tpu.memory_space<vmem>>, vector<16xf32>,
        tpu.vector_store %arg13[%swap3A_374, %swap3A_375], %mul3A_373 {strides = array<i32>} : memref<128x128xf32, #tpu.memory_space<vmem>>, vector<16xf32>,
        %get3A_377 = arith.index_cast %add3A_326 : i32 to index
        %get3A_378 = arith.constant 112 : index
        %get3A_379 = tpu.vector_load %arg13[%get3A_377, %get3A_378] {strides = array<i32>} : memref<128x128xf32, #tpu.memory_space<vmem>>, vector<16xf32>,
        %mul3A_380 = arith.mulf %get3A_379, %gather3A_327 : vector<16xf32>
        %swap3A_381 = arith.index_cast %add3A_326 : i32 to index
        %swap3A_382 = arith.constant 112 : index
        %swap3A_383 = tpu.vector_load %arg13[%swap3A_381, %swap3A_382] {strides = array<i32>} : memref<128x128xf32, #tpu.memory_space<vmem>>, vector<16xf32>,
        tpu.vector_store %arg13[%swap3A_381, %swap3A_382], %mul3A_380 {strides = array<i32>} : memref<128x128xf32, #tpu.memory_space<vmem>>, vector<16xf32>,
      }
      "tpu.region"() ({
        %run_scoped3A = tpu.sem_alloc : memref<!tpu.dma_semaphore, #tpu.memory_space<semaphore_mem>>
        %dma_start3A_324 = arith.constant 0 : i32
        %dma_start3A_325 = arith.constant 0 : i32
        %dma_start3A_326 = tpu.memref_slice %arg15[%dma_start3A_324, %dma_start3A_325] : memref<10000x128xf32, #tpu.memory_space<vmem_shared>> -> memref<10000x128xf32, #tpu.memory_space<vmem_shared>>
        tpu.enqueue_indirect_dma source(%arg13 : memref<128x128xf32, #tpu.memory_space<vmem>>) target(%dma_start3A_326 : memref<10000x128xf32, #tpu.memory_space<vmem_shared>>) offsets(%arg9 : memref<128xi32, #tpu.memory_space<vmem>>) semaphore(%run_scoped3A : memref<!tpu.dma_semaphore, #tpu.memory_space<semaphore_mem>>) {add = true}
        %dma_wait3A_327 = arith.constant 0 : i32
        %dma_wait3A_328 = arith.constant 0 : i32
        %dma_wait3A_329 = tpu.memref_slice %arg15[%dma_wait3A_327, %dma_wait3A_328] : memref<10000x128xf32, #tpu.memory_space<vmem_shared>> -> memref<10000x128xf32, #tpu.memory_space<vmem_shared>>
        tpu.wait_indirect_dma semaphore(%run_scoped3A : memref<!tpu.dma_semaphore, #tpu.memory_space<semaphore_mem>>) src(%arg13 : memref<128x128xf32, #tpu.memory_space<vmem>>) dst(%dma_wait3A_329 : memref<10000x128xf32, #tpu.memory_space<vmem_shared>>)
        tpu.yield
      }) : () -> ()
    }
    %while3A_131 = arith.constant 1 : i32
    scf.for %while3A_158 = %while3A_129 to %while3A_125 step %while3A_131  : i32 {
      %mul3A_159 = arith.muli %while3A_158, %while3A_122 : i32
      %add3A_160 = arith.addi %arg1, %mul3A_159 : i32
      "tpu.region"() ({
        %run_scoped3A = tpu.sem_alloc : memref<!tpu.dma_semaphore, #tpu.memory_space<semaphore_mem>>
        %dma_start3A_324 = arith.constant 0 : i32
        %dma_start3A_325 = tpu.memref_slice %arg3[%add3A_160, %dma_start3A_324] : memref<2500x128xi32, #tpu.memory_space<hbm>> -> memref<1x128xi32, #tpu.memory_space<hbm>>
        %dma_start3A_326 = tpu.memref_squeeze %dma_start3A_325 : memref<1x128xi32, #tpu.memory_space<hbm>> -> memref<128xi32, #tpu.memory_space<hbm>>
        %dma_start3A_327 = arith.constant 0 : i32
        %dma_start3A_328 = tpu.memref_slice %arg3[%add3A_160, %dma_start3A_327] : memref<2500x128xi32, #tpu.memory_space<hbm>> -> memref<1x128xi32, #tpu.memory_space<hbm>>
        %dma_start3A_329 = tpu.memref_squeeze %dma_start3A_328 : memref<1x128xi32, #tpu.memory_space<hbm>> -> memref<128xi32, #tpu.memory_space<hbm>>
        tpu.enqueue_dma source(%dma_start3A_329 : memref<128xi32, #tpu.memory_space<hbm>>) target(%arg8 : memref<128xi32, #tpu.memory_space<vmem>>) target_semaphore(%run_scoped3A : memref<!tpu.dma_semaphore, #tpu.memory_space<semaphore_mem>>)
        %dma_wait3A_330 = arith.constant 0 : i32
        %dma_wait3A_331 = tpu.memref_slice %arg3[%add3A_160, %dma_wait3A_330] : memref<2500x128xi32, #tpu.memory_space<hbm>> -> memref<1x128xi32, #tpu.memory_space<hbm>>
        %dma_wait3A_332 = tpu.memref_squeeze %dma_wait3A_331 : memref<1x128xi32, #tpu.memory_space<hbm>> -> memref<128xi32, #tpu.memory_space<hbm>>
        %dma_wait3A_333 = arith.constant 0 : i32
        %dma_wait3A_334 = tpu.memref_slice %arg3[%add3A_160, %dma_wait3A_333] : memref<2500x128xi32, #tpu.memory_space<hbm>> -> memref<1x128xi32, #tpu.memory_space<hbm>>
        %dma_wait3A_335 = tpu.memref_squeeze %dma_wait3A_334 : memref<1x128xi32, #tpu.memory_space<hbm>> -> memref<128xi32, #tpu.memory_space<hbm>>
        tpu.wait_dma2 semaphore(%run_scoped3A : memref<!tpu.dma_semaphore, #tpu.memory_space<semaphore_mem>>) src(%dma_wait3A_335 : memref<128xi32, #tpu.memory_space<hbm>>) dst(%arg8 : memref<128xi32, #tpu.memory_space<vmem>>)
        tpu.yield
      }) : () -> ()
      "tpu.region"() ({
        %run_scoped3A = tpu.sem_alloc : memref<!tpu.dma_semaphore, #tpu.memory_space<semaphore_mem>>
        %dma_start3A_324 = arith.constant 0 : i32
        %dma_start3A_325 = tpu.memref_slice %arg4[%add3A_160, %dma_start3A_324] : memref<2500x128xi32, #tpu.memory_space<hbm>> -> memref<1x128xi32, #tpu.memory_space<hbm>>
        %dma_start3A_326 = tpu.memref_squeeze %dma_start3A_325 : memref<1x128xi32, #tpu.memory_space<hbm>> -> memref<128xi32, #tpu.memory_space<hbm>>
        %dma_start3A_327 = arith.constant 0 : i32
        %dma_start3A_328 = tpu.memref_slice %arg4[%add3A_160, %dma_start3A_327] : memref<2500x128xi32, #tpu.memory_space<hbm>> -> memref<1x128xi32, #tpu.memory_space<hbm>>
        %dma_start3A_329 = tpu.memref_squeeze %dma_start3A_328 : memref<1x128xi32, #tpu.memory_space<hbm>> -> memref<128xi32, #tpu.memory_space<hbm>>
        tpu.enqueue_dma source(%dma_start3A_329 : memref<128xi32, #tpu.memory_space<hbm>>) target(%arg9 : memref<128xi32, #tpu.memory_space<vmem>>) target_semaphore(%run_scoped3A : memref<!tpu.dma_semaphore, #tpu.memory_space<semaphore_mem>>)
        %dma_wait3A_330 = arith.constant 0 : i32
        %dma_wait3A_331 = tpu.memref_slice %arg4[%add3A_160, %dma_wait3A_330] : memref<2500x128xi32, #tpu.memory_space<hbm>> -> memref<1x128xi32, #tpu.memory_space<hbm>>
        %dma_wait3A_332 = tpu.memref_squeeze %dma_wait3A_331 : memref<1x128xi32, #tpu.memory_space<hbm>> -> memref<128xi32, #tpu.memory_space<hbm>>
        %dma_wait3A_333 = arith.constant 0 : i32
        %dma_wait3A_334 = tpu.memref_slice %arg4[%add3A_160, %dma_wait3A_333] : memref<2500x128xi32, #tpu.memory_space<hbm>> -> memref<1x128xi32, #tpu.memory_space<hbm>>
        %dma_wait3A_335 = tpu.memref_squeeze %dma_wait3A_334 : memref<1x128xi32, #tpu.memory_space<hbm>> -> memref<128xi32, #tpu.memory_space<hbm>>
        tpu.wait_dma2 semaphore(%run_scoped3A : memref<!tpu.dma_semaphore, #tpu.memory_space<semaphore_mem>>) src(%dma_wait3A_335 : memref<128xi32, #tpu.memory_space<hbm>>) dst(%arg9 : memref<128xi32, #tpu.memory_space<vmem>>)
        tpu.yield
      }) : () -> ()
      "tpu.region"() ({
        %run_scoped3A = tpu.sem_alloc : memref<!tpu.dma_semaphore, #tpu.memory_space<semaphore_mem>>
        %dma_start3A_324 = arith.constant 0 : i32
        %dma_start3A_325 = tpu.memref_slice %arg5[%add3A_160, %dma_start3A_324] : memref<2500x128xf32, #tpu.memory_space<hbm>> -> memref<1x128xf32, #tpu.memory_space<hbm>>
        %dma_start3A_326 = tpu.memref_squeeze %dma_start3A_325 : memref<1x128xf32, #tpu.memory_space<hbm>> -> memref<128xf32, #tpu.memory_space<hbm>>
        %dma_start3A_327 = arith.constant 0 : i32
        %dma_start3A_328 = tpu.memref_slice %arg5[%add3A_160, %dma_start3A_327] : memref<2500x128xf32, #tpu.memory_space<hbm>> -> memref<1x128xf32, #tpu.memory_space<hbm>>
        %dma_start3A_329 = tpu.memref_squeeze %dma_start3A_328 : memref<1x128xf32, #tpu.memory_space<hbm>> -> memref<128xf32, #tpu.memory_space<hbm>>
        tpu.enqueue_dma source(%dma_start3A_329 : memref<128xf32, #tpu.memory_space<hbm>>) target(%arg10 : memref<128xf32, #tpu.memory_space<vmem>>) target_semaphore(%run_scoped3A : memref<!tpu.dma_semaphore, #tpu.memory_space<semaphore_mem>>)
        %dma_wait3A_330 = arith.constant 0 : i32
        %dma_wait3A_331 = tpu.memref_slice %arg5[%add3A_160, %dma_wait3A_330] : memref<2500x128xf32, #tpu.memory_space<hbm>> -> memref<1x128xf32, #tpu.memory_space<hbm>>
        %dma_wait3A_332 = tpu.memref_squeeze %dma_wait3A_331 : memref<1x128xf32, #tpu.memory_space<hbm>> -> memref<128xf32, #tpu.memory_space<hbm>>
        %dma_wait3A_333 = arith.constant 0 : i32
        %dma_wait3A_334 = tpu.memref_slice %arg5[%add3A_160, %dma_wait3A_333] : memref<2500x128xf32, #tpu.memory_space<hbm>> -> memref<1x128xf32, #tpu.memory_space<hbm>>
        %dma_wait3A_335 = tpu.memref_squeeze %dma_wait3A_334 : memref<1x128xf32, #tpu.memory_space<hbm>> -> memref<128xf32, #tpu.memory_space<hbm>>
        tpu.wait_dma2 semaphore(%run_scoped3A : memref<!tpu.dma_semaphore, #tpu.memory_space<semaphore_mem>>) src(%dma_wait3A_335 : memref<128xf32, #tpu.memory_space<hbm>>) dst(%arg10 : memref<128xf32, #tpu.memory_space<vmem>>)
        tpu.yield
      }) : () -> ()
      %get3A = arith.constant 0 : index
      %get3A_161 = tpu.vector_load %arg8[%get3A] {strides = array<i32>} : memref<128xi32, #tpu.memory_space<vmem>>, vector<16xi32>,
      %get3A_162 = arith.constant 0 : index
      %get3A_163 = tpu.vector_load %arg9[%get3A_162] {strides = array<i32>} : memref<128xi32, #tpu.memory_space<vmem>>, vector<16xi32>,
      %get3A_164 = arith.constant 0 : index
      %get3A_165 = tpu.vector_load %arg10[%get3A_164] {strides = array<i32>} : memref<128xf32, #tpu.memory_space<vmem>>, vector<16xf32>,
      %mul3A_166 = arith.constant 10000 : i32
      %mul3A_167 = arith.muli %arg0, %mul3A_166 : i32
      %add3A_168 = vector.broadcast %mul3A_167 : i32 to vector<16xi32>
      %add3A_169 = arith.addi %get3A_161, %add3A_168 : vector<16xi32>
      %swap3A = arith.constant 0 : index
      %swap3A_170 = tpu.vector_load %arg11[%swap3A] {strides = array<i32>} : memref<128xi32, #tpu.memory_space<vmem>>, vector<16xi32>,
      tpu.vector_store %arg11[%swap3A], %add3A_169 {strides = array<i32>} : memref<128xi32, #tpu.memory_space<vmem>>, vector<16xi32>,
      %gather3A = tpu.vector_load_idx %arg14[%get3A_161] : memref<10000xf32, #tpu.memory_space<vmem>>[vector<16xi32>], vector<16xf32>,
      %gather3A_171 = tpu.vector_load_idx %arg14[%get3A_163] : memref<10000xf32, #tpu.memory_space<vmem>>[vector<16xi32>], vector<16xf32>,
      %mul3A_172 = arith.mulf %gather3A, %get3A_165 : vector<16xf32>
      %mul3A_173 = arith.mulf %mul3A_172, %gather3A_171 : vector<16xf32>
      %swap3A_174 = arith.constant 0 : index
      %swap3A_175 = tpu.vector_load %arg12[%swap3A_174] {strides = array<i32>} : memref<128xf32, #tpu.memory_space<vmem>>, vector<16xf32>,
      tpu.vector_store %arg12[%swap3A_174], %mul3A_173 {strides = array<i32>} : memref<128xf32, #tpu.memory_space<vmem>>, vector<16xf32>,
      %get3A_176 = arith.constant 16 : index
      %get3A_177 = tpu.vector_load %arg8[%get3A_176] {strides = array<i32>} : memref<128xi32, #tpu.memory_space<vmem>>, vector<16xi32>,
      %get3A_178 = arith.constant 16 : index
      %get3A_179 = tpu.vector_load %arg9[%get3A_178] {strides = array<i32>} : memref<128xi32, #tpu.memory_space<vmem>>, vector<16xi32>,
      %get3A_180 = arith.constant 16 : index
      %get3A_181 = tpu.vector_load %arg10[%get3A_180] {strides = array<i32>} : memref<128xf32, #tpu.memory_space<vmem>>, vector<16xf32>,
      %mul3A_182 = arith.constant 10000 : i32
      %mul3A_183 = arith.muli %arg0, %mul3A_182 : i32
      %add3A_184 = vector.broadcast %mul3A_183 : i32 to vector<16xi32>
      %add3A_185 = arith.addi %get3A_177, %add3A_184 : vector<16xi32>
      %swap3A_186 = arith.constant 16 : index
      %swap3A_187 = tpu.vector_load %arg11[%swap3A_186] {strides = array<i32>} : memref<128xi32, #tpu.memory_space<vmem>>, vector<16xi32>,
      tpu.vector_store %arg11[%swap3A_186], %add3A_185 {strides = array<i32>} : memref<128xi32, #tpu.memory_space<vmem>>, vector<16xi32>,
      %gather3A_188 = tpu.vector_load_idx %arg14[%get3A_177] : memref<10000xf32, #tpu.memory_space<vmem>>[vector<16xi32>], vector<16xf32>,
      %gather3A_189 = tpu.vector_load_idx %arg14[%get3A_179] : memref<10000xf32, #tpu.memory_space<vmem>>[vector<16xi32>], vector<16xf32>,
      %mul3A_190 = arith.mulf %gather3A_188, %get3A_181 : vector<16xf32>
      %mul3A_191 = arith.mulf %mul3A_190, %gather3A_189 : vector<16xf32>
      %swap3A_192 = arith.constant 16 : index
      %swap3A_193 = tpu.vector_load %arg12[%swap3A_192] {strides = array<i32>} : memref<128xf32, #tpu.memory_space<vmem>>, vector<16xf32>,
      tpu.vector_store %arg12[%swap3A_192], %mul3A_191 {strides = array<i32>} : memref<128xf32, #tpu.memory_space<vmem>>, vector<16xf32>,
      %get3A_194 = arith.constant 32 : index
      %get3A_195 = tpu.vector_load %arg8[%get3A_194] {strides = array<i32>} : memref<128xi32, #tpu.memory_space<vmem>>, vector<16xi32>,
      %get3A_196 = arith.constant 32 : index
      %get3A_197 = tpu.vector_load %arg9[%get3A_196] {strides = array<i32>} : memref<128xi32, #tpu.memory_space<vmem>>, vector<16xi32>,
      %get3A_198 = arith.constant 32 : index
      %get3A_199 = tpu.vector_load %arg10[%get3A_198] {strides = array<i32>} : memref<128xf32, #tpu.memory_space<vmem>>, vector<16xf32>,
      %mul3A_200 = arith.constant 10000 : i32
      %mul3A_201 = arith.muli %arg0, %mul3A_200 : i32
      %add3A_202 = vector.broadcast %mul3A_201 : i32 to vector<16xi32>
      %add3A_203 = arith.addi %get3A_195, %add3A_202 : vector<16xi32>
      %swap3A_204 = arith.constant 32 : index
      %swap3A_205 = tpu.vector_load %arg11[%swap3A_204] {strides = array<i32>} : memref<128xi32, #tpu.memory_space<vmem>>, vector<16xi32>,
      tpu.vector_store %arg11[%swap3A_204], %add3A_203 {strides = array<i32>} : memref<128xi32, #tpu.memory_space<vmem>>, vector<16xi32>,
      %gather3A_206 = tpu.vector_load_idx %arg14[%get3A_195] : memref<10000xf32, #tpu.memory_space<vmem>>[vector<16xi32>], vector<16xf32>,
      %gather3A_207 = tpu.vector_load_idx %arg14[%get3A_197] : memref<10000xf32, #tpu.memory_space<vmem>>[vector<16xi32>], vector<16xf32>,
      %mul3A_208 = arith.mulf %gather3A_206, %get3A_199 : vector<16xf32>
      %mul3A_209 = arith.mulf %mul3A_208, %gather3A_207 : vector<16xf32>
      %swap3A_210 = arith.constant 32 : index
      %swap3A_211 = tpu.vector_load %arg12[%swap3A_210] {strides = array<i32>} : memref<128xf32, #tpu.memory_space<vmem>>, vector<16xf32>,
      tpu.vector_store %arg12[%swap3A_210], %mul3A_209 {strides = array<i32>} : memref<128xf32, #tpu.memory_space<vmem>>, vector<16xf32>,
      %get3A_212 = arith.constant 48 : index
      %get3A_213 = tpu.vector_load %arg8[%get3A_212] {strides = array<i32>} : memref<128xi32, #tpu.memory_space<vmem>>, vector<16xi32>,
      %get3A_214 = arith.constant 48 : index
      %get3A_215 = tpu.vector_load %arg9[%get3A_214] {strides = array<i32>} : memref<128xi32, #tpu.memory_space<vmem>>, vector<16xi32>,
      %get3A_216 = arith.constant 48 : index
      %get3A_217 = tpu.vector_load %arg10[%get3A_216] {strides = array<i32>} : memref<128xf32, #tpu.memory_space<vmem>>, vector<16xf32>,
      %mul3A_218 = arith.constant 10000 : i32
      %mul3A_219 = arith.muli %arg0, %mul3A_218 : i32
      %add3A_220 = vector.broadcast %mul3A_219 : i32 to vector<16xi32>
      %add3A_221 = arith.addi %get3A_213, %add3A_220 : vector<16xi32>
      %swap3A_222 = arith.constant 48 : index
      %swap3A_223 = tpu.vector_load %arg11[%swap3A_222] {strides = array<i32>} : memref<128xi32, #tpu.memory_space<vmem>>, vector<16xi32>,
      tpu.vector_store %arg11[%swap3A_222], %add3A_221 {strides = array<i32>} : memref<128xi32, #tpu.memory_space<vmem>>, vector<16xi32>,
      %gather3A_224 = tpu.vector_load_idx %arg14[%get3A_213] : memref<10000xf32, #tpu.memory_space<vmem>>[vector<16xi32>], vector<16xf32>,
      %gather3A_225 = tpu.vector_load_idx %arg14[%get3A_215] : memref<10000xf32, #tpu.memory_space<vmem>>[vector<16xi32>], vector<16xf32>,
      %mul3A_226 = arith.mulf %gather3A_224, %get3A_217 : vector<16xf32>
      %mul3A_227 = arith.mulf %mul3A_226, %gather3A_225 : vector<16xf32>
      %swap3A_228 = arith.constant 48 : index
      %swap3A_229 = tpu.vector_load %arg12[%swap3A_228] {strides = array<i32>} : memref<128xf32, #tpu.memory_space<vmem>>, vector<16xf32>,
      tpu.vector_store %arg12[%swap3A_228], %mul3A_227 {strides = array<i32>} : memref<128xf32, #tpu.memory_space<vmem>>, vector<16xf32>,
      %get3A_230 = arith.constant 64 : index
      %get3A_231 = tpu.vector_load %arg8[%get3A_230] {strides = array<i32>} : memref<128xi32, #tpu.memory_space<vmem>>, vector<16xi32>,
      %get3A_232 = arith.constant 64 : index
      %get3A_233 = tpu.vector_load %arg9[%get3A_232] {strides = array<i32>} : memref<128xi32, #tpu.memory_space<vmem>>, vector<16xi32>,
      %get3A_234 = arith.constant 64 : index
      %get3A_235 = tpu.vector_load %arg10[%get3A_234] {strides = array<i32>} : memref<128xf32, #tpu.memory_space<vmem>>, vector<16xf32>,
      %mul3A_236 = arith.constant 10000 : i32
      %mul3A_237 = arith.muli %arg0, %mul3A_236 : i32
      %add3A_238 = vector.broadcast %mul3A_237 : i32 to vector<16xi32>
      %add3A_239 = arith.addi %get3A_231, %add3A_238 : vector<16xi32>
      %swap3A_240 = arith.constant 64 : index
      %swap3A_241 = tpu.vector_load %arg11[%swap3A_240] {strides = array<i32>} : memref<128xi32, #tpu.memory_space<vmem>>, vector<16xi32>,
      tpu.vector_store %arg11[%swap3A_240], %add3A_239 {strides = array<i32>} : memref<128xi32, #tpu.memory_space<vmem>>, vector<16xi32>,
      %gather3A_242 = tpu.vector_load_idx %arg14[%get3A_231] : memref<10000xf32, #tpu.memory_space<vmem>>[vector<16xi32>], vector<16xf32>,
      %gather3A_243 = tpu.vector_load_idx %arg14[%get3A_233] : memref<10000xf32, #tpu.memory_space<vmem>>[vector<16xi32>], vector<16xf32>,
      %mul3A_244 = arith.mulf %gather3A_242, %get3A_235 : vector<16xf32>
      %mul3A_245 = arith.mulf %mul3A_244, %gather3A_243 : vector<16xf32>
      %swap3A_246 = arith.constant 64 : index
      %swap3A_247 = tpu.vector_load %arg12[%swap3A_246] {strides = array<i32>} : memref<128xf32, #tpu.memory_space<vmem>>, vector<16xf32>,
      tpu.vector_store %arg12[%swap3A_246], %mul3A_245 {strides = array<i32>} : memref<128xf32, #tpu.memory_space<vmem>>, vector<16xf32>,
      %get3A_248 = arith.constant 80 : index
      %get3A_249 = tpu.vector_load %arg8[%get3A_248] {strides = array<i32>} : memref<128xi32, #tpu.memory_space<vmem>>, vector<16xi32>,
      %get3A_250 = arith.constant 80 : index
      %get3A_251 = tpu.vector_load %arg9[%get3A_250] {strides = array<i32>} : memref<128xi32, #tpu.memory_space<vmem>>, vector<16xi32>,
      %get3A_252 = arith.constant 80 : index
      %get3A_253 = tpu.vector_load %arg10[%get3A_252] {strides = array<i32>} : memref<128xf32, #tpu.memory_space<vmem>>, vector<16xf32>,
      %mul3A_254 = arith.constant 10000 : i32
      %mul3A_255 = arith.muli %arg0, %mul3A_254 : i32
      %add3A_256 = vector.broadcast %mul3A_255 : i32 to vector<16xi32>
      %add3A_257 = arith.addi %get3A_249, %add3A_256 : vector<16xi32>
      %swap3A_258 = arith.constant 80 : index
      %swap3A_259 = tpu.vector_load %arg11[%swap3A_258] {strides = array<i32>} : memref<128xi32, #tpu.memory_space<vmem>>, vector<16xi32>,
      tpu.vector_store %arg11[%swap3A_258], %add3A_257 {strides = array<i32>} : memref<128xi32, #tpu.memory_space<vmem>>, vector<16xi32>,
      %gather3A_260 = tpu.vector_load_idx %arg14[%get3A_249] : memref<10000xf32, #tpu.memory_space<vmem>>[vector<16xi32>], vector<16xf32>,
      %gather3A_261 = tpu.vector_load_idx %arg14[%get3A_251] : memref<10000xf32, #tpu.memory_space<vmem>>[vector<16xi32>], vector<16xf32>,
      %mul3A_262 = arith.mulf %gather3A_260, %get3A_253 : vector<16xf32>
      %mul3A_263 = arith.mulf %mul3A_262, %gather3A_261 : vector<16xf32>
      %swap3A_264 = arith.constant 80 : index
      %swap3A_265 = tpu.vector_load %arg12[%swap3A_264] {strides = array<i32>} : memref<128xf32, #tpu.memory_space<vmem>>, vector<16xf32>,
      tpu.vector_store %arg12[%swap3A_264], %mul3A_263 {strides = array<i32>} : memref<128xf32, #tpu.memory_space<vmem>>, vector<16xf32>,
      %get3A_266 = arith.constant 96 : index
      %get3A_267 = tpu.vector_load %arg8[%get3A_266] {strides = array<i32>} : memref<128xi32, #tpu.memory_space<vmem>>, vector<16xi32>,
      %get3A_268 = arith.constant 96 : index
      %get3A_269 = tpu.vector_load %arg9[%get3A_268] {strides = array<i32>} : memref<128xi32, #tpu.memory_space<vmem>>, vector<16xi32>,
      %get3A_270 = arith.constant 96 : index
      %get3A_271 = tpu.vector_load %arg10[%get3A_270] {strides = array<i32>} : memref<128xf32, #tpu.memory_space<vmem>>, vector<16xf32>,
      %mul3A_272 = arith.constant 10000 : i32
      %mul3A_273 = arith.muli %arg0, %mul3A_272 : i32
      %add3A_274 = vector.broadcast %mul3A_273 : i32 to vector<16xi32>
      %add3A_275 = arith.addi %get3A_267, %add3A_274 : vector<16xi32>
      %swap3A_276 = arith.constant 96 : index
      %swap3A_277 = tpu.vector_load %arg11[%swap3A_276] {strides = array<i32>} : memref<128xi32, #tpu.memory_space<vmem>>, vector<16xi32>,
      tpu.vector_store %arg11[%swap3A_276], %add3A_275 {strides = array<i32>} : memref<128xi32, #tpu.memory_space<vmem>>, vector<16xi32>,
      %gather3A_278 = tpu.vector_load_idx %arg14[%get3A_267] : memref<10000xf32, #tpu.memory_space<vmem>>[vector<16xi32>], vector<16xf32>,
      %gather3A_279 = tpu.vector_load_idx %arg14[%get3A_269] : memref<10000xf32, #tpu.memory_space<vmem>>[vector<16xi32>], vector<16xf32>,
      %mul3A_280 = arith.mulf %gather3A_278, %get3A_271 : vector<16xf32>
      %mul3A_281 = arith.mulf %mul3A_280, %gather3A_279 : vector<16xf32>
      %swap3A_282 = arith.constant 96 : index
      %swap3A_283 = tpu.vector_load %arg12[%swap3A_282] {strides = array<i32>} : memref<128xf32, #tpu.memory_space<vmem>>, vector<16xf32>,
      tpu.vector_store %arg12[%swap3A_282], %mul3A_281 {strides = array<i32>} : memref<128xf32, #tpu.memory_space<vmem>>, vector<16xf32>,
      %get3A_284 = arith.constant 112 : index
      %get3A_285 = tpu.vector_load %arg8[%get3A_284] {strides = array<i32>} : memref<128xi32, #tpu.memory_space<vmem>>, vector<16xi32>,
      %get3A_286 = arith.constant 112 : index
      %get3A_287 = tpu.vector_load %arg9[%get3A_286] {strides = array<i32>} : memref<128xi32, #tpu.memory_space<vmem>>, vector<16xi32>,
      %get3A_288 = arith.constant 112 : index
      %get3A_289 = tpu.vector_load %arg10[%get3A_288] {strides = array<i32>} : memref<128xf32, #tpu.memory_space<vmem>>, vector<16xf32>,
      %mul3A_290 = arith.constant 10000 : i32
      %mul3A_291 = arith.muli %arg0, %mul3A_290 : i32
      %add3A_292 = vector.broadcast %mul3A_291 : i32 to vector<16xi32>
      %add3A_293 = arith.addi %get3A_285, %add3A_292 : vector<16xi32>
      %swap3A_294 = arith.constant 112 : index
      %swap3A_295 = tpu.vector_load %arg11[%swap3A_294] {strides = array<i32>} : memref<128xi32, #tpu.memory_space<vmem>>, vector<16xi32>,
      tpu.vector_store %arg11[%swap3A_294], %add3A_293 {strides = array<i32>} : memref<128xi32, #tpu.memory_space<vmem>>, vector<16xi32>,
      %gather3A_296 = tpu.vector_load_idx %arg14[%get3A_285] : memref<10000xf32, #tpu.memory_space<vmem>>[vector<16xi32>], vector<16xf32>,
      %gather3A_297 = tpu.vector_load_idx %arg14[%get3A_287] : memref<10000xf32, #tpu.memory_space<vmem>>[vector<16xi32>], vector<16xf32>,
      %mul3A_298 = arith.mulf %gather3A_296, %get3A_289 : vector<16xf32>
      %mul3A_299 = arith.mulf %mul3A_298, %gather3A_297 : vector<16xf32>
      %swap3A_300 = arith.constant 112 : index
      %swap3A_301 = tpu.vector_load %arg12[%swap3A_300] {strides = array<i32>} : memref<128xf32, #tpu.memory_space<vmem>>, vector<16xf32>,
      tpu.vector_store %arg12[%swap3A_300], %mul3A_299 {strides = array<i32>} : memref<128xf32, #tpu.memory_space<vmem>>, vector<16xf32>,
      %dma_start3A = arith.constant 0 : i32
      %dma_start3A_302 = arith.constant 0 : i32
      %dma_start3A_303 = tpu.memref_slice %arg2[%dma_start3A, %dma_start3A_302] : memref<20000x128xf32, #tpu.memory_space<hbm>> -> memref<20000x128xf32, #tpu.memory_space<hbm>>
      tpu.enqueue_indirect_dma source(%dma_start3A_303 : memref<20000x128xf32, #tpu.memory_space<hbm>>) target(%arg13 : memref<128x128xf32, #tpu.memory_space<vmem>>) offsets(%arg11 : memref<128xi32, #tpu.memory_space<vmem>>) semaphore(%arg16 : memref<!tpu.dma_semaphore, #tpu.memory_space<semaphore_mem>>)
      %dma_wait3A = arith.constant 0 : i32
      %dma_wait3A_304 = arith.constant 0 : i32
      %dma_wait3A_305 = tpu.memref_slice %arg2[%dma_wait3A, %dma_wait3A_304] : memref<20000x128xf32, #tpu.memory_space<hbm>> -> memref<20000x128xf32, #tpu.memory_space<hbm>>
      tpu.wait_indirect_dma semaphore(%arg16 : memref<!tpu.dma_semaphore, #tpu.memory_space<semaphore_mem>>) src(%dma_wait3A_305 : memref<20000x128xf32, #tpu.memory_space<hbm>>) dst(%arg13 : memref<128x128xf32, #tpu.memory_space<vmem>>)
      %sub3A_306 = arith.constant 128 : i32
      %sub3A_307 = arith.subi %sub3A_306, %mul3A_0 : i32
      %sub3A_308 = arith.constant 1 : i32
      %sub3A_309 = arith.constant 1 : i32
      %sub3A_310 = arith.subi %sub3A_308, %sub3A_309 : i32
      %add3A_311 = arith.addi %sub3A_307, %sub3A_310 : i32
      %div3A_312 = arith.constant 1 : i32
      %div3A_313 = arith.divsi %add3A_311, %div3A_312 : i32
      %while3A_314 = arith.constant 1 : i32
      %while3A_315 = arith.constant 0 : i32
      %while3A_316 = arith.subi %div3A_313, %while3A_315 : i32
      %while3A_317 = arith.addi %while3A_315, %while3A_316 : i32
      %while3A_318 = arith.constant 1 : i32
      %while3A_319 = arith.divsi %while3A_316, %while3A_318 : i32
      %while3A_320 = arith.muli %while3A_319, %while3A_318 : i32
      %while3A_321 = arith.addi %while3A_315, %while3A_320 : i32
      %while3A_322 = arith.constant 1 : i32
      scf.for %while3A_324 = %while3A_315 to %while3A_321 step %while3A_322  : i32 {
        %mul3A_325 = arith.muli %while3A_324, %while3A_314 : i32
        %add3A_326 = arith.addi %mul3A_0, %mul3A_325 : i32
        %broadcast_in_dim3A = vector.broadcast %add3A_326 : i32 to vector<16xi32>
        %gather3A_327 = tpu.vector_load_idx %arg12[%broadcast_in_dim3A] : memref<128xf32, #tpu.memory_space<vmem>>[vector<16xi32>], vector<16xf32>,
        %get3A_328 = arith.index_cast %add3A_326 : i32 to index
        %get3A_329 = arith.constant 0 : index
        %get3A_330 = tpu.vector_load %arg13[%get3A_328, %get3A_329] {strides = array<i32>} : memref<128x128xf32, #tpu.memory_space<vmem>>, vector<16xf32>,
        %mul3A_331 = arith.mulf %get3A_330, %gather3A_327 : vector<16xf32>
        %swap3A_332 = arith.index_cast %add3A_326 : i32 to index
        %swap3A_333 = arith.constant 0 : index
        %swap3A_334 = tpu.vector_load %arg13[%swap3A_332, %swap3A_333] {strides = array<i32>} : memref<128x128xf32, #tpu.memory_space<vmem>>, vector<16xf32>,
        tpu.vector_store %arg13[%swap3A_332, %swap3A_333], %mul3A_331 {strides = array<i32>} : memref<128x128xf32, #tpu.memory_space<vmem>>, vector<16xf32>,
        %get3A_335 = arith.index_cast %add3A_326 : i32 to index
        %get3A_336 = arith.constant 16 : index
        %get3A_337 = tpu.vector_load %arg13[%get3A_335, %get3A_336] {strides = array<i32>} : memref<128x128xf32, #tpu.memory_space<vmem>>, vector<16xf32>,
        %mul3A_338 = arith.mulf %get3A_337, %gather3A_327 : vector<16xf32>
        %swap3A_339 = arith.index_cast %add3A_326 : i32 to index
        %swap3A_340 = arith.constant 16 : index
        %swap3A_341 = tpu.vector_load %arg13[%swap3A_339, %swap3A_340] {strides = array<i32>} : memref<128x128xf32, #tpu.memory_space<vmem>>, vector<16xf32>,
        tpu.vector_store %arg13[%swap3A_339, %swap3A_340], %mul3A_338 {strides = array<i32>} : memref<128x128xf32, #tpu.memory_space<vmem>>, vector<16xf32>,
        %get3A_342 = arith.index_cast %add3A_326 : i32 to index
        %get3A_343 = arith.constant 32 : index
        %get3A_344 = tpu.vector_load %arg13[%get3A_342, %get3A_343] {strides = array<i32>} : memref<128x128xf32, #tpu.memory_space<vmem>>, vector<16xf32>,
        %mul3A_345 = arith.mulf %get3A_344, %gather3A_327 : vector<16xf32>
        %swap3A_346 = arith.index_cast %add3A_326 : i32 to index
        %swap3A_347 = arith.constant 32 : index
        %swap3A_348 = tpu.vector_load %arg13[%swap3A_346, %swap3A_347] {strides = array<i32>} : memref<128x128xf32, #tpu.memory_space<vmem>>, vector<16xf32>,
        tpu.vector_store %arg13[%swap3A_346, %swap3A_347], %mul3A_345 {strides = array<i32>} : memref<128x128xf32, #tpu.memory_space<vmem>>, vector<16xf32>,
        %get3A_349 = arith.index_cast %add3A_326 : i32 to index
        %get3A_350 = arith.constant 48 : index
        %get3A_351 = tpu.vector_load %arg13[%get3A_349, %get3A_350] {strides = array<i32>} : memref<128x128xf32, #tpu.memory_space<vmem>>, vector<16xf32>,
        %mul3A_352 = arith.mulf %get3A_351, %gather3A_327 : vector<16xf32>
        %swap3A_353 = arith.index_cast %add3A_326 : i32 to index
        %swap3A_354 = arith.constant 48 : index
        %swap3A_355 = tpu.vector_load %arg13[%swap3A_353, %swap3A_354] {strides = array<i32>} : memref<128x128xf32, #tpu.memory_space<vmem>>, vector<16xf32>,
        tpu.vector_store %arg13[%swap3A_353, %swap3A_354], %mul3A_352 {strides = array<i32>} : memref<128x128xf32, #tpu.memory_space<vmem>>, vector<16xf32>,
        %get3A_356 = arith.index_cast %add3A_326 : i32 to index
        %get3A_357 = arith.constant 64 : index
        %get3A_358 = tpu.vector_load %arg13[%get3A_356, %get3A_357] {strides = array<i32>} : memref<128x128xf32, #tpu.memory_space<vmem>>, vector<16xf32>,
        %mul3A_359 = arith.mulf %get3A_358, %gather3A_327 : vector<16xf32>
        %swap3A_360 = arith.index_cast %add3A_326 : i32 to index
        %swap3A_361 = arith.constant 64 : index
        %swap3A_362 = tpu.vector_load %arg13[%swap3A_360, %swap3A_361] {strides = array<i32>} : memref<128x128xf32, #tpu.memory_space<vmem>>, vector<16xf32>,
        tpu.vector_store %arg13[%swap3A_360, %swap3A_361], %mul3A_359 {strides = array<i32>} : memref<128x128xf32, #tpu.memory_space<vmem>>, vector<16xf32>,
        %get3A_363 = arith.index_cast %add3A_326 : i32 to index
        %get3A_364 = arith.constant 80 : index
        %get3A_365 = tpu.vector_load %arg13[%get3A_363, %get3A_364] {strides = array<i32>} : memref<128x128xf32, #tpu.memory_space<vmem>>, vector<16xf32>,
        %mul3A_366 = arith.mulf %get3A_365, %gather3A_327 : vector<16xf32>
        %swap3A_367 = arith.index_cast %add3A_326 : i32 to index
        %swap3A_368 = arith.constant 80 : index
        %swap3A_369 = tpu.vector_load %arg13[%swap3A_367, %swap3A_368] {strides = array<i32>} : memref<128x128xf32, #tpu.memory_space<vmem>>, vector<16xf32>,
        tpu.vector_store %arg13[%swap3A_367, %swap3A_368], %mul3A_366 {strides = array<i32>} : memref<128x128xf32, #tpu.memory_space<vmem>>, vector<16xf32>,
        %get3A_370 = arith.index_cast %add3A_326 : i32 to index
        %get3A_371 = arith.constant 96 : index
        %get3A_372 = tpu.vector_load %arg13[%get3A_370, %get3A_371] {strides = array<i32>} : memref<128x128xf32, #tpu.memory_space<vmem>>, vector<16xf32>,
        %mul3A_373 = arith.mulf %get3A_372, %gather3A_327 : vector<16xf32>
        %swap3A_374 = arith.index_cast %add3A_326 : i32 to index
        %swap3A_375 = arith.constant 96 : index
        %swap3A_376 = tpu.vector_load %arg13[%swap3A_374, %swap3A_375] {strides = array<i32>} : memref<128x128xf32, #tpu.memory_space<vmem>>, vector<16xf32>,
        tpu.vector_store %arg13[%swap3A_374, %swap3A_375], %mul3A_373 {strides = array<i32>} : memref<128x128xf32, #tpu.memory_space<vmem>>, vector<16xf32>,
        %get3A_377 = arith.index_cast %add3A_326 : i32 to index
        %get3A_378 = arith.constant 112 : index
        %get3A_379 = tpu.vector_load %arg13[%get3A_377, %get3A_378] {strides = array<i32>} : memref<128x128xf32, #tpu.memory_space<vmem>>, vector<16xf32>,
        %mul3A_380 = arith.mulf %get3A_379, %gather3A_327 : vector<16xf32>
        %swap3A_381 = arith.index_cast %add3A_326 : i32 to index
        %swap3A_382 = arith.constant 112 : index
        %swap3A_383 = tpu.vector_load %arg13[%swap3A_381, %swap3A_382] {strides = array<i32>} : memref<128x128xf32, #tpu.memory_space<vmem>>, vector<16xf32>,
        tpu.vector_store %arg13[%swap3A_381, %swap3A_382], %mul3A_380 {strides = array<i32>} : memref<128x128xf32, #tpu.memory_space<vmem>>, vector<16xf32>,
      }
      %while3A_323 = arith.constant 1 : i32
      scf.for %while3A_324 = %while3A_321 to %while3A_317 step %while3A_323  : i32 {
        %mul3A_325 = arith.muli %while3A_324, %while3A_314 : i32
        %add3A_326 = arith.addi %mul3A_0, %mul3A_325 : i32
        %broadcast_in_dim3A = vector.broadcast %add3A_326 : i32 to vector<16xi32>
        %gather3A_327 = tpu.vector_load_idx %arg12[%broadcast_in_dim3A] : memref<128xf32, #tpu.memory_space<vmem>>[vector<16xi32>], vector<16xf32>,
        %get3A_328 = arith.index_cast %add3A_326 : i32 to index
        %get3A_329 = arith.constant 0 : index
        %get3A_330 = tpu.vector_load %arg13[%get3A_328, %get3A_329] {strides = array<i32>} : memref<128x128xf32, #tpu.memory_space<vmem>>, vector<16xf32>,
        %mul3A_331 = arith.mulf %get3A_330, %gather3A_327 : vector<16xf32>
        %swap3A_332 = arith.index_cast %add3A_326 : i32 to index
        %swap3A_333 = arith.constant 0 : index
        %swap3A_334 = tpu.vector_load %arg13[%swap3A_332, %swap3A_333] {strides = array<i32>} : memref<128x128xf32, #tpu.memory_space<vmem>>, vector<16xf32>,
        tpu.vector_store %arg13[%swap3A_332, %swap3A_333], %mul3A_331 {strides = array<i32>} : memref<128x128xf32, #tpu.memory_space<vmem>>, vector<16xf32>,
        %get3A_335 = arith.index_cast %add3A_326 : i32 to index
        %get3A_336 = arith.constant 16 : index
        %get3A_337 = tpu.vector_load %arg13[%get3A_335, %get3A_336] {strides = array<i32>} : memref<128x128xf32, #tpu.memory_space<vmem>>, vector<16xf32>,
        %mul3A_338 = arith.mulf %get3A_337, %gather3A_327 : vector<16xf32>
        %swap3A_339 = arith.index_cast %add3A_326 : i32 to index
        %swap3A_340 = arith.constant 16 : index
        %swap3A_341 = tpu.vector_load %arg13[%swap3A_339, %swap3A_340] {strides = array<i32>} : memref<128x128xf32, #tpu.memory_space<vmem>>, vector<16xf32>,
        tpu.vector_store %arg13[%swap3A_339, %swap3A_340], %mul3A_338 {strides = array<i32>} : memref<128x128xf32, #tpu.memory_space<vmem>>, vector<16xf32>,
        %get3A_342 = arith.index_cast %add3A_326 : i32 to index
        %get3A_343 = arith.constant 32 : index
        %get3A_344 = tpu.vector_load %arg13[%get3A_342, %get3A_343] {strides = array<i32>} : memref<128x128xf32, #tpu.memory_space<vmem>>, vector<16xf32>,
        %mul3A_345 = arith.mulf %get3A_344, %gather3A_327 : vector<16xf32>
        %swap3A_346 = arith.index_cast %add3A_326 : i32 to index
        %swap3A_347 = arith.constant 32 : index
        %swap3A_348 = tpu.vector_load %arg13[%swap3A_346, %swap3A_347] {strides = array<i32>} : memref<128x128xf32, #tpu.memory_space<vmem>>, vector<16xf32>,
        tpu.vector_store %arg13[%swap3A_346, %swap3A_347], %mul3A_345 {strides = array<i32>} : memref<128x128xf32, #tpu.memory_space<vmem>>, vector<16xf32>,
        %get3A_349 = arith.index_cast %add3A_326 : i32 to index
        %get3A_350 = arith.constant 48 : index
        %get3A_351 = tpu.vector_load %arg13[%get3A_349, %get3A_350] {strides = array<i32>} : memref<128x128xf32, #tpu.memory_space<vmem>>, vector<16xf32>,
        %mul3A_352 = arith.mulf %get3A_351, %gather3A_327 : vector<16xf32>
        %swap3A_353 = arith.index_cast %add3A_326 : i32 to index
        %swap3A_354 = arith.constant 48 : index
        %swap3A_355 = tpu.vector_load %arg13[%swap3A_353, %swap3A_354] {strides = array<i32>} : memref<128x128xf32, #tpu.memory_space<vmem>>, vector<16xf32>,
        tpu.vector_store %arg13[%swap3A_353, %swap3A_354], %mul3A_352 {strides = array<i32>} : memref<128x128xf32, #tpu.memory_space<vmem>>, vector<16xf32>,
        %get3A_356 = arith.index_cast %add3A_326 : i32 to index
        %get3A_357 = arith.constant 64 : index
        %get3A_358 = tpu.vector_load %arg13[%get3A_356, %get3A_357] {strides = array<i32>} : memref<128x128xf32, #tpu.memory_space<vmem>>, vector<16xf32>,
        %mul3A_359 = arith.mulf %get3A_358, %gather3A_327 : vector<16xf32>
        %swap3A_360 = arith.index_cast %add3A_326 : i32 to index
        %swap3A_361 = arith.constant 64 : index
        %swap3A_362 = tpu.vector_load %arg13[%swap3A_360, %swap3A_361] {strides = array<i32>} : memref<128x128xf32, #tpu.memory_space<vmem>>, vector<16xf32>,
        tpu.vector_store %arg13[%swap3A_360, %swap3A_361], %mul3A_359 {strides = array<i32>} : memref<128x128xf32, #tpu.memory_space<vmem>>, vector<16xf32>,
        %get3A_363 = arith.index_cast %add3A_326 : i32 to index
        %get3A_364 = arith.constant 80 : index
        %get3A_365 = tpu.vector_load %arg13[%get3A_363, %get3A_364] {strides = array<i32>} : memref<128x128xf32, #tpu.memory_space<vmem>>, vector<16xf32>,
        %mul3A_366 = arith.mulf %get3A_365, %gather3A_327 : vector<16xf32>
        %swap3A_367 = arith.index_cast %add3A_326 : i32 to index
        %swap3A_368 = arith.constant 80 : index
        %swap3A_369 = tpu.vector_load %arg13[%swap3A_367, %swap3A_368] {strides = array<i32>} : memref<128x128xf32, #tpu.memory_space<vmem>>, vector<16xf32>,
        tpu.vector_store %arg13[%swap3A_367, %swap3A_368], %mul3A_366 {strides = array<i32>} : memref<128x128xf32, #tpu.memory_space<vmem>>, vector<16xf32>,
        %get3A_370 = arith.index_cast %add3A_326 : i32 to index
        %get3A_371 = arith.constant 96 : index
        %get3A_372 = tpu.vector_load %arg13[%get3A_370, %get3A_371] {strides = array<i32>} : memref<128x128xf32, #tpu.memory_space<vmem>>, vector<16xf32>,
        %mul3A_373 = arith.mulf %get3A_372, %gather3A_327 : vector<16xf32>
        %swap3A_374 = arith.index_cast %add3A_326 : i32 to index
        %swap3A_375 = arith.constant 96 : index
        %swap3A_376 = tpu.vector_load %arg13[%swap3A_374, %swap3A_375] {strides = array<i32>} : memref<128x128xf32, #tpu.memory_space<vmem>>, vector<16xf32>,
        tpu.vector_store %arg13[%swap3A_374, %swap3A_375], %mul3A_373 {strides = array<i32>} : memref<128x128xf32, #tpu.memory_space<vmem>>, vector<16xf32>,
        %get3A_377 = arith.index_cast %add3A_326 : i32 to index
        %get3A_378 = arith.constant 112 : index
        %get3A_379 = tpu.vector_load %arg13[%get3A_377, %get3A_378] {strides = array<i32>} : memref<128x128xf32, #tpu.memory_space<vmem>>, vector<16xf32>,
        %mul3A_380 = arith.mulf %get3A_379, %gather3A_327 : vector<16xf32>
        %swap3A_381 = arith.index_cast %add3A_326 : i32 to index
        %swap3A_382 = arith.constant 112 : index
        %swap3A_383 = tpu.vector_load %arg13[%swap3A_381, %swap3A_382] {strides = array<i32>} : memref<128x128xf32, #tpu.memory_space<vmem>>, vector<16xf32>,
        tpu.vector_store %arg13[%swap3A_381, %swap3A_382], %mul3A_380 {strides = array<i32>} : memref<128x128xf32, #tpu.memory_space<vmem>>, vector<16xf32>,
      }
      "tpu.region"() ({
        %run_scoped3A = tpu.sem_alloc : memref<!tpu.dma_semaphore, #tpu.memory_space<semaphore_mem>>
        %dma_start3A_324 = arith.constant 0 : i32
        %dma_start3A_325 = arith.constant 0 : i32
        %dma_start3A_326 = tpu.memref_slice %arg15[%dma_start3A_324, %dma_start3A_325] : memref<10000x128xf32, #tpu.memory_space<vmem_shared>> -> memref<10000x128xf32, #tpu.memory_space<vmem_shared>>
        tpu.enqueue_indirect_dma source(%arg13 : memref<128x128xf32, #tpu.memory_space<vmem>>) target(%dma_start3A_326 : memref<10000x128xf32, #tpu.memory_space<vmem_shared>>) offsets(%arg9 : memref<128xi32, #tpu.memory_space<vmem>>) semaphore(%run_scoped3A : memref<!tpu.dma_semaphore, #tpu.memory_space<semaphore_mem>>) {add = true}
        %dma_wait3A_327 = arith.constant 0 : i32
        %dma_wait3A_328 = arith.constant 0 : i32
        %dma_wait3A_329 = tpu.memref_slice %arg15[%dma_wait3A_327, %dma_wait3A_328] : memref<10000x128xf32, #tpu.memory_space<vmem_shared>> -> memref<10000x128xf32, #tpu.memory_space<vmem_shared>>
        tpu.wait_indirect_dma semaphore(%run_scoped3A : memref<!tpu.dma_semaphore, #tpu.memory_space<semaphore_mem>>) src(%arg13 : memref<128x128xf32, #tpu.memory_space<vmem>>) dst(%dma_wait3A_329 : memref<10000x128xf32, #tpu.memory_space<vmem_shared>>)
        tpu.yield
      }) : () -> ()
    }
    %barrier3A_132 = arith.constant 0 : index
    tpu.barrier barrier_id(%barrier3A_132)
    %add3A_133 = arith.constant 0 : i32
    %add3A_134 = arith.addi %mul3A_2, %add3A_133 : i32
    "tpu.region"() ({
      %run_scoped3A = tpu.sem_alloc : memref<!tpu.dma_semaphore, #tpu.memory_space<semaphore_mem>>
      %dma_start3A = arith.constant 0 : i32
      %dma_start3A_158 = arith.constant 0 : i32
      %dma_start3A_159 = tpu.memref_slice %arg13[%dma_start3A, %dma_start3A_158] : memref<128x128xf32, #tpu.memory_space<vmem>> -> memref<125x128xf32, #tpu.memory_space<vmem>>
      %dma_start3A_160 = arith.constant 0 : i32
      %dma_start3A_161 = tpu.memref_slice %arg15[%add3A_134, %dma_start3A_160] : memref<10000x128xf32, #tpu.memory_space<vmem_shared>> -> memref<125x128xf32, #tpu.memory_space<vmem_shared>>
      %dma_start3A_162 = arith.constant 0 : i32
      %dma_start3A_163 = arith.constant 0 : i32
      %dma_start3A_164 = tpu.memref_slice %arg13[%dma_start3A_162, %dma_start3A_163] : memref<128x128xf32, #tpu.memory_space<vmem>> -> memref<125x128xf32, #tpu.memory_space<vmem>>
      %dma_start3A_165 = arith.constant 0 : i32
      %dma_start3A_166 = tpu.memref_slice %arg15[%add3A_134, %dma_start3A_165] : memref<10000x128xf32, #tpu.memory_space<vmem_shared>> -> memref<125x128xf32, #tpu.memory_space<vmem_shared>>
      tpu.enqueue_dma source(%dma_start3A_166 : memref<125x128xf32, #tpu.memory_space<vmem_shared>>) target(%dma_start3A_164 : memref<125x128xf32, #tpu.memory_space<vmem>>) target_semaphore(%run_scoped3A : memref<!tpu.dma_semaphore, #tpu.memory_space<semaphore_mem>>)
      %dma_wait3A = arith.constant 0 : i32
      %dma_wait3A_167 = arith.constant 0 : i32
      %dma_wait3A_168 = tpu.memref_slice %arg13[%dma_wait3A, %dma_wait3A_167] : memref<128x128xf32, #tpu.memory_space<vmem>> -> memref<125x128xf32, #tpu.memory_space<vmem>>
      %dma_wait3A_169 = arith.constant 0 : i32
      %dma_wait3A_170 = tpu.memref_slice %arg15[%add3A_134, %dma_wait3A_169] : memref<10000x128xf32, #tpu.memory_space<vmem_shared>> -> memref<125x128xf32, #tpu.memory_space<vmem_shared>>
      %dma_wait3A_171 = arith.constant 0 : i32
      %dma_wait3A_172 = arith.constant 0 : i32
      %dma_wait3A_173 = tpu.memref_slice %arg13[%dma_wait3A_171, %dma_wait3A_172] : memref<128x128xf32, #tpu.memory_space<vmem>> -> memref<125x128xf32, #tpu.memory_space<vmem>>
      %dma_wait3A_174 = arith.constant 0 : i32
      %dma_wait3A_175 = tpu.memref_slice %arg15[%add3A_134, %dma_wait3A_174] : memref<10000x128xf32, #tpu.memory_space<vmem_shared>> -> memref<125x128xf32, #tpu.memory_space<vmem_shared>>
      tpu.wait_dma2 semaphore(%run_scoped3A : memref<!tpu.dma_semaphore, #tpu.memory_space<semaphore_mem>>) src(%dma_wait3A_175 : memref<125x128xf32, #tpu.memory_space<vmem_shared>>) dst(%dma_wait3A_173 : memref<125x128xf32, #tpu.memory_space<vmem>>)
      tpu.yield
    }) : () -> ()
    %mul3A_135 = arith.constant 10000 : i32
    %mul3A_136 = arith.muli %arg0, %mul3A_135 : i32
    %add3A_137 = arith.addi %mul3A_136, %add3A_134 : i32
    "tpu.region"() ({
      %run_scoped3A = tpu.sem_alloc : memref<!tpu.dma_semaphore, #tpu.memory_space<semaphore_mem>>
      %dma_start3A = arith.constant 0 : i32
      %dma_start3A_158 = arith.constant 0 : i32
      %dma_start3A_159 = tpu.memref_slice %arg13[%dma_start3A, %dma_start3A_158] : memref<128x128xf32, #tpu.memory_space<vmem>> -> memref<125x128xf32, #tpu.memory_space<vmem>>
      %dma_start3A_160 = arith.constant 0 : i32
      %dma_start3A_161 = tpu.memref_slice %arg7[%add3A_137, %dma_start3A_160] : memref<20000x128xf32, #tpu.memory_space<hbm>> -> memref<125x128xf32, #tpu.memory_space<hbm>>
      %dma_start3A_162 = arith.constant 0 : i32
      %dma_start3A_163 = tpu.memref_slice %arg7[%add3A_137, %dma_start3A_162] : memref<20000x128xf32, #tpu.memory_space<hbm>> -> memref<125x128xf32, #tpu.memory_space<hbm>>
      %dma_start3A_164 = arith.constant 0 : i32
      %dma_start3A_165 = arith.constant 0 : i32
      %dma_start3A_166 = tpu.memref_slice %arg13[%dma_start3A_164, %dma_start3A_165] : memref<128x128xf32, #tpu.memory_space<vmem>> -> memref<125x128xf32, #tpu.memory_space<vmem>>
      tpu.enqueue_dma source(%dma_start3A_166 : memref<125x128xf32, #tpu.memory_space<vmem>>) target(%dma_start3A_163 : memref<125x128xf32, #tpu.memory_space<hbm>>) target_semaphore(%run_scoped3A : memref<!tpu.dma_semaphore, #tpu.memory_space<semaphore_mem>>)
      %dma_wait3A = arith.constant 0 : i32
      %dma_wait3A_167 = arith.constant 0 : i32
      %dma_wait3A_168 = tpu.memref_slice %arg13[%dma_wait3A, %dma_wait3A_167] : memref<128x128xf32, #tpu.memory_space<vmem>> -> memref<125x128xf32, #tpu.memory_space<vmem>>
      %dma_wait3A_169 = arith.constant 0 : i32
      %dma_wait3A_170 = tpu.memref_slice %arg7[%add3A_137, %dma_wait3A_169] : memref<20000x128xf32, #tpu.memory_space<hbm>> -> memref<125x128xf32, #tpu.memory_space<hbm>>
      %dma_wait3A_171 = arith.constant 0 : i32
      %dma_wait3A_172 = tpu.memref_slice %arg7[%add3A_137, %dma_wait3A_171] : memref<20000x128xf32, #tpu.memory_space<hbm>> -> memref<125x128xf32, #tpu.memory_space<hbm>>
      %dma_wait3A_173 = arith.constant 0 : i32
      %dma_wait3A_174 = arith.constant 0 : i32
      %dma_wait3A_175 = tpu.memref_slice %arg13[%dma_wait3A_173, %dma_wait3A_174] : memref<128x128xf32, #tpu.memory_space<vmem>> -> memref<125x128xf32, #tpu.memory_space<vmem>>
      tpu.wait_dma2 semaphore(%run_scoped3A : memref<!tpu.dma_semaphore, #tpu.memory_space<semaphore_mem>>) src(%dma_wait3A_175 : memref<125x128xf32, #tpu.memory_space<vmem>>) dst(%dma_wait3A_172 : memref<125x128xf32, #tpu.memory_space<hbm>>)
      tpu.yield
    }) : () -> ()
    %add3A_138 = arith.constant 125 : i32
    %add3A_139 = arith.addi %mul3A_2, %add3A_138 : i32
    "tpu.region"() ({
      %run_scoped3A = tpu.sem_alloc : memref<!tpu.dma_semaphore, #tpu.memory_space<semaphore_mem>>
      %dma_start3A = arith.constant 0 : i32
      %dma_start3A_158 = arith.constant 0 : i32
      %dma_start3A_159 = tpu.memref_slice %arg13[%dma_start3A, %dma_start3A_158] : memref<128x128xf32, #tpu.memory_space<vmem>> -> memref<125x128xf32, #tpu.memory_space<vmem>>
      %dma_start3A_160 = arith.constant 0 : i32
      %dma_start3A_161 = tpu.memref_slice %arg15[%add3A_139, %dma_start3A_160] : memref<10000x128xf32, #tpu.memory_space<vmem_shared>> -> memref<125x128xf32, #tpu.memory_space<vmem_shared>>
      %dma_start3A_162 = arith.constant 0 : i32
      %dma_start3A_163 = arith.constant 0 : i32
      %dma_start3A_164 = tpu.memref_slice %arg13[%dma_start3A_162, %dma_start3A_163] : memref<128x128xf32, #tpu.memory_space<vmem>> -> memref<125x128xf32, #tpu.memory_space<vmem>>
      %dma_start3A_165 = arith.constant 0 : i32
      %dma_start3A_166 = tpu.memref_slice %arg15[%add3A_139, %dma_start3A_165] : memref<10000x128xf32, #tpu.memory_space<vmem_shared>> -> memref<125x128xf32, #tpu.memory_space<vmem_shared>>
      tpu.enqueue_dma source(%dma_start3A_166 : memref<125x128xf32, #tpu.memory_space<vmem_shared>>) target(%dma_start3A_164 : memref<125x128xf32, #tpu.memory_space<vmem>>) target_semaphore(%run_scoped3A : memref<!tpu.dma_semaphore, #tpu.memory_space<semaphore_mem>>)
      %dma_wait3A = arith.constant 0 : i32
      %dma_wait3A_167 = arith.constant 0 : i32
      %dma_wait3A_168 = tpu.memref_slice %arg13[%dma_wait3A, %dma_wait3A_167] : memref<128x128xf32, #tpu.memory_space<vmem>> -> memref<125x128xf32, #tpu.memory_space<vmem>>
      %dma_wait3A_169 = arith.constant 0 : i32
      %dma_wait3A_170 = tpu.memref_slice %arg15[%add3A_139, %dma_wait3A_169] : memref<10000x128xf32, #tpu.memory_space<vmem_shared>> -> memref<125x128xf32, #tpu.memory_space<vmem_shared>>
      %dma_wait3A_171 = arith.constant 0 : i32
      %dma_wait3A_172 = arith.constant 0 : i32
      %dma_wait3A_173 = tpu.memref_slice %arg13[%dma_wait3A_171, %dma_wait3A_172] : memref<128x128xf32, #tpu.memory_space<vmem>> -> memref<125x128xf32, #tpu.memory_space<vmem>>
      %dma_wait3A_174 = arith.constant 0 : i32
      %dma_wait3A_175 = tpu.memref_slice %arg15[%add3A_139, %dma_wait3A_174] : memref<10000x128xf32, #tpu.memory_space<vmem_shared>> -> memref<125x128xf32, #tpu.memory_space<vmem_shared>>
      tpu.wait_dma2 semaphore(%run_scoped3A : memref<!tpu.dma_semaphore, #tpu.memory_space<semaphore_mem>>) src(%dma_wait3A_175 : memref<125x128xf32, #tpu.memory_space<vmem_shared>>) dst(%dma_wait3A_173 : memref<125x128xf32, #tpu.memory_space<vmem>>)
      tpu.yield
    }) : () -> ()
    %mul3A_140 = arith.constant 10000 : i32
    %mul3A_141 = arith.muli %arg0, %mul3A_140 : i32
    %add3A_142 = arith.addi %mul3A_141, %add3A_139 : i32
    "tpu.region"() ({
      %run_scoped3A = tpu.sem_alloc : memref<!tpu.dma_semaphore, #tpu.memory_space<semaphore_mem>>
      %dma_start3A = arith.constant 0 : i32
      %dma_start3A_158 = arith.constant 0 : i32
      %dma_start3A_159 = tpu.memref_slice %arg13[%dma_start3A, %dma_start3A_158] : memref<128x128xf32, #tpu.memory_space<vmem>> -> memref<125x128xf32, #tpu.memory_space<vmem>>
      %dma_start3A_160 = arith.constant 0 : i32
      %dma_start3A_161 = tpu.memref_slice %arg7[%add3A_142, %dma_start3A_160] : memref<20000x128xf32, #tpu.memory_space<hbm>> -> memref<125x128xf32, #tpu.memory_space<hbm>>
      %dma_start3A_162 = arith.constant 0 : i32
      %dma_start3A_163 = tpu.memref_slice %arg7[%add3A_142, %dma_start3A_162] : memref<20000x128xf32, #tpu.memory_space<hbm>> -> memref<125x128xf32, #tpu.memory_space<hbm>>
      %dma_start3A_164 = arith.constant 0 : i32
      %dma_start3A_165 = arith.constant 0 : i32
      %dma_start3A_166 = tpu.memref_slice %arg13[%dma_start3A_164, %dma_start3A_165] : memref<128x128xf32, #tpu.memory_space<vmem>> -> memref<125x128xf32, #tpu.memory_space<vmem>>
      tpu.enqueue_dma source(%dma_start3A_166 : memref<125x128xf32, #tpu.memory_space<vmem>>) target(%dma_start3A_163 : memref<125x128xf32, #tpu.memory_space<hbm>>) target_semaphore(%run_scoped3A : memref<!tpu.dma_semaphore, #tpu.memory_space<semaphore_mem>>)
      %dma_wait3A = arith.constant 0 : i32
      %dma_wait3A_167 = arith.constant 0 : i32
      %dma_wait3A_168 = tpu.memref_slice %arg13[%dma_wait3A, %dma_wait3A_167] : memref<128x128xf32, #tpu.memory_space<vmem>> -> memref<125x128xf32, #tpu.memory_space<vmem>>
      %dma_wait3A_169 = arith.constant 0 : i32
      %dma_wait3A_170 = tpu.memref_slice %arg7[%add3A_142, %dma_wait3A_169] : memref<20000x128xf32, #tpu.memory_space<hbm>> -> memref<125x128xf32, #tpu.memory_space<hbm>>
      %dma_wait3A_171 = arith.constant 0 : i32
      %dma_wait3A_172 = tpu.memref_slice %arg7[%add3A_142, %dma_wait3A_171] : memref<20000x128xf32, #tpu.memory_space<hbm>> -> memref<125x128xf32, #tpu.memory_space<hbm>>
      %dma_wait3A_173 = arith.constant 0 : i32
      %dma_wait3A_174 = arith.constant 0 : i32
      %dma_wait3A_175 = tpu.memref_slice %arg13[%dma_wait3A_173, %dma_wait3A_174] : memref<128x128xf32, #tpu.memory_space<vmem>> -> memref<125x128xf32, #tpu.memory_space<vmem>>
      tpu.wait_dma2 semaphore(%run_scoped3A : memref<!tpu.dma_semaphore, #tpu.memory_space<semaphore_mem>>) src(%dma_wait3A_175 : memref<125x128xf32, #tpu.memory_space<vmem>>) dst(%dma_wait3A_172 : memref<125x128xf32, #tpu.memory_space<hbm>>)
      tpu.yield
    }) : () -> ()
    %add3A_143 = arith.constant 250 : i32
    %add3A_144 = arith.addi %mul3A_2, %add3A_143 : i32
    "tpu.region"() ({
      %run_scoped3A = tpu.sem_alloc : memref<!tpu.dma_semaphore, #tpu.memory_space<semaphore_mem>>
      %dma_start3A = arith.constant 0 : i32
      %dma_start3A_158 = arith.constant 0 : i32
      %dma_start3A_159 = tpu.memref_slice %arg13[%dma_start3A, %dma_start3A_158] : memref<128x128xf32, #tpu.memory_space<vmem>> -> memref<125x128xf32, #tpu.memory_space<vmem>>
      %dma_start3A_160 = arith.constant 0 : i32
      %dma_start3A_161 = tpu.memref_slice %arg15[%add3A_144, %dma_start3A_160] : memref<10000x128xf32, #tpu.memory_space<vmem_shared>> -> memref<125x128xf32, #tpu.memory_space<vmem_shared>>
      %dma_start3A_162 = arith.constant 0 : i32
      %dma_start3A_163 = arith.constant 0 : i32
      %dma_start3A_164 = tpu.memref_slice %arg13[%dma_start3A_162, %dma_start3A_163] : memref<128x128xf32, #tpu.memory_space<vmem>> -> memref<125x128xf32, #tpu.memory_space<vmem>>
      %dma_start3A_165 = arith.constant 0 : i32
      %dma_start3A_166 = tpu.memref_slice %arg15[%add3A_144, %dma_start3A_165] : memref<10000x128xf32, #tpu.memory_space<vmem_shared>> -> memref<125x128xf32, #tpu.memory_space<vmem_shared>>
      tpu.enqueue_dma source(%dma_start3A_166 : memref<125x128xf32, #tpu.memory_space<vmem_shared>>) target(%dma_start3A_164 : memref<125x128xf32, #tpu.memory_space<vmem>>) target_semaphore(%run_scoped3A : memref<!tpu.dma_semaphore, #tpu.memory_space<semaphore_mem>>)
      %dma_wait3A = arith.constant 0 : i32
      %dma_wait3A_167 = arith.constant 0 : i32
      %dma_wait3A_168 = tpu.memref_slice %arg13[%dma_wait3A, %dma_wait3A_167] : memref<128x128xf32, #tpu.memory_space<vmem>> -> memref<125x128xf32, #tpu.memory_space<vmem>>
      %dma_wait3A_169 = arith.constant 0 : i32
      %dma_wait3A_170 = tpu.memref_slice %arg15[%add3A_144, %dma_wait3A_169] : memref<10000x128xf32, #tpu.memory_space<vmem_shared>> -> memref<125x128xf32, #tpu.memory_space<vmem_shared>>
      %dma_wait3A_171 = arith.constant 0 : i32
      %dma_wait3A_172 = arith.constant 0 : i32
      %dma_wait3A_173 = tpu.memref_slice %arg13[%dma_wait3A_171, %dma_wait3A_172] : memref<128x128xf32, #tpu.memory_space<vmem>> -> memref<125x128xf32, #tpu.memory_space<vmem>>
      %dma_wait3A_174 = arith.constant 0 : i32
      %dma_wait3A_175 = tpu.memref_slice %arg15[%add3A_144, %dma_wait3A_174] : memref<10000x128xf32, #tpu.memory_space<vmem_shared>> -> memref<125x128xf32, #tpu.memory_space<vmem_shared>>
      tpu.wait_dma2 semaphore(%run_scoped3A : memref<!tpu.dma_semaphore, #tpu.memory_space<semaphore_mem>>) src(%dma_wait3A_175 : memref<125x128xf32, #tpu.memory_space<vmem_shared>>) dst(%dma_wait3A_173 : memref<125x128xf32, #tpu.memory_space<vmem>>)
      tpu.yield
    }) : () -> ()
    %mul3A_145 = arith.constant 10000 : i32
    %mul3A_146 = arith.muli %arg0, %mul3A_145 : i32
    %add3A_147 = arith.addi %mul3A_146, %add3A_144 : i32
    "tpu.region"() ({
      %run_scoped3A = tpu.sem_alloc : memref<!tpu.dma_semaphore, #tpu.memory_space<semaphore_mem>>
      %dma_start3A = arith.constant 0 : i32
      %dma_start3A_158 = arith.constant 0 : i32
      %dma_start3A_159 = tpu.memref_slice %arg13[%dma_start3A, %dma_start3A_158] : memref<128x128xf32, #tpu.memory_space<vmem>> -> memref<125x128xf32, #tpu.memory_space<vmem>>
      %dma_start3A_160 = arith.constant 0 : i32
      %dma_start3A_161 = tpu.memref_slice %arg7[%add3A_147, %dma_start3A_160] : memref<20000x128xf32, #tpu.memory_space<hbm>> -> memref<125x128xf32, #tpu.memory_space<hbm>>
      %dma_start3A_162 = arith.constant 0 : i32
      %dma_start3A_163 = tpu.memref_slice %arg7[%add3A_147, %dma_start3A_162] : memref<20000x128xf32, #tpu.memory_space<hbm>> -> memref<125x128xf32, #tpu.memory_space<hbm>>
      %dma_start3A_164 = arith.constant 0 : i32
      %dma_start3A_165 = arith.constant 0 : i32
      %dma_start3A_166 = tpu.memref_slice %arg13[%dma_start3A_164, %dma_start3A_165] : memref<128x128xf32, #tpu.memory_space<vmem>> -> memref<125x128xf32, #tpu.memory_space<vmem>>
      tpu.enqueue_dma source(%dma_start3A_166 : memref<125x128xf32, #tpu.memory_space<vmem>>) target(%dma_start3A_163 : memref<125x128xf32, #tpu.memory_space<hbm>>) target_semaphore(%run_scoped3A : memref<!tpu.dma_semaphore, #tpu.memory_space<semaphore_mem>>)
      %dma_wait3A = arith.constant 0 : i32
      %dma_wait3A_167 = arith.constant 0 : i32
      %dma_wait3A_168 = tpu.memref_slice %arg13[%dma_wait3A, %dma_wait3A_167] : memref<128x128xf32, #tpu.memory_space<vmem>> -> memref<125x128xf32, #tpu.memory_space<vmem>>
      %dma_wait3A_169 = arith.constant 0 : i32
      %dma_wait3A_170 = tpu.memref_slice %arg7[%add3A_147, %dma_wait3A_169] : memref<20000x128xf32, #tpu.memory_space<hbm>> -> memref<125x128xf32, #tpu.memory_space<hbm>>
      %dma_wait3A_171 = arith.constant 0 : i32
      %dma_wait3A_172 = tpu.memref_slice %arg7[%add3A_147, %dma_wait3A_171] : memref<20000x128xf32, #tpu.memory_space<hbm>> -> memref<125x128xf32, #tpu.memory_space<hbm>>
      %dma_wait3A_173 = arith.constant 0 : i32
      %dma_wait3A_174 = arith.constant 0 : i32
      %dma_wait3A_175 = tpu.memref_slice %arg13[%dma_wait3A_173, %dma_wait3A_174] : memref<128x128xf32, #tpu.memory_space<vmem>> -> memref<125x128xf32, #tpu.memory_space<vmem>>
      tpu.wait_dma2 semaphore(%run_scoped3A : memref<!tpu.dma_semaphore, #tpu.memory_space<semaphore_mem>>) src(%dma_wait3A_175 : memref<125x128xf32, #tpu.memory_space<vmem>>) dst(%dma_wait3A_172 : memref<125x128xf32, #tpu.memory_space<hbm>>)
      tpu.yield
    }) : () -> ()
    %add3A_148 = arith.constant 375 : i32
    %add3A_149 = arith.addi %mul3A_2, %add3A_148 : i32
    "tpu.region"() ({
      %run_scoped3A = tpu.sem_alloc : memref<!tpu.dma_semaphore, #tpu.memory_space<semaphore_mem>>
      %dma_start3A = arith.constant 0 : i32
      %dma_start3A_158 = arith.constant 0 : i32
      %dma_start3A_159 = tpu.memref_slice %arg13[%dma_start3A, %dma_start3A_158] : memref<128x128xf32, #tpu.memory_space<vmem>> -> memref<125x128xf32, #tpu.memory_space<vmem>>
      %dma_start3A_160 = arith.constant 0 : i32
      %dma_start3A_161 = tpu.memref_slice %arg15[%add3A_149, %dma_start3A_160] : memref<10000x128xf32, #tpu.memory_space<vmem_shared>> -> memref<125x128xf32, #tpu.memory_space<vmem_shared>>
      %dma_start3A_162 = arith.constant 0 : i32
      %dma_start3A_163 = arith.constant 0 : i32
      %dma_start3A_164 = tpu.memref_slice %arg13[%dma_start3A_162, %dma_start3A_163] : memref<128x128xf32, #tpu.memory_space<vmem>> -> memref<125x128xf32, #tpu.memory_space<vmem>>
      %dma_start3A_165 = arith.constant 0 : i32
      %dma_start3A_166 = tpu.memref_slice %arg15[%add3A_149, %dma_start3A_165] : memref<10000x128xf32, #tpu.memory_space<vmem_shared>> -> memref<125x128xf32, #tpu.memory_space<vmem_shared>>
      tpu.enqueue_dma source(%dma_start3A_166 : memref<125x128xf32, #tpu.memory_space<vmem_shared>>) target(%dma_start3A_164 : memref<125x128xf32, #tpu.memory_space<vmem>>) target_semaphore(%run_scoped3A : memref<!tpu.dma_semaphore, #tpu.memory_space<semaphore_mem>>)
      %dma_wait3A = arith.constant 0 : i32
      %dma_wait3A_167 = arith.constant 0 : i32
      %dma_wait3A_168 = tpu.memref_slice %arg13[%dma_wait3A, %dma_wait3A_167] : memref<128x128xf32, #tpu.memory_space<vmem>> -> memref<125x128xf32, #tpu.memory_space<vmem>>
      %dma_wait3A_169 = arith.constant 0 : i32
      %dma_wait3A_170 = tpu.memref_slice %arg15[%add3A_149, %dma_wait3A_169] : memref<10000x128xf32, #tpu.memory_space<vmem_shared>> -> memref<125x128xf32, #tpu.memory_space<vmem_shared>>
      %dma_wait3A_171 = arith.constant 0 : i32
      %dma_wait3A_172 = arith.constant 0 : i32
      %dma_wait3A_173 = tpu.memref_slice %arg13[%dma_wait3A_171, %dma_wait3A_172] : memref<128x128xf32, #tpu.memory_space<vmem>> -> memref<125x128xf32, #tpu.memory_space<vmem>>
      %dma_wait3A_174 = arith.constant 0 : i32
      %dma_wait3A_175 = tpu.memref_slice %arg15[%add3A_149, %dma_wait3A_174] : memref<10000x128xf32, #tpu.memory_space<vmem_shared>> -> memref<125x128xf32, #tpu.memory_space<vmem_shared>>
      tpu.wait_dma2 semaphore(%run_scoped3A : memref<!tpu.dma_semaphore, #tpu.memory_space<semaphore_mem>>) src(%dma_wait3A_175 : memref<125x128xf32, #tpu.memory_space<vmem_shared>>) dst(%dma_wait3A_173 : memref<125x128xf32, #tpu.memory_space<vmem>>)
      tpu.yield
    }) : () -> ()
    %mul3A_150 = arith.constant 10000 : i32
    %mul3A_151 = arith.muli %arg0, %mul3A_150 : i32
    %add3A_152 = arith.addi %mul3A_151, %add3A_149 : i32
    "tpu.region"() ({
      %run_scoped3A = tpu.sem_alloc : memref<!tpu.dma_semaphore, #tpu.memory_space<semaphore_mem>>
      %dma_start3A = arith.constant 0 : i32
      %dma_start3A_158 = arith.constant 0 : i32
      %dma_start3A_159 = tpu.memref_slice %arg13[%dma_start3A, %dma_start3A_158] : memref<128x128xf32, #tpu.memory_space<vmem>> -> memref<125x128xf32, #tpu.memory_space<vmem>>
      %dma_start3A_160 = arith.constant 0 : i32
      %dma_start3A_161 = tpu.memref_slice %arg7[%add3A_152, %dma_start3A_160] : memref<20000x128xf32, #tpu.memory_space<hbm>> -> memref<125x128xf32, #tpu.memory_space<hbm>>
      %dma_start3A_162 = arith.constant 0 : i32
      %dma_start3A_163 = tpu.memref_slice %arg7[%add3A_152, %dma_start3A_162] : memref<20000x128xf32, #tpu.memory_space<hbm>> -> memref<125x128xf32, #tpu.memory_space<hbm>>
      %dma_start3A_164 = arith.constant 0 : i32
      %dma_start3A_165 = arith.constant 0 : i32
      %dma_start3A_166 = tpu.memref_slice %arg13[%dma_start3A_164, %dma_start3A_165] : memref<128x128xf32, #tpu.memory_space<vmem>> -> memref<125x128xf32, #tpu.memory_space<vmem>>
      tpu.enqueue_dma source(%dma_start3A_166 : memref<125x128xf32, #tpu.memory_space<vmem>>) target(%dma_start3A_163 : memref<125x128xf32, #tpu.memory_space<hbm>>) target_semaphore(%run_scoped3A : memref<!tpu.dma_semaphore, #tpu.memory_space<semaphore_mem>>)
      %dma_wait3A = arith.constant 0 : i32
      %dma_wait3A_167 = arith.constant 0 : i32
      %dma_wait3A_168 = tpu.memref_slice %arg13[%dma_wait3A, %dma_wait3A_167] : memref<128x128xf32, #tpu.memory_space<vmem>> -> memref<125x128xf32, #tpu.memory_space<vmem>>
      %dma_wait3A_169 = arith.constant 0 : i32
      %dma_wait3A_170 = tpu.memref_slice %arg7[%add3A_152, %dma_wait3A_169] : memref<20000x128xf32, #tpu.memory_space<hbm>> -> memref<125x128xf32, #tpu.memory_space<hbm>>
      %dma_wait3A_171 = arith.constant 0 : i32
      %dma_wait3A_172 = tpu.memref_slice %arg7[%add3A_152, %dma_wait3A_171] : memref<20000x128xf32, #tpu.memory_space<hbm>> -> memref<125x128xf32, #tpu.memory_space<hbm>>
      %dma_wait3A_173 = arith.constant 0 : i32
      %dma_wait3A_174 = arith.constant 0 : i32
      %dma_wait3A_175 = tpu.memref_slice %arg13[%dma_wait3A_173, %dma_wait3A_174] : memref<128x128xf32, #tpu.memory_space<vmem>> -> memref<125x128xf32, #tpu.memory_space<vmem>>
      tpu.wait_dma2 semaphore(%run_scoped3A : memref<!tpu.dma_semaphore, #tpu.memory_space<semaphore_mem>>) src(%dma_wait3A_175 : memref<125x128xf32, #tpu.memory_space<vmem>>) dst(%dma_wait3A_172 : memref<125x128xf32, #tpu.memory_space<hbm>>)
      tpu.yield
    }) : () -> ()
    %add3A_153 = arith.constant 500 : i32
    %add3A_154 = arith.addi %mul3A_2, %add3A_153 : i32
    "tpu.region"() ({
      %run_scoped3A = tpu.sem_alloc : memref<!tpu.dma_semaphore, #tpu.memory_space<semaphore_mem>>
      %dma_start3A = arith.constant 0 : i32
      %dma_start3A_158 = arith.constant 0 : i32
      %dma_start3A_159 = tpu.memref_slice %arg13[%dma_start3A, %dma_start3A_158] : memref<128x128xf32, #tpu.memory_space<vmem>> -> memref<125x128xf32, #tpu.memory_space<vmem>>
      %dma_start3A_160 = arith.constant 0 : i32
      %dma_start3A_161 = tpu.memref_slice %arg15[%add3A_154, %dma_start3A_160] : memref<10000x128xf32, #tpu.memory_space<vmem_shared>> -> memref<125x128xf32, #tpu.memory_space<vmem_shared>>
      %dma_start3A_162 = arith.constant 0 : i32
      %dma_start3A_163 = arith.constant 0 : i32
      %dma_start3A_164 = tpu.memref_slice %arg13[%dma_start3A_162, %dma_start3A_163] : memref<128x128xf32, #tpu.memory_space<vmem>> -> memref<125x128xf32, #tpu.memory_space<vmem>>
      %dma_start3A_165 = arith.constant 0 : i32
      %dma_start3A_166 = tpu.memref_slice %arg15[%add3A_154, %dma_start3A_165] : memref<10000x128xf32, #tpu.memory_space<vmem_shared>> -> memref<125x128xf32, #tpu.memory_space<vmem_shared>>
      tpu.enqueue_dma source(%dma_start3A_166 : memref<125x128xf32, #tpu.memory_space<vmem_shared>>) target(%dma_start3A_164 : memref<125x128xf32, #tpu.memory_space<vmem>>) target_semaphore(%run_scoped3A : memref<!tpu.dma_semaphore, #tpu.memory_space<semaphore_mem>>)
      %dma_wait3A = arith.constant 0 : i32
      %dma_wait3A_167 = arith.constant 0 : i32
      %dma_wait3A_168 = tpu.memref_slice %arg13[%dma_wait3A, %dma_wait3A_167] : memref<128x128xf32, #tpu.memory_space<vmem>> -> memref<125x128xf32, #tpu.memory_space<vmem>>
      %dma_wait3A_169 = arith.constant 0 : i32
      %dma_wait3A_170 = tpu.memref_slice %arg15[%add3A_154, %dma_wait3A_169] : memref<10000x128xf32, #tpu.memory_space<vmem_shared>> -> memref<125x128xf32, #tpu.memory_space<vmem_shared>>
      %dma_wait3A_171 = arith.constant 0 : i32
      %dma_wait3A_172 = arith.constant 0 : i32
      %dma_wait3A_173 = tpu.memref_slice %arg13[%dma_wait3A_171, %dma_wait3A_172] : memref<128x128xf32, #tpu.memory_space<vmem>> -> memref<125x128xf32, #tpu.memory_space<vmem>>
      %dma_wait3A_174 = arith.constant 0 : i32
      %dma_wait3A_175 = tpu.memref_slice %arg15[%add3A_154, %dma_wait3A_174] : memref<10000x128xf32, #tpu.memory_space<vmem_shared>> -> memref<125x128xf32, #tpu.memory_space<vmem_shared>>
      tpu.wait_dma2 semaphore(%run_scoped3A : memref<!tpu.dma_semaphore, #tpu.memory_space<semaphore_mem>>) src(%dma_wait3A_175 : memref<125x128xf32, #tpu.memory_space<vmem_shared>>) dst(%dma_wait3A_173 : memref<125x128xf32, #tpu.memory_space<vmem>>)
      tpu.yield
    }) : () -> ()
    %mul3A_155 = arith.constant 10000 : i32
    %mul3A_156 = arith.muli %arg0, %mul3A_155 : i32
    %add3A_157 = arith.addi %mul3A_156, %add3A_154 : i32
    "tpu.region"() ({
      %run_scoped3A = tpu.sem_alloc : memref<!tpu.dma_semaphore, #tpu.memory_space<semaphore_mem>>
      %dma_start3A = arith.constant 0 : i32
      %dma_start3A_158 = arith.constant 0 : i32
      %dma_start3A_159 = tpu.memref_slice %arg13[%dma_start3A, %dma_start3A_158] : memref<128x128xf32, #tpu.memory_space<vmem>> -> memref<125x128xf32, #tpu.memory_space<vmem>>
      %dma_start3A_160 = arith.constant 0 : i32
      %dma_start3A_161 = tpu.memref_slice %arg7[%add3A_157, %dma_start3A_160] : memref<20000x128xf32, #tpu.memory_space<hbm>> -> memref<125x128xf32, #tpu.memory_space<hbm>>
      %dma_start3A_162 = arith.constant 0 : i32
      %dma_start3A_163 = tpu.memref_slice %arg7[%add3A_157, %dma_start3A_162] : memref<20000x128xf32, #tpu.memory_space<hbm>> -> memref<125x128xf32, #tpu.memory_space<hbm>>
      %dma_start3A_164 = arith.constant 0 : i32
      %dma_start3A_165 = arith.constant 0 : i32
      %dma_start3A_166 = tpu.memref_slice %arg13[%dma_start3A_164, %dma_start3A_165] : memref<128x128xf32, #tpu.memory_space<vmem>> -> memref<125x128xf32, #tpu.memory_space<vmem>>
      tpu.enqueue_dma source(%dma_start3A_166 : memref<125x128xf32, #tpu.memory_space<vmem>>) target(%dma_start3A_163 : memref<125x128xf32, #tpu.memory_space<hbm>>) target_semaphore(%run_scoped3A : memref<!tpu.dma_semaphore, #tpu.memory_space<semaphore_mem>>)
      %dma_wait3A = arith.constant 0 : i32
      %dma_wait3A_167 = arith.constant 0 : i32
      %dma_wait3A_168 = tpu.memref_slice %arg13[%dma_wait3A, %dma_wait3A_167] : memref<128x128xf32, #tpu.memory_space<vmem>> -> memref<125x128xf32, #tpu.memory_space<vmem>>
      %dma_wait3A_169 = arith.constant 0 : i32
      %dma_wait3A_170 = tpu.memref_slice %arg7[%add3A_157, %dma_wait3A_169] : memref<20000x128xf32, #tpu.memory_space<hbm>> -> memref<125x128xf32, #tpu.memory_space<hbm>>
      %dma_wait3A_171 = arith.constant 0 : i32
      %dma_wait3A_172 = tpu.memref_slice %arg7[%add3A_157, %dma_wait3A_171] : memref<20000x128xf32, #tpu.memory_space<hbm>> -> memref<125x128xf32, #tpu.memory_space<hbm>>
      %dma_wait3A_173 = arith.constant 0 : i32
      %dma_wait3A_174 = arith.constant 0 : i32
      %dma_wait3A_175 = tpu.memref_slice %arg13[%dma_wait3A_173, %dma_wait3A_174] : memref<128x128xf32, #tpu.memory_space<vmem>> -> memref<125x128xf32, #tpu.memory_space<vmem>>
      tpu.wait_dma2 semaphore(%run_scoped3A : memref<!tpu.dma_semaphore, #tpu.memory_space<semaphore_mem>>) src(%dma_wait3A_175 : memref<125x128xf32, #tpu.memory_space<vmem>>) dst(%dma_wait3A_172 : memref<125x128xf32, #tpu.memory_space<hbm>>)
      tpu.yield
    }) : () -> ()
    return
  }
}

module attributes {stable_mosaic.version = 14 : i64} {
  func.func @_gru_body(%arg0: i32, %arg1: memref<2000x128xf32, #tpu.memory_space<vmem>>, %arg2: memref<2000x128xf32, #tpu.memory_space<vmem>>, %arg3: memref<128x128xf32, #tpu.memory_space<vmem>>, %arg4: memref<128x128xf32, #tpu.memory_space<vmem>>, %arg5: memref<128x128xf32, #tpu.memory_space<vmem>>, %arg6: memref<1x128xf32, #tpu.memory_space<vmem>>, %arg7: memref<1x128xf32, #tpu.memory_space<vmem>>, %arg8: memref<1x128xf32, #tpu.memory_space<vmem>>, %arg9: memref<256x128xf32, #tpu.memory_space<vmem>>, %arg10: memref<256x128xf32, #tpu.memory_space<vmem>>, %arg11: memref<256x128xf32, #tpu.memory_space<vmem>>, %arg12: memref<1x128xf32, #tpu.memory_space<vmem>>, %arg13: memref<1x128xf32, #tpu.memory_space<vmem>>, %arg14: memref<1x128xf32, #tpu.memory_space<vmem>>, %arg15: memref<2000x128xf32, #tpu.memory_space<vmem>>) attributes {dimension_semantics = [#tpu.dimension_semantics<arbitrary>], iteration_bounds = array<i64: 10>, scalar_prefetch = 0 : i64, scratch_operands = 0 : i64, tpu.core_type = #tpu.core_type<tc>, window_params = [{transform_indices = @transform_0, window_bounds = array<i64: 2000, 128>}, {transform_indices = @transform_1, window_bounds = array<i64: 2000, 128>}, {pipeline_mode = #tpu.pipeline_mode<synchronous>, transform_indices = @transform_2, window_bounds = array<i64: 128, 128>}, {pipeline_mode = #tpu.pipeline_mode<synchronous>, transform_indices = @transform_3, window_bounds = array<i64: 128, 128>}, {pipeline_mode = #tpu.pipeline_mode<synchronous>, transform_indices = @transform_4, window_bounds = array<i64: 128, 128>}, {pipeline_mode = #tpu.pipeline_mode<synchronous>, transform_indices = @transform_5, window_bounds = array<i64: 1, 128>}, {pipeline_mode = #tpu.pipeline_mode<synchronous>, transform_indices = @transform_6, window_bounds = array<i64: 1, 128>}, {pipeline_mode = #tpu.pipeline_mode<synchronous>, transform_indices = @transform_7, window_bounds = array<i64: 1, 128>}, {pipeline_mode = #tpu.pipeline_mode<synchronous>, transform_indices = @transform_8, window_bounds = array<i64: 256, 128>}, {pipeline_mode = #tpu.pipeline_mode<synchronous>, transform_indices = @transform_9, window_bounds = array<i64: 256, 128>}, {pipeline_mode = #tpu.pipeline_mode<synchronous>, transform_indices = @transform_10, window_bounds = array<i64: 256, 128>}, {pipeline_mode = #tpu.pipeline_mode<synchronous>, transform_indices = @transform_11, window_bounds = array<i64: 1, 128>}, {pipeline_mode = #tpu.pipeline_mode<synchronous>, transform_indices = @transform_12, window_bounds = array<i64: 1, 128>}, {pipeline_mode = #tpu.pipeline_mode<synchronous>, transform_indices = @transform_13, window_bounds = array<i64: 1, 128>}, {transform_indices = @transform_14, window_bounds = array<i64: 2000, 128>}]} {
    %get3A = arith.constant 0 : index
    %get3A_0 = arith.constant 0 : index
    %get3A_1 = vector.load %arg1[%get3A, %get3A_0] : memref<2000x128xf32, #tpu.memory_space<vmem>>, vector<2000x128xf32>
    %get3A_2 = arith.constant 0 : index
    %get3A_3 = arith.constant 0 : index
    %get3A_4 = vector.load %arg2[%get3A_2, %get3A_3] : memref<2000x128xf32, #tpu.memory_space<vmem>>, vector<2000x128xf32>
    %get3A_5 = arith.constant 0 : index
    %get3A_6 = arith.constant 0 : index
    %get3A_7 = vector.load %arg9[%get3A_5, %get3A_6] : memref<256x128xf32, #tpu.memory_space<vmem>>, vector<256x128xf32>
    %get3A_8 = arith.constant 0 : index
    %get3A_9 = arith.constant 0 : index
    %get3A_10 = vector.load %arg3[%get3A_8, %get3A_9] : memref<128x128xf32, #tpu.memory_space<vmem>>, vector<128x128xf32>
    %dot_general3A = arith.constant dense<0.000000e+00> : vector<2000x128xf32>
    %dot_general3A_11 = tpu.matmul %get3A_1, %get3A_10, %dot_general3A {dimension_numbers = #tpu.dot_dimension_numbers<[1], [0], [0], [1], [0, 0, 1, 1], [], []>, transpose_lhs_hint = false} : vector<2000x128xf32>, vector<128x128xf32>, vector<2000x128xf32> -> vector<2000x128xf32>
    %get3A_12 = arith.constant 0 : index
    %get3A_13 = arith.constant 0 : index
    %get3A_14 = vector.load %arg6[%get3A_12, %get3A_13] : memref<1x128xf32, #tpu.memory_space<vmem>>, vector<1x128xf32>
    %add3A = vector.broadcast %get3A_14 : vector<1x128xf32> to vector<2000x128xf32>
    %add3A_15 = arith.addf %dot_general3A_11, %add3A : vector<2000x128xf32>
    %slice3A = vector.extract_strided_slice %get3A_7 {offsets = [0, 0], sizes = [128, 128], strides = [1, 1]} : vector<256x128xf32> to vector<128x128xf32>
    %dot_general3A_16 = arith.constant dense<0.000000e+00> : vector<2000x128xf32>
    %dot_general3A_17 = tpu.matmul %add3A_15, %slice3A, %dot_general3A_16 {dimension_numbers = #tpu.dot_dimension_numbers<[1], [0], [0], [1], [0, 0, 1, 1], [], []>, transpose_lhs_hint = false} : vector<2000x128xf32>, vector<128x128xf32>, vector<2000x128xf32> -> vector<2000x128xf32>
    %slice3A_18 = vector.extract_strided_slice %get3A_7 {offsets = [128, 0], sizes = [128, 128], strides = [1, 1]} : vector<256x128xf32> to vector<128x128xf32>
    %dot_general3A_19 = arith.constant dense<0.000000e+00> : vector<2000x128xf32>
    %dot_general3A_20 = tpu.matmul %get3A_4, %slice3A_18, %dot_general3A_19 {dimension_numbers = #tpu.dot_dimension_numbers<[1], [0], [0], [1], [0, 0, 1, 1], [], []>, transpose_lhs_hint = false} : vector<2000x128xf32>, vector<128x128xf32>, vector<2000x128xf32> -> vector<2000x128xf32>
    %add3A_21 = arith.addf %dot_general3A_17, %dot_general3A_20 : vector<2000x128xf32>
    %get3A_22 = arith.constant 0 : index
    %get3A_23 = arith.constant 0 : index
    %get3A_24 = vector.load %arg12[%get3A_22, %get3A_23] : memref<1x128xf32, #tpu.memory_space<vmem>>, vector<1x128xf32>
    %add3A_25 = vector.broadcast %get3A_24 : vector<1x128xf32> to vector<2000x128xf32>
    %add3A_26 = arith.addf %add3A_21, %add3A_25 : vector<2000x128xf32>
    %logistic3A = arith.negf %add3A_26 : vector<2000x128xf32>
    %logistic3A_27 = math.exp %logistic3A : vector<2000x128xf32>
    %logistic3A_28 = arith.constant 1.000000e+00 : f32
    %logistic3A_29 = vector.broadcast %logistic3A_28 : f32 to vector<2000x128xf32>
    %logistic3A_30 = arith.addf %logistic3A_29, %logistic3A_27 : vector<2000x128xf32>
    %logistic3A_31 = arith.divf %logistic3A_29, %logistic3A_30 : vector<2000x128xf32>
    %get3A_32 = arith.constant 0 : index
    %get3A_33 = arith.constant 0 : index
    %get3A_34 = vector.load %arg10[%get3A_32, %get3A_33] : memref<256x128xf32, #tpu.memory_space<vmem>>, vector<256x128xf32>
    %get3A_35 = arith.constant 0 : index
    %get3A_36 = arith.constant 0 : index
    %get3A_37 = vector.load %arg4[%get3A_35, %get3A_36] : memref<128x128xf32, #tpu.memory_space<vmem>>, vector<128x128xf32>
    %dot_general3A_38 = arith.constant dense<0.000000e+00> : vector<2000x128xf32>
    %dot_general3A_39 = tpu.matmul %get3A_1, %get3A_37, %dot_general3A_38 {dimension_numbers = #tpu.dot_dimension_numbers<[1], [0], [0], [1], [0, 0, 1, 1], [], []>, transpose_lhs_hint = false} : vector<2000x128xf32>, vector<128x128xf32>, vector<2000x128xf32> -> vector<2000x128xf32>
    %get3A_40 = arith.constant 0 : index
    %get3A_41 = arith.constant 0 : index
    %get3A_42 = vector.load %arg7[%get3A_40, %get3A_41] : memref<1x128xf32, #tpu.memory_space<vmem>>, vector<1x128xf32>
    %add3A_43 = vector.broadcast %get3A_42 : vector<1x128xf32> to vector<2000x128xf32>
    %add3A_44 = arith.addf %dot_general3A_39, %add3A_43 : vector<2000x128xf32>
    %slice3A_45 = vector.extract_strided_slice %get3A_34 {offsets = [0, 0], sizes = [128, 128], strides = [1, 1]} : vector<256x128xf32> to vector<128x128xf32>
    %dot_general3A_46 = arith.constant dense<0.000000e+00> : vector<2000x128xf32>
    %dot_general3A_47 = tpu.matmul %add3A_44, %slice3A_45, %dot_general3A_46 {dimension_numbers = #tpu.dot_dimension_numbers<[1], [0], [0], [1], [0, 0, 1, 1], [], []>, transpose_lhs_hint = false} : vector<2000x128xf32>, vector<128x128xf32>, vector<2000x128xf32> -> vector<2000x128xf32>
    %slice3A_48 = vector.extract_strided_slice %get3A_34 {offsets = [128, 0], sizes = [128, 128], strides = [1, 1]} : vector<256x128xf32> to vector<128x128xf32>
    %dot_general3A_49 = arith.constant dense<0.000000e+00> : vector<2000x128xf32>
    %dot_general3A_50 = tpu.matmul %get3A_4, %slice3A_48, %dot_general3A_49 {dimension_numbers = #tpu.dot_dimension_numbers<[1], [0], [0], [1], [0, 0, 1, 1], [], []>, transpose_lhs_hint = false} : vector<2000x128xf32>, vector<128x128xf32>, vector<2000x128xf32> -> vector<2000x128xf32>
    %add3A_51 = arith.addf %dot_general3A_47, %dot_general3A_50 : vector<2000x128xf32>
    %get3A_52 = arith.constant 0 : index
    %get3A_53 = arith.constant 0 : index
    %get3A_54 = vector.load %arg13[%get3A_52, %get3A_53] : memref<1x128xf32, #tpu.memory_space<vmem>>, vector<1x128xf32>
    %add3A_55 = vector.broadcast %get3A_54 : vector<1x128xf32> to vector<2000x128xf32>
    %add3A_56 = arith.addf %add3A_51, %add3A_55 : vector<2000x128xf32>
    %logistic3A_57 = arith.negf %add3A_56 : vector<2000x128xf32>
    %logistic3A_58 = math.exp %logistic3A_57 : vector<2000x128xf32>
    %logistic3A_59 = arith.constant 1.000000e+00 : f32
    %logistic3A_60 = vector.broadcast %logistic3A_59 : f32 to vector<2000x128xf32>
    %logistic3A_61 = arith.addf %logistic3A_60, %logistic3A_58 : vector<2000x128xf32>
    %logistic3A_62 = arith.divf %logistic3A_60, %logistic3A_61 : vector<2000x128xf32>
    %mul3A = arith.mulf %get3A_4, %logistic3A_62 : vector<2000x128xf32>
    %get3A_63 = arith.constant 0 : index
    %get3A_64 = arith.constant 0 : index
    %get3A_65 = vector.load %arg11[%get3A_63, %get3A_64] : memref<256x128xf32, #tpu.memory_space<vmem>>, vector<256x128xf32>
    %get3A_66 = arith.constant 0 : index
    %get3A_67 = arith.constant 0 : index
    %get3A_68 = vector.load %arg5[%get3A_66, %get3A_67] : memref<128x128xf32, #tpu.memory_space<vmem>>, vector<128x128xf32>
    %dot_general3A_69 = arith.constant dense<0.000000e+00> : vector<2000x128xf32>
    %dot_general3A_70 = tpu.matmul %get3A_1, %get3A_68, %dot_general3A_69 {dimension_numbers = #tpu.dot_dimension_numbers<[1], [0], [0], [1], [0, 0, 1, 1], [], []>, transpose_lhs_hint = false} : vector<2000x128xf32>, vector<128x128xf32>, vector<2000x128xf32> -> vector<2000x128xf32>
    %get3A_71 = arith.constant 0 : index
    %get3A_72 = arith.constant 0 : index
    %get3A_73 = vector.load %arg8[%get3A_71, %get3A_72] : memref<1x128xf32, #tpu.memory_space<vmem>>, vector<1x128xf32>
    %add3A_74 = vector.broadcast %get3A_73 : vector<1x128xf32> to vector<2000x128xf32>
    %add3A_75 = arith.addf %dot_general3A_70, %add3A_74 : vector<2000x128xf32>
    %slice3A_76 = vector.extract_strided_slice %get3A_65 {offsets = [0, 0], sizes = [128, 128], strides = [1, 1]} : vector<256x128xf32> to vector<128x128xf32>
    %dot_general3A_77 = arith.constant dense<0.000000e+00> : vector<2000x128xf32>
    %dot_general3A_78 = tpu.matmul %add3A_75, %slice3A_76, %dot_general3A_77 {dimension_numbers = #tpu.dot_dimension_numbers<[1], [0], [0], [1], [0, 0, 1, 1], [], []>, transpose_lhs_hint = false} : vector<2000x128xf32>, vector<128x128xf32>, vector<2000x128xf32> -> vector<2000x128xf32>
    %slice3A_79 = vector.extract_strided_slice %get3A_65 {offsets = [128, 0], sizes = [128, 128], strides = [1, 1]} : vector<256x128xf32> to vector<128x128xf32>
    %dot_general3A_80 = arith.constant dense<0.000000e+00> : vector<2000x128xf32>
    %dot_general3A_81 = tpu.matmul %mul3A, %slice3A_79, %dot_general3A_80 {dimension_numbers = #tpu.dot_dimension_numbers<[1], [0], [0], [1], [0, 0, 1, 1], [], []>, transpose_lhs_hint = false} : vector<2000x128xf32>, vector<128x128xf32>, vector<2000x128xf32> -> vector<2000x128xf32>
    %add3A_82 = arith.addf %dot_general3A_78, %dot_general3A_81 : vector<2000x128xf32>
    %get3A_83 = arith.constant 0 : index
    %get3A_84 = arith.constant 0 : index
    %get3A_85 = vector.load %arg14[%get3A_83, %get3A_84] : memref<1x128xf32, #tpu.memory_space<vmem>>, vector<1x128xf32>
    %add3A_86 = vector.broadcast %get3A_85 : vector<1x128xf32> to vector<2000x128xf32>
    %add3A_87 = arith.addf %add3A_82, %add3A_86 : vector<2000x128xf32>
    %tanh3A = math.tanh %add3A_87 : vector<2000x128xf32>
    %mul3A_88 = arith.mulf %logistic3A_31, %get3A_4 : vector<2000x128xf32>
    %sub3A = arith.constant 1.000000e+00 : f32
    %sub3A_89 = vector.broadcast %sub3A : f32 to vector<2000x128xf32>
    %sub3A_90 = arith.subf %sub3A_89, %logistic3A_31 : vector<2000x128xf32>
    %mul3A_91 = arith.mulf %sub3A_90, %tanh3A : vector<2000x128xf32>
    %add3A_92 = arith.addf %mul3A_88, %mul3A_91 : vector<2000x128xf32>
    %swap3A = arith.constant 0 : index
    %swap3A_93 = arith.constant 0 : index
    %swap3A_94 = vector.load %arg15[%swap3A, %swap3A_93] : memref<2000x128xf32, #tpu.memory_space<vmem>>, vector<2000x128xf32>
    tpu.vector_store %arg15[%swap3A, %swap3A_93], %add3A_92 {strides = array<i32>} : memref<2000x128xf32, #tpu.memory_space<vmem>>, vector<2000x128xf32>,
    return
  }
  func.func @transform_0(%arg0: i32) -> (i32, i32) {
    %c0_i32 = arith.constant 0 : i32
    %c0_i32_0 = arith.constant 0 : i32
    return %arg0, %c0_i32 : i32, i32
  }
  func.func @transform_1(%arg0: i32) -> (i32, i32) {
    %c0_i32 = arith.constant 0 : i32
    %c0_i32_0 = arith.constant 0 : i32
    return %arg0, %c0_i32 : i32, i32
  }
  func.func @transform_2(%arg0: i32) -> (i32, i32) {
    %c0_i32 = arith.constant 0 : i32
    %c0_i32_0 = arith.constant 0 : i32
    %c0_i32_1 = arith.constant 0 : i32
    return %c0_i32, %c0_i32_0 : i32, i32
  }
  func.func @transform_3(%arg0: i32) -> (i32, i32) {
    %c0_i32 = arith.constant 0 : i32
    %c0_i32_0 = arith.constant 0 : i32
    %c0_i32_1 = arith.constant 0 : i32
    return %c0_i32, %c0_i32_0 : i32, i32
  }
  func.func @transform_4(%arg0: i32) -> (i32, i32) {
    %c0_i32 = arith.constant 0 : i32
    %c0_i32_0 = arith.constant 0 : i32
    %c0_i32_1 = arith.constant 0 : i32
    return %c0_i32, %c0_i32_0 : i32, i32
  }
  func.func @transform_5(%arg0: i32) -> (i32, i32) {
    %c0_i32 = arith.constant 0 : i32
    %c0_i32_0 = arith.constant 0 : i32
    %c0_i32_1 = arith.constant 0 : i32
    return %c0_i32, %c0_i32_0 : i32, i32
  }
  func.func @transform_6(%arg0: i32) -> (i32, i32) {
    %c0_i32 = arith.constant 0 : i32
    %c0_i32_0 = arith.constant 0 : i32
    %c0_i32_1 = arith.constant 0 : i32
    return %c0_i32, %c0_i32_0 : i32, i32
  }
  func.func @transform_7(%arg0: i32) -> (i32, i32) {
    %c0_i32 = arith.constant 0 : i32
    %c0_i32_0 = arith.constant 0 : i32
    %c0_i32_1 = arith.constant 0 : i32
    return %c0_i32, %c0_i32_0 : i32, i32
  }
  func.func @transform_8(%arg0: i32) -> (i32, i32) {
    %c0_i32 = arith.constant 0 : i32
    %c0_i32_0 = arith.constant 0 : i32
    %c0_i32_1 = arith.constant 0 : i32
    return %c0_i32, %c0_i32_0 : i32, i32
  }
  func.func @transform_9(%arg0: i32) -> (i32, i32) {
    %c0_i32 = arith.constant 0 : i32
    %c0_i32_0 = arith.constant 0 : i32
    %c0_i32_1 = arith.constant 0 : i32
    return %c0_i32, %c0_i32_0 : i32, i32
  }
  func.func @transform_10(%arg0: i32) -> (i32, i32) {
    %c0_i32 = arith.constant 0 : i32
    %c0_i32_0 = arith.constant 0 : i32
    %c0_i32_1 = arith.constant 0 : i32
    return %c0_i32, %c0_i32_0 : i32, i32
  }
  func.func @transform_11(%arg0: i32) -> (i32, i32) {
    %c0_i32 = arith.constant 0 : i32
    %c0_i32_0 = arith.constant 0 : i32
    %c0_i32_1 = arith.constant 0 : i32
    return %c0_i32, %c0_i32_0 : i32, i32
  }
  func.func @transform_12(%arg0: i32) -> (i32, i32) {
    %c0_i32 = arith.constant 0 : i32
    %c0_i32_0 = arith.constant 0 : i32
    %c0_i32_1 = arith.constant 0 : i32
    return %c0_i32, %c0_i32_0 : i32, i32
  }
  func.func @transform_13(%arg0: i32) -> (i32, i32) {
    %c0_i32 = arith.constant 0 : i32
    %c0_i32_0 = arith.constant 0 : i32
    %c0_i32_1 = arith.constant 0 : i32
    return %c0_i32, %c0_i32_0 : i32, i32
  }
  func.func @transform_14(%arg0: i32) -> (i32, i32) {
    %c0_i32 = arith.constant 0 : i32
    %c0_i32_0 = arith.constant 0 : i32
    return %arg0, %c0_i32 : i32, i32
  }
}

</mosaic_0001>

<sc_bundles>
// kernel: kernel.5.cloned.1.call-start
scs
__scs_entry_jumppad:
0x0: {  	(pc) =	sbr.rel $0x88, $3  }
0x1: {  	(tag) =	ssettag $0x0;
	lr =	simm.s32 $0x1  }
0x2: {  	[smem:$0x3F91] =	sst lr;
	_ =	strace $0xD0000000  }
0x3: {  	_ = 	snop  }
0x4: {  	_ = 	snop  }
0x5: {  	_ = 	snop  }
0x6: {  	_ = 	snop  }
0x7: {  	_ = 	snop  }
__scs_overlays_trampoline_lowered:
0x8: {  	[smem:$0x3FA0] =	sst s0  }
0x9: {  	[smem:$0x3FA1] =	sst s1  }
0xa: {  	[smem:$0x3FA2] =	sst s2  }
0xb: {  	[smem:$0x3FA3] =	sst s3  }
0xc: {  	[smem:$0x3FA4] =	sst s4  }
0xd: {  	[smem:$0x3FA5] =	sst s5  }
0xe: {  	[smem:$0x3FA6] =	sst s6  }
0xf: {  	[smem:$0x3FA7] =	sst s7  }
0x10: {  	[smem:$0x3FA8] =	sst s8  }
0x11: {  	[smem:$0x3FA9] =	sst s9;
	s0 =	simm.s32 @!p0 $0x0  }
0x12: {  	s1 =	sld [smem:$0x3F8F];
	s0 =	simm.s32 @p0 $0x1  }
0x13: {  	[smem:$0x3FAA] =	sst s0;
	s0 =	simm.s32 @!p1 $0x0  }
0x14: {  	s2 =	sld [smem:$0x3F8E];
	s0 =	simm.s32 @p1 $0x1  }
0x15: {  	[smem:$0x3FAB] =	sst s0;
	s0 =	simm.s32 @!p2 $0x0  }
0x16: {  	s3 =	sld [smem:$0x3FDB];
	s0 =	simm.s32 @p2 $0x1  }
0x17: {  	s4 =	simm.s32 $0x1BF5;
	[smem:$0x3FAD] =	sst s0  }
0x18: {  	s0 =	sld [smem:$0x3F90];
	_ =	swait.ge [sflag:s4], $0x0  }
0x19: {  	s7 =	sld [smem:$0x3F91]  }
0x1a: {  	s8 =	sadd.s32 $0xFFFFE003, lr  }
0x1b: {  	s9 =	sadd.s32 $0xFFFFFEF7, lr;
	s5 =	simm.s32 $0xFFFFFFFF;
	p2 =	slt.u32 s8, $0xFFFFF086  }
0x1c: {  	p1 =	slt.u32 s9, $0xF7A;
	s5 =	simm.s32 @!p2 $0x0  }
0x1d: {  	s5 =	simm.s32 @p1 $0x1;
	p0 =	seq.s32 s7, s2  }
0x1e: {  	s7 =	smul.u32 @!p0 $0xF7A, s2;
	p2 =	seq.s32 @!p0 s5, $0x0  }
0x1f: {  	s9 =	smul.u32 $0xF7A, s1;
	s8 =	simm.s32 @!p0 $0x1BF5;
	p2 =	por !p2, p0  }
0x20: {  	[sflag:s8] =	ssyncset.s32 @!p0 $0xFFFFF086;
	s6 =	sadd.s32 @!p0 s3, s7;
	s7 =	simm.s32 @!p0 $0x108  }
0x21: {  	s3 =	sadd.s32 s3, s9;
	s6 =	sadd.s32 @!p0 $0x88, s6;
	s7 =	simm.s32 @p2 $0x1082  }
0x22: {  	[simem:s7], [sflag:s8] =	dma.local @!p0 [hbm:s6], $0xF7A  }
0x23: {  	s9 =	sor.u32 $0xD0000000, s2;
	s6 =	simm.s32 $0x108;
	_ =	swait.ge @!p0 [sflag:s8], $0x0  }
0x24: {  	s3 =	sadd.s32 $0x88, s3;
	s6 =	simm.s32 @!p1 $0x1082;
	[sflag:s4] =	ssyncset.s32 $0xFFFFF086  }
0x25: {  	[simem:s6], [sflag:s4] =	dma.local [hbm:s3], $0xF7A  }
0x26: {  	[smem:$0x3F91] =	sst s1;
	(tag) =	ssettag s2;
	_ =	strace s9  }
0x27: {  	s1 =	sld [smem:$0x3FA1]  }
0x28: {  	s2 =	sld [smem:$0x3FA2]  }
0x29: {  	s4 =	sld [smem:$0x3FA4]  }
0x2a: {  	p0 =	seq.s32 s5, $0x0;
	s5 =	sld [smem:$0x3FA5]  }
0x2b: {  	s6 =	sld [smem:$0x3FA6]  }
0x2c: {  	s7 =	sld [smem:$0x3FA7]  }
0x2d: {  	s3 =	simm.s32 $0x108;
	s8 =	sld [smem:$0x3FA8]  }
0x2e: {  	s3 =	simm.s32 @!p0 $0x1082;
	s9 =	sld [smem:$0x3FA9]  }
0x2f: {  	lr =	sadd.s32 s0, s3;
	s0 =	sld [smem:$0x3FA0]  }
0x30: {  	s3 =	sld [smem:$0x3FA3]  }
0x31: {  	[smem:$0x3FAC] =	sst s10  }
0x32: {  	s10 =	sld [smem:$0x3FAA];
	_ =	sdelay $0x3  }
0x33: {  	p0 =	seq.s32 s10, $0x1;
	s10 =	sld [smem:$0x3FAC];
	_ =	sdelay $0x3  }
0x34: {  	[smem:$0x3FAC] =	sst s10  }
0x35: {  	s10 =	sld [smem:$0x3FAB];
	_ =	sdelay $0x3  }
0x36: {  	p1 =	seq.s32 s10, $0x1;
	s10 =	sld [smem:$0x3FAC];
	_ =	sdelay $0x3  }
0x37: {  	[smem:$0x3FAC] =	sst s10  }
0x38: {  	s10 =	sld [smem:$0x3FAD]  }
0x39: {  	_ = 	snop;
	(pc) =	sbr.ind lr, $3  }
0x3a: {  	_ = 	snop  }
0x3b: {  	_ = 	snop  }
0x3c: {  	p2 =	seq.s32 s10, $0x1;
	s10 =	sld [smem:$0x3FAC]  }
0x3d: {  	_ =	shalt  }
0x3e: {  	_ =	shalt  }
0x3f: {  	_ =	shalt  }
0x40: {  	_ =	shalt  }
0x41: {  	_ =	shalt  }
0x42: {  	_ =	shalt  }
0x43: {  	_ =	shalt  }
0x44: {  	_ =	shalt  }
0x45: {  	_ =	shalt  }
0x46: {  	_ =	shalt  }
0x47: {  	_ =	shalt  }
0x48: {  	_ =	shalt  }
0x49: {  	_ =	shalt  }
0x4a: {  	_ =	shalt  }
0x4b: {  	_ =	shalt  }
0x4c: {  	_ =	shalt  }
0x4d: {  	_ =	shalt  }
0x4e: {  	_ =	shalt  }
0x4f: {  	_ =	shalt  }
0x50: {  	_ =	shalt  }
0x51: {  	_ =	shalt  }
0x52: {  	_ =	shalt  }
0x53: {  	_ =	shalt  }
0x54: {  	_ =	shalt  }
0x55: {  	_ =	shalt  }
0x56: {  	_ =	shalt  }
0x57: {  	_ =	shalt  }
0x58: {  	_ =	shalt  }
0x59: {  	_ =	shalt  }
0x5a: {  	_ =	shalt  }
0x5b: {  	_ =	shalt  }
0x5c: {  	_ =	shalt  }
0x5d: {  	_ =	shalt  }
0x5e: {  	_ =	shalt  }
0x5f: {  	_ =	shalt  }
0x60: {  	_ =	shalt  }
0x61: {  	_ =	shalt  }
0x62: {  	_ =	shalt  }
0x63: {  	_ =	shalt  }
0x64: {  	_ =	shalt  }
0x65: {  	_ =	shalt  }
0x66: {  	_ =	shalt  }
0x67: {  	_ =	shalt  }
0x68: {  	_ =	shalt  }
0x69: {  	_ =	shalt  }
0x6a: {  	_ =	shalt  }
0x6b: {  	_ =	shalt  }
0x6c: {  	_ =	shalt  }
0x6d: {  	_ =	shalt  }
0x6e: {  	_ =	shalt  }
0x6f: {  	_ =	shalt  }
0x70: {  	_ =	shalt  }
0x71: {  	_ =	shalt  }
0x72: {  	_ =	shalt  }
0x73: {  	_ =	shalt  }
0x74: {  	_ =	shalt  }
0x75: {  	_ =	shalt  }
0x76: {  	_ =	shalt  }
0x77: {  	_ =	shalt  }
0x78: {  	_ =	shalt  }
0x79: {  	_ =	shalt  }
0x7a: {  	_ =	shalt  }
0x7b: {  	_ =	shalt  }
0x7c: {  	_ =	shalt  }
0x7d: {  	_ =	shalt  }
0x7e: {  	_ =	shalt  }
0x7f: {  	_ =	shalt  }
0x80: {  	_ =	shalt  }
0x81: {  	_ =	shalt  }
0x82: {  	_ =	shalt  }
0x83: {  	_ =	shalt  }
0x84: {  	_ =	shalt  }
0x85: {  	_ =	shalt  }
0x86: {  	_ =	shalt  }
0x87: {  	_ =	shalt  }
.Lfunc_end0:
.L_simem_size_0:
called_computation_lowered:
.L_overlay_start_0:
0x88: {  	s2 =	sld [smem:$0x3FD9]  }
0x89: {  	s3 =	sld [smem:$0x3FFE];
	_ =	sdelay $0x1  }
0x8a: {  	s1 =	srdreg.scid  }
0x8b: {  	s0 =	sand.u32 $0x1, s1  }
0x8c: {  	s17 =	sshll.u32 s0, $0xA;
	s2 =	sadd.s32 s3, s2  }
0x8d: {  	s2 =	sadd.s32 s2, s17  }
0x8e: {  	[smem:$0x3FB8] =	sst s2  }
0x8f: {  	_ = 	snop  }
0x90: {  	s2 =	sld [smem:$0x3FC6]  }
0x91: {  	s18 =	sld [smem:$0x3FD0];
	(tm) =	ssettm $0x1  }
0x92: {  	s4 =	sld [smem:$0x3FFB];
	_ =	sdelay $0x3  }
0x93: {  	_ =	strace s4  }
0x94: {  	s4 =	sld [smem:$0x3FFC];
	_ =	sdelay $0x3  }
0x95: {  	_ =	strace s4  }
0x96: {  	s4 =	sld [smem:$0x3FFD];
	_ =	sdelay $0x3  }
0x97: {  	_ =	strace s4  }
0x98: {  	_ =	strace $0x8FFFFFFF  }
0x99: {  	s19 =	sld [smem:$0x3FDB];
	_ =	sdelay $0x1  }
0x9a: {  	s5 =	simm.s32 $_scs_section_size  }
0x9b: {  	s6 =	simm.s32 $_size__tile_overlayer_lowered;
	s7 =	simm.s32 $_tile_overlayer_lowered  }
0x9c: {  	s22 =	simm.s32 $0x1BFF;
	s21 =	sshll.u32 s7, $0x1;
	s4 =	sadd.s32 s5, s19  }
0x9d: {  	s8 =	simm.s32 $0x0;
	s20 =	sshll.u32 s6, $0x1;
	s6 =	sadd.s32 s21, s4  }
0x9e: {  	[timem:s8], [sflag:s22] =	dma.local [hbm:s6], s20  }
0x9f: {  	_ =	swait.ge [sflag:s22], s20  }
0xa0: {  	s5 =	ssub.s32 $0x0, s20;
	[sflag:s22] =	ssyncset.done $0x0  }
0xa1: {  	[sflag:s22] =	ssyncadd.s32 s5;
	_ =	sdelay $0x1  }
0xa2: {  	s23 =	simm.s32 $0x1B8B  }
0xa3: {  	_ =	swait.ge [sflag:s23], $0x1  }
0xa4: {  	[sflag:s23] =	ssyncset.done $0x0  }
0xa5: {  	s25 =	simm.s32 $0x1B8E;
	s24 =	sld [smem:$0x3FFE];
	[sflag:s23] =	ssyncadd.s32 $0xFFFFFFFF  }
0xa6: {  	s26 =	simm.s32 $execute0_lowered;
	[smem:$0x3FD2] =	sst s25  }
0xa7: {  	s6 =	sshll.u32 s26, $0x1;
	_ =	strace $0x80000046;
	[dreg:$0x1] =	wrdreg $0xFFFFFFFF  }
0xa8: {  	s28 =	simm.s32 $_size_execute0_lowered;
	s4 =	sadd.s32 s4, s6;
	[dreg:$0x0] =	wrdreg $0x0  }
0xa9: {  	s6 =	sshll.u32 s28, $0x1;
	[dreg:$0x2] =	wrdreg s4  }
0xaa: {  	[dreg:$0x3] =	wrdreg s6  }
0xab: {  	[dreg:$0x4] =	wrdreg $0xC0  }
0xac: {  	_ =	task [dreg:s8], $0x5FFFF  }
0xad: {  	[dreg:$0x1] =	wrdreg $0xFFFFFFFF  }
0xae: {  	[dreg:$0x0] =	wrdreg $0x60  }
0xaf: {  	[dreg:$0x2] =	wrdreg s24  }
0xb0: {  	[dreg:$0x3] =	wrdreg s2  }
0xb1: {  	[dreg:$0x4] =	wrdreg s18  }
0xb2: {  	[dreg:$0x5] =	wrdreg $0x33800  }
0xb3: {  	[dreg:$0x6] =	wrdreg $0x9  }
0xb4: {  	_ =	task.clear_ibuf [dreg:s8], $0x7FFFF;
	_ =	strace $0x90000046  }
0xb5: {  	s29 =	simm.s32 $0x9;
	_ =	strace $0x80000048  }
0xb6: {  	_ =	swait.ge [sflag:s29], $0x1  }
0xb7: {  	[sflag:s29] =	ssyncadd.s32 $0xFFFFFFFF  }
0xb8: {  	_ =	strace $0x90000048  }
0xb9: {  	_ =	sfence  }
0xba: {  	s30 =	sld [smem:$0x0];
	_ =	sdelay $0x2  }
0xbb: {  	s31 =	sshll.u32 s1, $0xD;
	s1 =	sshrl.u32 s1, $0x2  }
0xbc: {  	s3 =	sand.u32 $0x4000, s31;
	s1 =	sadd.s32 s1, s30  }
0xbd: {  	s0 =	sor.u32 s3, s0;
	s1 =	sshll.u32 s1, $0x11  }
0xbe: {  	s0 =	sor.u32 s1, s0  }
0xbf: {  	s0 =	sadd.s32 $0x8F2B, s0  }
0xc0: {  	[sflag:s0] =	ssyncadd.remote.s32 $0x1  }
0xc1: {  	_ =	sfence.sel $0xFFFF  }
0xc2: {  	[dreg:$0x0] =	wrdreg $0xFFFFFFFF;
	(pc) =	sbr.abs _section_cstart, $3  }
0xc3: {  	[dreg:$0x1] =	wrdreg $0xFFFFFFFF  }
0xc4: {  	_ =	task.clear_ibuf [dreg:s8], $0x2FFFF;
	_ =	strace $0x9FFFFFFF  }
0xc5: {  	(tm) =	ssettm $0x7FFFFFFF  }
tec
execute0_lowered:
.L_overlay_start_1:
0x0: {  	(tag) =	ssettag $0x1  }
0x1: {  	s6 =	srdreg.scid  }
0x2: {  	s7 =	sand.u32 $0x1, s6  }
0x3: {  	s2 =	rddreg [dreg:$0x0];
	p1 =	seq.s32 s7, $0x1  }
.Ltmp0:
0x4: {  	s3 =	rddreg [dreg:$0x1];
	(pc) =	sbr.rel @p1 .LBB2_8-.Ltmp0, $4  }
0x5: {  	s1 =	rddreg [dreg:$0x2]  }
0x6: {  	s4 =	rddreg [dreg:$0x3];
	s5 =	simm.s32 $0x0  }
0x7: {  	[smem:$0x7FF] =	sst s5;
	s6 =	stileid.u32  }
0x8: {  	s0 =	rddreg [dreg:$0x4];
	_ =	strace $0x80000047;
	p0 =	sne.s32 s6, $0x0  }
0x9: {  	s7 =	smul.u32 $0x50, s6  }
0xa: {  	s8 =	sadd.s32 $0x2600, s2;
	s10 =	smul.u32 $0xA000, s6  }
0xb: {  	s9 =	sshrl.u32 @!p0 s4, $0x3;
	s11 =	simm.s32 @!p0 $0x1C01;
	s30 =	ssub.s32 $0x9D3, s6  }
0xc: {  	s12 =	simm.s32 @!p0 $0x1;
	s13 =	simm.s32 $0x80;
	s14 =	simm.s32 $0x100  }
0xd: {  	[spmem:s9], [sflag:s11] =	dma.local @!p0 [hbm:s1], $0x4E20  }
0xe: {  	s15 =	simm.s32 $0x0;
	s18 =	simm.s32 $0x0;
	s9 =	sshrl.u32 s30, $0x4  }
0xf: {  	s11 =	sshll.u32 s6, $0x7;
	s29 =	sadd.s32 s7, s2;
	_ =	swait.ge @!p0 [sflag:s12], $0x4E20  }
0x10: {  	s31 =	sshrl.u32 s10, $0x2;
	s10 =	sadd.s32 $0x25800, s4;
	[sflag:s12] =	ssyncset.done @!p0 $0x0  }
0x11: {  	s2 =	sadd.s32 $0x166B0, s2;
	s7 =	sadd.s32 s31, s4;
	[sflag:s12] =	ssyncadd.s32 @!p0 $0xFFFFB1E0  }
0x12: {  	vm0 =	vmmov $0x1;
	s1 =	sadd.s32 $0x16200, s29;
	s12 =	simm.s32 $0x1;
	[bflag:$0x0] =	sbarrier.arrive $0xFFFF  }
.LBB2_2:
0x13: {  	s16 =	sshll.u32 s15, $0xB  }
0x14: {  	s16 =	sor.u32 s11, s16  }
0x15: {  	s16 =	sshrl.u32 s16, $0x3  }
0x16: {  	s17 =	sadd.s32 s8, s16  }
0x17: {  	[tilespmem:s18], [sflag:$0x1] =	stream.linear.gather [hbm4b:s17+s18], $0x80, $0x38;
	[tilespmem:$0x5A90] =	vst v63  }
0x18: {  	_ =	swait.ge [sflag:s12], $0x80  }
0x19: {  	[sflag:s12] =	ssyncset.done $0x0  }
0x1a: {  	v0 =	vmov s18;
	s16 =	sadd.s32 s3, s16;
	[sflag:s12] =	ssyncadd.s32 $0xFFFFFF80  }
0x1b: {  	[tilespmem:s13], [sflag:$0x1] =	stream.linear.gather [hbm4b:s16+s18], $0x80, $0x38;
	[tilespmem:$0x5A90] =	vst v63  }
0x1c: {  	_ =	swait.ge [sflag:s12], $0x80  }
0x1d: {  	[sflag:s12] =	ssyncset.done $0x0  }
0x1e: {  	[sflag:s12] =	ssyncadd.s32 $0xFFFFFF80  }
0x1f: {  	v0 =	vld.idx.msk [tilespmem:v0+s13+$0x0], $0xffff  }
0x20: {  	s30 =	simm.s32 $0x1  }
0x21: {  	v1 =	vmov s30;
	_ =	sdelay $0x2  }
0x22: {  	v0 =	vnsel vm0, $0x0, v0  }
0x23: {  	[tilespmem:s14+$0x0] =	vst v0  }
0x24: {  	v1 =	vld.idx.msk [tilespmem:v1+s13+$0x0], $0xffff  }
0x25: {  	s31 =	simm.s32 $0x2  }
0x26: {  	s17 =	simm.s32 $0x3;
	s16 =	simm.s32 $0x100;
	v0 =	vmov s31  }
.LBB2_3:
0x27: {  	p1 =	sne.s32 s17, $0x7F;
	_ =	sdelay $0x1  }
0x28: {  	s16 =	sadd.s32 $0x10, s16;
	v1 =	vnsel vm0, $0x0, v1  }
.Ltmp1:
0x29: {  	[tilespmem:s16+$0x0] =	vst v1;
	(pc) =	sbr.rel @p1 .LBB2_3-.Ltmp1, $2  }
0x2a: {  	v1 =	vld.idx.msk [tilespmem:v0+s13+$0x0], $0xffff;
	_ =	sdelay $0x2  }
0x2b: {  	v0 =	vmov s17;
	s17 =	sadd.s32 $0x1, s17  }
0x2c: {  	_ =	sdelay $0x1  }
0x2d: {  	s16 =	sadd.s32 $0x10, s16;
	v1 =	vnsel vm0, $0x0, v1  }
0x2e: {  	[tilespmem:s16+$0x0] =	vst v1  }
0x2f: {  	v0 =	vld.idx.msk [tilespmem:v0+s13+$0x0], $0xffff;
	_ =	sdelay $0x3  }
0x30: {  	s15 =	sadd.s32 $0x1, s15  }
0x31: {  	p1 =	sne.s32 s15, s9;
	s16 =	sadd.s32 $0x10, s16;
	v0 =	vnsel vm0, $0x0, v0  }
.Ltmp2:
0x32: {  	[tilespmem:s16+$0x0] =	vst v0;
	(pc) =	sbr.rel @p1 .LBB2_2-.Ltmp2, $4  }
0x33: {  	[spmem:s4] =	stream.indirect.scatter.add.f32 [tilespmem:s14], [sflag:$0x1], $0x10, s5, s13, $0xb8;
	[tilespmem:$0x5A90] =	vst v63  }
0x34: {  	_ =	swait.ge [sflag:s12], $0x800  }
0x35: {  	[sflag:s12] =	ssyncset.done $0x0  }
0x36: {  	[sflag:s12] =	ssyncadd.s32 $0xFFFFF800  }
0x37: {  	p1 =	seq.s32 s6, $0xF  }
0x38: {  	[bflag:$0x0] =	sbarrier.arrive $0xFFFF;
	s3 =	simm.s32 @p1 $0x900  }
0x39: {  	[tilespmem:s3], [sflag:$0x1] =	stream.linear.gather @p1 [spmem:s10], $0x1900, $0x38;
	[tilespmem:$0x5A90] =	vst v63  }
0x3a: {  	s3 =	simm.s32 @p1 $0x1  }
0x3b: {  	s4 =	simm.s32 $0x0;
	v0 =	vlaneseq.u32;
	_ =	swait.ge @p1 [sflag:s3], $0x1900  }
0x3c: {  	v0 =	vmul.u32 $0x10, v0;
	v1 =	vmov s4;
	[sflag:s3] =	ssyncset.done @p1 $0x0  }
0x3d: {  	v1 =	vshll.u32 v1, $0x4;
	[sflag:s3] =	ssyncadd.s32 @p1 $0xFFFFE700;
	s3 =	simm.s32 @!p1 $0x900  }
0x3e: {  	v1 =	vor.u32 v0, v1;
	[tilespmem:s3], [sflag:$0x1] =	stream.linear.gather @!p1 [spmem:s7], $0x2800, $0x38;
	[tilespmem:$0x5A90] =	vst v63  }
0x3f: {  	s3 =	simm.s32 @!p1 $0x1  }
0x40: {  	_ =	swait.ge @!p1 [sflag:s3], $0x2800  }
0x41: {  	[sflag:s3] =	ssyncset.done @!p1 $0x0  }
0x42: {  	[sflag:s3] =	ssyncadd.s32 @!p1 $0xFFFFD800;
	s3 =	simm.s32 $0x900  }
0x43: {  	v1 =	vld.idx.msk [tilespmem:v1+s3+$0x0], $0xffff;
	_ =	sdelay $0x4  }
0x44: {  	v2 =	vshra.s32 v1, $0x1;
	v3 =	vmul.f32 $5.000000000e-01, v1  }
0x45: {  	v2 =	vsub.s32 $0x5F3759DF, v2  }
0x46: {  	v4 =	vmul.f32 v2, v3;
	_ =	sdelay $0x1  }
0x47: {  	v4 =	vmul.f32 v2, v4;
	_ =	sdelay $0x1  }
0x48: {  	v4 =	vsub.f32 $1.500000000e+00, v4;
	_ =	sdelay $0x1  }
0x49: {  	v2 =	vmul.f32 v2, v4;
	_ =	sdelay $0x1  }
0x4a: {  	v4 =	vmul.f32 v2, v3;
	_ =	sdelay $0x1  }
0x4b: {  	v4 =	vmul.f32 v4, v2;
	_ =	sdelay $0x1  }
0x4c: {  	v4 =	vsub.f32 $1.500000000e+00, v4;
	_ =	sdelay $0x1  }
0x4d: {  	v2 =	vmul.f32 v4, v2;
	_ =	sdelay $0x1  }
0x4e: {  	v3 =	vmul.f32 v2, v3;
	_ =	sdelay $0x1  }
0x4f: {  	s31 =	simm.s32 $0x10;
	v3 =	vmul.f32 v3, v2  }
0x50: {  	v4 =	vmov s31  }
0x51: {  	v4 =	vshll.u32 v4, $0x4;
	v3 =	vsub.f32 $1.500000000e+00, v3  }
0x52: {  	v4 =	vor.u32 v0, v4  }
0x53: {  	v2 =	vmul.f32 v3, v2  }
0x54: {  	vm0 =	vgt.f32 v1, $0.0e+00  }
0x55: {  	s4 =	simm.s32 $0x3100;
	v1 =	vnsel vm0, $0x0, v2  }
0x56: {  	[tilespmem:s4+$0x0] =	vst v1  }
0x57: {  	v1 =	vld.idx.msk [tilespmem:v4+s3+$0x0], $0xffff;
	_ =	sdelay $0x4  }
0x58: {  	v2 =	vshra.s32 v1, $0x1;
	v3 =	vmul.f32 $5.000000000e-01, v1  }
0x59: {  	v2 =	vsub.s32 $0x5F3759DF, v2  }
0x5a: {  	v4 =	vmul.f32 v2, v3;
	_ =	sdelay $0x1  }
0x5b: {  	v4 =	vmul.f32 v2, v4;
	_ =	sdelay $0x1  }
0x5c: {  	v4 =	vsub.f32 $1.500000000e+00, v4;
	_ =	sdelay $0x1  }
0x5d: {  	v2 =	vmul.f32 v2, v4;
	_ =	sdelay $0x1  }
0x5e: {  	v4 =	vmul.f32 v2, v3;
	_ =	sdelay $0x1  }
0x5f: {  	v4 =	vmul.f32 v4, v2;
	_ =	sdelay $0x1  }
0x60: {  	v4 =	vsub.f32 $1.500000000e+00, v4;
	_ =	sdelay $0x1  }
0x61: {  	v2 =	vmul.f32 v4, v2;
	_ =	sdelay $0x1  }
0x62: {  	v3 =	vmul.f32 v2, v3;
	_ =	sdelay $0x1  }
0x63: {  	s5 =	simm.s32 $0x20;
	v3 =	vmul.f32 v3, v2  }
0x64: {  	v4 =	vmov s5;
	s5 =	simm.s32 $0x30  }
.LBB2_6:
0x65: {  	p2 =	sne.s32 s5, $0x270;
	v4 =	vshll.u32 v4, $0x4;
	v3 =	vsub.f32 $1.500000000e+00, v3  }
0x66: {  	v4 =	vor.u32 v0, v4  }
0x67: {  	v2 =	vmul.f32 v3, v2  }
0x68: {  	vm0 =	vgt.f32 v1, $0.0e+00  }
0x69: {  	s4 =	sadd.s32 $0x10, s4;
	v1 =	vnsel vm0, $0x0, v2  }
0x6a: {  	[tilespmem:s4+$0x0] =	vst v1  }
0x6b: {  	v1 =	vld.idx.msk [tilespmem:v4+s3+$0x0], $0xffff;
	_ =	sdelay $0x5  }
0x6c: {  	v2 =	vshra.s32 v1, $0x1;
	v3 =	vmul.f32 $5.000000000e-01, v1  }
0x6d: {  	v2 =	vsub.s32 $0x5F3759DF, v2  }
0x6e: {  	v4 =	vmul.f32 v2, v3;
	_ =	sdelay $0x1  }
0x6f: {  	v4 =	vmul.f32 v2, v4;
	_ =	sdelay $0x1  }
0x70: {  	v4 =	vsub.f32 $1.500000000e+00, v4;
	_ =	sdelay $0x1  }
0x71: {  	v2 =	vmul.f32 v2, v4;
	_ =	sdelay $0x1  }
0x72: {  	v4 =	vmul.f32 v2, v3;
	_ =	sdelay $0x1  }
0x73: {  	v4 =	vmul.f32 v4, v2;
	_ =	sdelay $0x1  }
0x74: {  	v4 =	vsub.f32 $1.500000000e+00, v4;
	_ =	sdelay $0x1  }
0x75: {  	v2 =	vmul.f32 v4, v2  }
.Ltmp3:
0x76: {  	(pc) =	sbr.rel @p2 .LBB2_6-.Ltmp3, $3  }
0x77: {  	v3 =	vmul.f32 v2, v3;
	_ =	sdelay $0x1  }
0x78: {  	v3 =	vmul.f32 v3, v2  }
0x79: {  	v4 =	vmov s5;
	s5 =	sadd.s32 $0x10, s5  }
0x7a: {  	v4 =	vshll.u32 v4, $0x4;
	v3 =	vsub.f32 $1.500000000e+00, v3  }
0x7b: {  	v0 =	vor.u32 v0, v4  }
0x7c: {  	v2 =	vmul.f32 v3, v2  }
0x7d: {  	vm0 =	vgt.f32 v1, $0.0e+00  }
0x7e: {  	s4 =	sadd.s32 $0x10, s4;
	v1 =	vnsel vm0, $0x0, v2  }
0x7f: {  	[tilespmem:s4+$0x0] =	vst v1  }
0x80: {  	v0 =	vld.idx.msk [tilespmem:v0+s3+$0x0], $0xffff;
	_ =	sdelay $0x4  }
0x81: {  	v61 =	vshra.s32 v0, $0x1;
	v62 =	vmul.f32 $5.000000000e-01, v0  }
0x82: {  	v1 =	vsub.s32 $0x5F3759DF, v61  }
0x83: {  	v63 =	vmul.f32 v1, v62;
	_ =	sdelay $0x1  }
0x84: {  	v3 =	vmul.f32 v1, v63;
	_ =	sdelay $0x1  }
0x85: {  	v3 =	vsub.f32 $1.500000000e+00, v3;
	_ =	sdelay $0x1  }
0x86: {  	v1 =	vmul.f32 v1, v3;
	_ =	sdelay $0x1  }
0x87: {  	v3 =	vmul.f32 v1, v62;
	_ =	sdelay $0x1  }
0x88: {  	v3 =	vmul.f32 v3, v1;
	_ =	sdelay $0x1  }
0x89: {  	v3 =	vsub.f32 $1.500000000e+00, v3;
	_ =	sdelay $0x1  }
0x8a: {  	v1 =	vmul.f32 v3, v1;
	_ =	sdelay $0x1  }
0x8b: {  	v2 =	vmul.f32 v1, v62;
	_ =	sdelay $0x1  }
0x8c: {  	v2 =	vmul.f32 v2, v1;
	_ =	sdelay $0x1  }
0x8d: {  	v2 =	vsub.f32 $1.500000000e+00, v2;
	_ =	sdelay $0x1  }
0x8e: {  	v1 =	vmul.f32 v2, v1  }
0x8f: {  	vm15 =	vgt.f32 v0, $0.0e+00  }
0x90: {  	s31 =	sadd.s32 $0x10, s4;
	v0 =	vnsel vm15, $0x0, v1  }
0x91: {  	s4 =	simm.s32 @p1 $0x3100;
	s3 =	simm.s32 @p1 $0x0;
	[tilespmem:s31+$0x0] =	vst v0  }
0x92: {  	[hbm4b:s2+s3] =	stream.linear.scatter @p1 [tilespmem:s4], [sflag:$0x1], $0x190, $0x38;
	[tilespmem:$0x5A90] =	vst v63  }
0x93: {  	s2 =	simm.s32 @p1 $0x1  }
0x94: {  	_ =	swait.ge @p1 [sflag:s2], $0x190  }
0x95: {  	[sflag:s2] =	ssyncset.done @p1 $0x0  }
0x96: {  	s3 =	simm.s32 @!p1 $0x3100;
	[sflag:s2] =	ssyncadd.s32 @p1 $0xFFFFFE70;
	s2 =	simm.s32 @!p1 $0x0  }
0x97: {  	[hbm4b:s1+s2] =	stream.linear.scatter @!p1 [tilespmem:s3], [sflag:$0x1], $0x280, $0x38;
	[tilespmem:$0x5A90] =	vst v63  }
0x98: {  	s1 =	simm.s32 @!p1 $0x1  }
0x99: {  	_ =	swait.ge @!p1 [sflag:s1], $0x280  }
0x9a: {  	[sflag:s1] =	ssyncset.done @!p1 $0x0  }
0x9b: {  	[sflag:s1] =	ssyncadd.s32 @!p1 $0xFFFFFD80  }
.LBB2_8:
0x9c: {  	_ =	sfence.sel $0x180000  }
0x9d: {  	[bflag:$0x0] =	sbarrier.arrive $0xFFFF  }
0x9e: {  	_ =	strace $0x90000047  }
0x9f: {  	s0 =	sadd.s32 @!p0 $0x100000, s0;
	[bflag:$0x2] =	sbarrier.arrive $0xFFFF  }
0xa0: {  	[sflag:s0] =	ssyncadd.tile.s32 @!p0 $0x1;
	_ =	shalt  }
.Lfunc_end2:
_tile_overlayer_lowered:
.L_overlay_start_2:
0xa1: {  	(tag) =	ssettag $0x2  }
0xa2: {  	s0 =	rddreg [dreg:$0x0];
	s2 =	stileid.u32  }
0xa3: {  	s1 =	rddreg [dreg:$0x1];
	p0 =	sne.s32 s2, $0x0  }
0xa4: {  	s3 =	rddreg [dreg:$0x2];
	[bflag:$0x3] =	sbarrier.arrive $0xFFFF;
	s2 =	simm.s32 @!p0 $0x1C01  }
0xa5: {  	[timem:s3], [sflag:s2] =	dma.local @!p0 [hbm:s0], s1  }
0xa6: {  	s0 =	simm.s32 @!p0 $0x1  }
0xa7: {  	_ =	swait.ge @!p0 [sflag:s0], s1  }
0xa8: {  	s1 =	ssub.s32 @!p0 $0x0, s1;
	[sflag:s0] =	ssyncset.done @!p0 $0x0  }
0xa9: {  	[sflag:s0] =	ssyncadd.s32 @!p0 s1  }
0xaa: {  	[bflag:$0x3] =	sbarrier.arrive $0xFFFF  }
0xab: {  	_ =	shalt  }

// kernel: kernel.8.cloned.1.call-start
scs
__scs_entry_jumppad:
0x0: {  	(pc) =	sbr.rel $0x88, $3  }
0x1: {  	(tag) =	ssettag $0x0;
	lr =	simm.s32 $0x1  }
0x2: {  	[smem:$0x3F91] =	sst lr;
	_ =	strace $0xD0000000  }
0x3: {  	_ = 	snop  }
0x4: {  	_ = 	snop  }
0x5: {  	_ = 	snop  }
0x6: {  	_ = 	snop  }
0x7: {  	_ = 	snop  }
__scs_overlays_trampoline_lowered:
0x8: {  	[smem:$0x3FA0] =	sst s0  }
0x9: {  	[smem:$0x3FA1] =	sst s1  }
0xa: {  	[smem:$0x3FA2] =	sst s2  }
0xb: {  	[smem:$0x3FA3] =	sst s3  }
0xc: {  	[smem:$0x3FA4] =	sst s4  }
0xd: {  	[smem:$0x3FA5] =	sst s5  }
0xe: {  	[smem:$0x3FA6] =	sst s6  }
0xf: {  	[smem:$0x3FA7] =	sst s7  }
0x10: {  	[smem:$0x3FA8] =	sst s8  }
0x11: {  	[smem:$0x3FA9] =	sst s9;
	s0 =	simm.s32 @!p0 $0x0  }
0x12: {  	s1 =	sld [smem:$0x3F8F];
	s0 =	simm.s32 @p0 $0x1  }
0x13: {  	[smem:$0x3FAA] =	sst s0;
	s0 =	simm.s32 @!p1 $0x0  }
0x14: {  	s2 =	sld [smem:$0x3F8E];
	s0 =	simm.s32 @p1 $0x1  }
0x15: {  	[smem:$0x3FAB] =	sst s0;
	s0 =	simm.s32 @!p2 $0x0  }
0x16: {  	s3 =	sld [smem:$0x3FDB];
	s0 =	simm.s32 @p2 $0x1  }
0x17: {  	s4 =	simm.s32 $0x1BF5;
	[smem:$0x3FAD] =	sst s0  }
0x18: {  	s0 =	sld [smem:$0x3F90];
	_ =	swait.ge [sflag:s4], $0x0  }
0x19: {  	s7 =	sld [smem:$0x3F91]  }
0x1a: {  	s8 =	sadd.s32 $0xFFFFE003, lr  }
0x1b: {  	s9 =	sadd.s32 $0xFFFFFEF7, lr;
	s5 =	simm.s32 $0xFFFFFFFF;
	p2 =	slt.u32 s8, $0xFFFFF086  }
0x1c: {  	p1 =	slt.u32 s9, $0xF7A;
	s5 =	simm.s32 @!p2 $0x0  }
0x1d: {  	s5 =	simm.s32 @p1 $0x1;
	p0 =	seq.s32 s7, s2  }
0x1e: {  	s7 =	smul.u32 @!p0 $0xF7A, s2;
	p2 =	seq.s32 @!p0 s5, $0x0  }
0x1f: {  	s9 =	smul.u32 $0xF7A, s1;
	s8 =	simm.s32 @!p0 $0x1BF5;
	p2 =	por !p2, p0  }
0x20: {  	[sflag:s8] =	ssyncset.s32 @!p0 $0xFFFFF086;
	s6 =	sadd.s32 @!p0 s3, s7;
	s7 =	simm.s32 @!p0 $0x108  }
0x21: {  	s3 =	sadd.s32 s3, s9;
	s6 =	sadd.s32 @!p0 $0x88, s6;
	s7 =	simm.s32 @p2 $0x1082  }
0x22: {  	[simem:s7], [sflag:s8] =	dma.local @!p0 [hbm:s6], $0xF7A  }
0x23: {  	s9 =	sor.u32 $0xD0000000, s2;
	s6 =	simm.s32 $0x108;
	_ =	swait.ge @!p0 [sflag:s8], $0x0  }
0x24: {  	s3 =	sadd.s32 $0x88, s3;
	s6 =	simm.s32 @!p1 $0x1082;
	[sflag:s4] =	ssyncset.s32 $0xFFFFF086  }
0x25: {  	[simem:s6], [sflag:s4] =	dma.local [hbm:s3], $0xF7A  }
0x26: {  	[smem:$0x3F91] =	sst s1;
	(tag) =	ssettag s2;
	_ =	strace s9  }
0x27: {  	s1 =	sld [smem:$0x3FA1]  }
0x28: {  	s2 =	sld [smem:$0x3FA2]  }
0x29: {  	s4 =	sld [smem:$0x3FA4]  }
0x2a: {  	p0 =	seq.s32 s5, $0x0;
	s5 =	sld [smem:$0x3FA5]  }
0x2b: {  	s6 =	sld [smem:$0x3FA6]  }
0x2c: {  	s7 =	sld [smem:$0x3FA7]  }
0x2d: {  	s3 =	simm.s32 $0x108;
	s8 =	sld [smem:$0x3FA8]  }
0x2e: {  	s3 =	simm.s32 @!p0 $0x1082;
	s9 =	sld [smem:$0x3FA9]  }
0x2f: {  	lr =	sadd.s32 s0, s3;
	s0 =	sld [smem:$0x3FA0]  }
0x30: {  	s3 =	sld [smem:$0x3FA3]  }
0x31: {  	[smem:$0x3FAC] =	sst s10  }
0x32: {  	s10 =	sld [smem:$0x3FAA];
	_ =	sdelay $0x3  }
0x33: {  	p0 =	seq.s32 s10, $0x1;
	s10 =	sld [smem:$0x3FAC];
	_ =	sdelay $0x3  }
0x34: {  	[smem:$0x3FAC] =	sst s10  }
0x35: {  	s10 =	sld [smem:$0x3FAB];
	_ =	sdelay $0x3  }
0x36: {  	p1 =	seq.s32 s10, $0x1;
	s10 =	sld [smem:$0x3FAC];
	_ =	sdelay $0x3  }
0x37: {  	[smem:$0x3FAC] =	sst s10  }
0x38: {  	s10 =	sld [smem:$0x3FAD]  }
0x39: {  	_ = 	snop;
	(pc) =	sbr.ind lr, $3  }
0x3a: {  	_ = 	snop  }
0x3b: {  	_ = 	snop  }
0x3c: {  	p2 =	seq.s32 s10, $0x1;
	s10 =	sld [smem:$0x3FAC]  }
0x3d: {  	_ =	shalt  }
0x3e: {  	_ =	shalt  }
0x3f: {  	_ =	shalt  }
0x40: {  	_ =	shalt  }
0x41: {  	_ =	shalt  }
0x42: {  	_ =	shalt  }
0x43: {  	_ =	shalt  }
0x44: {  	_ =	shalt  }
0x45: {  	_ =	shalt  }
0x46: {  	_ =	shalt  }
0x47: {  	_ =	shalt  }
0x48: {  	_ =	shalt  }
0x49: {  	_ =	shalt  }
0x4a: {  	_ =	shalt  }
0x4b: {  	_ =	shalt  }
0x4c: {  	_ =	shalt  }
0x4d: {  	_ =	shalt  }
0x4e: {  	_ =	shalt  }
0x4f: {  	_ =	shalt  }
0x50: {  	_ =	shalt  }
0x51: {  	_ =	shalt  }
0x52: {  	_ =	shalt  }
0x53: {  	_ =	shalt  }
0x54: {  	_ =	shalt  }
0x55: {  	_ =	shalt  }
0x56: {  	_ =	shalt  }
0x57: {  	_ =	shalt  }
0x58: {  	_ =	shalt  }
0x59: {  	_ =	shalt  }
0x5a: {  	_ =	shalt  }
0x5b: {  	_ =	shalt  }
0x5c: {  	_ =	shalt  }
0x5d: {  	_ =	shalt  }
0x5e: {  	_ =	shalt  }
0x5f: {  	_ =	shalt  }
0x60: {  	_ =	shalt  }
0x61: {  	_ =	shalt  }
0x62: {  	_ =	shalt  }
0x63: {  	_ =	shalt  }
0x64: {  	_ =	shalt  }
0x65: {  	_ =	shalt  }
0x66: {  	_ =	shalt  }
0x67: {  	_ =	shalt  }
0x68: {  	_ =	shalt  }
0x69: {  	_ =	shalt  }
0x6a: {  	_ =	shalt  }
0x6b: {  	_ =	shalt  }
0x6c: {  	_ =	shalt  }
0x6d: {  	_ =	shalt  }
0x6e: {  	_ =	shalt  }
0x6f: {  	_ =	shalt  }
0x70: {  	_ =	shalt  }
0x71: {  	_ =	shalt  }
0x72: {  	_ =	shalt  }
0x73: {  	_ =	shalt  }
0x74: {  	_ =	shalt  }
0x75: {  	_ =	shalt  }
0x76: {  	_ =	shalt  }
0x77: {  	_ =	shalt  }
0x78: {  	_ =	shalt  }
0x79: {  	_ =	shalt  }
0x7a: {  	_ =	shalt  }
0x7b: {  	_ =	shalt  }
0x7c: {  	_ =	shalt  }
0x7d: {  	_ =	shalt  }
0x7e: {  	_ =	shalt  }
0x7f: {  	_ =	shalt  }
0x80: {  	_ =	shalt  }
0x81: {  	_ =	shalt  }
0x82: {  	_ =	shalt  }
0x83: {  	_ =	shalt  }
0x84: {  	_ =	shalt  }
0x85: {  	_ =	shalt  }
0x86: {  	_ =	shalt  }
0x87: {  	_ =	shalt  }
.Lfunc_end0:
.L_simem_size_0:
called_computation.1_lowered:
.L_overlay_start_0:
0x88: {  	s2 =	sld [smem:$0x3FD9]  }
0x89: {  	s3 =	sld [smem:$0x3FFE];
	_ =	sdelay $0x1  }
0x8a: {  	s1 =	srdreg.scid  }
0x8b: {  	s0 =	sand.u32 $0x1, s1  }
0x8c: {  	s17 =	sshll.u32 s0, $0xA;
	s2 =	sadd.s32 s3, s2  }
0x8d: {  	s2 =	sadd.s32 s2, s17  }
0x8e: {  	[smem:$0x3FB8] =	sst s2  }
0x8f: {  	_ = 	snop  }
0x90: {  	s2 =	sld [smem:$0x3FC9]  }
0x91: {  	s18 =	sld [smem:$0x3FC6]  }
0x92: {  	s4 =	sld [smem:$0x3FD0];
	(tm) =	ssettm $0x1  }
0x93: {  	s5 =	sld [smem:$0x3FFB];
	_ =	sdelay $0x3  }
0x94: {  	_ =	strace s5  }
0x95: {  	s5 =	sld [smem:$0x3FFC];
	_ =	sdelay $0x3  }
0x96: {  	_ =	strace s5  }
0x97: {  	s5 =	sld [smem:$0x3FFD];
	_ =	sdelay $0x3  }
0x98: {  	_ =	strace s5  }
0x99: {  	_ =	strace $0x8FFFFFFF  }
0x9a: {  	s19 =	sld [smem:$0x3FDB];
	_ =	sdelay $0x1  }
0x9b: {  	s6 =	simm.s32 $_scs_section_size  }
0x9c: {  	s7 =	simm.s32 $_size__tile_overlayer_lowered;
	s8 =	simm.s32 $_tile_overlayer_lowered  }
0x9d: {  	s22 =	simm.s32 $0x1BFF;
	s21 =	sshll.u32 s8, $0x1;
	s5 =	sadd.s32 s6, s19  }
0x9e: {  	s9 =	simm.s32 $0x0;
	s20 =	sshll.u32 s7, $0x1;
	s7 =	sadd.s32 s21, s5  }
0x9f: {  	[timem:s9], [sflag:s22] =	dma.local [hbm:s7], s20  }
0xa0: {  	_ =	swait.ge [sflag:s22], s20  }
0xa1: {  	s6 =	ssub.s32 $0x0, s20;
	[sflag:s22] =	ssyncset.done $0x0  }
0xa2: {  	[sflag:s22] =	ssyncadd.s32 s6;
	_ =	sdelay $0x1  }
0xa3: {  	s23 =	simm.s32 $0x1B8B  }
0xa4: {  	_ =	swait.ge [sflag:s23], $0x1  }
0xa5: {  	[sflag:s23] =	ssyncset.done $0x0  }
0xa6: {  	s25 =	simm.s32 $0x1B8E;
	s24 =	sld [smem:$0x3FFE];
	[sflag:s23] =	ssyncadd.s32 $0xFFFFFFFF  }
0xa7: {  	s26 =	simm.s32 $execute0_lowered;
	[smem:$0x3FD2] =	sst s25  }
0xa8: {  	s7 =	sshll.u32 s26, $0x1;
	_ =	strace $0x80000049;
	[dreg:$0x1] =	wrdreg $0xFFFFFFFF  }
0xa9: {  	s28 =	simm.s32 $_size_execute0_lowered;
	s5 =	sadd.s32 s5, s7;
	[dreg:$0x0] =	wrdreg $0x0  }
0xaa: {  	s7 =	sshll.u32 s28, $0x1;
	[dreg:$0x2] =	wrdreg s5  }
0xab: {  	[dreg:$0x3] =	wrdreg s7  }
0xac: {  	[dreg:$0x4] =	wrdreg $0xC0  }
0xad: {  	_ =	task [dreg:s9], $0x5FFFF  }
0xae: {  	[dreg:$0x1] =	wrdreg $0xFFFFFFFF  }
0xaf: {  	[dreg:$0x0] =	wrdreg $0x60  }
0xb0: {  	[dreg:$0x2] =	wrdreg s2  }
0xb1: {  	[dreg:$0x3] =	wrdreg s24  }
0xb2: {  	[dreg:$0x4] =	wrdreg s18  }
0xb3: {  	[dreg:$0x5] =	wrdreg s4  }
0xb4: {  	[dreg:$0x6] =	wrdreg $0x69900  }
0xb5: {  	[dreg:$0x7] =	wrdreg $0x9  }
0xb6: {  	_ =	task.clear_ibuf [dreg:s9], $0x8FFFF;
	_ =	strace $0x90000049  }
0xb7: {  	s29 =	simm.s32 $0x9;
	_ =	strace $0x8000004B  }
0xb8: {  	_ =	swait.ge [sflag:s29], $0x1  }
0xb9: {  	[sflag:s29] =	ssyncadd.s32 $0xFFFFFFFF  }
0xba: {  	_ =	strace $0x9000004B  }
0xbb: {  	_ =	sfence  }
0xbc: {  	s30 =	sld [smem:$0x0];
	_ =	sdelay $0x2  }
0xbd: {  	s31 =	sshll.u32 s1, $0xD;
	s1 =	sshrl.u32 s1, $0x2  }
0xbe: {  	s3 =	sand.u32 $0x4000, s31;
	s1 =	sadd.s32 s1, s30  }
0xbf: {  	s0 =	sor.u32 s3, s0;
	s1 =	sshll.u32 s1, $0x11  }
0xc0: {  	s0 =	sor.u32 s1, s0  }
0xc1: {  	s0 =	sadd.s32 $0x8F2B, s0  }
0xc2: {  	[sflag:s0] =	ssyncadd.remote.s32 $0x1  }
0xc3: {  	_ =	sfence.sel $0xFFFF  }
0xc4: {  	[dreg:$0x0] =	wrdreg $0xFFFFFFFF;
	(pc) =	sbr.abs _section_cstart, $3  }
0xc5: {  	[dreg:$0x1] =	wrdreg $0xFFFFFFFF  }
0xc6: {  	_ =	task.clear_ibuf [dreg:s9], $0x2FFFF;
	_ =	strace $0x9FFFFFFF  }
0xc7: {  	(tm) =	ssettm $0x7FFFFFFF  }
tec
execute0_lowered:
.L_overlay_start_1:
0x0: {  	(tag) =	ssettag $0x1  }
0x1: {  	s1 =	rddreg [dreg:$0x0]  }
0x2: {  	s0 =	rddreg [dreg:$0x1]  }
0x3: {  	s2 =	rddreg [dreg:$0x2]  }
0x4: {  	s3 =	rddreg [dreg:$0x3]  }
0x5: {  	s4 =	rddreg [dreg:$0x4]  }
0x6: {  	s6 =	srdreg.scid;
	s22 =	stileid.u32  }
0x7: {  	s5 =	simm.s32 $0x0;
	s8 =	sand.u32 $0x1, s6;
	s6 =	smul.u32 $0x271, s22  }
0x8: {  	[smem:$0x7FF] =	sst s5;
	s11 =	smul.u32 $0x4E200, s22  }
0x9: {  	s7 =	sadd.s32 $0xC400, s0;
	_ =	strace $0x8000004A;
	s10 =	smul.u32 $0x2710, s8  }
0xa: {  	s9 =	ssub.s32 $0x2, s8;
	s8 =	sadd.s32 $0x2600, s0;
	s0 =	sadd.s32 $0x16200, s0  }
0xb: {  	[dreg:$0x6] =	wrdreg s0;
	s21 =	sshrl.u32 s9, $0x1;
	s11 =	sshrl.u32 s11, $0x2  }
0xc: {  	s12 =	sadd.s32 $0xFA, s6;
	s16 =	sadd.s32 $0x1F4, s6;
	s0 =	ssub.s32 s9, s21  }
0xd: {  	s23 =	sadd.s32 s6, s10;
	s31 =	sadd.s32 s11, s4;
	s11 =	sadd.s32 $0x7D, s6  }
0xe: {  	s24 =	sadd.s32 s10, s12;
	s15 =	sshll.u32 s12, $0x7;
	s21 =	sadd.s32 s10, s16  }
0xf: {  	s9 =	sshll.u32 s23, $0x4;
	s13 =	sadd.s32 s10, s11;
	s14 =	sshll.u32 s11, $0x7  }
0x10: {  	s19 =	sshll.u32 s24, $0x4;
	s15 =	sadd.s32 s15, s4;
	s21 =	sshll.u32 s21, $0x4  }
0x11: {  	s0 =	smax.u32 s0, $0x1;
	s18 =	sshll.u32 s13, $0x4;
	s13 =	sadd.s32 s14, s4  }
0x12: {  	s14 =	sadd.s32 $0x177, s6;
	[dreg:$0x7] =	wrdreg s15;
	s28 =	sadd.s32 s1, s9  }
0x13: {  	s9 =	sadd.s32 s3, s9;
	[dreg:$0x13] =	wrdreg s0;
	s0 =	sshll.u32 s22, $0x7  }
0x14: {  	s17 =	sadd.s32 s10, s14;
	s25 =	sshll.u32 s14, $0x7;
	[dreg:$0x9] =	wrdreg s28  }
0x15: {  	[dreg:$0xa] =	wrdreg s9;
	s15 =	sadd.s32 s1, s18;
	s28 =	ssub.s32 $0x9D3, s22  }
0x16: {  	s9 =	simm.s32 $0x2;
	s26 =	sadd.s32 s25, s4;
	[dreg:$0xb] =	wrdreg s15  }
0x17: {  	s20 =	sshll.u32 s17, $0x4;
	s17 =	sadd.s32 s3, s18;
	[dreg:$0x8] =	wrdreg s26  }
0x18: {  	s22 =	simm.s32 $0x1;
	s18 =	sadd.s32 s1, s19;
	[dreg:$0xc] =	wrdreg s17  }
0x19: {  	s19 =	sadd.s32 s3, s19;
	s25 =	sshll.u32 s16, $0x7;
	[dreg:$0xd] =	wrdreg s18  }
0x1a: {  	s30 =	sshrl.u32 s28, $0x4;
	[dreg:$0xe] =	wrdreg s19;
	s23 =	sadd.s32 s1, s20  }
0x1b: {  	s24 =	sadd.s32 s3, s20;
	s3 =	sadd.s32 s3, s21;
	[dreg:$0xf] =	wrdreg s23  }
0x1c: {  	s26 =	sadd.s32 s1, s21;
	s29 =	sadd.s32 s25, s4;
	[dreg:$0x10] =	wrdreg s24  }
0x1d: {  	s18 =	simm.s32 $0x280;
	s19 =	simm.s32 $0x80;
	[dreg:$0x11] =	wrdreg s3  }
0x1e: {  	s20 =	simm.s32 $0x100;
	s21 =	simm.s32 $0x180;
	[dreg:$0x12] =	wrdreg s26  }
0x1f: {  	v0 =	vmov s10;
	s3 =	simm.s32 $0x4280;
	s23 =	simm.s32 $0x200;
	s24 =	simm.s32 $0x0  }
.LBB2_1:
0x20: {  	s10 =	rddreg [dreg:$0x6]  }
0x21: {  	[tilespmem:s3], [sflag:$0x2] =	stream.linear.gather [hbm4b:s10+s5], $0x2710, $0x38;
	[tilespmem:$0x1A210] =	vst v63  }
0x22: {  	_ =	swait.ge [sflag:s9], $0x2710  }
0x23: {  	[sflag:s9] =	ssyncset.done $0x0  }
0x24: {  	s26 =	sadd.s32 $0x0, s6;
	s15 =	rddreg [dreg:$0x9];
	[sflag:s9] =	ssyncadd.s32 $0xFFFFD8F0  }
0x25: {  	v1 =	vmov s26;
	[tilespmem:s18], [sflag:$0x2] =	stream.linear.gather [hbm4b:s15+s5], $0x3E80, $0x38;
	[tilespmem:$0x1A210] =	vst v63  }
0x26: {  	_ =	swait.ge [sflag:s9], $0x3E80  }
0x27: {  	[sflag:s9] =	ssyncset.done $0x0  }
0x28: {  	s25 =	simm.s32 $0x2C0;
	[sflag:s9] =	ssyncadd.s32 $0xFFFFC180  }
0x29: {  	v5 =	vld [tilespmem:s25+$0x30]  }
0x2a: {  	v2 =	vld.idx.msk [tilespmem:v1+s3+$0x0], $0xffff  }
0x2b: {  	v8 =	vld [tilespmem:s25+$0x10]  }
0x2c: {  	v6 =	vld [tilespmem:s25+$0xFFFFFFC0]  }
0x2d: {  	v10 =	vld [tilespmem:s25+$0xFFFFFFE0]  }
0x2e: {  	v1 =	vld [tilespmem:s25+$0xFFFFFFF0]  }
0x2f: {  	v3 =	vld [tilespmem:s25+$0x20];
	v2 =	vmul.f32 v2, v2  }
0x30: {  	v4 =	vld [tilespmem:s25+$0xFFFFFFD0]  }
0x31: {  	v9 =	vmul.f32 v5, v2;
	v5 =	vld [tilespmem:s25+$0x0]  }
0x32: {  	v7 =	vmul.f32 v2, v6  }
0x33: {  	s28 =	simm.s32 $0x2C0;
	s26 =	simm.s32 $0x1;
	v6 =	vmul.f32 v10, v2;
	v8 =	vmul.f32 v8, v2  }
.LBB2_2:
0x34: {  	p0 =	sne.s32 s26, $0x7C  }
0x35: {  	v4 =	vmul.f32 v4, v2;
	v3 =	vmul.f32 v3, v2;
	[tilespmem:s25+$0x30] =	vst v9;
	s28 =	sadd.s32 $0x80, s28;
	s10 =	smov.u32 s26;
	s26 =	sadd.s32 $0x1, s26  }
0x36: {  	v1 =	vmul.f32 v1, v2;
	[tilespmem:s25+$0xFFFFFFC0] =	vst v7;
	v2 =	vmul.f32 v5, v2  }
0x37: {  	s10 =	sadd.s32 s10, s6;
	[tilespmem:s25+$0x10] =	vst v8  }
0x38: {  	v5 =	vmov s10;
	[tilespmem:s25+$0xFFFFFFE0] =	vst v6  }
0x39: {  	[tilespmem:s25+$0xFFFFFFF0] =	vst v1  }
0x3a: {  	[tilespmem:s25+$0x0] =	vst v2  }
0x3b: {  	v1 =	vld [tilespmem:s28+$0xFFFFFFF0];
	[tilespmem:s25+$0x20] =	vst v3  }
0x3c: {  	v6 =	vld [tilespmem:s28+$0x30];
	[tilespmem:s25+$0xFFFFFFD0] =	vst v4;
	s25 =	smov.u32 s28  }
0x3d: {  	v2 =	vld.idx.msk [tilespmem:v5+s3+$0x0], $0xffff  }
0x3e: {  	v8 =	vld [tilespmem:s28+$0x10]  }
0x3f: {  	v7 =	vld [tilespmem:s28+$0xFFFFFFC0]  }
0x40: {  	v10 =	vld [tilespmem:s28+$0xFFFFFFE0]  }
0x41: {  	v3 =	vld [tilespmem:s28+$0x20]  }
.Ltmp0:
0x42: {  	v4 =	vld [tilespmem:s28+$0xFFFFFFD0];
	(pc) =	sbr.rel @p0 .LBB2_2-.Ltmp0, $3  }
0x43: {  	v2 =	vmul.f32 v2, v2;
	v5 =	vld [tilespmem:s28+$0x0];
	_ =	sdelay $0x1  }
0x44: {  	v7 =	vmul.f32 v2, v7;
	v9 =	vmul.f32 v6, v2  }
0x45: {  	v8 =	vmul.f32 v8, v2;
	v6 =	vmul.f32 v10, v2  }
0x46: {  	[tilespmem:s25+$0x30] =	vst v9  }
0x47: {  	[tilespmem:s25+$0xFFFFFFC0] =	vst v7  }
0x48: {  	v1 =	vmul.f32 v1, v2;
	[tilespmem:s25+$0x10] =	vst v8  }
0x49: {  	v3 =	vmul.f32 v3, v2;
	[tilespmem:s25+$0xFFFFFFE0] =	vst v6  }
0x4a: {  	v5 =	vmul.f32 v5, v2;
	[tilespmem:s25+$0xFFFFFFF0] =	vst v1  }
0x4b: {  	v1 =	vmul.f32 v4, v2;
	[tilespmem:s25+$0x20] =	vst v3  }
0x4c: {  	[tilespmem:s25+$0x0] =	vst v5  }
0x4d: {  	[tilespmem:s25+$0xFFFFFFD0] =	vst v1  }
0x4e: {  	[spmem:s31] =	stream.linear.scatter [tilespmem:s18], [sflag:$0x2], $0x3E80, $0x38;
	[tilespmem:$0x1A210] =	vst v63  }
0x4f: {  	_ =	swait.ge [sflag:s9], $0x3E80  }
0x50: {  	s10 =	simm.s32 $0x0;
	[sflag:s9] =	ssyncset.done $0x0  }
0x51: {  	s26 =	sadd.s32 $0x0, s11;
	s15 =	rddreg [dreg:$0xb];
	[sflag:s9] =	ssyncadd.s32 $0xFFFFC180  }
0x52: {  	v1 =	vmov s26;
	[tilespmem:s18], [sflag:$0x2] =	stream.linear.gather [hbm4b:s15+s10], $0x3E80, $0x38;
	[tilespmem:$0x1A210] =	vst v63  }
0x53: {  	_ =	swait.ge [sflag:s9], $0x3E80  }
0x54: {  	[sflag:s9] =	ssyncset.done $0x0  }
0x55: {  	s25 =	simm.s32 $0x2C0;
	[sflag:s9] =	ssyncadd.s32 $0xFFFFC180  }
0x56: {  	v5 =	vld [tilespmem:s25+$0x30]  }
0x57: {  	v2 =	vld.idx.msk [tilespmem:v1+s3+$0x0], $0xffff  }
0x58: {  	v8 =	vld [tilespmem:s25+$0x10]  }
0x59: {  	v6 =	vld [tilespmem:s25+$0xFFFFFFC0]  }
0x5a: {  	v10 =	vld [tilespmem:s25+$0xFFFFFFE0]  }
0x5b: {  	v1 =	vld [tilespmem:s25+$0xFFFFFFF0]  }
0x5c: {  	v3 =	vld [tilespmem:s25+$0x20];
	v2 =	vmul.f32 v2, v2  }
0x5d: {  	v4 =	vld [tilespmem:s25+$0xFFFFFFD0]  }
0x5e: {  	v9 =	vmul.f32 v5, v2;
	v5 =	vld [tilespmem:s25+$0x0]  }
0x5f: {  	v7 =	vmul.f32 v2, v6  }
0x60: {  	s28 =	simm.s32 $0x2C0;
	s26 =	simm.s32 $0x1;
	v6 =	vmul.f32 v10, v2;
	v8 =	vmul.f32 v8, v2  }
.LBB2_4:
0x61: {  	p0 =	sne.s32 s26, $0x7C  }
0x62: {  	v4 =	vmul.f32 v4, v2;
	v3 =	vmul.f32 v3, v2;
	[tilespmem:s25+$0x30] =	vst v9;
	s28 =	sadd.s32 $0x80, s28;
	s10 =	smov.u32 s26;
	s26 =	sadd.s32 $0x1, s26  }
0x63: {  	v1 =	vmul.f32 v1, v2;
	[tilespmem:s25+$0xFFFFFFC0] =	vst v7;
	v2 =	vmul.f32 v5, v2  }
0x64: {  	s10 =	sadd.s32 s10, s11;
	[tilespmem:s25+$0x10] =	vst v8  }
0x65: {  	v5 =	vmov s10;
	[tilespmem:s25+$0xFFFFFFE0] =	vst v6  }
0x66: {  	[tilespmem:s25+$0xFFFFFFF0] =	vst v1  }
0x67: {  	[tilespmem:s25+$0x0] =	vst v2  }
0x68: {  	v1 =	vld [tilespmem:s28+$0xFFFFFFF0];
	[tilespmem:s25+$0x20] =	vst v3  }
0x69: {  	v6 =	vld [tilespmem:s28+$0x30];
	[tilespmem:s25+$0xFFFFFFD0] =	vst v4;
	s25 =	smov.u32 s28  }
0x6a: {  	v2 =	vld.idx.msk [tilespmem:v5+s3+$0x0], $0xffff  }
0x6b: {  	v8 =	vld [tilespmem:s28+$0x10]  }
0x6c: {  	v7 =	vld [tilespmem:s28+$0xFFFFFFC0]  }
0x6d: {  	v10 =	vld [tilespmem:s28+$0xFFFFFFE0]  }
0x6e: {  	v3 =	vld [tilespmem:s28+$0x20]  }
.Ltmp1:
0x6f: {  	v4 =	vld [tilespmem:s28+$0xFFFFFFD0];
	(pc) =	sbr.rel @p0 .LBB2_4-.Ltmp1, $3  }
0x70: {  	v2 =	vmul.f32 v2, v2;
	v5 =	vld [tilespmem:s28+$0x0];
	_ =	sdelay $0x1  }
0x71: {  	v7 =	vmul.f32 v2, v7;
	v9 =	vmul.f32 v6, v2  }
0x72: {  	v8 =	vmul.f32 v8, v2;
	v6 =	vmul.f32 v10, v2  }
0x73: {  	[tilespmem:s25+$0x30] =	vst v9  }
0x74: {  	[tilespmem:s25+$0xFFFFFFC0] =	vst v7  }
0x75: {  	v1 =	vmul.f32 v1, v2;
	[tilespmem:s25+$0x10] =	vst v8  }
0x76: {  	v3 =	vmul.f32 v3, v2;
	[tilespmem:s25+$0xFFFFFFE0] =	vst v6  }
0x77: {  	v5 =	vmul.f32 v5, v2;
	[tilespmem:s25+$0xFFFFFFF0] =	vst v1  }
0x78: {  	v1 =	vmul.f32 v4, v2;
	[tilespmem:s25+$0x20] =	vst v3  }
0x79: {  	[tilespmem:s25+$0x0] =	vst v5  }
0x7a: {  	[tilespmem:s25+$0xFFFFFFD0] =	vst v1  }
0x7b: {  	[spmem:s13] =	stream.linear.scatter [tilespmem:s18], [sflag:$0x2], $0x3E80, $0x38;
	[tilespmem:$0x1A210] =	vst v63  }
0x7c: {  	_ =	swait.ge [sflag:s9], $0x3E80  }
0x7d: {  	s10 =	simm.s32 $0x0;
	[sflag:s9] =	ssyncset.done $0x0  }
0x7e: {  	s26 =	sadd.s32 $0x0, s12;
	s15 =	rddreg [dreg:$0xd];
	[sflag:s9] =	ssyncadd.s32 $0xFFFFC180  }
0x7f: {  	v1 =	vmov s26;
	[tilespmem:s18], [sflag:$0x2] =	stream.linear.gather [hbm4b:s15+s10], $0x3E80, $0x38;
	[tilespmem:$0x1A210] =	vst v63  }
0x80: {  	_ =	swait.ge [sflag:s9], $0x3E80  }
0x81: {  	[sflag:s9] =	ssyncset.done $0x0  }
0x82: {  	s25 =	simm.s32 $0x2C0;
	[sflag:s9] =	ssyncadd.s32 $0xFFFFC180  }
0x83: {  	v5 =	vld [tilespmem:s25+$0x30]  }
0x84: {  	v2 =	vld.idx.msk [tilespmem:v1+s3+$0x0], $0xffff  }
0x85: {  	v8 =	vld [tilespmem:s25+$0x10]  }
0x86: {  	v6 =	vld [tilespmem:s25+$0xFFFFFFC0]  }
0x87: {  	v10 =	vld [tilespmem:s25+$0xFFFFFFE0]  }
0x88: {  	v1 =	vld [tilespmem:s25+$0xFFFFFFF0]  }
0x89: {  	v3 =	vld [tilespmem:s25+$0x20];
	v2 =	vmul.f32 v2, v2  }
0x8a: {  	v4 =	vld [tilespmem:s25+$0xFFFFFFD0]  }
0x8b: {  	v9 =	vmul.f32 v5, v2;
	v5 =	vld [tilespmem:s25+$0x0]  }
0x8c: {  	v7 =	vmul.f32 v2, v6  }
0x8d: {  	s28 =	simm.s32 $0x2C0;
	s26 =	simm.s32 $0x1;
	v6 =	vmul.f32 v10, v2;
	v8 =	vmul.f32 v8, v2  }
.LBB2_6:
0x8e: {  	p0 =	sne.s32 s26, $0x7C  }
0x8f: {  	v4 =	vmul.f32 v4, v2;
	v3 =	vmul.f32 v3, v2;
	[tilespmem:s25+$0x30] =	vst v9;
	s28 =	sadd.s32 $0x80, s28;
	s10 =	smov.u32 s26;
	s26 =	sadd.s32 $0x1, s26  }
0x90: {  	v1 =	vmul.f32 v1, v2;
	[tilespmem:s25+$0xFFFFFFC0] =	vst v7;
	v2 =	vmul.f32 v5, v2  }
0x91: {  	s10 =	sadd.s32 s10, s12;
	[tilespmem:s25+$0x10] =	vst v8  }
0x92: {  	v5 =	vmov s10;
	[tilespmem:s25+$0xFFFFFFE0] =	vst v6  }
0x93: {  	[tilespmem:s25+$0xFFFFFFF0] =	vst v1  }
0x94: {  	[tilespmem:s25+$0x0] =	vst v2  }
0x95: {  	v1 =	vld [tilespmem:s28+$0xFFFFFFF0];
	[tilespmem:s25+$0x20] =	vst v3  }
0x96: {  	v6 =	vld [tilespmem:s28+$0x30];
	[tilespmem:s25+$0xFFFFFFD0] =	vst v4;
	s25 =	smov.u32 s28  }
0x97: {  	v2 =	vld.idx.msk [tilespmem:v5+s3+$0x0], $0xffff  }
0x98: {  	v8 =	vld [tilespmem:s28+$0x10]  }
0x99: {  	v7 =	vld [tilespmem:s28+$0xFFFFFFC0]  }
0x9a: {  	v10 =	vld [tilespmem:s28+$0xFFFFFFE0]  }
0x9b: {  	v3 =	vld [tilespmem:s28+$0x20]  }
.Ltmp2:
0x9c: {  	v4 =	vld [tilespmem:s28+$0xFFFFFFD0];
	(pc) =	sbr.rel @p0 .LBB2_6-.Ltmp2, $3  }
0x9d: {  	v2 =	vmul.f32 v2, v2;
	v5 =	vld [tilespmem:s28+$0x0];
	_ =	sdelay $0x1  }
0x9e: {  	v7 =	vmul.f32 v2, v7;
	v9 =	vmul.f32 v6, v2  }
0x9f: {  	v8 =	vmul.f32 v8, v2;
	v6 =	vmul.f32 v10, v2  }
0xa0: {  	[tilespmem:s25+$0x30] =	vst v9  }
0xa1: {  	[tilespmem:s25+$0xFFFFFFC0] =	vst v7  }
0xa2: {  	v1 =	vmul.f32 v1, v2;
	[tilespmem:s25+$0x10] =	vst v8  }
0xa3: {  	v3 =	vmul.f32 v3, v2;
	[tilespmem:s25+$0xFFFFFFE0] =	vst v6  }
0xa4: {  	v5 =	vmul.f32 v5, v2;
	[tilespmem:s25+$0xFFFFFFF0] =	vst v1  }
0xa5: {  	v1 =	vmul.f32 v4, v2;
	[tilespmem:s25+$0x20] =	vst v3  }
0xa6: {  	[tilespmem:s25+$0x0] =	vst v5  }
0xa7: {  	s10 =	rddreg [dreg:$0x7];
	[tilespmem:s25+$0xFFFFFFD0] =	vst v1  }
0xa8: {  	[spmem:s10] =	stream.linear.scatter [tilespmem:s18], [sflag:$0x2], $0x3E80, $0x38;
	[tilespmem:$0x1A210] =	vst v63  }
0xa9: {  	_ =	swait.ge [sflag:s9], $0x3E80  }
0xaa: {  	s15 =	smov.u32 s31;
	s26 =	simm.s32 $0x0;
	[sflag:s9] =	ssyncset.done $0x0  }
0xab: {  	s31 =	sadd.s32 $0x0, s14;
	s17 =	rddreg [dreg:$0xf];
	[sflag:s9] =	ssyncadd.s32 $0xFFFFC180  }
0xac: {  	v1 =	vmov s31;
	[tilespmem:s18], [sflag:$0x2] =	stream.linear.gather [hbm4b:s17+s26], $0x3E80, $0x38;
	[tilespmem:$0x1A210] =	vst v63  }
0xad: {  	_ =	swait.ge [sflag:s9], $0x3E80  }
0xae: {  	[sflag:s9] =	ssyncset.done $0x0  }
0xaf: {  	s25 =	simm.s32 $0x2C0;
	[sflag:s9] =	ssyncadd.s32 $0xFFFFC180  }
0xb0: {  	v5 =	vld [tilespmem:s25+$0x30]  }
0xb1: {  	v2 =	vld.idx.msk [tilespmem:v1+s3+$0x0], $0xffff  }
0xb2: {  	v8 =	vld [tilespmem:s25+$0x10]  }
0xb3: {  	v6 =	vld [tilespmem:s25+$0xFFFFFFC0]  }
0xb4: {  	v10 =	vld [tilespmem:s25+$0xFFFFFFE0]  }
0xb5: {  	v1 =	vld [tilespmem:s25+$0xFFFFFFF0]  }
0xb6: {  	v3 =	vld [tilespmem:s25+$0x20];
	v2 =	vmul.f32 v2, v2  }
0xb7: {  	v4 =	vld [tilespmem:s25+$0xFFFFFFD0]  }
0xb8: {  	v9 =	vmul.f32 v5, v2;
	v5 =	vld [tilespmem:s25+$0x0]  }
0xb9: {  	v7 =	vmul.f32 v2, v6  }
0xba: {  	s28 =	simm.s32 $0x2C0;
	s26 =	simm.s32 $0x1;
	v6 =	vmul.f32 v10, v2;
	v8 =	vmul.f32 v8, v2  }
.LBB2_8:
0xbb: {  	p0 =	sne.s32 s26, $0x7C  }
0xbc: {  	v4 =	vmul.f32 v4, v2;
	v3 =	vmul.f32 v3, v2;
	[tilespmem:s25+$0x30] =	vst v9;
	s28 =	sadd.s32 $0x80, s28;
	s10 =	smov.u32 s26;
	s26 =	sadd.s32 $0x1, s26  }
0xbd: {  	v1 =	vmul.f32 v1, v2;
	[tilespmem:s25+$0xFFFFFFC0] =	vst v7;
	v2 =	vmul.f32 v5, v2  }
0xbe: {  	s10 =	sadd.s32 s10, s14;
	[tilespmem:s25+$0x10] =	vst v8  }
0xbf: {  	v5 =	vmov s10;
	[tilespmem:s25+$0xFFFFFFE0] =	vst v6  }
0xc0: {  	[tilespmem:s25+$0xFFFFFFF0] =	vst v1  }
0xc1: {  	[tilespmem:s25+$0x0] =	vst v2  }
0xc2: {  	v1 =	vld [tilespmem:s28+$0xFFFFFFF0];
	[tilespmem:s25+$0x20] =	vst v3  }
0xc3: {  	v6 =	vld [tilespmem:s28+$0x30];
	[tilespmem:s25+$0xFFFFFFD0] =	vst v4;
	s25 =	smov.u32 s28  }
0xc4: {  	v2 =	vld.idx.msk [tilespmem:v5+s3+$0x0], $0xffff  }
0xc5: {  	v8 =	vld [tilespmem:s28+$0x10]  }
0xc6: {  	v7 =	vld [tilespmem:s28+$0xFFFFFFC0]  }
0xc7: {  	v10 =	vld [tilespmem:s28+$0xFFFFFFE0]  }
0xc8: {  	v3 =	vld [tilespmem:s28+$0x20]  }
.Ltmp3:
0xc9: {  	v4 =	vld [tilespmem:s28+$0xFFFFFFD0];
	(pc) =	sbr.rel @p0 .LBB2_8-.Ltmp3, $3  }
0xca: {  	v2 =	vmul.f32 v2, v2;
	v5 =	vld [tilespmem:s28+$0x0];
	_ =	sdelay $0x1  }
0xcb: {  	v7 =	vmul.f32 v2, v7;
	v9 =	vmul.f32 v6, v2  }
0xcc: {  	v8 =	vmul.f32 v8, v2;
	v6 =	vmul.f32 v10, v2  }
0xcd: {  	[tilespmem:s25+$0x30] =	vst v9  }
0xce: {  	[tilespmem:s25+$0xFFFFFFC0] =	vst v7  }
0xcf: {  	v1 =	vmul.f32 v1, v2;
	[tilespmem:s25+$0x10] =	vst v8  }
0xd0: {  	v3 =	vmul.f32 v3, v2;
	[tilespmem:s25+$0xFFFFFFE0] =	vst v6  }
0xd1: {  	v5 =	vmul.f32 v5, v2;
	[tilespmem:s25+$0xFFFFFFF0] =	vst v1  }
0xd2: {  	v1 =	vmul.f32 v4, v2;
	[tilespmem:s25+$0x20] =	vst v3  }
0xd3: {  	[tilespmem:s25+$0x0] =	vst v5  }
0xd4: {  	s10 =	rddreg [dreg:$0x8];
	[tilespmem:s25+$0xFFFFFFD0] =	vst v1  }
0xd5: {  	[spmem:s10] =	stream.linear.scatter [tilespmem:s18], [sflag:$0x2], $0x3E80, $0x38;
	[tilespmem:$0x1A210] =	vst v63  }
0xd6: {  	_ =	swait.ge [sflag:s9], $0x3E80  }
0xd7: {  	s26 =	sadd.s32 $0x0, s16;
	[sflag:s9] =	ssyncset.done $0x0  }
0xd8: {  	s25 =	simm.s32 $0x0;
	s31 =	rddreg [dreg:$0x12];
	[sflag:s9] =	ssyncadd.s32 $0xFFFFC180  }
0xd9: {  	v1 =	vmov s26;
	[tilespmem:s18], [sflag:$0x2] =	stream.linear.gather [hbm4b:s31+s25], $0x3E80, $0x38;
	[tilespmem:$0x1A210] =	vst v63  }
0xda: {  	_ =	swait.ge [sflag:s9], $0x3E80  }
0xdb: {  	[sflag:s9] =	ssyncset.done $0x0  }
0xdc: {  	s25 =	simm.s32 $0x2C0;
	[sflag:s9] =	ssyncadd.s32 $0xFFFFC180  }
0xdd: {  	v5 =	vld [tilespmem:s25+$0x30]  }
0xde: {  	v2 =	vld.idx.msk [tilespmem:v1+s3+$0x0], $0xffff  }
0xdf: {  	v8 =	vld [tilespmem:s25+$0x10]  }
0xe0: {  	v6 =	vld [tilespmem:s25+$0xFFFFFFC0]  }
0xe1: {  	v10 =	vld [tilespmem:s25+$0xFFFFFFE0]  }
0xe2: {  	v1 =	vld [tilespmem:s25+$0xFFFFFFF0]  }
0xe3: {  	v3 =	vld [tilespmem:s25+$0x20];
	v2 =	vmul.f32 v2, v2  }
0xe4: {  	v4 =	vld [tilespmem:s25+$0xFFFFFFD0]  }
0xe5: {  	v9 =	vmul.f32 v5, v2;
	v5 =	vld [tilespmem:s25+$0x0]  }
0xe6: {  	v7 =	vmul.f32 v2, v6  }
0xe7: {  	s17 =	smov.u32 s13;
	s28 =	simm.s32 $0x2C0;
	s26 =	simm.s32 $0x1;
	v6 =	vmul.f32 v10, v2;
	v8 =	vmul.f32 v8, v2  }
.LBB2_10:
0xe8: {  	p0 =	sne.s32 s26, $0x7C  }
0xe9: {  	v4 =	vmul.f32 v4, v2;
	v3 =	vmul.f32 v3, v2;
	[tilespmem:s25+$0x30] =	vst v9;
	s28 =	sadd.s32 $0x80, s28;
	s10 =	smov.u32 s26;
	s26 =	sadd.s32 $0x1, s26  }
0xea: {  	v1 =	vmul.f32 v1, v2;
	[tilespmem:s25+$0xFFFFFFC0] =	vst v7;
	v2 =	vmul.f32 v5, v2  }
0xeb: {  	s10 =	sadd.s32 s10, s16;
	[tilespmem:s25+$0x10] =	vst v8  }
0xec: {  	v5 =	vmov s10;
	[tilespmem:s25+$0xFFFFFFE0] =	vst v6  }
0xed: {  	[tilespmem:s25+$0xFFFFFFF0] =	vst v1  }
0xee: {  	[tilespmem:s25+$0x0] =	vst v2  }
0xef: {  	v1 =	vld [tilespmem:s28+$0xFFFFFFF0];
	[tilespmem:s25+$0x20] =	vst v3  }
0xf0: {  	v6 =	vld [tilespmem:s28+$0x30];
	[tilespmem:s25+$0xFFFFFFD0] =	vst v4;
	s25 =	smov.u32 s28  }
0xf1: {  	v2 =	vld.idx.msk [tilespmem:v5+s3+$0x0], $0xffff  }
0xf2: {  	v8 =	vld [tilespmem:s28+$0x10]  }
0xf3: {  	v7 =	vld [tilespmem:s28+$0xFFFFFFC0]  }
0xf4: {  	v10 =	vld [tilespmem:s28+$0xFFFFFFE0]  }
0xf5: {  	v3 =	vld [tilespmem:s28+$0x20]  }
.Ltmp4:
0xf6: {  	v4 =	vld [tilespmem:s28+$0xFFFFFFD0];
	(pc) =	sbr.rel @p0 .LBB2_10-.Ltmp4, $3  }
0xf7: {  	v2 =	vmul.f32 v2, v2;
	v5 =	vld [tilespmem:s28+$0x0];
	_ =	sdelay $0x1  }
0xf8: {  	v7 =	vmul.f32 v2, v7;
	v9 =	vmul.f32 v6, v2  }
0xf9: {  	v8 =	vmul.f32 v8, v2;
	v6 =	vmul.f32 v10, v2  }
0xfa: {  	[tilespmem:s25+$0x30] =	vst v9  }
0xfb: {  	[tilespmem:s25+$0xFFFFFFC0] =	vst v7  }
0xfc: {  	v1 =	vmul.f32 v1, v2;
	[tilespmem:s25+$0x10] =	vst v8  }
0xfd: {  	v3 =	vmul.f32 v3, v2;
	[tilespmem:s25+$0xFFFFFFE0] =	vst v6  }
0xfe: {  	v5 =	vmul.f32 v5, v2;
	[tilespmem:s25+$0xFFFFFFF0] =	vst v1  }
0xff: {  	v1 =	vmul.f32 v4, v2;
	[tilespmem:s25+$0x20] =	vst v3  }
0x100: {  	[tilespmem:s25+$0x0] =	vst v5  }
0x101: {  	[tilespmem:s25+$0xFFFFFFD0] =	vst v1  }
0x102: {  	[spmem:s29] =	stream.linear.scatter [tilespmem:s18], [sflag:$0x2], $0x3E80, $0x38;
	[tilespmem:$0x1A210] =	vst v63  }
0x103: {  	_ =	swait.ge [sflag:s9], $0x3E80  }
0x104: {  	[sflag:s9] =	ssyncset.done $0x0  }
0x105: {  	[sflag:s9] =	ssyncadd.s32 $0xFFFFC180  }
0x106: {  	s26 =	simm.s32 $0x0;
	s25 =	simm.s32 $0x0;
	[bflag:$0x0] =	sbarrier.arrive $0xFFFF  }
.LBB2_12:
0x107: {  	s10 =	sshll.u32 s26, $0xB  }
0x108: {  	s10 =	sor.u32 s0, s10  }
0x109: {  	s10 =	sshrl.u32 s10, $0x3  }
0x10a: {  	s28 =	sadd.s32 s7, s10  }
0x10b: {  	[tilespmem:s25], [sflag:$0x2] =	stream.linear.gather [hbm4b:s28+s25], $0x80, $0x38;
	[tilespmem:$0x1A210] =	vst v63  }
0x10c: {  	_ =	swait.ge [sflag:s9], $0x80  }
0x10d: {  	[sflag:s9] =	ssyncset.done $0x0  }
0x10e: {  	s28 =	sadd.s32 s8, s10;
	[sflag:s9] =	ssyncadd.s32 $0xFFFFFF80  }
0x10f: {  	[tilespmem:s19], [sflag:$0x2] =	stream.linear.gather [hbm4b:s28+s25], $0x80, $0x38;
	[tilespmem:$0x1A210] =	vst v63  }
0x110: {  	_ =	swait.ge [sflag:s9], $0x80  }
0x111: {  	[sflag:s9] =	ssyncset.done $0x0  }
0x112: {  	s10 =	sadd.s32 s2, s10;
	[sflag:s9] =	ssyncadd.s32 $0xFFFFFF80  }
0x113: {  	[tilespmem:s20], [sflag:$0x2] =	stream.linear.gather [hbm4b:s10+s25], $0x80, $0x38;
	[tilespmem:$0x1A210] =	vst v63  }
0x114: {  	_ =	swait.ge [sflag:s9], $0x80  }
0x115: {  	[sflag:s9] =	ssyncset.done $0x0  }
0x116: {  	[sflag:s9] =	ssyncadd.s32 $0xFFFFFF80  }
0x117: {  	v1 =	vld [tilespmem:$0x0];
	_ =	sdelay $0x1  }
0x118: {  	v2 =	vld [tilespmem:$0x80];
	_ =	sdelay $0x3  }
0x119: {  	v3 =	vadd.s32 v0, v1  }
0x11a: {  	v4 =	vld [tilespmem:$0x100];
	[tilespmem:$0x180] =	vst v3  }
0x11b: {  	v1 =	vld.idx.msk [tilespmem:v1+s3+$0x0], $0xffff;
	_ =	sdelay $0x1  }
0x11c: {  	v2 =	vld.idx.msk [tilespmem:v2+s3+$0x0], $0xffff  }
0x11d: {  	v3 =	vld [tilespmem:$0x10];
	_ =	sdelay $0x1  }
0x11e: {  	v1 =	vmul.f32 v1, v4;
	v4 =	vld [tilespmem:$0x90];
	_ =	sdelay $0x1  }
0x11f: {  	v1 =	vmul.f32 v2, v1;
	_ =	sdelay $0x1  }
0x120: {  	[tilespmem:$0x200] =	vst v1;
	v1 =	vadd.s32 v0, v3  }
0x121: {  	v2 =	vld [tilespmem:$0x110];
	[tilespmem:$0x190] =	vst v1  }
0x122: {  	v1 =	vld.idx.msk [tilespmem:v3+s3+$0x0], $0xffff;
	_ =	sdelay $0x1  }
0x123: {  	v3 =	vld.idx.msk [tilespmem:v4+s3+$0x0], $0xffff  }
0x124: {  	v4 =	vld [tilespmem:$0x20];
	_ =	sdelay $0x1  }
0x125: {  	v1 =	vmul.f32 v1, v2;
	v2 =	vld [tilespmem:$0xA0];
	_ =	sdelay $0x1  }
0x126: {  	v1 =	vmul.f32 v3, v1;
	_ =	sdelay $0x1  }
0x127: {  	[tilespmem:$0x210] =	vst v1;
	v1 =	vadd.s32 v0, v4  }
0x128: {  	v3 =	vld [tilespmem:$0x120];
	[tilespmem:$0x1A0] =	vst v1  }
0x129: {  	v1 =	vld.idx.msk [tilespmem:v4+s3+$0x0], $0xffff;
	_ =	sdelay $0x1  }
0x12a: {  	v2 =	vld.idx.msk [tilespmem:v2+s3+$0x0], $0xffff  }
0x12b: {  	v4 =	vld [tilespmem:$0x30];
	_ =	sdelay $0x1  }
0x12c: {  	v1 =	vmul.f32 v1, v3;
	v3 =	vld [tilespmem:$0xB0];
	_ =	sdelay $0x1  }
0x12d: {  	v1 =	vmul.f32 v2, v1;
	_ =	sdelay $0x1  }
0x12e: {  	[tilespmem:$0x220] =	vst v1;
	v1 =	vadd.s32 v0, v4  }
0x12f: {  	v2 =	vld [tilespmem:$0x130];
	[tilespmem:$0x1B0] =	vst v1  }
0x130: {  	v1 =	vld.idx.msk [tilespmem:v4+s3+$0x0], $0xffff;
	_ =	sdelay $0x1  }
0x131: {  	v3 =	vld.idx.msk [tilespmem:v3+s3+$0x0], $0xffff  }
0x132: {  	v4 =	vld [tilespmem:$0x40];
	_ =	sdelay $0x1  }
0x133: {  	v1 =	vmul.f32 v1, v2;
	v2 =	vld [tilespmem:$0xC0];
	_ =	sdelay $0x1  }
0x134: {  	v1 =	vmul.f32 v3, v1;
	_ =	sdelay $0x1  }
0x135: {  	[tilespmem:$0x230] =	vst v1;
	v1 =	vadd.s32 v0, v4  }
0x136: {  	v3 =	vld [tilespmem:$0x140];
	[tilespmem:$0x1C0] =	vst v1  }
0x137: {  	v1 =	vld.idx.msk [tilespmem:v4+s3+$0x0], $0xffff;
	_ =	sdelay $0x1  }
0x138: {  	v2 =	vld.idx.msk [tilespmem:v2+s3+$0x0], $0xffff  }
0x139: {  	v4 =	vld [tilespmem:$0x50];
	_ =	sdelay $0x1  }
0x13a: {  	v1 =	vmul.f32 v1, v3;
	v3 =	vld [tilespmem:$0xD0];
	_ =	sdelay $0x1  }
0x13b: {  	v1 =	vmul.f32 v2, v1;
	_ =	sdelay $0x1  }
0x13c: {  	[tilespmem:$0x240] =	vst v1;
	v1 =	vadd.s32 v0, v4  }
0x13d: {  	v2 =	vld [tilespmem:$0x150];
	[tilespmem:$0x1D0] =	vst v1  }
0x13e: {  	v1 =	vld.idx.msk [tilespmem:v4+s3+$0x0], $0xffff;
	_ =	sdelay $0x1  }
0x13f: {  	v3 =	vld.idx.msk [tilespmem:v3+s3+$0x0], $0xffff  }
0x140: {  	v4 =	vld [tilespmem:$0x60];
	_ =	sdelay $0x1  }
0x141: {  	v1 =	vmul.f32 v1, v2;
	v2 =	vld [tilespmem:$0xE0];
	_ =	sdelay $0x1  }
0x142: {  	v1 =	vmul.f32 v3, v1;
	_ =	sdelay $0x1  }
0x143: {  	[tilespmem:$0x250] =	vst v1;
	v1 =	vadd.s32 v0, v4  }
0x144: {  	v3 =	vld [tilespmem:$0x160];
	[tilespmem:$0x1E0] =	vst v1  }
0x145: {  	v1 =	vld.idx.msk [tilespmem:v4+s3+$0x0], $0xffff;
	_ =	sdelay $0x1  }
0x146: {  	v2 =	vld.idx.msk [tilespmem:v2+s3+$0x0], $0xffff  }
0x147: {  	v4 =	vld [tilespmem:$0x70];
	_ =	sdelay $0x1  }
0x148: {  	v1 =	vmul.f32 v1, v3;
	v3 =	vld [tilespmem:$0xF0];
	_ =	sdelay $0x1  }
0x149: {  	v1 =	vmul.f32 v2, v1;
	_ =	sdelay $0x1  }
0x14a: {  	[tilespmem:$0x260] =	vst v1;
	v1 =	vadd.s32 v0, v4  }
0x14b: {  	v2 =	vld [tilespmem:$0x170];
	[tilespmem:$0x1F0] =	vst v1  }
0x14c: {  	v1 =	vld.idx.msk [tilespmem:v4+s3+$0x0], $0xffff;
	_ =	sdelay $0x1  }
0x14d: {  	v3 =	vld.idx.msk [tilespmem:v3+s3+$0x0], $0xffff;
	_ =	sdelay $0x2  }
0x14e: {  	v1 =	vmul.f32 v1, v2;
	_ =	sdelay $0x1  }
0x14f: {  	v1 =	vmul.f32 v3, v1;
	_ =	sdelay $0x1  }
0x150: {  	[tilespmem:$0x270] =	vst v1  }
0x151: {  	[tilespmem:s18], [sflag:$0x1] =	stream.indirect.gather [hbm4b:s1+s19], $0x80, s21, s19, $0xb8;
	[tilespmem:$0x1A210] =	vst v63  }
0x152: {  	_ =	swait.ge [sflag:s22], $0x4000  }
0x153: {  	v1 =	vmov s25;
	[sflag:s22] =	ssyncset.done $0x0  }
0x154: {  	s28 =	simm.s32 $0x2C0;
	[sflag:s22] =	ssyncadd.s32 $0xFFFFC000  }
0x155: {  	v5 =	vld [tilespmem:s28+$0x30]  }
0x156: {  	v8 =	vld [tilespmem:s28+$0x10]  }
0x157: {  	v6 =	vld [tilespmem:s28+$0xFFFFFFC0]  }
0x158: {  	v2 =	vld.idx.msk [tilespmem:v1+s23+$0x0], $0xffff  }
0x159: {  	v10 =	vld [tilespmem:s28+$0xFFFFFFE0]  }
0x15a: {  	v1 =	vld [tilespmem:s28+$0xFFFFFFF0]  }
0x15b: {  	v3 =	vld [tilespmem:s28+$0x20]  }
0x15c: {  	v4 =	vld [tilespmem:s28+$0xFFFFFFD0]  }
0x15d: {  	v9 =	vmul.f32 v5, v2;
	v5 =	vld [tilespmem:s28+$0x0]  }
0x15e: {  	v7 =	vmul.f32 v6, v2  }
0x15f: {  	s31 =	simm.s32 $0x1;
	s10 =	simm.s32 $0x2C0;
	v6 =	vmul.f32 v10, v2;
	v8 =	vmul.f32 v8, v2  }
.LBB2_13:
0x160: {  	p0 =	sne.s32 s31, $0x7F  }
0x161: {  	v4 =	vmul.f32 v4, v2;
	v3 =	vmul.f32 v3, v2;
	[tilespmem:s28+$0x30] =	vst v9;
	s10 =	sadd.s32 $0x80, s10;
	s13 =	smov.u32 s31;
	s31 =	sadd.s32 $0x1, s31  }
0x162: {  	[tilespmem:s28+$0xFFFFFFC0] =	vst v7;
	v7 =	vmul.f32 v1, v2;
	v2 =	vmul.f32 v5, v2  }
0x163: {  	[tilespmem:s28+$0x10] =	vst v8  }
0x164: {  	v5 =	vmov s13;
	[tilespmem:s28+$0xFFFFFFE0] =	vst v6  }
0x165: {  	v1 =	vld [tilespmem:s10+$0xFFFFFFF0];
	[tilespmem:s28+$0xFFFFFFF0] =	vst v7  }
0x166: {  	v6 =	vld [tilespmem:s10+$0x30];
	[tilespmem:s28+$0x0] =	vst v2  }
0x167: {  	v8 =	vld [tilespmem:s10+$0x10];
	[tilespmem:s28+$0x20] =	vst v3  }
0x168: {  	v7 =	vld [tilespmem:s10+$0xFFFFFFC0];
	[tilespmem:s28+$0xFFFFFFD0] =	vst v4;
	s28 =	smov.u32 s10  }
0x169: {  	v2 =	vld.idx.msk [tilespmem:v5+s23+$0x0], $0xffff  }
0x16a: {  	v10 =	vld [tilespmem:s10+$0xFFFFFFE0]  }
0x16b: {  	v3 =	vld [tilespmem:s10+$0x20]  }
.Ltmp5:
0x16c: {  	v4 =	vld [tilespmem:s10+$0xFFFFFFD0];
	(pc) =	sbr.rel @p0 .LBB2_13-.Ltmp5, $3  }
0x16d: {  	v5 =	vld [tilespmem:s10+$0x0];
	_ =	sdelay $0x1  }
0x16e: {  	v7 =	vmul.f32 v7, v2;
	v9 =	vmul.f32 v6, v2  }
0x16f: {  	v8 =	vmul.f32 v8, v2;
	v6 =	vmul.f32 v10, v2  }
0x170: {  	[tilespmem:s28+$0x30] =	vst v9  }
0x171: {  	[tilespmem:s28+$0xFFFFFFC0] =	vst v7  }
0x172: {  	v1 =	vmul.f32 v1, v2;
	[tilespmem:s28+$0x10] =	vst v8  }
0x173: {  	v3 =	vmul.f32 v3, v2;
	[tilespmem:s28+$0xFFFFFFE0] =	vst v6  }
0x174: {  	v5 =	vmul.f32 v5, v2;
	[tilespmem:s28+$0xFFFFFFF0] =	vst v1  }
0x175: {  	s26 =	sadd.s32 $0x1, s26;
	v1 =	vmul.f32 v4, v2;
	[tilespmem:s28+$0x20] =	vst v3  }
0x176: {  	p0 =	sne.s32 s26, s30;
	[tilespmem:s28+$0x0] =	vst v5  }
.Ltmp6:
0x177: {  	[tilespmem:s28+$0xFFFFFFD0] =	vst v1;
	(pc) =	sbr.rel @p0 .LBB2_12-.Ltmp6, $4  }
0x178: {  	[spmem:s4] =	stream.indirect.scatter.add.f32 [tilespmem:s18], [sflag:$0x2], $0x80, s19, s19, $0xb8;
	[tilespmem:$0x1A210] =	vst v63  }
0x179: {  	_ =	swait.ge [sflag:s9], $0x4000  }
0x17a: {  	[sflag:s9] =	ssyncset.done $0x0  }
0x17b: {  	[sflag:s9] =	ssyncadd.s32 $0xFFFFC000  }
0x17c: {  	[bflag:$0x0] =	sbarrier.arrive $0xFFFF  }
0x17d: {  	[tilespmem:s18], [sflag:$0x2] =	stream.linear.gather [spmem:s15], $0x3E80, $0x38;
	[tilespmem:$0x1A210] =	vst v63  }
0x17e: {  	_ =	swait.ge [sflag:s9], $0x3E80  }
0x17f: {  	[sflag:s9] =	ssyncset.done $0x0  }
0x180: {  	s10 =	rddreg [dreg:$0xa];
	[sflag:s9] =	ssyncadd.s32 $0xFFFFC180  }
0x181: {  	[hbm4b:s10+s5] =	stream.linear.scatter [tilespmem:s18], [sflag:$0x2], $0x3E80, $0x38;
	[tilespmem:$0x1A210] =	vst v63  }
0x182: {  	_ =	swait.ge [sflag:s9], $0x3E80  }
0x183: {  	[sflag:s9] =	ssyncset.done $0x0  }
0x184: {  	[sflag:s9] =	ssyncadd.s32 $0xFFFFC180  }
0x185: {  	[tilespmem:s18], [sflag:$0x2] =	stream.linear.gather [spmem:s17], $0x3E80, $0x38;
	[tilespmem:$0x1A210] =	vst v63  }
0x186: {  	_ =	swait.ge [sflag:s9], $0x3E80  }
0x187: {  	[sflag:s9] =	ssyncset.done $0x0  }
0x188: {  	s26 =	rddreg [dreg:$0xc];
	[sflag:s9] =	ssyncadd.s32 $0xFFFFC180  }
0x189: {  	[hbm4b:s26+s5] =	stream.linear.scatter [tilespmem:s18], [sflag:$0x2], $0x3E80, $0x38;
	[tilespmem:$0x1A210] =	vst v63  }
0x18a: {  	_ =	swait.ge [sflag:s9], $0x3E80  }
0x18b: {  	[sflag:s9] =	ssyncset.done $0x0  }
0x18c: {  	s28 =	rddreg [dreg:$0x7];
	[sflag:s9] =	ssyncadd.s32 $0xFFFFC180  }
0x18d: {  	[tilespmem:s18], [sflag:$0x2] =	stream.linear.gather [spmem:s28], $0x3E80, $0x38;
	[tilespmem:$0x1A210] =	vst v63  }
0x18e: {  	_ =	swait.ge [sflag:s9], $0x3E80  }
0x18f: {  	[sflag:s9] =	ssyncset.done $0x0  }
0x190: {  	s31 =	smov.u32 s15;
	s15 =	rddreg [dreg:$0xe];
	[sflag:s9] =	ssyncadd.s32 $0xFFFFC180  }
0x191: {  	[hbm4b:s15+s5] =	stream.linear.scatter [tilespmem:s18], [sflag:$0x2], $0x3E80, $0x38;
	[tilespmem:$0x1A210] =	vst v63  }
0x192: {  	_ =	swait.ge [sflag:s9], $0x3E80  }
0x193: {  	[sflag:s9] =	ssyncset.done $0x0  }
0x194: {  	s13 =	smov.u32 s17;
	s17 =	rddreg [dreg:$0x8];
	[sflag:s9] =	ssyncadd.s32 $0xFFFFC180  }
0x195: {  	[tilespmem:s18], [sflag:$0x2] =	stream.linear.gather [spmem:s17], $0x3E80, $0x38;
	[tilespmem:$0x1A210] =	vst v63  }
0x196: {  	_ =	swait.ge [sflag:s9], $0x3E80  }
0x197: {  	[sflag:s9] =	ssyncset.done $0x0  }
0x198: {  	s25 =	rddreg [dreg:$0x10];
	[sflag:s9] =	ssyncadd.s32 $0xFFFFC180  }
0x199: {  	[hbm4b:s25+s5] =	stream.linear.scatter [tilespmem:s18], [sflag:$0x2], $0x3E80, $0x38;
	[tilespmem:$0x1A210] =	vst v63  }
0x19a: {  	_ =	swait.ge [sflag:s9], $0x3E80  }
0x19b: {  	[sflag:s9] =	ssyncset.done $0x0  }
0x19c: {  	[sflag:s9] =	ssyncadd.s32 $0xFFFFC180  }
0x19d: {  	[tilespmem:s18], [sflag:$0x2] =	stream.linear.gather [spmem:s29], $0x3E80, $0x38;
	[tilespmem:$0x1A210] =	vst v63  }
0x19e: {  	_ =	swait.ge [sflag:s9], $0x3E80  }
0x19f: {  	[sflag:s9] =	ssyncset.done $0x0  }
0x1a0: {  	s26 =	rddreg [dreg:$0x11];
	[sflag:s9] =	ssyncadd.s32 $0xFFFFC180  }
0x1a1: {  	[hbm4b:s26+s5] =	stream.linear.scatter [tilespmem:s18], [sflag:$0x2], $0x3E80, $0x38;
	[tilespmem:$0x1A210] =	vst v63  }
0x1a2: {  	_ =	swait.ge [sflag:s9], $0x3E80  }
0x1a3: {  	s24 =	sadd.s32 $0x1, s24;
	s28 =	rddreg [dreg:$0x13]  }
0x1a4: {  	p0 =	sne.s32 s24, s28  }
.Ltmp7:
0x1a5: {  	_ = 	snop;
	(pc) =	sbr.rel @p0 .LBB2_1-.Ltmp7, $3  }
0x1a6: {  	_ =	sdelay $0x1  }
0x1a7: {  	[sflag:s9] =	ssyncset.done $0x0  }
0x1a8: {  	[sflag:s9] =	ssyncadd.s32 $0xFFFFC180  }
0x1a9: {  	_ =	sfence.sel $0x180000  }
0x1aa: {  	[bflag:$0x0] =	sbarrier.arrive $0xFFFF  }
0x1ab: {  	_ =	strace $0x9000004A  }
0x1ac: {  	s0 =	stileid.u32;
	[bflag:$0x2] =	sbarrier.arrive $0xFFFF  }
0x1ad: {  	p0 =	sne.s32 s0, $0x0;
	s0 =	rddreg [dreg:$0x5]  }
0x1ae: {  	s0 =	sadd.s32 @!p0 $0x100000, s0  }
0x1af: {  	[sflag:s0] =	ssyncadd.tile.s32 @!p0 $0x1;
	_ =	shalt  }
.Lfunc_end2:
_tile_overlayer_lowered:
.L_overlay_start_2:
0x1b0: {  	(tag) =	ssettag $0x2  }
0x1b1: {  	s0 =	rddreg [dreg:$0x0];
	s2 =	stileid.u32  }
0x1b2: {  	s1 =	rddreg [dreg:$0x1];
	p0 =	sne.s32 s2, $0x0  }
0x1b3: {  	s3 =	rddreg [dreg:$0x2];
	[bflag:$0x3] =	sbarrier.arrive $0xFFFF;
	s2 =	simm.s32 @!p0 $0x1C02  }
0x1b4: {  	[timem:s3], [sflag:s2] =	dma.local @!p0 [hbm:s0], s1  }
0x1b5: {  	s0 =	simm.s32 @!p0 $0x2  }
0x1b6: {  	_ =	swait.ge @!p0 [sflag:s0], s1  }
0x1b7: {  	s1 =	ssub.s32 @!p0 $0x0, s1;
	[sflag:s0] =	ssyncset.done @!p0 $0x0  }
0x1b8: {  	[sflag:s0] =	ssyncadd.s32 @!p0 s1  }
0x1b9: {  	[bflag:$0x3] =	sbarrier.arrive $0xFFFF  }
0x1ba: {  	_ =	shalt  }

</sc_bundles>
